<compile_context>
chip_gen: v7x
topology: tpu7x:2x2x1
jax: 0.10.2.dev20260603
libtpu: 0.0.44.dev20260713+nightly
codegen_flags: <defaults>
</compile_context>

<pallas_src>
import jax
import jax.numpy as jnp
from jax import lax
from jax.experimental import pallas as pl
from jax.experimental.pallas import tpu as pltpu
from jax.experimental.pallas import tpu_sc as plsc

N = 10000
E = 320000
D = 128

NC = 2
NS = 16
NW = NC * NS
K = 128
C = 80
EP = NW * K * C
NP = 10240
SL = NP // NS

_mesh = plsc.VectorSubcoreMesh(core_axis_name="c", subcore_axis_name="s")



def _make_seg(with_deg, wide=True):
    R = 2 if wide else 4
    rshape = (K, D) if wide else (K,)
    ashape = (NP, D) if wide else (NP,)
    oshape = (NC, NP, D) if wide else (NC, NP)
    out_type = [jax.ShapeDtypeStruct(oshape, jnp.float32)]
    scratch = [
        pltpu.VMEM((C, K), jnp.int32),
        pltpu.VMEM((4, K), jnp.int32),
    ] + [pltpu.VMEM(rshape, jnp.float32) for _ in range(R)] + [
        pltpu.VMEM_SHARED(ashape, jnp.float32),
    ] + [pltpu.SemaphoreType.DMA for _ in range(R)] + [
        pltpu.SemaphoreType.DMA,
        pltpu.SemaphoreType.DMA,
        pltpu.SemaphoreType.DMA,
        pltpu.SemaphoreType.DMA,
    ]
    if with_deg:
        out_type.append(jax.ShapeDtypeStruct((NC, NP), jnp.float32))
        scratch += [
            pltpu.VMEM((K,), jnp.float32),
            pltpu.VMEM_SHARED((NP,), jnp.float32),
            pltpu.SemaphoreType.DMA,
        ]

    def body(*refs):
        if with_deg:
            (y_hbm, src_hbm, dst_hbm, zeros2_hbm, zeros1_hbm, ones_hbm,
             sp_hbm, degp_hbm, src_v, dstb, *rest) = refs
            rows = rest[:R]
            acc = rest[R]
            semg = rest[R + 1:2 * R + 1]
            semd = rest[2 * R + 1:2 * R + 5]
            ones_v, acc1, semo = rest[2 * R + 5:]
        else:
            (y_hbm, src_hbm, dst_hbm, zeros2_hbm, sp_hbm,
             src_v, dstb, *rest) = refs
            rows = rest[:R]
            acc = rest[R]
            semg = rest[R + 1:2 * R + 1]
            semd = rest[2 * R + 1:2 * R + 5]
        c = lax.axis_index("c")
        s = lax.axis_index("s")
        wid = s * NC + c

        def gather(j, b):
            return pltpu.make_async_copy(
                y_hbm.at[src_v.at[j]], rows[b % R], semg[b % R])

        def dst_fetch(j, b):
            return pltpu.make_async_copy(
                dst_hbm.at[wid, j], dstb.at[b % 4], semd[b % 4])

        pltpu.sync_copy(src_hbm.at[wid], src_v)
        for b in range(R):
            gather(b, b).start()
        for b in range(4):
            dst_fetch(b, b).start()
        if with_deg:
            pltpu.sync_copy(ones_hbm, ones_v)
            pltpu.sync_copy(zeros1_hbm.at[pl.ds(s * SL, SL)],
                            acc1.at[pl.ds(s * SL, SL)])
        pltpu.sync_copy(zeros2_hbm.at[pl.ds(s * SL, SL)],
                        acc.at[pl.ds(s * SL, SL)])
        plsc.subcore_barrier()

        def loop_body(i, carry):
            j = 4 * i
            for b in range(4):
                jb = j + b
                gather(jb, b).wait()
                dst_fetch(jb, b).wait()
                if with_deg:
                    od = pltpu.async_copy(
                        ones_v, acc1.at[dstb.at[b]], semo, add=True)
                pltpu.sync_copy(rows[b % R], acc.at[dstb.at[b]], add=True)
                if with_deg:
                    od.wait()
                gather(jnp.minimum(jb + R, C - 1), b).start()
                dst_fetch(jnp.minimum(jb + 4, C - 1), b).start()
            return carry

        lax.fori_loop(0, C // 4, loop_body, 0)
        for b in range(R):
            gather(C - 1, b).wait()
        for b in range(4):
            dst_fetch(C - 1, b).wait()
        plsc.subcore_barrier()
        pltpu.sync_copy(acc.at[pl.ds(s * SL, SL)],
                        sp_hbm.at[c, pl.ds(s * SL, SL)])
        if with_deg:
            pltpu.sync_copy(acc1.at[pl.ds(s * SL, SL)],
                            degp_hbm.at[c, pl.ds(s * SL, SL)])

    return pl.kernel(body, out_type=out_type if with_deg else out_type[0],
                     mesh=_mesh, scratch_types=scratch)


_seg_kernel = _make_seg(False)
_seg_deg_kernel = _make_seg(True)
_seg1d_kernel = _make_seg(False, wide=False)



_BN = 2000
_G = N // _BN
_P32 = jnp.float32


def _row_spec(w):
    return pl.BlockSpec((_BN, w), lambda i: (i, 0))


def _full_spec(r, w):
    return pl.BlockSpec((r, w), lambda i: (0, 0))


def _gnb_body(h_ref, sa_ref, sb_ref, da_ref, db_ref, ws_ref, wn_ref, b_ref,
              o_ref):
    iv = 1.0 / jnp.maximum(da_ref[...] + db_ref[...], 1.0)
    agg = (sa_ref[...] + sb_ref[...]) * iv
    o_ref[...] = jnp.maximum(
        jnp.dot(h_ref[...], ws_ref[...]) + jnp.dot(agg, wn_ref[...])
        + b_ref[...], 0.0)


def _gnb(h, sa, sb, da, db, ws, wn, b):
    return pl.pallas_call(
        _gnb_body,
        grid=(_G,),
        in_specs=[_row_spec(D), _row_spec(D), _row_spec(D), _row_spec(1),
                  _row_spec(1), _full_spec(D, D), _full_spec(D, D),
                  _full_spec(1, D)],
        out_specs=_row_spec(D),
        out_shape=jax.ShapeDtypeStruct((N, D), _P32),
    )(h, sa, sb, da, db, ws, wn, b)


def _gnb34_body(h_ref, sa_ref, sb_ref, da_ref, db_ref, ws3_ref, wn3_ref,
                b3_ref, ws4_ref, wn4_ref, b4_ref, z4_ref, y4_ref):
    iv = 1.0 / jnp.maximum(da_ref[...] + db_ref[...], 1.0)
    agg = (sa_ref[...] + sb_ref[...]) * iv
    h3 = jnp.maximum(
        jnp.dot(h_ref[...], ws3_ref[...]) + jnp.dot(agg, wn3_ref[...])
        + b3_ref[...], 0.0)
    z4_ref[...] = jnp.dot(h3, ws4_ref[...]) + b4_ref[...]
    y4_ref[...] = jnp.dot(h3, wn4_ref[...])


def _gnb34(h, sa, sb, da, db, ws3, wn3, b3, ws4, wn4, b4):
    return pl.pallas_call(
        _gnb34_body,
        grid=(_G,),
        in_specs=[_row_spec(D), _row_spec(D), _row_spec(D), _row_spec(1),
                  _row_spec(1), _full_spec(D, D), _full_spec(D, D),
                  _full_spec(1, D), _full_spec(D, 1), _full_spec(D, 1),
                  _full_spec(1, 1)],
        out_specs=[_row_spec(1), _row_spec(1)],
        out_shape=[jax.ShapeDtypeStruct((N, 1), _P32)] * 2,
    )(h, sa, sb, da, db, ws3, wn3, b3, ws4, wn4, b4)


def _fin_body(z4_ref, sa_ref, sb_ref, da_ref, db_ref, o_ref):
    iv = 1.0 / jnp.maximum(da_ref[...] + db_ref[...], 1.0)
    o_ref[...] = jax.nn.sigmoid(jnp.maximum(
        z4_ref[...] + (sa_ref[...] + sb_ref[...]) * iv, 0.0))


def _fin(z4, sa, sb, da, db):
    return pl.pallas_call(
        _fin_body,
        grid=(_G,),
        in_specs=[_row_spec(1)] * 5,
        out_specs=_row_spec(1),
        out_shape=jax.ShapeDtypeStruct((N, 1), _P32),
    )(z4, sa, sb, da, db)



def kernel(x, edge_index, Ws1, Wn1, b1, Ws2, Wn2, b2, Ws3, Wn3, b3,
           Ws4, Wn4, b4):
    src = edge_index[0]
    dst = edge_index[1]
    pad = EP - E
    ar = lax.iota(jnp.int32, pad)
    src_p = jnp.concatenate([src, ar % N]).reshape(NW, C, K)
    dst_p = jnp.concatenate([dst, N + (ar % (NP - N))]).reshape(NW, C, K)

    zeros1 = jnp.zeros((NP,), _P32)
    zeros2 = jnp.zeros((NP, D), _P32)
    ones = jnp.ones((K,), _P32)

    ag, degp = _seg_deg_kernel(x, src_p, dst_p, zeros2, zeros1, ones)
    da = degp[0, :N, None]
    db = degp[1, :N, None]
    h1 = _gnb(x, ag[0, :N], ag[1, :N], da, db, Ws1, Wn1, b1[None, :])
    ag = _seg_kernel(h1, src_p, dst_p, zeros2)
    h2 = _gnb(h1, ag[0, :N], ag[1, :N], da, db, Ws2, Wn2, b2[None, :])
    ag = _seg_kernel(h2, src_p, dst_p, zeros2)
    z4, y4 = _gnb34(h2, ag[0, :N], ag[1, :N], da, db, Ws3, Wn3, b3[None, :],
                    Ws4, Wn4, b4[None, :])
    s4 = _seg1d_kernel(y4[:, 0], src_p, dst_p, zeros1)
    return _fin(z4, s4[0, :N, None], s4[1, :N, None], da, db)

# --- scband reference (transcript-rebuilt; emitter-appended) ---
"""Pipeline reference for scband-actor-gnn-71751723647616 (READ-ONLY COPY).

The authoritative reference and input builder live on the scoring server;
editing this copy changes nothing except your own understanding.
"""

import jax, jax.numpy as jnp
import numpy as np

N = 10000
E = 320000
D = 128
H = 128
LAYER_DIMS = [(D, H), (H, H), (H, H), (H, 1)]


def setup_inputs(seed: int = 0) -> dict:
    key = jax.random.key(seed)
    ks = jax.random.split(key, 2 + 3 * len(LAYER_DIMS))
    x = jax.random.normal(ks[0], (N, D), dtype=jnp.float32)
    edge_index = jax.random.randint(ks[1], (2, E), 0, N, dtype=jnp.int32)
    inp = {"x": x, "edge_index": edge_index}
    ki = 2
    for li, (din, dout) in enumerate(LAYER_DIMS, start=1):
        s = 1.0 / np.sqrt(din)
        inp[f"Ws{li}"] = jax.random.normal(ks[ki], (din, dout), dtype=jnp.float32) * s
        inp[f"Wn{li}"] = jax.random.normal(ks[ki + 1], (din, dout), dtype=jnp.float32) * s
        inp[f"b{li}"] = jnp.zeros((dout,), dtype=jnp.float32)
        ki += 3
    return inp


def _gn_block(x, src, dst, Ws, Wn, b):
    # GNBlock: mean-aggregation message passing (SAGE-style) + ReLU
    msgs = jnp.take(x, src, axis=0)                      # gather over edges
    agg = jax.ops.segment_sum(msgs, dst, num_segments=N)  # scatter-add by dst
    deg = jax.ops.segment_sum(jnp.ones((src.shape[0],), x.dtype), dst, num_segments=N)
    agg = agg / jnp.clip(deg, 1.0)[:, None]
    return jax.nn.relu(x @ Ws + agg @ Wn + b)


def reference(x, edge_index, Ws1, Wn1, b1, Ws2, Wn2, b2, Ws3, Wn3, b3, Ws4, Wn4, b4):
    src = edge_index[0]
    dst = edge_index[1]
    h = _gn_block(x, src, dst, Ws1, Wn1, b1)
    h = _gn_block(h, src, dst, Ws2, Wn2, b2)
    h = _gn_block(h, src, dst, Ws3, Wn3, b3)
    h = _gn_block(h, src, dst, Ws4, Wn4, b4)
    return jax.nn.sigmoid(h)

if __name__ == "__main__":
    import jax
    _d = setup_inputs()
    print(jax.jit(kernel)(*tuple(_d.values())))

</pallas_src>

<mosaic_0001>
#map = affine_map<(d0, d1) -> (0, 0)>
#map1 = affine_map<(d0, d1) -> (0, 0, 0)>
module attributes {stable_mosaic.version = 14 : i64} {
  func.func @body(%arg0: i32, %arg1: i32, %arg2: memref<10000x128xf32, #tpu.memory_space<hbm>>, %arg3: memref<32x80x128xi32, #tpu.memory_space<hbm>>, %arg4: memref<32x80x128xi32, #tpu.memory_space<hbm>>, %arg5: memref<10240x128xf32, #tpu.memory_space<hbm>>, %arg6: memref<2x10240x128xf32, #tpu.memory_space<hbm>>, %arg7: memref<80x128xi32, #tpu.memory_space<vmem>>, %arg8: memref<4x128xi32, #tpu.memory_space<vmem>>, %arg9: memref<128x128xf32, #tpu.memory_space<vmem>>, %arg10: memref<128x128xf32, #tpu.memory_space<vmem>>, %arg11: memref<10240x128xf32, #tpu.memory_space<vmem_shared>>, %arg12: memref<!tpu.dma_semaphore, #tpu.memory_space<semaphore_mem>>, %arg13: memref<!tpu.dma_semaphore, #tpu.memory_space<semaphore_mem>>, %arg14: memref<!tpu.dma_semaphore, #tpu.memory_space<semaphore_mem>>, %arg15: memref<!tpu.dma_semaphore, #tpu.memory_space<semaphore_mem>>, %arg16: memref<!tpu.dma_semaphore, #tpu.memory_space<semaphore_mem>>, %arg17: memref<!tpu.dma_semaphore, #tpu.memory_space<semaphore_mem>>) attributes {dimension_semantics = [#tpu.dimension_semantics<core_parallel>, #tpu.dimension_semantics<subcore_parallel>], iteration_bounds = array<i64: 2, 16>, scalar_prefetch = 0 : i64, scratch_operands = 11 : i64, tpu.core_type = #tpu.core_type<sc_vector_subcore>, window_params = [{transform_indices = #map}, {transform_indices = #map1}, {transform_indices = #map1}, {transform_indices = #map}, {transform_indices = #map1}]} {
    %mul3A = arith.constant 2 : i32
    %mul3A_0 = arith.muli %arg1, %mul3A : i32
    %add3A = arith.addi %mul3A_0, %arg0 : i32
    "tpu.region"() ({
      %run_scoped3A = tpu.sem_alloc : memref<!tpu.dma_semaphore, #tpu.memory_space<semaphore_mem>>
      %dma_start3A_153 = arith.constant 0 : i32
      %dma_start3A_154 = arith.constant 0 : i32
      %dma_start3A_155 = tpu.memref_slice %arg3[%add3A, %dma_start3A_153, %dma_start3A_154] : memref<32x80x128xi32, #tpu.memory_space<hbm>> -> memref<1x80x128xi32, #tpu.memory_space<hbm>>
      %dma_start3A_156 = tpu.memref_squeeze %dma_start3A_155 : memref<1x80x128xi32, #tpu.memory_space<hbm>> -> memref<80x128xi32, #tpu.memory_space<hbm>>
      %dma_start3A_157 = arith.constant 0 : i32
      %dma_start3A_158 = arith.constant 0 : i32
      %dma_start3A_159 = tpu.memref_slice %arg3[%add3A, %dma_start3A_157, %dma_start3A_158] : memref<32x80x128xi32, #tpu.memory_space<hbm>> -> memref<1x80x128xi32, #tpu.memory_space<hbm>>
      %dma_start3A_160 = tpu.memref_squeeze %dma_start3A_159 : memref<1x80x128xi32, #tpu.memory_space<hbm>> -> memref<80x128xi32, #tpu.memory_space<hbm>>
      tpu.enqueue_dma source(%dma_start3A_160 : memref<80x128xi32, #tpu.memory_space<hbm>>) target(%arg7 : memref<80x128xi32, #tpu.memory_space<vmem>>) target_semaphore(%run_scoped3A : memref<!tpu.dma_semaphore, #tpu.memory_space<semaphore_mem>>)
      %dma_wait3A_161 = arith.constant 0 : i32
      %dma_wait3A_162 = arith.constant 0 : i32
      %dma_wait3A_163 = tpu.memref_slice %arg3[%add3A, %dma_wait3A_161, %dma_wait3A_162] : memref<32x80x128xi32, #tpu.memory_space<hbm>> -> memref<1x80x128xi32, #tpu.memory_space<hbm>>
      %dma_wait3A_164 = tpu.memref_squeeze %dma_wait3A_163 : memref<1x80x128xi32, #tpu.memory_space<hbm>> -> memref<80x128xi32, #tpu.memory_space<hbm>>
      %dma_wait3A_165 = arith.constant 0 : i32
      %dma_wait3A_166 = arith.constant 0 : i32
      %dma_wait3A_167 = tpu.memref_slice %arg3[%add3A, %dma_wait3A_165, %dma_wait3A_166] : memref<32x80x128xi32, #tpu.memory_space<hbm>> -> memref<1x80x128xi32, #tpu.memory_space<hbm>>
      %dma_wait3A_168 = tpu.memref_squeeze %dma_wait3A_167 : memref<1x80x128xi32, #tpu.memory_space<hbm>> -> memref<80x128xi32, #tpu.memory_space<hbm>>
      tpu.wait_dma2 semaphore(%run_scoped3A : memref<!tpu.dma_semaphore, #tpu.memory_space<semaphore_mem>>) src(%dma_wait3A_168 : memref<80x128xi32, #tpu.memory_space<hbm>>) dst(%arg7 : memref<80x128xi32, #tpu.memory_space<vmem>>)
      tpu.yield
    }) : () -> ()
    %dma_start3A = arith.constant 0 : i32
    %dma_start3A_1 = arith.constant 0 : i32
    %dma_start3A_2 = tpu.memref_slice %arg7[%dma_start3A, %dma_start3A_1] : memref<80x128xi32, #tpu.memory_space<vmem>> -> memref<1x128xi32, #tpu.memory_space<vmem>>
    %dma_start3A_3 = tpu.memref_squeeze %dma_start3A_2 : memref<1x128xi32, #tpu.memory_space<vmem>> -> memref<128xi32, #tpu.memory_space<vmem>>
    %dma_start3A_4 = arith.constant 0 : i32
    %dma_start3A_5 = arith.constant 0 : i32
    %dma_start3A_6 = tpu.memref_slice %arg2[%dma_start3A_4, %dma_start3A_5] : memref<10000x128xf32, #tpu.memory_space<hbm>> -> memref<10000x128xf32, #tpu.memory_space<hbm>>
    tpu.enqueue_indirect_dma source(%dma_start3A_6 : memref<10000x128xf32, #tpu.memory_space<hbm>>) target(%arg9 : memref<128x128xf32, #tpu.memory_space<vmem>>) offsets(%dma_start3A_3 : memref<128xi32, #tpu.memory_space<vmem>>) semaphore(%arg12 : memref<!tpu.dma_semaphore, #tpu.memory_space<semaphore_mem>>)
    %dma_start3A_7 = arith.constant 1 : i32
    %dma_start3A_8 = arith.constant 0 : i32
    %dma_start3A_9 = tpu.memref_slice %arg7[%dma_start3A_7, %dma_start3A_8] : memref<80x128xi32, #tpu.memory_space<vmem>> -> memref<1x128xi32, #tpu.memory_space<vmem>>
    %dma_start3A_10 = tpu.memref_squeeze %dma_start3A_9 : memref<1x128xi32, #tpu.memory_space<vmem>> -> memref<128xi32, #tpu.memory_space<vmem>>
    %dma_start3A_11 = arith.constant 0 : i32
    %dma_start3A_12 = arith.constant 0 : i32
    %dma_start3A_13 = tpu.memref_slice %arg2[%dma_start3A_11, %dma_start3A_12] : memref<10000x128xf32, #tpu.memory_space<hbm>> -> memref<10000x128xf32, #tpu.memory_space<hbm>>
    tpu.enqueue_indirect_dma source(%dma_start3A_13 : memref<10000x128xf32, #tpu.memory_space<hbm>>) target(%arg10 : memref<128x128xf32, #tpu.memory_space<vmem>>) offsets(%dma_start3A_10 : memref<128xi32, #tpu.memory_space<vmem>>) semaphore(%arg13 : memref<!tpu.dma_semaphore, #tpu.memory_space<semaphore_mem>>)
    %dma_start3A_14 = arith.constant 0 : i32
    %dma_start3A_15 = arith.constant 0 : i32
    %dma_start3A_16 = arith.constant 0 : i32
    %dma_start3A_17 = tpu.memref_slice %arg8[%dma_start3A_15, %dma_start3A_16] : memref<4x128xi32, #tpu.memory_space<vmem>> -> memref<1x128xi32, #tpu.memory_space<vmem>>
    %dma_start3A_18 = tpu.memref_squeeze %dma_start3A_17 : memref<1x128xi32, #tpu.memory_space<vmem>> -> memref<128xi32, #tpu.memory_space<vmem>>
    %dma_start3A_19 = arith.constant 0 : i32
    %dma_start3A_20 = tpu.memref_slice %arg4[%add3A, %dma_start3A_14, %dma_start3A_19] : memref<32x80x128xi32, #tpu.memory_space<hbm>> -> memref<1x1x128xi32, #tpu.memory_space<hbm>>
    %dma_start3A_21 = tpu.memref_squeeze %dma_start3A_20 : memref<1x1x128xi32, #tpu.memory_space<hbm>> -> memref<128xi32, #tpu.memory_space<hbm>>
    %dma_start3A_22 = arith.constant 0 : i32
    %dma_start3A_23 = tpu.memref_slice %arg8[%dma_start3A_15, %dma_start3A_22] : memref<4x128xi32, #tpu.memory_space<vmem>> -> memref<1x128xi32, #tpu.memory_space<vmem>>
    %dma_start3A_24 = tpu.memref_squeeze %dma_start3A_23 : memref<1x128xi32, #tpu.memory_space<vmem>> -> memref<128xi32, #tpu.memory_space<vmem>>
    %dma_start3A_25 = arith.constant 0 : i32
    %dma_start3A_26 = tpu.memref_slice %arg4[%add3A, %dma_start3A_14, %dma_start3A_25] : memref<32x80x128xi32, #tpu.memory_space<hbm>> -> memref<1x1x128xi32, #tpu.memory_space<hbm>>
    %dma_start3A_27 = tpu.memref_squeeze %dma_start3A_26 : memref<1x1x128xi32, #tpu.memory_space<hbm>> -> memref<128xi32, #tpu.memory_space<hbm>>
    tpu.enqueue_dma source(%dma_start3A_27 : memref<128xi32, #tpu.memory_space<hbm>>) target(%dma_start3A_24 : memref<128xi32, #tpu.memory_space<vmem>>) target_semaphore(%arg14 : memref<!tpu.dma_semaphore, #tpu.memory_space<semaphore_mem>>)
    %dma_start3A_28 = arith.constant 1 : i32
    %dma_start3A_29 = arith.constant 1 : i32
    %dma_start3A_30 = arith.constant 0 : i32
    %dma_start3A_31 = tpu.memref_slice %arg8[%dma_start3A_29, %dma_start3A_30] : memref<4x128xi32, #tpu.memory_space<vmem>> -> memref<1x128xi32, #tpu.memory_space<vmem>>
    %dma_start3A_32 = tpu.memref_squeeze %dma_start3A_31 : memref<1x128xi32, #tpu.memory_space<vmem>> -> memref<128xi32, #tpu.memory_space<vmem>>
    %dma_start3A_33 = arith.constant 0 : i32
    %dma_start3A_34 = tpu.memref_slice %arg4[%add3A, %dma_start3A_28, %dma_start3A_33] : memref<32x80x128xi32, #tpu.memory_space<hbm>> -> memref<1x1x128xi32, #tpu.memory_space<hbm>>
    %dma_start3A_35 = tpu.memref_squeeze %dma_start3A_34 : memref<1x1x128xi32, #tpu.memory_space<hbm>> -> memref<128xi32, #tpu.memory_space<hbm>>
    %dma_start3A_36 = arith.constant 0 : i32
    %dma_start3A_37 = tpu.memref_slice %arg8[%dma_start3A_29, %dma_start3A_36] : memref<4x128xi32, #tpu.memory_space<vmem>> -> memref<1x128xi32, #tpu.memory_space<vmem>>
    %dma_start3A_38 = tpu.memref_squeeze %dma_start3A_37 : memref<1x128xi32, #tpu.memory_space<vmem>> -> memref<128xi32, #tpu.memory_space<vmem>>
    %dma_start3A_39 = arith.constant 0 : i32
    %dma_start3A_40 = tpu.memref_slice %arg4[%add3A, %dma_start3A_28, %dma_start3A_39] : memref<32x80x128xi32, #tpu.memory_space<hbm>> -> memref<1x1x128xi32, #tpu.memory_space<hbm>>
    %dma_start3A_41 = tpu.memref_squeeze %dma_start3A_40 : memref<1x1x128xi32, #tpu.memory_space<hbm>> -> memref<128xi32, #tpu.memory_space<hbm>>
    tpu.enqueue_dma source(%dma_start3A_41 : memref<128xi32, #tpu.memory_space<hbm>>) target(%dma_start3A_38 : memref<128xi32, #tpu.memory_space<vmem>>) target_semaphore(%arg15 : memref<!tpu.dma_semaphore, #tpu.memory_space<semaphore_mem>>)
    %dma_start3A_42 = arith.constant 2 : i32
    %dma_start3A_43 = arith.constant 2 : i32
    %dma_start3A_44 = arith.constant 0 : i32
    %dma_start3A_45 = tpu.memref_slice %arg8[%dma_start3A_43, %dma_start3A_44] : memref<4x128xi32, #tpu.memory_space<vmem>> -> memref<1x128xi32, #tpu.memory_space<vmem>>
    %dma_start3A_46 = tpu.memref_squeeze %dma_start3A_45 : memref<1x128xi32, #tpu.memory_space<vmem>> -> memref<128xi32, #tpu.memory_space<vmem>>
    %dma_start3A_47 = arith.constant 0 : i32
    %dma_start3A_48 = tpu.memref_slice %arg4[%add3A, %dma_start3A_42, %dma_start3A_47] : memref<32x80x128xi32, #tpu.memory_space<hbm>> -> memref<1x1x128xi32, #tpu.memory_space<hbm>>
    %dma_start3A_49 = tpu.memref_squeeze %dma_start3A_48 : memref<1x1x128xi32, #tpu.memory_space<hbm>> -> memref<128xi32, #tpu.memory_space<hbm>>
    %dma_start3A_50 = arith.constant 0 : i32
    %dma_start3A_51 = tpu.memref_slice %arg8[%dma_start3A_43, %dma_start3A_50] : memref<4x128xi32, #tpu.memory_space<vmem>> -> memref<1x128xi32, #tpu.memory_space<vmem>>
    %dma_start3A_52 = tpu.memref_squeeze %dma_start3A_51 : memref<1x128xi32, #tpu.memory_space<vmem>> -> memref<128xi32, #tpu.memory_space<vmem>>
    %dma_start3A_53 = arith.constant 0 : i32
    %dma_start3A_54 = tpu.memref_slice %arg4[%add3A, %dma_start3A_42, %dma_start3A_53] : memref<32x80x128xi32, #tpu.memory_space<hbm>> -> memref<1x1x128xi32, #tpu.memory_space<hbm>>
    %dma_start3A_55 = tpu.memref_squeeze %dma_start3A_54 : memref<1x1x128xi32, #tpu.memory_space<hbm>> -> memref<128xi32, #tpu.memory_space<hbm>>
    tpu.enqueue_dma source(%dma_start3A_55 : memref<128xi32, #tpu.memory_space<hbm>>) target(%dma_start3A_52 : memref<128xi32, #tpu.memory_space<vmem>>) target_semaphore(%arg16 : memref<!tpu.dma_semaphore, #tpu.memory_space<semaphore_mem>>)
    %dma_start3A_56 = arith.constant 3 : i32
    %dma_start3A_57 = arith.constant 3 : i32
    %dma_start3A_58 = arith.constant 0 : i32
    %dma_start3A_59 = tpu.memref_slice %arg8[%dma_start3A_57, %dma_start3A_58] : memref<4x128xi32, #tpu.memory_space<vmem>> -> memref<1x128xi32, #tpu.memory_space<vmem>>
    %dma_start3A_60 = tpu.memref_squeeze %dma_start3A_59 : memref<1x128xi32, #tpu.memory_space<vmem>> -> memref<128xi32, #tpu.memory_space<vmem>>
    %dma_start3A_61 = arith.constant 0 : i32
    %dma_start3A_62 = tpu.memref_slice %arg4[%add3A, %dma_start3A_56, %dma_start3A_61] : memref<32x80x128xi32, #tpu.memory_space<hbm>> -> memref<1x1x128xi32, #tpu.memory_space<hbm>>
    %dma_start3A_63 = tpu.memref_squeeze %dma_start3A_62 : memref<1x1x128xi32, #tpu.memory_space<hbm>> -> memref<128xi32, #tpu.memory_space<hbm>>
    %dma_start3A_64 = arith.constant 0 : i32
    %dma_start3A_65 = tpu.memref_slice %arg8[%dma_start3A_57, %dma_start3A_64] : memref<4x128xi32, #tpu.memory_space<vmem>> -> memref<1x128xi32, #tpu.memory_space<vmem>>
    %dma_start3A_66 = tpu.memref_squeeze %dma_start3A_65 : memref<1x128xi32, #tpu.memory_space<vmem>> -> memref<128xi32, #tpu.memory_space<vmem>>
    %dma_start3A_67 = arith.constant 0 : i32
    %dma_start3A_68 = tpu.memref_slice %arg4[%add3A, %dma_start3A_56, %dma_start3A_67] : memref<32x80x128xi32, #tpu.memory_space<hbm>> -> memref<1x1x128xi32, #tpu.memory_space<hbm>>
    %dma_start3A_69 = tpu.memref_squeeze %dma_start3A_68 : memref<1x1x128xi32, #tpu.memory_space<hbm>> -> memref<128xi32, #tpu.memory_space<hbm>>
    tpu.enqueue_dma source(%dma_start3A_69 : memref<128xi32, #tpu.memory_space<hbm>>) target(%dma_start3A_66 : memref<128xi32, #tpu.memory_space<vmem>>) target_semaphore(%arg17 : memref<!tpu.dma_semaphore, #tpu.memory_space<semaphore_mem>>)
    %mul3A_70 = arith.constant 640 : i32
    %mul3A_71 = arith.muli %arg1, %mul3A_70 : i32
    %mul3A_72 = arith.constant 640 : i32
    %mul3A_73 = arith.muli %arg1, %mul3A_72 : i32
    "tpu.region"() ({
      %run_scoped3A = tpu.sem_alloc : memref<!tpu.dma_semaphore, #tpu.memory_space<semaphore_mem>>
      %dma_start3A_153 = arith.constant 0 : i32
      %dma_start3A_154 = tpu.memref_slice %arg11[%mul3A_73, %dma_start3A_153] : memref<10240x128xf32, #tpu.memory_space<vmem_shared>> -> memref<640x128xf32, #tpu.memory_space<vmem_shared>>
      %dma_start3A_155 = arith.constant 0 : i32
      %dma_start3A_156 = tpu.memref_slice %arg5[%mul3A_71, %dma_start3A_155] : memref<10240x128xf32, #tpu.memory_space<hbm>> -> memref<640x128xf32, #tpu.memory_space<hbm>>
      tpu.enqueue_dma source(%dma_start3A_156 : memref<640x128xf32, #tpu.memory_space<hbm>>) target(%dma_start3A_154 : memref<640x128xf32, #tpu.memory_space<vmem_shared>>) target_semaphore(%run_scoped3A : memref<!tpu.dma_semaphore, #tpu.memory_space<semaphore_mem>>)
      %dma_wait3A_157 = arith.constant 0 : i32
      %dma_wait3A_158 = tpu.memref_slice %arg11[%mul3A_73, %dma_wait3A_157] : memref<10240x128xf32, #tpu.memory_space<vmem_shared>> -> memref<640x128xf32, #tpu.memory_space<vmem_shared>>
      %dma_wait3A_159 = arith.constant 0 : i32
      %dma_wait3A_160 = tpu.memref_slice %arg5[%mul3A_71, %dma_wait3A_159] : memref<10240x128xf32, #tpu.memory_space<hbm>> -> memref<640x128xf32, #tpu.memory_space<hbm>>
      tpu.wait_dma2 semaphore(%run_scoped3A : memref<!tpu.dma_semaphore, #tpu.memory_space<semaphore_mem>>) src(%dma_wait3A_160 : memref<640x128xf32, #tpu.memory_space<hbm>>) dst(%dma_wait3A_158 : memref<640x128xf32, #tpu.memory_space<vmem_shared>>)
      tpu.yield
    }) : () -> ()
    %barrier3A = arith.constant 0 : index
    tpu.barrier barrier_id(%barrier3A)
    %scan3A = arith.constant 0 : i32
    %scan3A_74 = arith.constant 0 : i32
    %scan3A_75 = arith.constant 20 : i32
    %scan3A_76 = arith.addi %scan3A_74, %scan3A_75 : i32
    %scan3A_77 = arith.constant 1 : i32
    scf.for %scan3A_153 = %scan3A_74 to %scan3A_76 step %scan3A_77  : i32 {
      %mul3A_154 = arith.constant 4 : i32
      %mul3A_155 = arith.muli %mul3A_154, %scan3A_153 : i32
      %add3A_156 = arith.constant 0 : i32
      %add3A_157 = arith.addi %mul3A_155, %add3A_156 : i32
      %dma_wait3A_158 = arith.constant 0 : i32
      %dma_wait3A_159 = tpu.memref_slice %arg7[%add3A_157, %dma_wait3A_158] : memref<80x128xi32, #tpu.memory_space<vmem>> -> memref<1x128xi32, #tpu.memory_space<vmem>>
      %dma_wait3A_160 = tpu.memref_squeeze %dma_wait3A_159 : memref<1x128xi32, #tpu.memory_space<vmem>> -> memref<128xi32, #tpu.memory_space<vmem>>
      %dma_wait3A_161 = arith.constant 0 : i32
      %dma_wait3A_162 = arith.constant 0 : i32
      %dma_wait3A_163 = tpu.memref_slice %arg2[%dma_wait3A_161, %dma_wait3A_162] : memref<10000x128xf32, #tpu.memory_space<hbm>> -> memref<10000x128xf32, #tpu.memory_space<hbm>>
      tpu.wait_indirect_dma semaphore(%arg12 : memref<!tpu.dma_semaphore, #tpu.memory_space<semaphore_mem>>) src(%dma_wait3A_163 : memref<10000x128xf32, #tpu.memory_space<hbm>>) dst(%arg9 : memref<128x128xf32, #tpu.memory_space<vmem>>)
      %dma_wait3A_164 = arith.constant 0 : i32
      %dma_wait3A_165 = arith.constant 0 : i32
      %dma_wait3A_166 = tpu.memref_slice %arg8[%dma_wait3A_164, %dma_wait3A_165] : memref<4x128xi32, #tpu.memory_space<vmem>> -> memref<1x128xi32, #tpu.memory_space<vmem>>
      %dma_wait3A_167 = tpu.memref_squeeze %dma_wait3A_166 : memref<1x128xi32, #tpu.memory_space<vmem>> -> memref<128xi32, #tpu.memory_space<vmem>>
      %dma_wait3A_168 = arith.constant 0 : i32
      %dma_wait3A_169 = tpu.memref_slice %arg4[%add3A, %add3A_157, %dma_wait3A_168] : memref<32x80x128xi32, #tpu.memory_space<hbm>> -> memref<1x1x128xi32, #tpu.memory_space<hbm>>
      %dma_wait3A_170 = tpu.memref_squeeze %dma_wait3A_169 : memref<1x1x128xi32, #tpu.memory_space<hbm>> -> memref<128xi32, #tpu.memory_space<hbm>>
      %dma_wait3A_171 = arith.constant 0 : i32
      %dma_wait3A_172 = tpu.memref_slice %arg8[%dma_wait3A_164, %dma_wait3A_171] : memref<4x128xi32, #tpu.memory_space<vmem>> -> memref<1x128xi32, #tpu.memory_space<vmem>>
      %dma_wait3A_173 = tpu.memref_squeeze %dma_wait3A_172 : memref<1x128xi32, #tpu.memory_space<vmem>> -> memref<128xi32, #tpu.memory_space<vmem>>
      %dma_wait3A_174 = arith.constant 0 : i32
      %dma_wait3A_175 = tpu.memref_slice %arg4[%add3A, %add3A_157, %dma_wait3A_174] : memref<32x80x128xi32, #tpu.memory_space<hbm>> -> memref<1x1x128xi32, #tpu.memory_space<hbm>>
      %dma_wait3A_176 = tpu.memref_squeeze %dma_wait3A_175 : memref<1x1x128xi32, #tpu.memory_space<hbm>> -> memref<128xi32, #tpu.memory_space<hbm>>
      tpu.wait_dma2 semaphore(%arg14 : memref<!tpu.dma_semaphore, #tpu.memory_space<semaphore_mem>>) src(%dma_wait3A_176 : memref<128xi32, #tpu.memory_space<hbm>>) dst(%dma_wait3A_173 : memref<128xi32, #tpu.memory_space<vmem>>)
      %run_scoped3A = arith.constant 0 : i32
      "tpu.region"() ({
        %run_scoped3A_350 = tpu.sem_alloc : memref<!tpu.dma_semaphore, #tpu.memory_space<semaphore_mem>>
        %dma_start3A_351 = arith.constant 0 : i32
        %dma_start3A_352 = tpu.memref_slice %arg8[%run_scoped3A, %dma_start3A_351] : memref<4x128xi32, #tpu.memory_space<vmem>> -> memref<1x128xi32, #tpu.memory_space<vmem>>
        %dma_start3A_353 = tpu.memref_squeeze %dma_start3A_352 : memref<1x128xi32, #tpu.memory_space<vmem>> -> memref<128xi32, #tpu.memory_space<vmem>>
        %dma_start3A_354 = arith.constant 0 : i32
        %dma_start3A_355 = arith.constant 0 : i32
        %dma_start3A_356 = tpu.memref_slice %arg11[%dma_start3A_354, %dma_start3A_355] : memref<10240x128xf32, #tpu.memory_space<vmem_shared>> -> memref<10240x128xf32, #tpu.memory_space<vmem_shared>>
        tpu.enqueue_indirect_dma source(%arg9 : memref<128x128xf32, #tpu.memory_space<vmem>>) target(%dma_start3A_356 : memref<10240x128xf32, #tpu.memory_space<vmem_shared>>) offsets(%dma_start3A_353 : memref<128xi32, #tpu.memory_space<vmem>>) semaphore(%run_scoped3A_350 : memref<!tpu.dma_semaphore, #tpu.memory_space<semaphore_mem>>) {add = true}
        %dma_wait3A_357 = arith.constant 0 : i32
        %dma_wait3A_358 = tpu.memref_slice %arg8[%run_scoped3A, %dma_wait3A_357] : memref<4x128xi32, #tpu.memory_space<vmem>> -> memref<1x128xi32, #tpu.memory_space<vmem>>
        %dma_wait3A_359 = tpu.memref_squeeze %dma_wait3A_358 : memref<1x128xi32, #tpu.memory_space<vmem>> -> memref<128xi32, #tpu.memory_space<vmem>>
        %dma_wait3A_360 = arith.constant 0 : i32
        %dma_wait3A_361 = arith.constant 0 : i32
        %dma_wait3A_362 = tpu.memref_slice %arg11[%dma_wait3A_360, %dma_wait3A_361] : memref<10240x128xf32, #tpu.memory_space<vmem_shared>> -> memref<10240x128xf32, #tpu.memory_space<vmem_shared>>
        tpu.wait_indirect_dma semaphore(%run_scoped3A_350 : memref<!tpu.dma_semaphore, #tpu.memory_space<semaphore_mem>>) src(%arg9 : memref<128x128xf32, #tpu.memory_space<vmem>>) dst(%dma_wait3A_362 : memref<10240x128xf32, #tpu.memory_space<vmem_shared>>)
        tpu.yield
      }) : () -> ()
      %add3A_177 = arith.constant 2 : i32
      %add3A_178 = arith.addi %add3A_157, %add3A_177 : i32
      %min3A = arith.constant 79 : i32
      %min3A_179 = arith.minsi %add3A_178, %min3A : i32
      %dma_start3A_180 = arith.constant 0 : i32
      %dma_start3A_181 = tpu.memref_slice %arg7[%min3A_179, %dma_start3A_180] : memref<80x128xi32, #tpu.memory_space<vmem>> -> memref<1x128xi32, #tpu.memory_space<vmem>>
      %dma_start3A_182 = tpu.memref_squeeze %dma_start3A_181 : memref<1x128xi32, #tpu.memory_space<vmem>> -> memref<128xi32, #tpu.memory_space<vmem>>
      %dma_start3A_183 = arith.constant 0 : i32
      %dma_start3A_184 = arith.constant 0 : i32
      %dma_start3A_185 = tpu.memref_slice %arg2[%dma_start3A_183, %dma_start3A_184] : memref<10000x128xf32, #tpu.memory_space<hbm>> -> memref<10000x128xf32, #tpu.memory_space<hbm>>
      tpu.enqueue_indirect_dma source(%dma_start3A_185 : memref<10000x128xf32, #tpu.memory_space<hbm>>) target(%arg9 : memref<128x128xf32, #tpu.memory_space<vmem>>) offsets(%dma_start3A_182 : memref<128xi32, #tpu.memory_space<vmem>>) semaphore(%arg12 : memref<!tpu.dma_semaphore, #tpu.memory_space<semaphore_mem>>)
      %add3A_186 = arith.constant 4 : i32
      %add3A_187 = arith.addi %add3A_157, %add3A_186 : i32
      %min3A_188 = arith.constant 79 : i32
      %min3A_189 = arith.minsi %add3A_187, %min3A_188 : i32
      %dma_start3A_190 = arith.constant 0 : i32
      %dma_start3A_191 = arith.constant 0 : i32
      %dma_start3A_192 = tpu.memref_slice %arg8[%dma_start3A_190, %dma_start3A_191] : memref<4x128xi32, #tpu.memory_space<vmem>> -> memref<1x128xi32, #tpu.memory_space<vmem>>
      %dma_start3A_193 = tpu.memref_squeeze %dma_start3A_192 : memref<1x128xi32, #tpu.memory_space<vmem>> -> memref<128xi32, #tpu.memory_space<vmem>>
      %dma_start3A_194 = arith.constant 0 : i32
      %dma_start3A_195 = tpu.memref_slice %arg4[%add3A, %min3A_189, %dma_start3A_194] : memref<32x80x128xi32, #tpu.memory_space<hbm>> -> memref<1x1x128xi32, #tpu.memory_space<hbm>>
      %dma_start3A_196 = tpu.memref_squeeze %dma_start3A_195 : memref<1x1x128xi32, #tpu.memory_space<hbm>> -> memref<128xi32, #tpu.memory_space<hbm>>
      %dma_start3A_197 = arith.constant 0 : i32
      %dma_start3A_198 = tpu.memref_slice %arg8[%dma_start3A_190, %dma_start3A_197] : memref<4x128xi32, #tpu.memory_space<vmem>> -> memref<1x128xi32, #tpu.memory_space<vmem>>
      %dma_start3A_199 = tpu.memref_squeeze %dma_start3A_198 : memref<1x128xi32, #tpu.memory_space<vmem>> -> memref<128xi32, #tpu.memory_space<vmem>>
      %dma_start3A_200 = arith.constant 0 : i32
      %dma_start3A_201 = tpu.memref_slice %arg4[%add3A, %min3A_189, %dma_start3A_200] : memref<32x80x128xi32, #tpu.memory_space<hbm>> -> memref<1x1x128xi32, #tpu.memory_space<hbm>>
      %dma_start3A_202 = tpu.memref_squeeze %dma_start3A_201 : memref<1x1x128xi32, #tpu.memory_space<hbm>> -> memref<128xi32, #tpu.memory_space<hbm>>
      tpu.enqueue_dma source(%dma_start3A_202 : memref<128xi32, #tpu.memory_space<hbm>>) target(%dma_start3A_199 : memref<128xi32, #tpu.memory_space<vmem>>) target_semaphore(%arg14 : memref<!tpu.dma_semaphore, #tpu.memory_space<semaphore_mem>>)
      %add3A_203 = arith.constant 1 : i32
      %add3A_204 = arith.addi %mul3A_155, %add3A_203 : i32
      %dma_wait3A_205 = arith.constant 0 : i32
      %dma_wait3A_206 = tpu.memref_slice %arg7[%add3A_204, %dma_wait3A_205] : memref<80x128xi32, #tpu.memory_space<vmem>> -> memref<1x128xi32, #tpu.memory_space<vmem>>
      %dma_wait3A_207 = tpu.memref_squeeze %dma_wait3A_206 : memref<1x128xi32, #tpu.memory_space<vmem>> -> memref<128xi32, #tpu.memory_space<vmem>>
      %dma_wait3A_208 = arith.constant 0 : i32
      %dma_wait3A_209 = arith.constant 0 : i32
      %dma_wait3A_210 = tpu.memref_slice %arg2[%dma_wait3A_208, %dma_wait3A_209] : memref<10000x128xf32, #tpu.memory_space<hbm>> -> memref<10000x128xf32, #tpu.memory_space<hbm>>
      tpu.wait_indirect_dma semaphore(%arg13 : memref<!tpu.dma_semaphore, #tpu.memory_space<semaphore_mem>>) src(%dma_wait3A_210 : memref<10000x128xf32, #tpu.memory_space<hbm>>) dst(%arg10 : memref<128x128xf32, #tpu.memory_space<vmem>>)
      %dma_wait3A_211 = arith.constant 1 : i32
      %dma_wait3A_212 = arith.constant 0 : i32
      %dma_wait3A_213 = tpu.memref_slice %arg8[%dma_wait3A_211, %dma_wait3A_212] : memref<4x128xi32, #tpu.memory_space<vmem>> -> memref<1x128xi32, #tpu.memory_space<vmem>>
      %dma_wait3A_214 = tpu.memref_squeeze %dma_wait3A_213 : memref<1x128xi32, #tpu.memory_space<vmem>> -> memref<128xi32, #tpu.memory_space<vmem>>
      %dma_wait3A_215 = arith.constant 0 : i32
      %dma_wait3A_216 = tpu.memref_slice %arg4[%add3A, %add3A_204, %dma_wait3A_215] : memref<32x80x128xi32, #tpu.memory_space<hbm>> -> memref<1x1x128xi32, #tpu.memory_space<hbm>>
      %dma_wait3A_217 = tpu.memref_squeeze %dma_wait3A_216 : memref<1x1x128xi32, #tpu.memory_space<hbm>> -> memref<128xi32, #tpu.memory_space<hbm>>
      %dma_wait3A_218 = arith.constant 0 : i32
      %dma_wait3A_219 = tpu.memref_slice %arg8[%dma_wait3A_211, %dma_wait3A_218] : memref<4x128xi32, #tpu.memory_space<vmem>> -> memref<1x128xi32, #tpu.memory_space<vmem>>
      %dma_wait3A_220 = tpu.memref_squeeze %dma_wait3A_219 : memref<1x128xi32, #tpu.memory_space<vmem>> -> memref<128xi32, #tpu.memory_space<vmem>>
      %dma_wait3A_221 = arith.constant 0 : i32
      %dma_wait3A_222 = tpu.memref_slice %arg4[%add3A, %add3A_204, %dma_wait3A_221] : memref<32x80x128xi32, #tpu.memory_space<hbm>> -> memref<1x1x128xi32, #tpu.memory_space<hbm>>
      %dma_wait3A_223 = tpu.memref_squeeze %dma_wait3A_222 : memref<1x1x128xi32, #tpu.memory_space<hbm>> -> memref<128xi32, #tpu.memory_space<hbm>>
      tpu.wait_dma2 semaphore(%arg15 : memref<!tpu.dma_semaphore, #tpu.memory_space<semaphore_mem>>) src(%dma_wait3A_223 : memref<128xi32, #tpu.memory_space<hbm>>) dst(%dma_wait3A_220 : memref<128xi32, #tpu.memory_space<vmem>>)
      %run_scoped3A_224 = arith.constant 1 : i32
      "tpu.region"() ({
        %run_scoped3A_350 = tpu.sem_alloc : memref<!tpu.dma_semaphore, #tpu.memory_space<semaphore_mem>>
        %dma_start3A_351 = arith.constant 0 : i32
        %dma_start3A_352 = tpu.memref_slice %arg8[%run_scoped3A_224, %dma_start3A_351] : memref<4x128xi32, #tpu.memory_space<vmem>> -> memref<1x128xi32, #tpu.memory_space<vmem>>
        %dma_start3A_353 = tpu.memref_squeeze %dma_start3A_352 : memref<1x128xi32, #tpu.memory_space<vmem>> -> memref<128xi32, #tpu.memory_space<vmem>>
        %dma_start3A_354 = arith.constant 0 : i32
        %dma_start3A_355 = arith.constant 0 : i32
        %dma_start3A_356 = tpu.memref_slice %arg11[%dma_start3A_354, %dma_start3A_355] : memref<10240x128xf32, #tpu.memory_space<vmem_shared>> -> memref<10240x128xf32, #tpu.memory_space<vmem_shared>>
        tpu.enqueue_indirect_dma source(%arg10 : memref<128x128xf32, #tpu.memory_space<vmem>>) target(%dma_start3A_356 : memref<10240x128xf32, #tpu.memory_space<vmem_shared>>) offsets(%dma_start3A_353 : memref<128xi32, #tpu.memory_space<vmem>>) semaphore(%run_scoped3A_350 : memref<!tpu.dma_semaphore, #tpu.memory_space<semaphore_mem>>) {add = true}
        %dma_wait3A_357 = arith.constant 0 : i32
        %dma_wait3A_358 = tpu.memref_slice %arg8[%run_scoped3A_224, %dma_wait3A_357] : memref<4x128xi32, #tpu.memory_space<vmem>> -> memref<1x128xi32, #tpu.memory_space<vmem>>
        %dma_wait3A_359 = tpu.memref_squeeze %dma_wait3A_358 : memref<1x128xi32, #tpu.memory_space<vmem>> -> memref<128xi32, #tpu.memory_space<vmem>>
        %dma_wait3A_360 = arith.constant 0 : i32
        %dma_wait3A_361 = arith.constant 0 : i32
        %dma_wait3A_362 = tpu.memref_slice %arg11[%dma_wait3A_360, %dma_wait3A_361] : memref<10240x128xf32, #tpu.memory_space<vmem_shared>> -> memref<10240x128xf32, #tpu.memory_space<vmem_shared>>
        tpu.wait_indirect_dma semaphore(%run_scoped3A_350 : memref<!tpu.dma_semaphore, #tpu.memory_space<semaphore_mem>>) src(%arg10 : memref<128x128xf32, #tpu.memory_space<vmem>>) dst(%dma_wait3A_362 : memref<10240x128xf32, #tpu.memory_space<vmem_shared>>)
        tpu.yield
      }) : () -> ()
      %add3A_225 = arith.constant 2 : i32
      %add3A_226 = arith.addi %add3A_204, %add3A_225 : i32
      %min3A_227 = arith.constant 79 : i32
      %min3A_228 = arith.minsi %add3A_226, %min3A_227 : i32
      %dma_start3A_229 = arith.constant 0 : i32
      %dma_start3A_230 = tpu.memref_slice %arg7[%min3A_228, %dma_start3A_229] : memref<80x128xi32, #tpu.memory_space<vmem>> -> memref<1x128xi32, #tpu.memory_space<vmem>>
      %dma_start3A_231 = tpu.memref_squeeze %dma_start3A_230 : memref<1x128xi32, #tpu.memory_space<vmem>> -> memref<128xi32, #tpu.memory_space<vmem>>
      %dma_start3A_232 = arith.constant 0 : i32
      %dma_start3A_233 = arith.constant 0 : i32
      %dma_start3A_234 = tpu.memref_slice %arg2[%dma_start3A_232, %dma_start3A_233] : memref<10000x128xf32, #tpu.memory_space<hbm>> -> memref<10000x128xf32, #tpu.memory_space<hbm>>
      tpu.enqueue_indirect_dma source(%dma_start3A_234 : memref<10000x128xf32, #tpu.memory_space<hbm>>) target(%arg10 : memref<128x128xf32, #tpu.memory_space<vmem>>) offsets(%dma_start3A_231 : memref<128xi32, #tpu.memory_space<vmem>>) semaphore(%arg13 : memref<!tpu.dma_semaphore, #tpu.memory_space<semaphore_mem>>)
      %add3A_235 = arith.constant 4 : i32
      %add3A_236 = arith.addi %add3A_204, %add3A_235 : i32
      %min3A_237 = arith.constant 79 : i32
      %min3A_238 = arith.minsi %add3A_236, %min3A_237 : i32
      %dma_start3A_239 = arith.constant 1 : i32
      %dma_start3A_240 = arith.constant 0 : i32
      %dma_start3A_241 = tpu.memref_slice %arg8[%dma_start3A_239, %dma_start3A_240] : memref<4x128xi32, #tpu.memory_space<vmem>> -> memref<1x128xi32, #tpu.memory_space<vmem>>
      %dma_start3A_242 = tpu.memref_squeeze %dma_start3A_241 : memref<1x128xi32, #tpu.memory_space<vmem>> -> memref<128xi32, #tpu.memory_space<vmem>>
      %dma_start3A_243 = arith.constant 0 : i32
      %dma_start3A_244 = tpu.memref_slice %arg4[%add3A, %min3A_238, %dma_start3A_243] : memref<32x80x128xi32, #tpu.memory_space<hbm>> -> memref<1x1x128xi32, #tpu.memory_space<hbm>>
      %dma_start3A_245 = tpu.memref_squeeze %dma_start3A_244 : memref<1x1x128xi32, #tpu.memory_space<hbm>> -> memref<128xi32, #tpu.memory_space<hbm>>
      %dma_start3A_246 = arith.constant 0 : i32
      %dma_start3A_247 = tpu.memref_slice %arg8[%dma_start3A_239, %dma_start3A_246] : memref<4x128xi32, #tpu.memory_space<vmem>> -> memref<1x128xi32, #tpu.memory_space<vmem>>
      %dma_start3A_248 = tpu.memref_squeeze %dma_start3A_247 : memref<1x128xi32, #tpu.memory_space<vmem>> -> memref<128xi32, #tpu.memory_space<vmem>>
      %dma_start3A_249 = arith.constant 0 : i32
      %dma_start3A_250 = tpu.memref_slice %arg4[%add3A, %min3A_238, %dma_start3A_249] : memref<32x80x128xi32, #tpu.memory_space<hbm>> -> memref<1x1x128xi32, #tpu.memory_space<hbm>>
      %dma_start3A_251 = tpu.memref_squeeze %dma_start3A_250 : memref<1x1x128xi32, #tpu.memory_space<hbm>> -> memref<128xi32, #tpu.memory_space<hbm>>
      tpu.enqueue_dma source(%dma_start3A_251 : memref<128xi32, #tpu.memory_space<hbm>>) target(%dma_start3A_248 : memref<128xi32, #tpu.memory_space<vmem>>) target_semaphore(%arg15 : memref<!tpu.dma_semaphore, #tpu.memory_space<semaphore_mem>>)
      %add3A_252 = arith.constant 2 : i32
      %add3A_253 = arith.addi %mul3A_155, %add3A_252 : i32
      %dma_wait3A_254 = arith.constant 0 : i32
      %dma_wait3A_255 = tpu.memref_slice %arg7[%add3A_253, %dma_wait3A_254] : memref<80x128xi32, #tpu.memory_space<vmem>> -> memref<1x128xi32, #tpu.memory_space<vmem>>
      %dma_wait3A_256 = tpu.memref_squeeze %dma_wait3A_255 : memref<1x128xi32, #tpu.memory_space<vmem>> -> memref<128xi32, #tpu.memory_space<vmem>>
      %dma_wait3A_257 = arith.constant 0 : i32
      %dma_wait3A_258 = arith.constant 0 : i32
      %dma_wait3A_259 = tpu.memref_slice %arg2[%dma_wait3A_257, %dma_wait3A_258] : memref<10000x128xf32, #tpu.memory_space<hbm>> -> memref<10000x128xf32, #tpu.memory_space<hbm>>
      tpu.wait_indirect_dma semaphore(%arg12 : memref<!tpu.dma_semaphore, #tpu.memory_space<semaphore_mem>>) src(%dma_wait3A_259 : memref<10000x128xf32, #tpu.memory_space<hbm>>) dst(%arg9 : memref<128x128xf32, #tpu.memory_space<vmem>>)
      %dma_wait3A_260 = arith.constant 2 : i32
      %dma_wait3A_261 = arith.constant 0 : i32
      %dma_wait3A_262 = tpu.memref_slice %arg8[%dma_wait3A_260, %dma_wait3A_261] : memref<4x128xi32, #tpu.memory_space<vmem>> -> memref<1x128xi32, #tpu.memory_space<vmem>>
      %dma_wait3A_263 = tpu.memref_squeeze %dma_wait3A_262 : memref<1x128xi32, #tpu.memory_space<vmem>> -> memref<128xi32, #tpu.memory_space<vmem>>
      %dma_wait3A_264 = arith.constant 0 : i32
      %dma_wait3A_265 = tpu.memref_slice %arg4[%add3A, %add3A_253, %dma_wait3A_264] : memref<32x80x128xi32, #tpu.memory_space<hbm>> -> memref<1x1x128xi32, #tpu.memory_space<hbm>>
      %dma_wait3A_266 = tpu.memref_squeeze %dma_wait3A_265 : memref<1x1x128xi32, #tpu.memory_space<hbm>> -> memref<128xi32, #tpu.memory_space<hbm>>
      %dma_wait3A_267 = arith.constant 0 : i32
      %dma_wait3A_268 = tpu.memref_slice %arg8[%dma_wait3A_260, %dma_wait3A_267] : memref<4x128xi32, #tpu.memory_space<vmem>> -> memref<1x128xi32, #tpu.memory_space<vmem>>
      %dma_wait3A_269 = tpu.memref_squeeze %dma_wait3A_268 : memref<1x128xi32, #tpu.memory_space<vmem>> -> memref<128xi32, #tpu.memory_space<vmem>>
      %dma_wait3A_270 = arith.constant 0 : i32
      %dma_wait3A_271 = tpu.memref_slice %arg4[%add3A, %add3A_253, %dma_wait3A_270] : memref<32x80x128xi32, #tpu.memory_space<hbm>> -> memref<1x1x128xi32, #tpu.memory_space<hbm>>
      %dma_wait3A_272 = tpu.memref_squeeze %dma_wait3A_271 : memref<1x1x128xi32, #tpu.memory_space<hbm>> -> memref<128xi32, #tpu.memory_space<hbm>>
      tpu.wait_dma2 semaphore(%arg16 : memref<!tpu.dma_semaphore, #tpu.memory_space<semaphore_mem>>) src(%dma_wait3A_272 : memref<128xi32, #tpu.memory_space<hbm>>) dst(%dma_wait3A_269 : memref<128xi32, #tpu.memory_space<vmem>>)
      %run_scoped3A_273 = arith.constant 2 : i32
      "tpu.region"() ({
        %run_scoped3A_350 = tpu.sem_alloc : memref<!tpu.dma_semaphore, #tpu.memory_space<semaphore_mem>>
        %dma_start3A_351 = arith.constant 0 : i32
        %dma_start3A_352 = tpu.memref_slice %arg8[%run_scoped3A_273, %dma_start3A_351] : memref<4x128xi32, #tpu.memory_space<vmem>> -> memref<1x128xi32, #tpu.memory_space<vmem>>
        %dma_start3A_353 = tpu.memref_squeeze %dma_start3A_352 : memref<1x128xi32, #tpu.memory_space<vmem>> -> memref<128xi32, #tpu.memory_space<vmem>>
        %dma_start3A_354 = arith.constant 0 : i32
        %dma_start3A_355 = arith.constant 0 : i32
        %dma_start3A_356 = tpu.memref_slice %arg11[%dma_start3A_354, %dma_start3A_355] : memref<10240x128xf32, #tpu.memory_space<vmem_shared>> -> memref<10240x128xf32, #tpu.memory_space<vmem_shared>>
        tpu.enqueue_indirect_dma source(%arg9 : memref<128x128xf32, #tpu.memory_space<vmem>>) target(%dma_start3A_356 : memref<10240x128xf32, #tpu.memory_space<vmem_shared>>) offsets(%dma_start3A_353 : memref<128xi32, #tpu.memory_space<vmem>>) semaphore(%run_scoped3A_350 : memref<!tpu.dma_semaphore, #tpu.memory_space<semaphore_mem>>) {add = true}
        %dma_wait3A_357 = arith.constant 0 : i32
        %dma_wait3A_358 = tpu.memref_slice %arg8[%run_scoped3A_273, %dma_wait3A_357] : memref<4x128xi32, #tpu.memory_space<vmem>> -> memref<1x128xi32, #tpu.memory_space<vmem>>
        %dma_wait3A_359 = tpu.memref_squeeze %dma_wait3A_358 : memref<1x128xi32, #tpu.memory_space<vmem>> -> memref<128xi32, #tpu.memory_space<vmem>>
        %dma_wait3A_360 = arith.constant 0 : i32
        %dma_wait3A_361 = arith.constant 0 : i32
        %dma_wait3A_362 = tpu.memref_slice %arg11[%dma_wait3A_360, %dma_wait3A_361] : memref<10240x128xf32, #tpu.memory_space<vmem_shared>> -> memref<10240x128xf32, #tpu.memory_space<vmem_shared>>
        tpu.wait_indirect_dma semaphore(%run_scoped3A_350 : memref<!tpu.dma_semaphore, #tpu.memory_space<semaphore_mem>>) src(%arg9 : memref<128x128xf32, #tpu.memory_space<vmem>>) dst(%dma_wait3A_362 : memref<10240x128xf32, #tpu.memory_space<vmem_shared>>)
        tpu.yield
      }) : () -> ()
      %add3A_274 = arith.constant 2 : i32
      %add3A_275 = arith.addi %add3A_253, %add3A_274 : i32
      %min3A_276 = arith.constant 79 : i32
      %min3A_277 = arith.minsi %add3A_275, %min3A_276 : i32
      %dma_start3A_278 = arith.constant 0 : i32
      %dma_start3A_279 = tpu.memref_slice %arg7[%min3A_277, %dma_start3A_278] : memref<80x128xi32, #tpu.memory_space<vmem>> -> memref<1x128xi32, #tpu.memory_space<vmem>>
      %dma_start3A_280 = tpu.memref_squeeze %dma_start3A_279 : memref<1x128xi32, #tpu.memory_space<vmem>> -> memref<128xi32, #tpu.memory_space<vmem>>
      %dma_start3A_281 = arith.constant 0 : i32
      %dma_start3A_282 = arith.constant 0 : i32
      %dma_start3A_283 = tpu.memref_slice %arg2[%dma_start3A_281, %dma_start3A_282] : memref<10000x128xf32, #tpu.memory_space<hbm>> -> memref<10000x128xf32, #tpu.memory_space<hbm>>
      tpu.enqueue_indirect_dma source(%dma_start3A_283 : memref<10000x128xf32, #tpu.memory_space<hbm>>) target(%arg9 : memref<128x128xf32, #tpu.memory_space<vmem>>) offsets(%dma_start3A_280 : memref<128xi32, #tpu.memory_space<vmem>>) semaphore(%arg12 : memref<!tpu.dma_semaphore, #tpu.memory_space<semaphore_mem>>)
      %add3A_284 = arith.constant 4 : i32
      %add3A_285 = arith.addi %add3A_253, %add3A_284 : i32
      %min3A_286 = arith.constant 79 : i32
      %min3A_287 = arith.minsi %add3A_285, %min3A_286 : i32
      %dma_start3A_288 = arith.constant 2 : i32
      %dma_start3A_289 = arith.constant 0 : i32
      %dma_start3A_290 = tpu.memref_slice %arg8[%dma_start3A_288, %dma_start3A_289] : memref<4x128xi32, #tpu.memory_space<vmem>> -> memref<1x128xi32, #tpu.memory_space<vmem>>
      %dma_start3A_291 = tpu.memref_squeeze %dma_start3A_290 : memref<1x128xi32, #tpu.memory_space<vmem>> -> memref<128xi32, #tpu.memory_space<vmem>>
      %dma_start3A_292 = arith.constant 0 : i32
      %dma_start3A_293 = tpu.memref_slice %arg4[%add3A, %min3A_287, %dma_start3A_292] : memref<32x80x128xi32, #tpu.memory_space<hbm>> -> memref<1x1x128xi32, #tpu.memory_space<hbm>>
      %dma_start3A_294 = tpu.memref_squeeze %dma_start3A_293 : memref<1x1x128xi32, #tpu.memory_space<hbm>> -> memref<128xi32, #tpu.memory_space<hbm>>
      %dma_start3A_295 = arith.constant 0 : i32
      %dma_start3A_296 = tpu.memref_slice %arg8[%dma_start3A_288, %dma_start3A_295] : memref<4x128xi32, #tpu.memory_space<vmem>> -> memref<1x128xi32, #tpu.memory_space<vmem>>
      %dma_start3A_297 = tpu.memref_squeeze %dma_start3A_296 : memref<1x128xi32, #tpu.memory_space<vmem>> -> memref<128xi32, #tpu.memory_space<vmem>>
      %dma_start3A_298 = arith.constant 0 : i32
      %dma_start3A_299 = tpu.memref_slice %arg4[%add3A, %min3A_287, %dma_start3A_298] : memref<32x80x128xi32, #tpu.memory_space<hbm>> -> memref<1x1x128xi32, #tpu.memory_space<hbm>>
      %dma_start3A_300 = tpu.memref_squeeze %dma_start3A_299 : memref<1x1x128xi32, #tpu.memory_space<hbm>> -> memref<128xi32, #tpu.memory_space<hbm>>
      tpu.enqueue_dma source(%dma_start3A_300 : memref<128xi32, #tpu.memory_space<hbm>>) target(%dma_start3A_297 : memref<128xi32, #tpu.memory_space<vmem>>) target_semaphore(%arg16 : memref<!tpu.dma_semaphore, #tpu.memory_space<semaphore_mem>>)
      %add3A_301 = arith.constant 3 : i32
      %add3A_302 = arith.addi %mul3A_155, %add3A_301 : i32
      %dma_wait3A_303 = arith.constant 0 : i32
      %dma_wait3A_304 = tpu.memref_slice %arg7[%add3A_302, %dma_wait3A_303] : memref<80x128xi32, #tpu.memory_space<vmem>> -> memref<1x128xi32, #tpu.memory_space<vmem>>
      %dma_wait3A_305 = tpu.memref_squeeze %dma_wait3A_304 : memref<1x128xi32, #tpu.memory_space<vmem>> -> memref<128xi32, #tpu.memory_space<vmem>>
      %dma_wait3A_306 = arith.constant 0 : i32
      %dma_wait3A_307 = arith.constant 0 : i32
      %dma_wait3A_308 = tpu.memref_slice %arg2[%dma_wait3A_306, %dma_wait3A_307] : memref<10000x128xf32, #tpu.memory_space<hbm>> -> memref<10000x128xf32, #tpu.memory_space<hbm>>
      tpu.wait_indirect_dma semaphore(%arg13 : memref<!tpu.dma_semaphore, #tpu.memory_space<semaphore_mem>>) src(%dma_wait3A_308 : memref<10000x128xf32, #tpu.memory_space<hbm>>) dst(%arg10 : memref<128x128xf32, #tpu.memory_space<vmem>>)
      %dma_wait3A_309 = arith.constant 3 : i32
      %dma_wait3A_310 = arith.constant 0 : i32
      %dma_wait3A_311 = tpu.memref_slice %arg8[%dma_wait3A_309, %dma_wait3A_310] : memref<4x128xi32, #tpu.memory_space<vmem>> -> memref<1x128xi32, #tpu.memory_space<vmem>>
      %dma_wait3A_312 = tpu.memref_squeeze %dma_wait3A_311 : memref<1x128xi32, #tpu.memory_space<vmem>> -> memref<128xi32, #tpu.memory_space<vmem>>
      %dma_wait3A_313 = arith.constant 0 : i32
      %dma_wait3A_314 = tpu.memref_slice %arg4[%add3A, %add3A_302, %dma_wait3A_313] : memref<32x80x128xi32, #tpu.memory_space<hbm>> -> memref<1x1x128xi32, #tpu.memory_space<hbm>>
      %dma_wait3A_315 = tpu.memref_squeeze %dma_wait3A_314 : memref<1x1x128xi32, #tpu.memory_space<hbm>> -> memref<128xi32, #tpu.memory_space<hbm>>
      %dma_wait3A_316 = arith.constant 0 : i32
      %dma_wait3A_317 = tpu.memref_slice %arg8[%dma_wait3A_309, %dma_wait3A_316] : memref<4x128xi32, #tpu.memory_space<vmem>> -> memref<1x128xi32, #tpu.memory_space<vmem>>
      %dma_wait3A_318 = tpu.memref_squeeze %dma_wait3A_317 : memref<1x128xi32, #tpu.memory_space<vmem>> -> memref<128xi32, #tpu.memory_space<vmem>>
      %dma_wait3A_319 = arith.constant 0 : i32
      %dma_wait3A_320 = tpu.memref_slice %arg4[%add3A, %add3A_302, %dma_wait3A_319] : memref<32x80x128xi32, #tpu.memory_space<hbm>> -> memref<1x1x128xi32, #tpu.memory_space<hbm>>
      %dma_wait3A_321 = tpu.memref_squeeze %dma_wait3A_320 : memref<1x1x128xi32, #tpu.memory_space<hbm>> -> memref<128xi32, #tpu.memory_space<hbm>>
      tpu.wait_dma2 semaphore(%arg17 : memref<!tpu.dma_semaphore, #tpu.memory_space<semaphore_mem>>) src(%dma_wait3A_321 : memref<128xi32, #tpu.memory_space<hbm>>) dst(%dma_wait3A_318 : memref<128xi32, #tpu.memory_space<vmem>>)
      %run_scoped3A_322 = arith.constant 3 : i32
      "tpu.region"() ({
        %run_scoped3A_350 = tpu.sem_alloc : memref<!tpu.dma_semaphore, #tpu.memory_space<semaphore_mem>>
        %dma_start3A_351 = arith.constant 0 : i32
        %dma_start3A_352 = tpu.memref_slice %arg8[%run_scoped3A_322, %dma_start3A_351] : memref<4x128xi32, #tpu.memory_space<vmem>> -> memref<1x128xi32, #tpu.memory_space<vmem>>
        %dma_start3A_353 = tpu.memref_squeeze %dma_start3A_352 : memref<1x128xi32, #tpu.memory_space<vmem>> -> memref<128xi32, #tpu.memory_space<vmem>>
        %dma_start3A_354 = arith.constant 0 : i32
        %dma_start3A_355 = arith.constant 0 : i32
        %dma_start3A_356 = tpu.memref_slice %arg11[%dma_start3A_354, %dma_start3A_355] : memref<10240x128xf32, #tpu.memory_space<vmem_shared>> -> memref<10240x128xf32, #tpu.memory_space<vmem_shared>>
        tpu.enqueue_indirect_dma source(%arg10 : memref<128x128xf32, #tpu.memory_space<vmem>>) target(%dma_start3A_356 : memref<10240x128xf32, #tpu.memory_space<vmem_shared>>) offsets(%dma_start3A_353 : memref<128xi32, #tpu.memory_space<vmem>>) semaphore(%run_scoped3A_350 : memref<!tpu.dma_semaphore, #tpu.memory_space<semaphore_mem>>) {add = true}
        %dma_wait3A_357 = arith.constant 0 : i32
        %dma_wait3A_358 = tpu.memref_slice %arg8[%run_scoped3A_322, %dma_wait3A_357] : memref<4x128xi32, #tpu.memory_space<vmem>> -> memref<1x128xi32, #tpu.memory_space<vmem>>
        %dma_wait3A_359 = tpu.memref_squeeze %dma_wait3A_358 : memref<1x128xi32, #tpu.memory_space<vmem>> -> memref<128xi32, #tpu.memory_space<vmem>>
        %dma_wait3A_360 = arith.constant 0 : i32
        %dma_wait3A_361 = arith.constant 0 : i32
        %dma_wait3A_362 = tpu.memref_slice %arg11[%dma_wait3A_360, %dma_wait3A_361] : memref<10240x128xf32, #tpu.memory_space<vmem_shared>> -> memref<10240x128xf32, #tpu.memory_space<vmem_shared>>
        tpu.wait_indirect_dma semaphore(%run_scoped3A_350 : memref<!tpu.dma_semaphore, #tpu.memory_space<semaphore_mem>>) src(%arg10 : memref<128x128xf32, #tpu.memory_space<vmem>>) dst(%dma_wait3A_362 : memref<10240x128xf32, #tpu.memory_space<vmem_shared>>)
        tpu.yield
      }) : () -> ()
      %add3A_323 = arith.constant 2 : i32
      %add3A_324 = arith.addi %add3A_302, %add3A_323 : i32
      %min3A_325 = arith.constant 79 : i32
      %min3A_326 = arith.minsi %add3A_324, %min3A_325 : i32
      %dma_start3A_327 = arith.constant 0 : i32
      %dma_start3A_328 = tpu.memref_slice %arg7[%min3A_326, %dma_start3A_327] : memref<80x128xi32, #tpu.memory_space<vmem>> -> memref<1x128xi32, #tpu.memory_space<vmem>>
      %dma_start3A_329 = tpu.memref_squeeze %dma_start3A_328 : memref<1x128xi32, #tpu.memory_space<vmem>> -> memref<128xi32, #tpu.memory_space<vmem>>
      %dma_start3A_330 = arith.constant 0 : i32
      %dma_start3A_331 = arith.constant 0 : i32
      %dma_start3A_332 = tpu.memref_slice %arg2[%dma_start3A_330, %dma_start3A_331] : memref<10000x128xf32, #tpu.memory_space<hbm>> -> memref<10000x128xf32, #tpu.memory_space<hbm>>
      tpu.enqueue_indirect_dma source(%dma_start3A_332 : memref<10000x128xf32, #tpu.memory_space<hbm>>) target(%arg10 : memref<128x128xf32, #tpu.memory_space<vmem>>) offsets(%dma_start3A_329 : memref<128xi32, #tpu.memory_space<vmem>>) semaphore(%arg13 : memref<!tpu.dma_semaphore, #tpu.memory_space<semaphore_mem>>)
      %add3A_333 = arith.constant 4 : i32
      %add3A_334 = arith.addi %add3A_302, %add3A_333 : i32
      %min3A_335 = arith.constant 79 : i32
      %min3A_336 = arith.minsi %add3A_334, %min3A_335 : i32
      %dma_start3A_337 = arith.constant 3 : i32
      %dma_start3A_338 = arith.constant 0 : i32
      %dma_start3A_339 = tpu.memref_slice %arg8[%dma_start3A_337, %dma_start3A_338] : memref<4x128xi32, #tpu.memory_space<vmem>> -> memref<1x128xi32, #tpu.memory_space<vmem>>
      %dma_start3A_340 = tpu.memref_squeeze %dma_start3A_339 : memref<1x128xi32, #tpu.memory_space<vmem>> -> memref<128xi32, #tpu.memory_space<vmem>>
      %dma_start3A_341 = arith.constant 0 : i32
      %dma_start3A_342 = tpu.memref_slice %arg4[%add3A, %min3A_336, %dma_start3A_341] : memref<32x80x128xi32, #tpu.memory_space<hbm>> -> memref<1x1x128xi32, #tpu.memory_space<hbm>>
      %dma_start3A_343 = tpu.memref_squeeze %dma_start3A_342 : memref<1x1x128xi32, #tpu.memory_space<hbm>> -> memref<128xi32, #tpu.memory_space<hbm>>
      %dma_start3A_344 = arith.constant 0 : i32
      %dma_start3A_345 = tpu.memref_slice %arg8[%dma_start3A_337, %dma_start3A_344] : memref<4x128xi32, #tpu.memory_space<vmem>> -> memref<1x128xi32, #tpu.memory_space<vmem>>
      %dma_start3A_346 = tpu.memref_squeeze %dma_start3A_345 : memref<1x128xi32, #tpu.memory_space<vmem>> -> memref<128xi32, #tpu.memory_space<vmem>>
      %dma_start3A_347 = arith.constant 0 : i32
      %dma_start3A_348 = tpu.memref_slice %arg4[%add3A, %min3A_336, %dma_start3A_347] : memref<32x80x128xi32, #tpu.memory_space<hbm>> -> memref<1x1x128xi32, #tpu.memory_space<hbm>>
      %dma_start3A_349 = tpu.memref_squeeze %dma_start3A_348 : memref<1x1x128xi32, #tpu.memory_space<hbm>> -> memref<128xi32, #tpu.memory_space<hbm>>
      tpu.enqueue_dma source(%dma_start3A_349 : memref<128xi32, #tpu.memory_space<hbm>>) target(%dma_start3A_346 : memref<128xi32, #tpu.memory_space<vmem>>) target_semaphore(%arg17 : memref<!tpu.dma_semaphore, #tpu.memory_space<semaphore_mem>>)
    }
    %scan3A_78 = arith.constant 20 : i32
    %dma_wait3A = arith.constant 79 : i32
    %dma_wait3A_79 = arith.constant 0 : i32
    %dma_wait3A_80 = tpu.memref_slice %arg7[%dma_wait3A, %dma_wait3A_79] : memref<80x128xi32, #tpu.memory_space<vmem>> -> memref<1x128xi32, #tpu.memory_space<vmem>>
    %dma_wait3A_81 = tpu.memref_squeeze %dma_wait3A_80 : memref<1x128xi32, #tpu.memory_space<vmem>> -> memref<128xi32, #tpu.memory_space<vmem>>
    %dma_wait3A_82 = arith.constant 0 : i32
    %dma_wait3A_83 = arith.constant 0 : i32
    %dma_wait3A_84 = tpu.memref_slice %arg2[%dma_wait3A_82, %dma_wait3A_83] : memref<10000x128xf32, #tpu.memory_space<hbm>> -> memref<10000x128xf32, #tpu.memory_space<hbm>>
    tpu.wait_indirect_dma semaphore(%arg12 : memref<!tpu.dma_semaphore, #tpu.memory_space<semaphore_mem>>) src(%dma_wait3A_84 : memref<10000x128xf32, #tpu.memory_space<hbm>>) dst(%arg9 : memref<128x128xf32, #tpu.memory_space<vmem>>)
    %dma_wait3A_85 = arith.constant 79 : i32
    %dma_wait3A_86 = arith.constant 0 : i32
    %dma_wait3A_87 = tpu.memref_slice %arg7[%dma_wait3A_85, %dma_wait3A_86] : memref<80x128xi32, #tpu.memory_space<vmem>> -> memref<1x128xi32, #tpu.memory_space<vmem>>
    %dma_wait3A_88 = tpu.memref_squeeze %dma_wait3A_87 : memref<1x128xi32, #tpu.memory_space<vmem>> -> memref<128xi32, #tpu.memory_space<vmem>>
    %dma_wait3A_89 = arith.constant 0 : i32
    %dma_wait3A_90 = arith.constant 0 : i32
    %dma_wait3A_91 = tpu.memref_slice %arg2[%dma_wait3A_89, %dma_wait3A_90] : memref<10000x128xf32, #tpu.memory_space<hbm>> -> memref<10000x128xf32, #tpu.memory_space<hbm>>
    tpu.wait_indirect_dma semaphore(%arg13 : memref<!tpu.dma_semaphore, #tpu.memory_space<semaphore_mem>>) src(%dma_wait3A_91 : memref<10000x128xf32, #tpu.memory_space<hbm>>) dst(%arg10 : memref<128x128xf32, #tpu.memory_space<vmem>>)
    %dma_wait3A_92 = arith.constant 79 : i32
    %dma_wait3A_93 = arith.constant 0 : i32
    %dma_wait3A_94 = arith.constant 0 : i32
    %dma_wait3A_95 = tpu.memref_slice %arg8[%dma_wait3A_93, %dma_wait3A_94] : memref<4x128xi32, #tpu.memory_space<vmem>> -> memref<1x128xi32, #tpu.memory_space<vmem>>
    %dma_wait3A_96 = tpu.memref_squeeze %dma_wait3A_95 : memref<1x128xi32, #tpu.memory_space<vmem>> -> memref<128xi32, #tpu.memory_space<vmem>>
    %dma_wait3A_97 = arith.constant 0 : i32
    %dma_wait3A_98 = tpu.memref_slice %arg4[%add3A, %dma_wait3A_92, %dma_wait3A_97] : memref<32x80x128xi32, #tpu.memory_space<hbm>> -> memref<1x1x128xi32, #tpu.memory_space<hbm>>
    %dma_wait3A_99 = tpu.memref_squeeze %dma_wait3A_98 : memref<1x1x128xi32, #tpu.memory_space<hbm>> -> memref<128xi32, #tpu.memory_space<hbm>>
    %dma_wait3A_100 = arith.constant 0 : i32
    %dma_wait3A_101 = tpu.memref_slice %arg8[%dma_wait3A_93, %dma_wait3A_100] : memref<4x128xi32, #tpu.memory_space<vmem>> -> memref<1x128xi32, #tpu.memory_space<vmem>>
    %dma_wait3A_102 = tpu.memref_squeeze %dma_wait3A_101 : memref<1x128xi32, #tpu.memory_space<vmem>> -> memref<128xi32, #tpu.memory_space<vmem>>
    %dma_wait3A_103 = arith.constant 0 : i32
    %dma_wait3A_104 = tpu.memref_slice %arg4[%add3A, %dma_wait3A_92, %dma_wait3A_103] : memref<32x80x128xi32, #tpu.memory_space<hbm>> -> memref<1x1x128xi32, #tpu.memory_space<hbm>>
    %dma_wait3A_105 = tpu.memref_squeeze %dma_wait3A_104 : memref<1x1x128xi32, #tpu.memory_space<hbm>> -> memref<128xi32, #tpu.memory_space<hbm>>
    tpu.wait_dma2 semaphore(%arg14 : memref<!tpu.dma_semaphore, #tpu.memory_space<semaphore_mem>>) src(%dma_wait3A_105 : memref<128xi32, #tpu.memory_space<hbm>>) dst(%dma_wait3A_102 : memref<128xi32, #tpu.memory_space<vmem>>)
    %dma_wait3A_106 = arith.constant 79 : i32
    %dma_wait3A_107 = arith.constant 1 : i32
    %dma_wait3A_108 = arith.constant 0 : i32
    %dma_wait3A_109 = tpu.memref_slice %arg8[%dma_wait3A_107, %dma_wait3A_108] : memref<4x128xi32, #tpu.memory_space<vmem>> -> memref<1x128xi32, #tpu.memory_space<vmem>>
    %dma_wait3A_110 = tpu.memref_squeeze %dma_wait3A_109 : memref<1x128xi32, #tpu.memory_space<vmem>> -> memref<128xi32, #tpu.memory_space<vmem>>
    %dma_wait3A_111 = arith.constant 0 : i32
    %dma_wait3A_112 = tpu.memref_slice %arg4[%add3A, %dma_wait3A_106, %dma_wait3A_111] : memref<32x80x128xi32, #tpu.memory_space<hbm>> -> memref<1x1x128xi32, #tpu.memory_space<hbm>>
    %dma_wait3A_113 = tpu.memref_squeeze %dma_wait3A_112 : memref<1x1x128xi32, #tpu.memory_space<hbm>> -> memref<128xi32, #tpu.memory_space<hbm>>
    %dma_wait3A_114 = arith.constant 0 : i32
    %dma_wait3A_115 = tpu.memref_slice %arg8[%dma_wait3A_107, %dma_wait3A_114] : memref<4x128xi32, #tpu.memory_space<vmem>> -> memref<1x128xi32, #tpu.memory_space<vmem>>
    %dma_wait3A_116 = tpu.memref_squeeze %dma_wait3A_115 : memref<1x128xi32, #tpu.memory_space<vmem>> -> memref<128xi32, #tpu.memory_space<vmem>>
    %dma_wait3A_117 = arith.constant 0 : i32
    %dma_wait3A_118 = tpu.memref_slice %arg4[%add3A, %dma_wait3A_106, %dma_wait3A_117] : memref<32x80x128xi32, #tpu.memory_space<hbm>> -> memref<1x1x128xi32, #tpu.memory_space<hbm>>
    %dma_wait3A_119 = tpu.memref_squeeze %dma_wait3A_118 : memref<1x1x128xi32, #tpu.memory_space<hbm>> -> memref<128xi32, #tpu.memory_space<hbm>>
    tpu.wait_dma2 semaphore(%arg15 : memref<!tpu.dma_semaphore, #tpu.memory_space<semaphore_mem>>) src(%dma_wait3A_119 : memref<128xi32, #tpu.memory_space<hbm>>) dst(%dma_wait3A_116 : memref<128xi32, #tpu.memory_space<vmem>>)
    %dma_wait3A_120 = arith.constant 79 : i32
    %dma_wait3A_121 = arith.constant 2 : i32
    %dma_wait3A_122 = arith.constant 0 : i32
    %dma_wait3A_123 = tpu.memref_slice %arg8[%dma_wait3A_121, %dma_wait3A_122] : memref<4x128xi32, #tpu.memory_space<vmem>> -> memref<1x128xi32, #tpu.memory_space<vmem>>
    %dma_wait3A_124 = tpu.memref_squeeze %dma_wait3A_123 : memref<1x128xi32, #tpu.memory_space<vmem>> -> memref<128xi32, #tpu.memory_space<vmem>>
    %dma_wait3A_125 = arith.constant 0 : i32
    %dma_wait3A_126 = tpu.memref_slice %arg4[%add3A, %dma_wait3A_120, %dma_wait3A_125] : memref<32x80x128xi32, #tpu.memory_space<hbm>> -> memref<1x1x128xi32, #tpu.memory_space<hbm>>
    %dma_wait3A_127 = tpu.memref_squeeze %dma_wait3A_126 : memref<1x1x128xi32, #tpu.memory_space<hbm>> -> memref<128xi32, #tpu.memory_space<hbm>>
    %dma_wait3A_128 = arith.constant 0 : i32
    %dma_wait3A_129 = tpu.memref_slice %arg8[%dma_wait3A_121, %dma_wait3A_128] : memref<4x128xi32, #tpu.memory_space<vmem>> -> memref<1x128xi32, #tpu.memory_space<vmem>>
    %dma_wait3A_130 = tpu.memref_squeeze %dma_wait3A_129 : memref<1x128xi32, #tpu.memory_space<vmem>> -> memref<128xi32, #tpu.memory_space<vmem>>
    %dma_wait3A_131 = arith.constant 0 : i32
    %dma_wait3A_132 = tpu.memref_slice %arg4[%add3A, %dma_wait3A_120, %dma_wait3A_131] : memref<32x80x128xi32, #tpu.memory_space<hbm>> -> memref<1x1x128xi32, #tpu.memory_space<hbm>>
    %dma_wait3A_133 = tpu.memref_squeeze %dma_wait3A_132 : memref<1x1x128xi32, #tpu.memory_space<hbm>> -> memref<128xi32, #tpu.memory_space<hbm>>
    tpu.wait_dma2 semaphore(%arg16 : memref<!tpu.dma_semaphore, #tpu.memory_space<semaphore_mem>>) src(%dma_wait3A_133 : memref<128xi32, #tpu.memory_space<hbm>>) dst(%dma_wait3A_130 : memref<128xi32, #tpu.memory_space<vmem>>)
    %dma_wait3A_134 = arith.constant 79 : i32
    %dma_wait3A_135 = arith.constant 3 : i32
    %dma_wait3A_136 = arith.constant 0 : i32
    %dma_wait3A_137 = tpu.memref_slice %arg8[%dma_wait3A_135, %dma_wait3A_136] : memref<4x128xi32, #tpu.memory_space<vmem>> -> memref<1x128xi32, #tpu.memory_space<vmem>>
    %dma_wait3A_138 = tpu.memref_squeeze %dma_wait3A_137 : memref<1x128xi32, #tpu.memory_space<vmem>> -> memref<128xi32, #tpu.memory_space<vmem>>
    %dma_wait3A_139 = arith.constant 0 : i32
    %dma_wait3A_140 = tpu.memref_slice %arg4[%add3A, %dma_wait3A_134, %dma_wait3A_139] : memref<32x80x128xi32, #tpu.memory_space<hbm>> -> memref<1x1x128xi32, #tpu.memory_space<hbm>>
    %dma_wait3A_141 = tpu.memref_squeeze %dma_wait3A_140 : memref<1x1x128xi32, #tpu.memory_space<hbm>> -> memref<128xi32, #tpu.memory_space<hbm>>
    %dma_wait3A_142 = arith.constant 0 : i32
    %dma_wait3A_143 = tpu.memref_slice %arg8[%dma_wait3A_135, %dma_wait3A_142] : memref<4x128xi32, #tpu.memory_space<vmem>> -> memref<1x128xi32, #tpu.memory_space<vmem>>
    %dma_wait3A_144 = tpu.memref_squeeze %dma_wait3A_143 : memref<1x128xi32, #tpu.memory_space<vmem>> -> memref<128xi32, #tpu.memory_space<vmem>>
    %dma_wait3A_145 = arith.constant 0 : i32
    %dma_wait3A_146 = tpu.memref_slice %arg4[%add3A, %dma_wait3A_134, %dma_wait3A_145] : memref<32x80x128xi32, #tpu.memory_space<hbm>> -> memref<1x1x128xi32, #tpu.memory_space<hbm>>
    %dma_wait3A_147 = tpu.memref_squeeze %dma_wait3A_146 : memref<1x1x128xi32, #tpu.memory_space<hbm>> -> memref<128xi32, #tpu.memory_space<hbm>>
    tpu.wait_dma2 semaphore(%arg17 : memref<!tpu.dma_semaphore, #tpu.memory_space<semaphore_mem>>) src(%dma_wait3A_147 : memref<128xi32, #tpu.memory_space<hbm>>) dst(%dma_wait3A_144 : memref<128xi32, #tpu.memory_space<vmem>>)
    %barrier3A_148 = arith.constant 0 : index
    tpu.barrier barrier_id(%barrier3A_148)
    %mul3A_149 = arith.constant 640 : i32
    %mul3A_150 = arith.muli %arg1, %mul3A_149 : i32
    %mul3A_151 = arith.constant 640 : i32
    %mul3A_152 = arith.muli %arg1, %mul3A_151 : i32
    "tpu.region"() ({
      %run_scoped3A = tpu.sem_alloc : memref<!tpu.dma_semaphore, #tpu.memory_space<semaphore_mem>>
      %dma_start3A_153 = arith.constant 0 : i32
      %dma_start3A_154 = tpu.memref_slice %arg6[%arg0, %mul3A_152, %dma_start3A_153] : memref<2x10240x128xf32, #tpu.memory_space<hbm>> -> memref<1x640x128xf32, #tpu.memory_space<hbm>>
      %dma_start3A_155 = tpu.memref_squeeze %dma_start3A_154 : memref<1x640x128xf32, #tpu.memory_space<hbm>> -> memref<640x128xf32, #tpu.memory_space<hbm>>
      %dma_start3A_156 = arith.constant 0 : i32
      %dma_start3A_157 = tpu.memref_slice %arg11[%mul3A_150, %dma_start3A_156] : memref<10240x128xf32, #tpu.memory_space<vmem_shared>> -> memref<640x128xf32, #tpu.memory_space<vmem_shared>>
      tpu.enqueue_dma source(%dma_start3A_157 : memref<640x128xf32, #tpu.memory_space<vmem_shared>>) target(%dma_start3A_155 : memref<640x128xf32, #tpu.memory_space<hbm>>) target_semaphore(%run_scoped3A : memref<!tpu.dma_semaphore, #tpu.memory_space<semaphore_mem>>)
      %dma_wait3A_158 = arith.constant 0 : i32
      %dma_wait3A_159 = tpu.memref_slice %arg6[%arg0, %mul3A_152, %dma_wait3A_158] : memref<2x10240x128xf32, #tpu.memory_space<hbm>> -> memref<1x640x128xf32, #tpu.memory_space<hbm>>
      %dma_wait3A_160 = tpu.memref_squeeze %dma_wait3A_159 : memref<1x640x128xf32, #tpu.memory_space<hbm>> -> memref<640x128xf32, #tpu.memory_space<hbm>>
      %dma_wait3A_161 = arith.constant 0 : i32
      %dma_wait3A_162 = tpu.memref_slice %arg11[%mul3A_150, %dma_wait3A_161] : memref<10240x128xf32, #tpu.memory_space<vmem_shared>> -> memref<640x128xf32, #tpu.memory_space<vmem_shared>>
      tpu.wait_dma2 semaphore(%run_scoped3A : memref<!tpu.dma_semaphore, #tpu.memory_space<semaphore_mem>>) src(%dma_wait3A_162 : memref<640x128xf32, #tpu.memory_space<vmem_shared>>) dst(%dma_wait3A_160 : memref<640x128xf32, #tpu.memory_space<hbm>>)
      tpu.yield
    }) : () -> ()
    return
  }
}

#map = affine_map<(d0, d1) -> (0, 0)>
#map1 = affine_map<(d0, d1) -> (0, 0, 0)>
#map2 = affine_map<(d0, d1) -> (0)>
module attributes {stable_mosaic.version = 14 : i64} {
  func.func @body(%arg0: i32, %arg1: i32, %arg2: memref<10000x128xf32, #tpu.memory_space<hbm>>, %arg3: memref<32x80x128xi32, #tpu.memory_space<hbm>>, %arg4: memref<32x80x128xi32, #tpu.memory_space<hbm>>, %arg5: memref<10240x128xf32, #tpu.memory_space<hbm>>, %arg6: memref<10240xf32, #tpu.memory_space<hbm>>, %arg7: memref<128xf32, #tpu.memory_space<hbm>>, %arg8: memref<2x10240x128xf32, #tpu.memory_space<hbm>>, %arg9: memref<2x10240xf32, #tpu.memory_space<hbm>>, %arg10: memref<80x128xi32, #tpu.memory_space<vmem>>, %arg11: memref<4x128xi32, #tpu.memory_space<vmem>>, %arg12: memref<128x128xf32, #tpu.memory_space<vmem>>, %arg13: memref<128x128xf32, #tpu.memory_space<vmem>>, %arg14: memref<10240x128xf32, #tpu.memory_space<vmem_shared>>, %arg15: memref<!tpu.dma_semaphore, #tpu.memory_space<semaphore_mem>>, %arg16: memref<!tpu.dma_semaphore, #tpu.memory_space<semaphore_mem>>, %arg17: memref<!tpu.dma_semaphore, #tpu.memory_space<semaphore_mem>>, %arg18: memref<!tpu.dma_semaphore, #tpu.memory_space<semaphore_mem>>, %arg19: memref<!tpu.dma_semaphore, #tpu.memory_space<semaphore_mem>>, %arg20: memref<!tpu.dma_semaphore, #tpu.memory_space<semaphore_mem>>, %arg21: memref<128xf32, #tpu.memory_space<vmem>>, %arg22: memref<10240xf32, #tpu.memory_space<vmem_shared>>, %arg23: memref<!tpu.dma_semaphore, #tpu.memory_space<semaphore_mem>>) attributes {dimension_semantics = [#tpu.dimension_semantics<core_parallel>, #tpu.dimension_semantics<subcore_parallel>], iteration_bounds = array<i64: 2, 16>, scalar_prefetch = 0 : i64, scratch_operands = 14 : i64, tpu.core_type = #tpu.core_type<sc_vector_subcore>, window_params = [{transform_indices = #map}, {transform_indices = #map1}, {transform_indices = #map1}, {transform_indices = #map}, {transform_indices = #map2}, {transform_indices = #map2}, {transform_indices = #map1}, {transform_indices = #map}]} {
    %mul3A = arith.constant 2 : i32
    %mul3A_0 = arith.muli %arg1, %mul3A : i32
    %add3A = arith.addi %mul3A_0, %arg0 : i32
    "tpu.region"() ({
      %run_scoped3A = tpu.sem_alloc : memref<!tpu.dma_semaphore, #tpu.memory_space<semaphore_mem>>
      %dma_start3A_161 = arith.constant 0 : i32
      %dma_start3A_162 = arith.constant 0 : i32
      %dma_start3A_163 = tpu.memref_slice %arg3[%add3A, %dma_start3A_161, %dma_start3A_162] : memref<32x80x128xi32, #tpu.memory_space<hbm>> -> memref<1x80x128xi32, #tpu.memory_space<hbm>>
      %dma_start3A_164 = tpu.memref_squeeze %dma_start3A_163 : memref<1x80x128xi32, #tpu.memory_space<hbm>> -> memref<80x128xi32, #tpu.memory_space<hbm>>
      %dma_start3A_165 = arith.constant 0 : i32
      %dma_start3A_166 = arith.constant 0 : i32
      %dma_start3A_167 = tpu.memref_slice %arg3[%add3A, %dma_start3A_165, %dma_start3A_166] : memref<32x80x128xi32, #tpu.memory_space<hbm>> -> memref<1x80x128xi32, #tpu.memory_space<hbm>>
      %dma_start3A_168 = tpu.memref_squeeze %dma_start3A_167 : memref<1x80x128xi32, #tpu.memory_space<hbm>> -> memref<80x128xi32, #tpu.memory_space<hbm>>
      tpu.enqueue_dma source(%dma_start3A_168 : memref<80x128xi32, #tpu.memory_space<hbm>>) target(%arg10 : memref<80x128xi32, #tpu.memory_space<vmem>>) target_semaphore(%run_scoped3A : memref<!tpu.dma_semaphore, #tpu.memory_space<semaphore_mem>>)
      %dma_wait3A_169 = arith.constant 0 : i32
      %dma_wait3A_170 = arith.constant 0 : i32
      %dma_wait3A_171 = tpu.memref_slice %arg3[%add3A, %dma_wait3A_169, %dma_wait3A_170] : memref<32x80x128xi32, #tpu.memory_space<hbm>> -> memref<1x80x128xi32, #tpu.memory_space<hbm>>
      %dma_wait3A_172 = tpu.memref_squeeze %dma_wait3A_171 : memref<1x80x128xi32, #tpu.memory_space<hbm>> -> memref<80x128xi32, #tpu.memory_space<hbm>>
      %dma_wait3A_173 = arith.constant 0 : i32
      %dma_wait3A_174 = arith.constant 0 : i32
      %dma_wait3A_175 = tpu.memref_slice %arg3[%add3A, %dma_wait3A_173, %dma_wait3A_174] : memref<32x80x128xi32, #tpu.memory_space<hbm>> -> memref<1x80x128xi32, #tpu.memory_space<hbm>>
      %dma_wait3A_176 = tpu.memref_squeeze %dma_wait3A_175 : memref<1x80x128xi32, #tpu.memory_space<hbm>> -> memref<80x128xi32, #tpu.memory_space<hbm>>
      tpu.wait_dma2 semaphore(%run_scoped3A : memref<!tpu.dma_semaphore, #tpu.memory_space<semaphore_mem>>) src(%dma_wait3A_176 : memref<80x128xi32, #tpu.memory_space<hbm>>) dst(%arg10 : memref<80x128xi32, #tpu.memory_space<vmem>>)
      tpu.yield
    }) : () -> ()
    %dma_start3A = arith.constant 0 : i32
    %dma_start3A_1 = arith.constant 0 : i32
    %dma_start3A_2 = tpu.memref_slice %arg10[%dma_start3A, %dma_start3A_1] : memref<80x128xi32, #tpu.memory_space<vmem>> -> memref<1x128xi32, #tpu.memory_space<vmem>>
    %dma_start3A_3 = tpu.memref_squeeze %dma_start3A_2 : memref<1x128xi32, #tpu.memory_space<vmem>> -> memref<128xi32, #tpu.memory_space<vmem>>
    %dma_start3A_4 = arith.constant 0 : i32
    %dma_start3A_5 = arith.constant 0 : i32
    %dma_start3A_6 = tpu.memref_slice %arg2[%dma_start3A_4, %dma_start3A_5] : memref<10000x128xf32, #tpu.memory_space<hbm>> -> memref<10000x128xf32, #tpu.memory_space<hbm>>
    tpu.enqueue_indirect_dma source(%dma_start3A_6 : memref<10000x128xf32, #tpu.memory_space<hbm>>) target(%arg12 : memref<128x128xf32, #tpu.memory_space<vmem>>) offsets(%dma_start3A_3 : memref<128xi32, #tpu.memory_space<vmem>>) semaphore(%arg15 : memref<!tpu.dma_semaphore, #tpu.memory_space<semaphore_mem>>)
    %dma_start3A_7 = arith.constant 1 : i32
    %dma_start3A_8 = arith.constant 0 : i32
    %dma_start3A_9 = tpu.memref_slice %arg10[%dma_start3A_7, %dma_start3A_8] : memref<80x128xi32, #tpu.memory_space<vmem>> -> memref<1x128xi32, #tpu.memory_space<vmem>>
    %dma_start3A_10 = tpu.memref_squeeze %dma_start3A_9 : memref<1x128xi32, #tpu.memory_space<vmem>> -> memref<128xi32, #tpu.memory_space<vmem>>
    %dma_start3A_11 = arith.constant 0 : i32
    %dma_start3A_12 = arith.constant 0 : i32
    %dma_start3A_13 = tpu.memref_slice %arg2[%dma_start3A_11, %dma_start3A_12] : memref<10000x128xf32, #tpu.memory_space<hbm>> -> memref<10000x128xf32, #tpu.memory_space<hbm>>
    tpu.enqueue_indirect_dma source(%dma_start3A_13 : memref<10000x128xf32, #tpu.memory_space<hbm>>) target(%arg13 : memref<128x128xf32, #tpu.memory_space<vmem>>) offsets(%dma_start3A_10 : memref<128xi32, #tpu.memory_space<vmem>>) semaphore(%arg16 : memref<!tpu.dma_semaphore, #tpu.memory_space<semaphore_mem>>)
    %dma_start3A_14 = arith.constant 0 : i32
    %dma_start3A_15 = arith.constant 0 : i32
    %dma_start3A_16 = arith.constant 0 : i32
    %dma_start3A_17 = tpu.memref_slice %arg11[%dma_start3A_15, %dma_start3A_16] : memref<4x128xi32, #tpu.memory_space<vmem>> -> memref<1x128xi32, #tpu.memory_space<vmem>>
    %dma_start3A_18 = tpu.memref_squeeze %dma_start3A_17 : memref<1x128xi32, #tpu.memory_space<vmem>> -> memref<128xi32, #tpu.memory_space<vmem>>
    %dma_start3A_19 = arith.constant 0 : i32
    %dma_start3A_20 = tpu.memref_slice %arg4[%add3A, %dma_start3A_14, %dma_start3A_19] : memref<32x80x128xi32, #tpu.memory_space<hbm>> -> memref<1x1x128xi32, #tpu.memory_space<hbm>>
    %dma_start3A_21 = tpu.memref_squeeze %dma_start3A_20 : memref<1x1x128xi32, #tpu.memory_space<hbm>> -> memref<128xi32, #tpu.memory_space<hbm>>
    %dma_start3A_22 = arith.constant 0 : i32
    %dma_start3A_23 = tpu.memref_slice %arg11[%dma_start3A_15, %dma_start3A_22] : memref<4x128xi32, #tpu.memory_space<vmem>> -> memref<1x128xi32, #tpu.memory_space<vmem>>
    %dma_start3A_24 = tpu.memref_squeeze %dma_start3A_23 : memref<1x128xi32, #tpu.memory_space<vmem>> -> memref<128xi32, #tpu.memory_space<vmem>>
    %dma_start3A_25 = arith.constant 0 : i32
    %dma_start3A_26 = tpu.memref_slice %arg4[%add3A, %dma_start3A_14, %dma_start3A_25] : memref<32x80x128xi32, #tpu.memory_space<hbm>> -> memref<1x1x128xi32, #tpu.memory_space<hbm>>
    %dma_start3A_27 = tpu.memref_squeeze %dma_start3A_26 : memref<1x1x128xi32, #tpu.memory_space<hbm>> -> memref<128xi32, #tpu.memory_space<hbm>>
    tpu.enqueue_dma source(%dma_start3A_27 : memref<128xi32, #tpu.memory_space<hbm>>) target(%dma_start3A_24 : memref<128xi32, #tpu.memory_space<vmem>>) target_semaphore(%arg17 : memref<!tpu.dma_semaphore, #tpu.memory_space<semaphore_mem>>)
    %dma_start3A_28 = arith.constant 1 : i32
    %dma_start3A_29 = arith.constant 1 : i32
    %dma_start3A_30 = arith.constant 0 : i32
    %dma_start3A_31 = tpu.memref_slice %arg11[%dma_start3A_29, %dma_start3A_30] : memref<4x128xi32, #tpu.memory_space<vmem>> -> memref<1x128xi32, #tpu.memory_space<vmem>>
    %dma_start3A_32 = tpu.memref_squeeze %dma_start3A_31 : memref<1x128xi32, #tpu.memory_space<vmem>> -> memref<128xi32, #tpu.memory_space<vmem>>
    %dma_start3A_33 = arith.constant 0 : i32
    %dma_start3A_34 = tpu.memref_slice %arg4[%add3A, %dma_start3A_28, %dma_start3A_33] : memref<32x80x128xi32, #tpu.memory_space<hbm>> -> memref<1x1x128xi32, #tpu.memory_space<hbm>>
    %dma_start3A_35 = tpu.memref_squeeze %dma_start3A_34 : memref<1x1x128xi32, #tpu.memory_space<hbm>> -> memref<128xi32, #tpu.memory_space<hbm>>
    %dma_start3A_36 = arith.constant 0 : i32
    %dma_start3A_37 = tpu.memref_slice %arg11[%dma_start3A_29, %dma_start3A_36] : memref<4x128xi32, #tpu.memory_space<vmem>> -> memref<1x128xi32, #tpu.memory_space<vmem>>
    %dma_start3A_38 = tpu.memref_squeeze %dma_start3A_37 : memref<1x128xi32, #tpu.memory_space<vmem>> -> memref<128xi32, #tpu.memory_space<vmem>>
    %dma_start3A_39 = arith.constant 0 : i32
    %dma_start3A_40 = tpu.memref_slice %arg4[%add3A, %dma_start3A_28, %dma_start3A_39] : memref<32x80x128xi32, #tpu.memory_space<hbm>> -> memref<1x1x128xi32, #tpu.memory_space<hbm>>
    %dma_start3A_41 = tpu.memref_squeeze %dma_start3A_40 : memref<1x1x128xi32, #tpu.memory_space<hbm>> -> memref<128xi32, #tpu.memory_space<hbm>>
    tpu.enqueue_dma source(%dma_start3A_41 : memref<128xi32, #tpu.memory_space<hbm>>) target(%dma_start3A_38 : memref<128xi32, #tpu.memory_space<vmem>>) target_semaphore(%arg18 : memref<!tpu.dma_semaphore, #tpu.memory_space<semaphore_mem>>)
    %dma_start3A_42 = arith.constant 2 : i32
    %dma_start3A_43 = arith.constant 2 : i32
    %dma_start3A_44 = arith.constant 0 : i32
    %dma_start3A_45 = tpu.memref_slice %arg11[%dma_start3A_43, %dma_start3A_44] : memref<4x128xi32, #tpu.memory_space<vmem>> -> memref<1x128xi32, #tpu.memory_space<vmem>>
    %dma_start3A_46 = tpu.memref_squeeze %dma_start3A_45 : memref<1x128xi32, #tpu.memory_space<vmem>> -> memref<128xi32, #tpu.memory_space<vmem>>
    %dma_start3A_47 = arith.constant 0 : i32
    %dma_start3A_48 = tpu.memref_slice %arg4[%add3A, %dma_start3A_42, %dma_start3A_47] : memref<32x80x128xi32, #tpu.memory_space<hbm>> -> memref<1x1x128xi32, #tpu.memory_space<hbm>>
    %dma_start3A_49 = tpu.memref_squeeze %dma_start3A_48 : memref<1x1x128xi32, #tpu.memory_space<hbm>> -> memref<128xi32, #tpu.memory_space<hbm>>
    %dma_start3A_50 = arith.constant 0 : i32
    %dma_start3A_51 = tpu.memref_slice %arg11[%dma_start3A_43, %dma_start3A_50] : memref<4x128xi32, #tpu.memory_space<vmem>> -> memref<1x128xi32, #tpu.memory_space<vmem>>
    %dma_start3A_52 = tpu.memref_squeeze %dma_start3A_51 : memref<1x128xi32, #tpu.memory_space<vmem>> -> memref<128xi32, #tpu.memory_space<vmem>>
    %dma_start3A_53 = arith.constant 0 : i32
    %dma_start3A_54 = tpu.memref_slice %arg4[%add3A, %dma_start3A_42, %dma_start3A_53] : memref<32x80x128xi32, #tpu.memory_space<hbm>> -> memref<1x1x128xi32, #tpu.memory_space<hbm>>
    %dma_start3A_55 = tpu.memref_squeeze %dma_start3A_54 : memref<1x1x128xi32, #tpu.memory_space<hbm>> -> memref<128xi32, #tpu.memory_space<hbm>>
    tpu.enqueue_dma source(%dma_start3A_55 : memref<128xi32, #tpu.memory_space<hbm>>) target(%dma_start3A_52 : memref<128xi32, #tpu.memory_space<vmem>>) target_semaphore(%arg19 : memref<!tpu.dma_semaphore, #tpu.memory_space<semaphore_mem>>)
    %dma_start3A_56 = arith.constant 3 : i32
    %dma_start3A_57 = arith.constant 3 : i32
    %dma_start3A_58 = arith.constant 0 : i32
    %dma_start3A_59 = tpu.memref_slice %arg11[%dma_start3A_57, %dma_start3A_58] : memref<4x128xi32, #tpu.memory_space<vmem>> -> memref<1x128xi32, #tpu.memory_space<vmem>>
    %dma_start3A_60 = tpu.memref_squeeze %dma_start3A_59 : memref<1x128xi32, #tpu.memory_space<vmem>> -> memref<128xi32, #tpu.memory_space<vmem>>
    %dma_start3A_61 = arith.constant 0 : i32
    %dma_start3A_62 = tpu.memref_slice %arg4[%add3A, %dma_start3A_56, %dma_start3A_61] : memref<32x80x128xi32, #tpu.memory_space<hbm>> -> memref<1x1x128xi32, #tpu.memory_space<hbm>>
    %dma_start3A_63 = tpu.memref_squeeze %dma_start3A_62 : memref<1x1x128xi32, #tpu.memory_space<hbm>> -> memref<128xi32, #tpu.memory_space<hbm>>
    %dma_start3A_64 = arith.constant 0 : i32
    %dma_start3A_65 = tpu.memref_slice %arg11[%dma_start3A_57, %dma_start3A_64] : memref<4x128xi32, #tpu.memory_space<vmem>> -> memref<1x128xi32, #tpu.memory_space<vmem>>
    %dma_start3A_66 = tpu.memref_squeeze %dma_start3A_65 : memref<1x128xi32, #tpu.memory_space<vmem>> -> memref<128xi32, #tpu.memory_space<vmem>>
    %dma_start3A_67 = arith.constant 0 : i32
    %dma_start3A_68 = tpu.memref_slice %arg4[%add3A, %dma_start3A_56, %dma_start3A_67] : memref<32x80x128xi32, #tpu.memory_space<hbm>> -> memref<1x1x128xi32, #tpu.memory_space<hbm>>
    %dma_start3A_69 = tpu.memref_squeeze %dma_start3A_68 : memref<1x1x128xi32, #tpu.memory_space<hbm>> -> memref<128xi32, #tpu.memory_space<hbm>>
    tpu.enqueue_dma source(%dma_start3A_69 : memref<128xi32, #tpu.memory_space<hbm>>) target(%dma_start3A_66 : memref<128xi32, #tpu.memory_space<vmem>>) target_semaphore(%arg20 : memref<!tpu.dma_semaphore, #tpu.memory_space<semaphore_mem>>)
    "tpu.region"() ({
      %run_scoped3A = tpu.sem_alloc : memref<!tpu.dma_semaphore, #tpu.memory_space<semaphore_mem>>
      tpu.enqueue_dma source(%arg7 : memref<128xf32, #tpu.memory_space<hbm>>) target(%arg21 : memref<128xf32, #tpu.memory_space<vmem>>) target_semaphore(%run_scoped3A : memref<!tpu.dma_semaphore, #tpu.memory_space<semaphore_mem>>)
      tpu.wait_dma2 semaphore(%run_scoped3A : memref<!tpu.dma_semaphore, #tpu.memory_space<semaphore_mem>>) src(%arg7 : memref<128xf32, #tpu.memory_space<hbm>>) dst(%arg21 : memref<128xf32, #tpu.memory_space<vmem>>)
      tpu.yield
    }) : () -> ()
    %mul3A_70 = arith.constant 640 : i32
    %mul3A_71 = arith.muli %arg1, %mul3A_70 : i32
    %mul3A_72 = arith.constant 640 : i32
    %mul3A_73 = arith.muli %arg1, %mul3A_72 : i32
    "tpu.region"() ({
      %run_scoped3A = tpu.sem_alloc : memref<!tpu.dma_semaphore, #tpu.memory_space<semaphore_mem>>
      %dma_start3A_161 = tpu.memref_slice %arg22[%mul3A_73] : memref<10240xf32, #tpu.memory_space<vmem_shared>> -> memref<640xf32, #tpu.memory_space<vmem_shared>>
      %dma_start3A_162 = tpu.memref_slice %arg6[%mul3A_71] : memref<10240xf32, #tpu.memory_space<hbm>> -> memref<640xf32, #tpu.memory_space<hbm>>
      tpu.enqueue_dma source(%dma_start3A_162 : memref<640xf32, #tpu.memory_space<hbm>>) target(%dma_start3A_161 : memref<640xf32, #tpu.memory_space<vmem_shared>>) target_semaphore(%run_scoped3A : memref<!tpu.dma_semaphore, #tpu.memory_space<semaphore_mem>>)
      %dma_wait3A_163 = tpu.memref_slice %arg22[%mul3A_73] : memref<10240xf32, #tpu.memory_space<vmem_shared>> -> memref<640xf32, #tpu.memory_space<vmem_shared>>
      %dma_wait3A_164 = tpu.memref_slice %arg6[%mul3A_71] : memref<10240xf32, #tpu.memory_space<hbm>> -> memref<640xf32, #tpu.memory_space<hbm>>
      tpu.wait_dma2 semaphore(%run_scoped3A : memref<!tpu.dma_semaphore, #tpu.memory_space<semaphore_mem>>) src(%dma_wait3A_164 : memref<640xf32, #tpu.memory_space<hbm>>) dst(%dma_wait3A_163 : memref<640xf32, #tpu.memory_space<vmem_shared>>)
      tpu.yield
    }) : () -> ()
    %mul3A_74 = arith.constant 640 : i32
    %mul3A_75 = arith.muli %arg1, %mul3A_74 : i32
    %mul3A_76 = arith.constant 640 : i32
    %mul3A_77 = arith.muli %arg1, %mul3A_76 : i32
    "tpu.region"() ({
      %run_scoped3A = tpu.sem_alloc : memref<!tpu.dma_semaphore, #tpu.memory_space<semaphore_mem>>
      %dma_start3A_161 = arith.constant 0 : i32
      %dma_start3A_162 = tpu.memref_slice %arg14[%mul3A_77, %dma_start3A_161] : memref<10240x128xf32, #tpu.memory_space<vmem_shared>> -> memref<640x128xf32, #tpu.memory_space<vmem_shared>>
      %dma_start3A_163 = arith.constant 0 : i32
      %dma_start3A_164 = tpu.memref_slice %arg5[%mul3A_75, %dma_start3A_163] : memref<10240x128xf32, #tpu.memory_space<hbm>> -> memref<640x128xf32, #tpu.memory_space<hbm>>
      tpu.enqueue_dma source(%dma_start3A_164 : memref<640x128xf32, #tpu.memory_space<hbm>>) target(%dma_start3A_162 : memref<640x128xf32, #tpu.memory_space<vmem_shared>>) target_semaphore(%run_scoped3A : memref<!tpu.dma_semaphore, #tpu.memory_space<semaphore_mem>>)
      %dma_wait3A_165 = arith.constant 0 : i32
      %dma_wait3A_166 = tpu.memref_slice %arg14[%mul3A_77, %dma_wait3A_165] : memref<10240x128xf32, #tpu.memory_space<vmem_shared>> -> memref<640x128xf32, #tpu.memory_space<vmem_shared>>
      %dma_wait3A_167 = arith.constant 0 : i32
      %dma_wait3A_168 = tpu.memref_slice %arg5[%mul3A_75, %dma_wait3A_167] : memref<10240x128xf32, #tpu.memory_space<hbm>> -> memref<640x128xf32, #tpu.memory_space<hbm>>
      tpu.wait_dma2 semaphore(%run_scoped3A : memref<!tpu.dma_semaphore, #tpu.memory_space<semaphore_mem>>) src(%dma_wait3A_168 : memref<640x128xf32, #tpu.memory_space<hbm>>) dst(%dma_wait3A_166 : memref<640x128xf32, #tpu.memory_space<vmem_shared>>)
      tpu.yield
    }) : () -> ()
    %barrier3A = arith.constant 0 : index
    tpu.barrier barrier_id(%barrier3A)
    %scan3A = arith.constant 0 : i32
    %scan3A_78 = arith.constant 0 : i32
    %scan3A_79 = arith.constant 20 : i32
    %scan3A_80 = arith.addi %scan3A_78, %scan3A_79 : i32
    %scan3A_81 = arith.constant 1 : i32
    scf.for %scan3A_161 = %scan3A_78 to %scan3A_80 step %scan3A_81  : i32 {
      %mul3A_162 = arith.constant 4 : i32
      %mul3A_163 = arith.muli %mul3A_162, %scan3A_161 : i32
      %add3A_164 = arith.constant 0 : i32
      %add3A_165 = arith.addi %mul3A_163, %add3A_164 : i32
      %dma_wait3A_166 = arith.constant 0 : i32
      %dma_wait3A_167 = tpu.memref_slice %arg10[%add3A_165, %dma_wait3A_166] : memref<80x128xi32, #tpu.memory_space<vmem>> -> memref<1x128xi32, #tpu.memory_space<vmem>>
      %dma_wait3A_168 = tpu.memref_squeeze %dma_wait3A_167 : memref<1x128xi32, #tpu.memory_space<vmem>> -> memref<128xi32, #tpu.memory_space<vmem>>
      %dma_wait3A_169 = arith.constant 0 : i32
      %dma_wait3A_170 = arith.constant 0 : i32
      %dma_wait3A_171 = tpu.memref_slice %arg2[%dma_wait3A_169, %dma_wait3A_170] : memref<10000x128xf32, #tpu.memory_space<hbm>> -> memref<10000x128xf32, #tpu.memory_space<hbm>>
      tpu.wait_indirect_dma semaphore(%arg15 : memref<!tpu.dma_semaphore, #tpu.memory_space<semaphore_mem>>) src(%dma_wait3A_171 : memref<10000x128xf32, #tpu.memory_space<hbm>>) dst(%arg12 : memref<128x128xf32, #tpu.memory_space<vmem>>)
      %dma_wait3A_172 = arith.constant 0 : i32
      %dma_wait3A_173 = arith.constant 0 : i32
      %dma_wait3A_174 = tpu.memref_slice %arg11[%dma_wait3A_172, %dma_wait3A_173] : memref<4x128xi32, #tpu.memory_space<vmem>> -> memref<1x128xi32, #tpu.memory_space<vmem>>
      %dma_wait3A_175 = tpu.memref_squeeze %dma_wait3A_174 : memref<1x128xi32, #tpu.memory_space<vmem>> -> memref<128xi32, #tpu.memory_space<vmem>>
      %dma_wait3A_176 = arith.constant 0 : i32
      %dma_wait3A_177 = tpu.memref_slice %arg4[%add3A, %add3A_165, %dma_wait3A_176] : memref<32x80x128xi32, #tpu.memory_space<hbm>> -> memref<1x1x128xi32, #tpu.memory_space<hbm>>
      %dma_wait3A_178 = tpu.memref_squeeze %dma_wait3A_177 : memref<1x1x128xi32, #tpu.memory_space<hbm>> -> memref<128xi32, #tpu.memory_space<hbm>>
      %dma_wait3A_179 = arith.constant 0 : i32
      %dma_wait3A_180 = tpu.memref_slice %arg11[%dma_wait3A_172, %dma_wait3A_179] : memref<4x128xi32, #tpu.memory_space<vmem>> -> memref<1x128xi32, #tpu.memory_space<vmem>>
      %dma_wait3A_181 = tpu.memref_squeeze %dma_wait3A_180 : memref<1x128xi32, #tpu.memory_space<vmem>> -> memref<128xi32, #tpu.memory_space<vmem>>
      %dma_wait3A_182 = arith.constant 0 : i32
      %dma_wait3A_183 = tpu.memref_slice %arg4[%add3A, %add3A_165, %dma_wait3A_182] : memref<32x80x128xi32, #tpu.memory_space<hbm>> -> memref<1x1x128xi32, #tpu.memory_space<hbm>>
      %dma_wait3A_184 = tpu.memref_squeeze %dma_wait3A_183 : memref<1x1x128xi32, #tpu.memory_space<hbm>> -> memref<128xi32, #tpu.memory_space<hbm>>
      tpu.wait_dma2 semaphore(%arg17 : memref<!tpu.dma_semaphore, #tpu.memory_space<semaphore_mem>>) src(%dma_wait3A_184 : memref<128xi32, #tpu.memory_space<hbm>>) dst(%dma_wait3A_181 : memref<128xi32, #tpu.memory_space<vmem>>)
      %dma_start3A_185 = arith.constant 0 : i32
      %dma_start3A_186 = arith.constant 0 : i32
      %dma_start3A_187 = tpu.memref_slice %arg11[%dma_start3A_185, %dma_start3A_186] : memref<4x128xi32, #tpu.memory_space<vmem>> -> memref<1x128xi32, #tpu.memory_space<vmem>>
      %dma_start3A_188 = tpu.memref_squeeze %dma_start3A_187 : memref<1x128xi32, #tpu.memory_space<vmem>> -> memref<128xi32, #tpu.memory_space<vmem>>
      %dma_start3A_189 = arith.constant 0 : i32
      %dma_start3A_190 = tpu.memref_slice %arg22[%dma_start3A_189] : memref<10240xf32, #tpu.memory_space<vmem_shared>> -> memref<10240xf32, #tpu.memory_space<vmem_shared>>
      tpu.enqueue_indirect_dma source(%arg21 : memref<128xf32, #tpu.memory_space<vmem>>) target(%dma_start3A_190 : memref<10240xf32, #tpu.memory_space<vmem_shared>>) offsets(%dma_start3A_188 : memref<128xi32, #tpu.memory_space<vmem>>) semaphore(%arg23 : memref<!tpu.dma_semaphore, #tpu.memory_space<semaphore_mem>>) {add = true}
      %run_scoped3A = arith.constant 0 : i32
      "tpu.region"() ({
        %run_scoped3A_406 = tpu.sem_alloc : memref<!tpu.dma_semaphore, #tpu.memory_space<semaphore_mem>>
        %dma_start3A_407 = arith.constant 0 : i32
        %dma_start3A_408 = tpu.memref_slice %arg11[%run_scoped3A, %dma_start3A_407] : memref<4x128xi32, #tpu.memory_space<vmem>> -> memref<1x128xi32, #tpu.memory_space<vmem>>
        %dma_start3A_409 = tpu.memref_squeeze %dma_start3A_408 : memref<1x128xi32, #tpu.memory_space<vmem>> -> memref<128xi32, #tpu.memory_space<vmem>>
        %dma_start3A_410 = arith.constant 0 : i32
        %dma_start3A_411 = arith.constant 0 : i32
        %dma_start3A_412 = tpu.memref_slice %arg14[%dma_start3A_410, %dma_start3A_411] : memref<10240x128xf32, #tpu.memory_space<vmem_shared>> -> memref<10240x128xf32, #tpu.memory_space<vmem_shared>>
        tpu.enqueue_indirect_dma source(%arg12 : memref<128x128xf32, #tpu.memory_space<vmem>>) target(%dma_start3A_412 : memref<10240x128xf32, #tpu.memory_space<vmem_shared>>) offsets(%dma_start3A_409 : memref<128xi32, #tpu.memory_space<vmem>>) semaphore(%run_scoped3A_406 : memref<!tpu.dma_semaphore, #tpu.memory_space<semaphore_mem>>) {add = true}
        %dma_wait3A_413 = arith.constant 0 : i32
        %dma_wait3A_414 = tpu.memref_slice %arg11[%run_scoped3A, %dma_wait3A_413] : memref<4x128xi32, #tpu.memory_space<vmem>> -> memref<1x128xi32, #tpu.memory_space<vmem>>
        %dma_wait3A_415 = tpu.memref_squeeze %dma_wait3A_414 : memref<1x128xi32, #tpu.memory_space<vmem>> -> memref<128xi32, #tpu.memory_space<vmem>>
        %dma_wait3A_416 = arith.constant 0 : i32
        %dma_wait3A_417 = arith.constant 0 : i32
        %dma_wait3A_418 = tpu.memref_slice %arg14[%dma_wait3A_416, %dma_wait3A_417] : memref<10240x128xf32, #tpu.memory_space<vmem_shared>> -> memref<10240x128xf32, #tpu.memory_space<vmem_shared>>
        tpu.wait_indirect_dma semaphore(%run_scoped3A_406 : memref<!tpu.dma_semaphore, #tpu.memory_space<semaphore_mem>>) src(%arg12 : memref<128x128xf32, #tpu.memory_space<vmem>>) dst(%dma_wait3A_418 : memref<10240x128xf32, #tpu.memory_space<vmem_shared>>)
        tpu.yield
      }) : () -> ()
      %dma_wait3A_191 = arith.constant 0 : i32
      %dma_wait3A_192 = arith.constant 0 : i32
      %dma_wait3A_193 = tpu.memref_slice %arg11[%dma_wait3A_191, %dma_wait3A_192] : memref<4x128xi32, #tpu.memory_space<vmem>> -> memref<1x128xi32, #tpu.memory_space<vmem>>
      %dma_wait3A_194 = tpu.memref_squeeze %dma_wait3A_193 : memref<1x128xi32, #tpu.memory_space<vmem>> -> memref<128xi32, #tpu.memory_space<vmem>>
      %dma_wait3A_195 = arith.constant 0 : i32
      %dma_wait3A_196 = tpu.memref_slice %arg22[%dma_wait3A_195] : memref<10240xf32, #tpu.memory_space<vmem_shared>> -> memref<10240xf32, #tpu.memory_space<vmem_shared>>
      tpu.wait_indirect_dma semaphore(%arg23 : memref<!tpu.dma_semaphore, #tpu.memory_space<semaphore_mem>>) src(%arg21 : memref<128xf32, #tpu.memory_space<vmem>>) dst(%dma_wait3A_196 : memref<10240xf32, #tpu.memory_space<vmem_shared>>)
      %add3A_197 = arith.constant 2 : i32
      %add3A_198 = arith.addi %add3A_165, %add3A_197 : i32
      %min3A = arith.constant 79 : i32
      %min3A_199 = arith.minsi %add3A_198, %min3A : i32
      %dma_start3A_200 = arith.constant 0 : i32
      %dma_start3A_201 = tpu.memref_slice %arg10[%min3A_199, %dma_start3A_200] : memref<80x128xi32, #tpu.memory_space<vmem>> -> memref<1x128xi32, #tpu.memory_space<vmem>>
      %dma_start3A_202 = tpu.memref_squeeze %dma_start3A_201 : memref<1x128xi32, #tpu.memory_space<vmem>> -> memref<128xi32, #tpu.memory_space<vmem>>
      %dma_start3A_203 = arith.constant 0 : i32
      %dma_start3A_204 = arith.constant 0 : i32
      %dma_start3A_205 = tpu.memref_slice %arg2[%dma_start3A_203, %dma_start3A_204] : memref<10000x128xf32, #tpu.memory_space<hbm>> -> memref<10000x128xf32, #tpu.memory_space<hbm>>
      tpu.enqueue_indirect_dma source(%dma_start3A_205 : memref<10000x128xf32, #tpu.memory_space<hbm>>) target(%arg12 : memref<128x128xf32, #tpu.memory_space<vmem>>) offsets(%dma_start3A_202 : memref<128xi32, #tpu.memory_space<vmem>>) semaphore(%arg15 : memref<!tpu.dma_semaphore, #tpu.memory_space<semaphore_mem>>)
      %add3A_206 = arith.constant 4 : i32
      %add3A_207 = arith.addi %add3A_165, %add3A_206 : i32
      %min3A_208 = arith.constant 79 : i32
      %min3A_209 = arith.minsi %add3A_207, %min3A_208 : i32
      %dma_start3A_210 = arith.constant 0 : i32
      %dma_start3A_211 = arith.constant 0 : i32
      %dma_start3A_212 = tpu.memref_slice %arg11[%dma_start3A_210, %dma_start3A_211] : memref<4x128xi32, #tpu.memory_space<vmem>> -> memref<1x128xi32, #tpu.memory_space<vmem>>
      %dma_start3A_213 = tpu.memref_squeeze %dma_start3A_212 : memref<1x128xi32, #tpu.memory_space<vmem>> -> memref<128xi32, #tpu.memory_space<vmem>>
      %dma_start3A_214 = arith.constant 0 : i32
      %dma_start3A_215 = tpu.memref_slice %arg4[%add3A, %min3A_209, %dma_start3A_214] : memref<32x80x128xi32, #tpu.memory_space<hbm>> -> memref<1x1x128xi32, #tpu.memory_space<hbm>>
      %dma_start3A_216 = tpu.memref_squeeze %dma_start3A_215 : memref<1x1x128xi32, #tpu.memory_space<hbm>> -> memref<128xi32, #tpu.memory_space<hbm>>
      %dma_start3A_217 = arith.constant 0 : i32
      %dma_start3A_218 = tpu.memref_slice %arg11[%dma_start3A_210, %dma_start3A_217] : memref<4x128xi32, #tpu.memory_space<vmem>> -> memref<1x128xi32, #tpu.memory_space<vmem>>
      %dma_start3A_219 = tpu.memref_squeeze %dma_start3A_218 : memref<1x128xi32, #tpu.memory_space<vmem>> -> memref<128xi32, #tpu.memory_space<vmem>>
      %dma_start3A_220 = arith.constant 0 : i32
      %dma_start3A_221 = tpu.memref_slice %arg4[%add3A, %min3A_209, %dma_start3A_220] : memref<32x80x128xi32, #tpu.memory_space<hbm>> -> memref<1x1x128xi32, #tpu.memory_space<hbm>>
      %dma_start3A_222 = tpu.memref_squeeze %dma_start3A_221 : memref<1x1x128xi32, #tpu.memory_space<hbm>> -> memref<128xi32, #tpu.memory_space<hbm>>
      tpu.enqueue_dma source(%dma_start3A_222 : memref<128xi32, #tpu.memory_space<hbm>>) target(%dma_start3A_219 : memref<128xi32, #tpu.memory_space<vmem>>) target_semaphore(%arg17 : memref<!tpu.dma_semaphore, #tpu.memory_space<semaphore_mem>>)
      %add3A_223 = arith.constant 1 : i32
      %add3A_224 = arith.addi %mul3A_163, %add3A_223 : i32
      %dma_wait3A_225 = arith.constant 0 : i32
      %dma_wait3A_226 = tpu.memref_slice %arg10[%add3A_224, %dma_wait3A_225] : memref<80x128xi32, #tpu.memory_space<vmem>> -> memref<1x128xi32, #tpu.memory_space<vmem>>
      %dma_wait3A_227 = tpu.memref_squeeze %dma_wait3A_226 : memref<1x128xi32, #tpu.memory_space<vmem>> -> memref<128xi32, #tpu.memory_space<vmem>>
      %dma_wait3A_228 = arith.constant 0 : i32
      %dma_wait3A_229 = arith.constant 0 : i32
      %dma_wait3A_230 = tpu.memref_slice %arg2[%dma_wait3A_228, %dma_wait3A_229] : memref<10000x128xf32, #tpu.memory_space<hbm>> -> memref<10000x128xf32, #tpu.memory_space<hbm>>
      tpu.wait_indirect_dma semaphore(%arg16 : memref<!tpu.dma_semaphore, #tpu.memory_space<semaphore_mem>>) src(%dma_wait3A_230 : memref<10000x128xf32, #tpu.memory_space<hbm>>) dst(%arg13 : memref<128x128xf32, #tpu.memory_space<vmem>>)
      %dma_wait3A_231 = arith.constant 1 : i32
      %dma_wait3A_232 = arith.constant 0 : i32
      %dma_wait3A_233 = tpu.memref_slice %arg11[%dma_wait3A_231, %dma_wait3A_232] : memref<4x128xi32, #tpu.memory_space<vmem>> -> memref<1x128xi32, #tpu.memory_space<vmem>>
      %dma_wait3A_234 = tpu.memref_squeeze %dma_wait3A_233 : memref<1x128xi32, #tpu.memory_space<vmem>> -> memref<128xi32, #tpu.memory_space<vmem>>
      %dma_wait3A_235 = arith.constant 0 : i32
      %dma_wait3A_236 = tpu.memref_slice %arg4[%add3A, %add3A_224, %dma_wait3A_235] : memref<32x80x128xi32, #tpu.memory_space<hbm>> -> memref<1x1x128xi32, #tpu.memory_space<hbm>>
      %dma_wait3A_237 = tpu.memref_squeeze %dma_wait3A_236 : memref<1x1x128xi32, #tpu.memory_space<hbm>> -> memref<128xi32, #tpu.memory_space<hbm>>
      %dma_wait3A_238 = arith.constant 0 : i32
      %dma_wait3A_239 = tpu.memref_slice %arg11[%dma_wait3A_231, %dma_wait3A_238] : memref<4x128xi32, #tpu.memory_space<vmem>> -> memref<1x128xi32, #tpu.memory_space<vmem>>
      %dma_wait3A_240 = tpu.memref_squeeze %dma_wait3A_239 : memref<1x128xi32, #tpu.memory_space<vmem>> -> memref<128xi32, #tpu.memory_space<vmem>>
      %dma_wait3A_241 = arith.constant 0 : i32
      %dma_wait3A_242 = tpu.memref_slice %arg4[%add3A, %add3A_224, %dma_wait3A_241] : memref<32x80x128xi32, #tpu.memory_space<hbm>> -> memref<1x1x128xi32, #tpu.memory_space<hbm>>
      %dma_wait3A_243 = tpu.memref_squeeze %dma_wait3A_242 : memref<1x1x128xi32, #tpu.memory_space<hbm>> -> memref<128xi32, #tpu.memory_space<hbm>>
      tpu.wait_dma2 semaphore(%arg18 : memref<!tpu.dma_semaphore, #tpu.memory_space<semaphore_mem>>) src(%dma_wait3A_243 : memref<128xi32, #tpu.memory_space<hbm>>) dst(%dma_wait3A_240 : memref<128xi32, #tpu.memory_space<vmem>>)
      %dma_start3A_244 = arith.constant 1 : i32
      %dma_start3A_245 = arith.constant 0 : i32
      %dma_start3A_246 = tpu.memref_slice %arg11[%dma_start3A_244, %dma_start3A_245] : memref<4x128xi32, #tpu.memory_space<vmem>> -> memref<1x128xi32, #tpu.memory_space<vmem>>
      %dma_start3A_247 = tpu.memref_squeeze %dma_start3A_246 : memref<1x128xi32, #tpu.memory_space<vmem>> -> memref<128xi32, #tpu.memory_space<vmem>>
      %dma_start3A_248 = arith.constant 0 : i32
      %dma_start3A_249 = tpu.memref_slice %arg22[%dma_start3A_248] : memref<10240xf32, #tpu.memory_space<vmem_shared>> -> memref<10240xf32, #tpu.memory_space<vmem_shared>>
      tpu.enqueue_indirect_dma source(%arg21 : memref<128xf32, #tpu.memory_space<vmem>>) target(%dma_start3A_249 : memref<10240xf32, #tpu.memory_space<vmem_shared>>) offsets(%dma_start3A_247 : memref<128xi32, #tpu.memory_space<vmem>>) semaphore(%arg23 : memref<!tpu.dma_semaphore, #tpu.memory_space<semaphore_mem>>) {add = true}
      %run_scoped3A_250 = arith.constant 1 : i32
      "tpu.region"() ({
        %run_scoped3A_406 = tpu.sem_alloc : memref<!tpu.dma_semaphore, #tpu.memory_space<semaphore_mem>>
        %dma_start3A_407 = arith.constant 0 : i32
        %dma_start3A_408 = tpu.memref_slice %arg11[%run_scoped3A_250, %dma_start3A_407] : memref<4x128xi32, #tpu.memory_space<vmem>> -> memref<1x128xi32, #tpu.memory_space<vmem>>
        %dma_start3A_409 = tpu.memref_squeeze %dma_start3A_408 : memref<1x128xi32, #tpu.memory_space<vmem>> -> memref<128xi32, #tpu.memory_space<vmem>>
        %dma_start3A_410 = arith.constant 0 : i32
        %dma_start3A_411 = arith.constant 0 : i32
        %dma_start3A_412 = tpu.memref_slice %arg14[%dma_start3A_410, %dma_start3A_411] : memref<10240x128xf32, #tpu.memory_space<vmem_shared>> -> memref<10240x128xf32, #tpu.memory_space<vmem_shared>>
        tpu.enqueue_indirect_dma source(%arg13 : memref<128x128xf32, #tpu.memory_space<vmem>>) target(%dma_start3A_412 : memref<10240x128xf32, #tpu.memory_space<vmem_shared>>) offsets(%dma_start3A_409 : memref<128xi32, #tpu.memory_space<vmem>>) semaphore(%run_scoped3A_406 : memref<!tpu.dma_semaphore, #tpu.memory_space<semaphore_mem>>) {add = true}
        %dma_wait3A_413 = arith.constant 0 : i32
        %dma_wait3A_414 = tpu.memref_slice %arg11[%run_scoped3A_250, %dma_wait3A_413] : memref<4x128xi32, #tpu.memory_space<vmem>> -> memref<1x128xi32, #tpu.memory_space<vmem>>
        %dma_wait3A_415 = tpu.memref_squeeze %dma_wait3A_414 : memref<1x128xi32, #tpu.memory_space<vmem>> -> memref<128xi32, #tpu.memory_space<vmem>>
        %dma_wait3A_416 = arith.constant 0 : i32
        %dma_wait3A_417 = arith.constant 0 : i32
        %dma_wait3A_418 = tpu.memref_slice %arg14[%dma_wait3A_416, %dma_wait3A_417] : memref<10240x128xf32, #tpu.memory_space<vmem_shared>> -> memref<10240x128xf32, #tpu.memory_space<vmem_shared>>
        tpu.wait_indirect_dma semaphore(%run_scoped3A_406 : memref<!tpu.dma_semaphore, #tpu.memory_space<semaphore_mem>>) src(%arg13 : memref<128x128xf32, #tpu.memory_space<vmem>>) dst(%dma_wait3A_418 : memref<10240x128xf32, #tpu.memory_space<vmem_shared>>)
        tpu.yield
      }) : () -> ()
      %dma_wait3A_251 = arith.constant 1 : i32
      %dma_wait3A_252 = arith.constant 0 : i32
      %dma_wait3A_253 = tpu.memref_slice %arg11[%dma_wait3A_251, %dma_wait3A_252] : memref<4x128xi32, #tpu.memory_space<vmem>> -> memref<1x128xi32, #tpu.memory_space<vmem>>
      %dma_wait3A_254 = tpu.memref_squeeze %dma_wait3A_253 : memref<1x128xi32, #tpu.memory_space<vmem>> -> memref<128xi32, #tpu.memory_space<vmem>>
      %dma_wait3A_255 = arith.constant 0 : i32
      %dma_wait3A_256 = tpu.memref_slice %arg22[%dma_wait3A_255] : memref<10240xf32, #tpu.memory_space<vmem_shared>> -> memref<10240xf32, #tpu.memory_space<vmem_shared>>
      tpu.wait_indirect_dma semaphore(%arg23 : memref<!tpu.dma_semaphore, #tpu.memory_space<semaphore_mem>>) src(%arg21 : memref<128xf32, #tpu.memory_space<vmem>>) dst(%dma_wait3A_256 : memref<10240xf32, #tpu.memory_space<vmem_shared>>)
      %add3A_257 = arith.constant 2 : i32
      %add3A_258 = arith.addi %add3A_224, %add3A_257 : i32
      %min3A_259 = arith.constant 79 : i32
      %min3A_260 = arith.minsi %add3A_258, %min3A_259 : i32
      %dma_start3A_261 = arith.constant 0 : i32
      %dma_start3A_262 = tpu.memref_slice %arg10[%min3A_260, %dma_start3A_261] : memref<80x128xi32, #tpu.memory_space<vmem>> -> memref<1x128xi32, #tpu.memory_space<vmem>>
      %dma_start3A_263 = tpu.memref_squeeze %dma_start3A_262 : memref<1x128xi32, #tpu.memory_space<vmem>> -> memref<128xi32, #tpu.memory_space<vmem>>
      %dma_start3A_264 = arith.constant 0 : i32
      %dma_start3A_265 = arith.constant 0 : i32
      %dma_start3A_266 = tpu.memref_slice %arg2[%dma_start3A_264, %dma_start3A_265] : memref<10000x128xf32, #tpu.memory_space<hbm>> -> memref<10000x128xf32, #tpu.memory_space<hbm>>
      tpu.enqueue_indirect_dma source(%dma_start3A_266 : memref<10000x128xf32, #tpu.memory_space<hbm>>) target(%arg13 : memref<128x128xf32, #tpu.memory_space<vmem>>) offsets(%dma_start3A_263 : memref<128xi32, #tpu.memory_space<vmem>>) semaphore(%arg16 : memref<!tpu.dma_semaphore, #tpu.memory_space<semaphore_mem>>)
      %add3A_267 = arith.constant 4 : i32
      %add3A_268 = arith.addi %add3A_224, %add3A_267 : i32
      %min3A_269 = arith.constant 79 : i32
      %min3A_270 = arith.minsi %add3A_268, %min3A_269 : i32
      %dma_start3A_271 = arith.constant 1 : i32
      %dma_start3A_272 = arith.constant 0 : i32
      %dma_start3A_273 = tpu.memref_slice %arg11[%dma_start3A_271, %dma_start3A_272] : memref<4x128xi32, #tpu.memory_space<vmem>> -> memref<1x128xi32, #tpu.memory_space<vmem>>
      %dma_start3A_274 = tpu.memref_squeeze %dma_start3A_273 : memref<1x128xi32, #tpu.memory_space<vmem>> -> memref<128xi32, #tpu.memory_space<vmem>>
      %dma_start3A_275 = arith.constant 0 : i32
      %dma_start3A_276 = tpu.memref_slice %arg4[%add3A, %min3A_270, %dma_start3A_275] : memref<32x80x128xi32, #tpu.memory_space<hbm>> -> memref<1x1x128xi32, #tpu.memory_space<hbm>>
      %dma_start3A_277 = tpu.memref_squeeze %dma_start3A_276 : memref<1x1x128xi32, #tpu.memory_space<hbm>> -> memref<128xi32, #tpu.memory_space<hbm>>
      %dma_start3A_278 = arith.constant 0 : i32
      %dma_start3A_279 = tpu.memref_slice %arg11[%dma_start3A_271, %dma_start3A_278] : memref<4x128xi32, #tpu.memory_space<vmem>> -> memref<1x128xi32, #tpu.memory_space<vmem>>
      %dma_start3A_280 = tpu.memref_squeeze %dma_start3A_279 : memref<1x128xi32, #tpu.memory_space<vmem>> -> memref<128xi32, #tpu.memory_space<vmem>>
      %dma_start3A_281 = arith.constant 0 : i32
      %dma_start3A_282 = tpu.memref_slice %arg4[%add3A, %min3A_270, %dma_start3A_281] : memref<32x80x128xi32, #tpu.memory_space<hbm>> -> memref<1x1x128xi32, #tpu.memory_space<hbm>>
      %dma_start3A_283 = tpu.memref_squeeze %dma_start3A_282 : memref<1x1x128xi32, #tpu.memory_space<hbm>> -> memref<128xi32, #tpu.memory_space<hbm>>
      tpu.enqueue_dma source(%dma_start3A_283 : memref<128xi32, #tpu.memory_space<hbm>>) target(%dma_start3A_280 : memref<128xi32, #tpu.memory_space<vmem>>) target_semaphore(%arg18 : memref<!tpu.dma_semaphore, #tpu.memory_space<semaphore_mem>>)
      %add3A_284 = arith.constant 2 : i32
      %add3A_285 = arith.addi %mul3A_163, %add3A_284 : i32
      %dma_wait3A_286 = arith.constant 0 : i32
      %dma_wait3A_287 = tpu.memref_slice %arg10[%add3A_285, %dma_wait3A_286] : memref<80x128xi32, #tpu.memory_space<vmem>> -> memref<1x128xi32, #tpu.memory_space<vmem>>
      %dma_wait3A_288 = tpu.memref_squeeze %dma_wait3A_287 : memref<1x128xi32, #tpu.memory_space<vmem>> -> memref<128xi32, #tpu.memory_space<vmem>>
      %dma_wait3A_289 = arith.constant 0 : i32
      %dma_wait3A_290 = arith.constant 0 : i32
      %dma_wait3A_291 = tpu.memref_slice %arg2[%dma_wait3A_289, %dma_wait3A_290] : memref<10000x128xf32, #tpu.memory_space<hbm>> -> memref<10000x128xf32, #tpu.memory_space<hbm>>
      tpu.wait_indirect_dma semaphore(%arg15 : memref<!tpu.dma_semaphore, #tpu.memory_space<semaphore_mem>>) src(%dma_wait3A_291 : memref<10000x128xf32, #tpu.memory_space<hbm>>) dst(%arg12 : memref<128x128xf32, #tpu.memory_space<vmem>>)
      %dma_wait3A_292 = arith.constant 2 : i32
      %dma_wait3A_293 = arith.constant 0 : i32
      %dma_wait3A_294 = tpu.memref_slice %arg11[%dma_wait3A_292, %dma_wait3A_293] : memref<4x128xi32, #tpu.memory_space<vmem>> -> memref<1x128xi32, #tpu.memory_space<vmem>>
      %dma_wait3A_295 = tpu.memref_squeeze %dma_wait3A_294 : memref<1x128xi32, #tpu.memory_space<vmem>> -> memref<128xi32, #tpu.memory_space<vmem>>
      %dma_wait3A_296 = arith.constant 0 : i32
      %dma_wait3A_297 = tpu.memref_slice %arg4[%add3A, %add3A_285, %dma_wait3A_296] : memref<32x80x128xi32, #tpu.memory_space<hbm>> -> memref<1x1x128xi32, #tpu.memory_space<hbm>>
      %dma_wait3A_298 = tpu.memref_squeeze %dma_wait3A_297 : memref<1x1x128xi32, #tpu.memory_space<hbm>> -> memref<128xi32, #tpu.memory_space<hbm>>
      %dma_wait3A_299 = arith.constant 0 : i32
      %dma_wait3A_300 = tpu.memref_slice %arg11[%dma_wait3A_292, %dma_wait3A_299] : memref<4x128xi32, #tpu.memory_space<vmem>> -> memref<1x128xi32, #tpu.memory_space<vmem>>
      %dma_wait3A_301 = tpu.memref_squeeze %dma_wait3A_300 : memref<1x128xi32, #tpu.memory_space<vmem>> -> memref<128xi32, #tpu.memory_space<vmem>>
      %dma_wait3A_302 = arith.constant 0 : i32
      %dma_wait3A_303 = tpu.memref_slice %arg4[%add3A, %add3A_285, %dma_wait3A_302] : memref<32x80x128xi32, #tpu.memory_space<hbm>> -> memref<1x1x128xi32, #tpu.memory_space<hbm>>
      %dma_wait3A_304 = tpu.memref_squeeze %dma_wait3A_303 : memref<1x1x128xi32, #tpu.memory_space<hbm>> -> memref<128xi32, #tpu.memory_space<hbm>>
      tpu.wait_dma2 semaphore(%arg19 : memref<!tpu.dma_semaphore, #tpu.memory_space<semaphore_mem>>) src(%dma_wait3A_304 : memref<128xi32, #tpu.memory_space<hbm>>) dst(%dma_wait3A_301 : memref<128xi32, #tpu.memory_space<vmem>>)
      %dma_start3A_305 = arith.constant 2 : i32
      %dma_start3A_306 = arith.constant 0 : i32
      %dma_start3A_307 = tpu.memref_slice %arg11[%dma_start3A_305, %dma_start3A_306] : memref<4x128xi32, #tpu.memory_space<vmem>> -> memref<1x128xi32, #tpu.memory_space<vmem>>
      %dma_start3A_308 = tpu.memref_squeeze %dma_start3A_307 : memref<1x128xi32, #tpu.memory_space<vmem>> -> memref<128xi32, #tpu.memory_space<vmem>>
      %dma_start3A_309 = arith.constant 0 : i32
      %dma_start3A_310 = tpu.memref_slice %arg22[%dma_start3A_309] : memref<10240xf32, #tpu.memory_space<vmem_shared>> -> memref<10240xf32, #tpu.memory_space<vmem_shared>>
      tpu.enqueue_indirect_dma source(%arg21 : memref<128xf32, #tpu.memory_space<vmem>>) target(%dma_start3A_310 : memref<10240xf32, #tpu.memory_space<vmem_shared>>) offsets(%dma_start3A_308 : memref<128xi32, #tpu.memory_space<vmem>>) semaphore(%arg23 : memref<!tpu.dma_semaphore, #tpu.memory_space<semaphore_mem>>) {add = true}
      %run_scoped3A_311 = arith.constant 2 : i32
      "tpu.region"() ({
        %run_scoped3A_406 = tpu.sem_alloc : memref<!tpu.dma_semaphore, #tpu.memory_space<semaphore_mem>>
        %dma_start3A_407 = arith.constant 0 : i32
        %dma_start3A_408 = tpu.memref_slice %arg11[%run_scoped3A_311, %dma_start3A_407] : memref<4x128xi32, #tpu.memory_space<vmem>> -> memref<1x128xi32, #tpu.memory_space<vmem>>
        %dma_start3A_409 = tpu.memref_squeeze %dma_start3A_408 : memref<1x128xi32, #tpu.memory_space<vmem>> -> memref<128xi32, #tpu.memory_space<vmem>>
        %dma_start3A_410 = arith.constant 0 : i32
        %dma_start3A_411 = arith.constant 0 : i32
        %dma_start3A_412 = tpu.memref_slice %arg14[%dma_start3A_410, %dma_start3A_411] : memref<10240x128xf32, #tpu.memory_space<vmem_shared>> -> memref<10240x128xf32, #tpu.memory_space<vmem_shared>>
        tpu.enqueue_indirect_dma source(%arg12 : memref<128x128xf32, #tpu.memory_space<vmem>>) target(%dma_start3A_412 : memref<10240x128xf32, #tpu.memory_space<vmem_shared>>) offsets(%dma_start3A_409 : memref<128xi32, #tpu.memory_space<vmem>>) semaphore(%run_scoped3A_406 : memref<!tpu.dma_semaphore, #tpu.memory_space<semaphore_mem>>) {add = true}
        %dma_wait3A_413 = arith.constant 0 : i32
        %dma_wait3A_414 = tpu.memref_slice %arg11[%run_scoped3A_311, %dma_wait3A_413] : memref<4x128xi32, #tpu.memory_space<vmem>> -> memref<1x128xi32, #tpu.memory_space<vmem>>
        %dma_wait3A_415 = tpu.memref_squeeze %dma_wait3A_414 : memref<1x128xi32, #tpu.memory_space<vmem>> -> memref<128xi32, #tpu.memory_space<vmem>>
        %dma_wait3A_416 = arith.constant 0 : i32
        %dma_wait3A_417 = arith.constant 0 : i32
        %dma_wait3A_418 = tpu.memref_slice %arg14[%dma_wait3A_416, %dma_wait3A_417] : memref<10240x128xf32, #tpu.memory_space<vmem_shared>> -> memref<10240x128xf32, #tpu.memory_space<vmem_shared>>
        tpu.wait_indirect_dma semaphore(%run_scoped3A_406 : memref<!tpu.dma_semaphore, #tpu.memory_space<semaphore_mem>>) src(%arg12 : memref<128x128xf32, #tpu.memory_space<vmem>>) dst(%dma_wait3A_418 : memref<10240x128xf32, #tpu.memory_space<vmem_shared>>)
        tpu.yield
      }) : () -> ()
      %dma_wait3A_312 = arith.constant 2 : i32
      %dma_wait3A_313 = arith.constant 0 : i32
      %dma_wait3A_314 = tpu.memref_slice %arg11[%dma_wait3A_312, %dma_wait3A_313] : memref<4x128xi32, #tpu.memory_space<vmem>> -> memref<1x128xi32, #tpu.memory_space<vmem>>
      %dma_wait3A_315 = tpu.memref_squeeze %dma_wait3A_314 : memref<1x128xi32, #tpu.memory_space<vmem>> -> memref<128xi32, #tpu.memory_space<vmem>>
      %dma_wait3A_316 = arith.constant 0 : i32
      %dma_wait3A_317 = tpu.memref_slice %arg22[%dma_wait3A_316] : memref<10240xf32, #tpu.memory_space<vmem_shared>> -> memref<10240xf32, #tpu.memory_space<vmem_shared>>
      tpu.wait_indirect_dma semaphore(%arg23 : memref<!tpu.dma_semaphore, #tpu.memory_space<semaphore_mem>>) src(%arg21 : memref<128xf32, #tpu.memory_space<vmem>>) dst(%dma_wait3A_317 : memref<10240xf32, #tpu.memory_space<vmem_shared>>)
      %add3A_318 = arith.constant 2 : i32
      %add3A_319 = arith.addi %add3A_285, %add3A_318 : i32
      %min3A_320 = arith.constant 79 : i32
      %min3A_321 = arith.minsi %add3A_319, %min3A_320 : i32
      %dma_start3A_322 = arith.constant 0 : i32
      %dma_start3A_323 = tpu.memref_slice %arg10[%min3A_321, %dma_start3A_322] : memref<80x128xi32, #tpu.memory_space<vmem>> -> memref<1x128xi32, #tpu.memory_space<vmem>>
      %dma_start3A_324 = tpu.memref_squeeze %dma_start3A_323 : memref<1x128xi32, #tpu.memory_space<vmem>> -> memref<128xi32, #tpu.memory_space<vmem>>
      %dma_start3A_325 = arith.constant 0 : i32
      %dma_start3A_326 = arith.constant 0 : i32
      %dma_start3A_327 = tpu.memref_slice %arg2[%dma_start3A_325, %dma_start3A_326] : memref<10000x128xf32, #tpu.memory_space<hbm>> -> memref<10000x128xf32, #tpu.memory_space<hbm>>
      tpu.enqueue_indirect_dma source(%dma_start3A_327 : memref<10000x128xf32, #tpu.memory_space<hbm>>) target(%arg12 : memref<128x128xf32, #tpu.memory_space<vmem>>) offsets(%dma_start3A_324 : memref<128xi32, #tpu.memory_space<vmem>>) semaphore(%arg15 : memref<!tpu.dma_semaphore, #tpu.memory_space<semaphore_mem>>)
      %add3A_328 = arith.constant 4 : i32
      %add3A_329 = arith.addi %add3A_285, %add3A_328 : i32
      %min3A_330 = arith.constant 79 : i32
      %min3A_331 = arith.minsi %add3A_329, %min3A_330 : i32
      %dma_start3A_332 = arith.constant 2 : i32
      %dma_start3A_333 = arith.constant 0 : i32
      %dma_start3A_334 = tpu.memref_slice %arg11[%dma_start3A_332, %dma_start3A_333] : memref<4x128xi32, #tpu.memory_space<vmem>> -> memref<1x128xi32, #tpu.memory_space<vmem>>
      %dma_start3A_335 = tpu.memref_squeeze %dma_start3A_334 : memref<1x128xi32, #tpu.memory_space<vmem>> -> memref<128xi32, #tpu.memory_space<vmem>>
      %dma_start3A_336 = arith.constant 0 : i32
      %dma_start3A_337 = tpu.memref_slice %arg4[%add3A, %min3A_331, %dma_start3A_336] : memref<32x80x128xi32, #tpu.memory_space<hbm>> -> memref<1x1x128xi32, #tpu.memory_space<hbm>>
      %dma_start3A_338 = tpu.memref_squeeze %dma_start3A_337 : memref<1x1x128xi32, #tpu.memory_space<hbm>> -> memref<128xi32, #tpu.memory_space<hbm>>
      %dma_start3A_339 = arith.constant 0 : i32
      %dma_start3A_340 = tpu.memref_slice %arg11[%dma_start3A_332, %dma_start3A_339] : memref<4x128xi32, #tpu.memory_space<vmem>> -> memref<1x128xi32, #tpu.memory_space<vmem>>
      %dma_start3A_341 = tpu.memref_squeeze %dma_start3A_340 : memref<1x128xi32, #tpu.memory_space<vmem>> -> memref<128xi32, #tpu.memory_space<vmem>>
      %dma_start3A_342 = arith.constant 0 : i32
      %dma_start3A_343 = tpu.memref_slice %arg4[%add3A, %min3A_331, %dma_start3A_342] : memref<32x80x128xi32, #tpu.memory_space<hbm>> -> memref<1x1x128xi32, #tpu.memory_space<hbm>>
      %dma_start3A_344 = tpu.memref_squeeze %dma_start3A_343 : memref<1x1x128xi32, #tpu.memory_space<hbm>> -> memref<128xi32, #tpu.memory_space<hbm>>
      tpu.enqueue_dma source(%dma_start3A_344 : memref<128xi32, #tpu.memory_space<hbm>>) target(%dma_start3A_341 : memref<128xi32, #tpu.memory_space<vmem>>) target_semaphore(%arg19 : memref<!tpu.dma_semaphore, #tpu.memory_space<semaphore_mem>>)
      %add3A_345 = arith.constant 3 : i32
      %add3A_346 = arith.addi %mul3A_163, %add3A_345 : i32
      %dma_wait3A_347 = arith.constant 0 : i32
      %dma_wait3A_348 = tpu.memref_slice %arg10[%add3A_346, %dma_wait3A_347] : memref<80x128xi32, #tpu.memory_space<vmem>> -> memref<1x128xi32, #tpu.memory_space<vmem>>
      %dma_wait3A_349 = tpu.memref_squeeze %dma_wait3A_348 : memref<1x128xi32, #tpu.memory_space<vmem>> -> memref<128xi32, #tpu.memory_space<vmem>>
      %dma_wait3A_350 = arith.constant 0 : i32
      %dma_wait3A_351 = arith.constant 0 : i32
      %dma_wait3A_352 = tpu.memref_slice %arg2[%dma_wait3A_350, %dma_wait3A_351] : memref<10000x128xf32, #tpu.memory_space<hbm>> -> memref<10000x128xf32, #tpu.memory_space<hbm>>
      tpu.wait_indirect_dma semaphore(%arg16 : memref<!tpu.dma_semaphore, #tpu.memory_space<semaphore_mem>>) src(%dma_wait3A_352 : memref<10000x128xf32, #tpu.memory_space<hbm>>) dst(%arg13 : memref<128x128xf32, #tpu.memory_space<vmem>>)
      %dma_wait3A_353 = arith.constant 3 : i32
      %dma_wait3A_354 = arith.constant 0 : i32
      %dma_wait3A_355 = tpu.memref_slice %arg11[%dma_wait3A_353, %dma_wait3A_354] : memref<4x128xi32, #tpu.memory_space<vmem>> -> memref<1x128xi32, #tpu.memory_space<vmem>>
      %dma_wait3A_356 = tpu.memref_squeeze %dma_wait3A_355 : memref<1x128xi32, #tpu.memory_space<vmem>> -> memref<128xi32, #tpu.memory_space<vmem>>
      %dma_wait3A_357 = arith.constant 0 : i32
      %dma_wait3A_358 = tpu.memref_slice %arg4[%add3A, %add3A_346, %dma_wait3A_357] : memref<32x80x128xi32, #tpu.memory_space<hbm>> -> memref<1x1x128xi32, #tpu.memory_space<hbm>>
      %dma_wait3A_359 = tpu.memref_squeeze %dma_wait3A_358 : memref<1x1x128xi32, #tpu.memory_space<hbm>> -> memref<128xi32, #tpu.memory_space<hbm>>
      %dma_wait3A_360 = arith.constant 0 : i32
      %dma_wait3A_361 = tpu.memref_slice %arg11[%dma_wait3A_353, %dma_wait3A_360] : memref<4x128xi32, #tpu.memory_space<vmem>> -> memref<1x128xi32, #tpu.memory_space<vmem>>
      %dma_wait3A_362 = tpu.memref_squeeze %dma_wait3A_361 : memref<1x128xi32, #tpu.memory_space<vmem>> -> memref<128xi32, #tpu.memory_space<vmem>>
      %dma_wait3A_363 = arith.constant 0 : i32
      %dma_wait3A_364 = tpu.memref_slice %arg4[%add3A, %add3A_346, %dma_wait3A_363] : memref<32x80x128xi32, #tpu.memory_space<hbm>> -> memref<1x1x128xi32, #tpu.memory_space<hbm>>
      %dma_wait3A_365 = tpu.memref_squeeze %dma_wait3A_364 : memref<1x1x128xi32, #tpu.memory_space<hbm>> -> memref<128xi32, #tpu.memory_space<hbm>>
      tpu.wait_dma2 semaphore(%arg20 : memref<!tpu.dma_semaphore, #tpu.memory_space<semaphore_mem>>) src(%dma_wait3A_365 : memref<128xi32, #tpu.memory_space<hbm>>) dst(%dma_wait3A_362 : memref<128xi32, #tpu.memory_space<vmem>>)
      %dma_start3A_366 = arith.constant 3 : i32
      %dma_start3A_367 = arith.constant 0 : i32
      %dma_start3A_368 = tpu.memref_slice %arg11[%dma_start3A_366, %dma_start3A_367] : memref<4x128xi32, #tpu.memory_space<vmem>> -> memref<1x128xi32, #tpu.memory_space<vmem>>
      %dma_start3A_369 = tpu.memref_squeeze %dma_start3A_368 : memref<1x128xi32, #tpu.memory_space<vmem>> -> memref<128xi32, #tpu.memory_space<vmem>>
      %dma_start3A_370 = arith.constant 0 : i32
      %dma_start3A_371 = tpu.memref_slice %arg22[%dma_start3A_370] : memref<10240xf32, #tpu.memory_space<vmem_shared>> -> memref<10240xf32, #tpu.memory_space<vmem_shared>>
      tpu.enqueue_indirect_dma source(%arg21 : memref<128xf32, #tpu.memory_space<vmem>>) target(%dma_start3A_371 : memref<10240xf32, #tpu.memory_space<vmem_shared>>) offsets(%dma_start3A_369 : memref<128xi32, #tpu.memory_space<vmem>>) semaphore(%arg23 : memref<!tpu.dma_semaphore, #tpu.memory_space<semaphore_mem>>) {add = true}
      %run_scoped3A_372 = arith.constant 3 : i32
      "tpu.region"() ({
        %run_scoped3A_406 = tpu.sem_alloc : memref<!tpu.dma_semaphore, #tpu.memory_space<semaphore_mem>>
        %dma_start3A_407 = arith.constant 0 : i32
        %dma_start3A_408 = tpu.memref_slice %arg11[%run_scoped3A_372, %dma_start3A_407] : memref<4x128xi32, #tpu.memory_space<vmem>> -> memref<1x128xi32, #tpu.memory_space<vmem>>
        %dma_start3A_409 = tpu.memref_squeeze %dma_start3A_408 : memref<1x128xi32, #tpu.memory_space<vmem>> -> memref<128xi32, #tpu.memory_space<vmem>>
        %dma_start3A_410 = arith.constant 0 : i32
        %dma_start3A_411 = arith.constant 0 : i32
        %dma_start3A_412 = tpu.memref_slice %arg14[%dma_start3A_410, %dma_start3A_411] : memref<10240x128xf32, #tpu.memory_space<vmem_shared>> -> memref<10240x128xf32, #tpu.memory_space<vmem_shared>>
        tpu.enqueue_indirect_dma source(%arg13 : memref<128x128xf32, #tpu.memory_space<vmem>>) target(%dma_start3A_412 : memref<10240x128xf32, #tpu.memory_space<vmem_shared>>) offsets(%dma_start3A_409 : memref<128xi32, #tpu.memory_space<vmem>>) semaphore(%run_scoped3A_406 : memref<!tpu.dma_semaphore, #tpu.memory_space<semaphore_mem>>) {add = true}
        %dma_wait3A_413 = arith.constant 0 : i32
        %dma_wait3A_414 = tpu.memref_slice %arg11[%run_scoped3A_372, %dma_wait3A_413] : memref<4x128xi32, #tpu.memory_space<vmem>> -> memref<1x128xi32, #tpu.memory_space<vmem>>
        %dma_wait3A_415 = tpu.memref_squeeze %dma_wait3A_414 : memref<1x128xi32, #tpu.memory_space<vmem>> -> memref<128xi32, #tpu.memory_space<vmem>>
        %dma_wait3A_416 = arith.constant 0 : i32
        %dma_wait3A_417 = arith.constant 0 : i32
        %dma_wait3A_418 = tpu.memref_slice %arg14[%dma_wait3A_416, %dma_wait3A_417] : memref<10240x128xf32, #tpu.memory_space<vmem_shared>> -> memref<10240x128xf32, #tpu.memory_space<vmem_shared>>
        tpu.wait_indirect_dma semaphore(%run_scoped3A_406 : memref<!tpu.dma_semaphore, #tpu.memory_space<semaphore_mem>>) src(%arg13 : memref<128x128xf32, #tpu.memory_space<vmem>>) dst(%dma_wait3A_418 : memref<10240x128xf32, #tpu.memory_space<vmem_shared>>)
        tpu.yield
      }) : () -> ()
      %dma_wait3A_373 = arith.constant 3 : i32
      %dma_wait3A_374 = arith.constant 0 : i32
      %dma_wait3A_375 = tpu.memref_slice %arg11[%dma_wait3A_373, %dma_wait3A_374] : memref<4x128xi32, #tpu.memory_space<vmem>> -> memref<1x128xi32, #tpu.memory_space<vmem>>
      %dma_wait3A_376 = tpu.memref_squeeze %dma_wait3A_375 : memref<1x128xi32, #tpu.memory_space<vmem>> -> memref<128xi32, #tpu.memory_space<vmem>>
      %dma_wait3A_377 = arith.constant 0 : i32
      %dma_wait3A_378 = tpu.memref_slice %arg22[%dma_wait3A_377] : memref<10240xf32, #tpu.memory_space<vmem_shared>> -> memref<10240xf32, #tpu.memory_space<vmem_shared>>
      tpu.wait_indirect_dma semaphore(%arg23 : memref<!tpu.dma_semaphore, #tpu.memory_space<semaphore_mem>>) src(%arg21 : memref<128xf32, #tpu.memory_space<vmem>>) dst(%dma_wait3A_378 : memref<10240xf32, #tpu.memory_space<vmem_shared>>)
      %add3A_379 = arith.constant 2 : i32
      %add3A_380 = arith.addi %add3A_346, %add3A_379 : i32
      %min3A_381 = arith.constant 79 : i32
      %min3A_382 = arith.minsi %add3A_380, %min3A_381 : i32
      %dma_start3A_383 = arith.constant 0 : i32
      %dma_start3A_384 = tpu.memref_slice %arg10[%min3A_382, %dma_start3A_383] : memref<80x128xi32, #tpu.memory_space<vmem>> -> memref<1x128xi32, #tpu.memory_space<vmem>>
      %dma_start3A_385 = tpu.memref_squeeze %dma_start3A_384 : memref<1x128xi32, #tpu.memory_space<vmem>> -> memref<128xi32, #tpu.memory_space<vmem>>
      %dma_start3A_386 = arith.constant 0 : i32
      %dma_start3A_387 = arith.constant 0 : i32
      %dma_start3A_388 = tpu.memref_slice %arg2[%dma_start3A_386, %dma_start3A_387] : memref<10000x128xf32, #tpu.memory_space<hbm>> -> memref<10000x128xf32, #tpu.memory_space<hbm>>
      tpu.enqueue_indirect_dma source(%dma_start3A_388 : memref<10000x128xf32, #tpu.memory_space<hbm>>) target(%arg13 : memref<128x128xf32, #tpu.memory_space<vmem>>) offsets(%dma_start3A_385 : memref<128xi32, #tpu.memory_space<vmem>>) semaphore(%arg16 : memref<!tpu.dma_semaphore, #tpu.memory_space<semaphore_mem>>)
      %add3A_389 = arith.constant 4 : i32
      %add3A_390 = arith.addi %add3A_346, %add3A_389 : i32
      %min3A_391 = arith.constant 79 : i32
      %min3A_392 = arith.minsi %add3A_390, %min3A_391 : i32
      %dma_start3A_393 = arith.constant 3 : i32
      %dma_start3A_394 = arith.constant 0 : i32
      %dma_start3A_395 = tpu.memref_slice %arg11[%dma_start3A_393, %dma_start3A_394] : memref<4x128xi32, #tpu.memory_space<vmem>> -> memref<1x128xi32, #tpu.memory_space<vmem>>
      %dma_start3A_396 = tpu.memref_squeeze %dma_start3A_395 : memref<1x128xi32, #tpu.memory_space<vmem>> -> memref<128xi32, #tpu.memory_space<vmem>>
      %dma_start3A_397 = arith.constant 0 : i32
      %dma_start3A_398 = tpu.memref_slice %arg4[%add3A, %min3A_392, %dma_start3A_397] : memref<32x80x128xi32, #tpu.memory_space<hbm>> -> memref<1x1x128xi32, #tpu.memory_space<hbm>>
      %dma_start3A_399 = tpu.memref_squeeze %dma_start3A_398 : memref<1x1x128xi32, #tpu.memory_space<hbm>> -> memref<128xi32, #tpu.memory_space<hbm>>
      %dma_start3A_400 = arith.constant 0 : i32
      %dma_start3A_401 = tpu.memref_slice %arg11[%dma_start3A_393, %dma_start3A_400] : memref<4x128xi32, #tpu.memory_space<vmem>> -> memref<1x128xi32, #tpu.memory_space<vmem>>
      %dma_start3A_402 = tpu.memref_squeeze %dma_start3A_401 : memref<1x128xi32, #tpu.memory_space<vmem>> -> memref<128xi32, #tpu.memory_space<vmem>>
      %dma_start3A_403 = arith.constant 0 : i32
      %dma_start3A_404 = tpu.memref_slice %arg4[%add3A, %min3A_392, %dma_start3A_403] : memref<32x80x128xi32, #tpu.memory_space<hbm>> -> memref<1x1x128xi32, #tpu.memory_space<hbm>>
      %dma_start3A_405 = tpu.memref_squeeze %dma_start3A_404 : memref<1x1x128xi32, #tpu.memory_space<hbm>> -> memref<128xi32, #tpu.memory_space<hbm>>
      tpu.enqueue_dma source(%dma_start3A_405 : memref<128xi32, #tpu.memory_space<hbm>>) target(%dma_start3A_402 : memref<128xi32, #tpu.memory_space<vmem>>) target_semaphore(%arg20 : memref<!tpu.dma_semaphore, #tpu.memory_space<semaphore_mem>>)
    }
    %scan3A_82 = arith.constant 20 : i32
    %dma_wait3A = arith.constant 79 : i32
    %dma_wait3A_83 = arith.constant 0 : i32
    %dma_wait3A_84 = tpu.memref_slice %arg10[%dma_wait3A, %dma_wait3A_83] : memref<80x128xi32, #tpu.memory_space<vmem>> -> memref<1x128xi32, #tpu.memory_space<vmem>>
    %dma_wait3A_85 = tpu.memref_squeeze %dma_wait3A_84 : memref<1x128xi32, #tpu.memory_space<vmem>> -> memref<128xi32, #tpu.memory_space<vmem>>
    %dma_wait3A_86 = arith.constant 0 : i32
    %dma_wait3A_87 = arith.constant 0 : i32
    %dma_wait3A_88 = tpu.memref_slice %arg2[%dma_wait3A_86, %dma_wait3A_87] : memref<10000x128xf32, #tpu.memory_space<hbm>> -> memref<10000x128xf32, #tpu.memory_space<hbm>>
    tpu.wait_indirect_dma semaphore(%arg15 : memref<!tpu.dma_semaphore, #tpu.memory_space<semaphore_mem>>) src(%dma_wait3A_88 : memref<10000x128xf32, #tpu.memory_space<hbm>>) dst(%arg12 : memref<128x128xf32, #tpu.memory_space<vmem>>)
    %dma_wait3A_89 = arith.constant 79 : i32
    %dma_wait3A_90 = arith.constant 0 : i32
    %dma_wait3A_91 = tpu.memref_slice %arg10[%dma_wait3A_89, %dma_wait3A_90] : memref<80x128xi32, #tpu.memory_space<vmem>> -> memref<1x128xi32, #tpu.memory_space<vmem>>
    %dma_wait3A_92 = tpu.memref_squeeze %dma_wait3A_91 : memref<1x128xi32, #tpu.memory_space<vmem>> -> memref<128xi32, #tpu.memory_space<vmem>>
    %dma_wait3A_93 = arith.constant 0 : i32
    %dma_wait3A_94 = arith.constant 0 : i32
    %dma_wait3A_95 = tpu.memref_slice %arg2[%dma_wait3A_93, %dma_wait3A_94] : memref<10000x128xf32, #tpu.memory_space<hbm>> -> memref<10000x128xf32, #tpu.memory_space<hbm>>
    tpu.wait_indirect_dma semaphore(%arg16 : memref<!tpu.dma_semaphore, #tpu.memory_space<semaphore_mem>>) src(%dma_wait3A_95 : memref<10000x128xf32, #tpu.memory_space<hbm>>) dst(%arg13 : memref<128x128xf32, #tpu.memory_space<vmem>>)
    %dma_wait3A_96 = arith.constant 79 : i32
    %dma_wait3A_97 = arith.constant 0 : i32
    %dma_wait3A_98 = arith.constant 0 : i32
    %dma_wait3A_99 = tpu.memref_slice %arg11[%dma_wait3A_97, %dma_wait3A_98] : memref<4x128xi32, #tpu.memory_space<vmem>> -> memref<1x128xi32, #tpu.memory_space<vmem>>
    %dma_wait3A_100 = tpu.memref_squeeze %dma_wait3A_99 : memref<1x128xi32, #tpu.memory_space<vmem>> -> memref<128xi32, #tpu.memory_space<vmem>>
    %dma_wait3A_101 = arith.constant 0 : i32
    %dma_wait3A_102 = tpu.memref_slice %arg4[%add3A, %dma_wait3A_96, %dma_wait3A_101] : memref<32x80x128xi32, #tpu.memory_space<hbm>> -> memref<1x1x128xi32, #tpu.memory_space<hbm>>
    %dma_wait3A_103 = tpu.memref_squeeze %dma_wait3A_102 : memref<1x1x128xi32, #tpu.memory_space<hbm>> -> memref<128xi32, #tpu.memory_space<hbm>>
    %dma_wait3A_104 = arith.constant 0 : i32
    %dma_wait3A_105 = tpu.memref_slice %arg11[%dma_wait3A_97, %dma_wait3A_104] : memref<4x128xi32, #tpu.memory_space<vmem>> -> memref<1x128xi32, #tpu.memory_space<vmem>>
    %dma_wait3A_106 = tpu.memref_squeeze %dma_wait3A_105 : memref<1x128xi32, #tpu.memory_space<vmem>> -> memref<128xi32, #tpu.memory_space<vmem>>
    %dma_wait3A_107 = arith.constant 0 : i32
    %dma_wait3A_108 = tpu.memref_slice %arg4[%add3A, %dma_wait3A_96, %dma_wait3A_107] : memref<32x80x128xi32, #tpu.memory_space<hbm>> -> memref<1x1x128xi32, #tpu.memory_space<hbm>>
    %dma_wait3A_109 = tpu.memref_squeeze %dma_wait3A_108 : memref<1x1x128xi32, #tpu.memory_space<hbm>> -> memref<128xi32, #tpu.memory_space<hbm>>
    tpu.wait_dma2 semaphore(%arg17 : memref<!tpu.dma_semaphore, #tpu.memory_space<semaphore_mem>>) src(%dma_wait3A_109 : memref<128xi32, #tpu.memory_space<hbm>>) dst(%dma_wait3A_106 : memref<128xi32, #tpu.memory_space<vmem>>)
    %dma_wait3A_110 = arith.constant 79 : i32
    %dma_wait3A_111 = arith.constant 1 : i32
    %dma_wait3A_112 = arith.constant 0 : i32
    %dma_wait3A_113 = tpu.memref_slice %arg11[%dma_wait3A_111, %dma_wait3A_112] : memref<4x128xi32, #tpu.memory_space<vmem>> -> memref<1x128xi32, #tpu.memory_space<vmem>>
    %dma_wait3A_114 = tpu.memref_squeeze %dma_wait3A_113 : memref<1x128xi32, #tpu.memory_space<vmem>> -> memref<128xi32, #tpu.memory_space<vmem>>
    %dma_wait3A_115 = arith.constant 0 : i32
    %dma_wait3A_116 = tpu.memref_slice %arg4[%add3A, %dma_wait3A_110, %dma_wait3A_115] : memref<32x80x128xi32, #tpu.memory_space<hbm>> -> memref<1x1x128xi32, #tpu.memory_space<hbm>>
    %dma_wait3A_117 = tpu.memref_squeeze %dma_wait3A_116 : memref<1x1x128xi32, #tpu.memory_space<hbm>> -> memref<128xi32, #tpu.memory_space<hbm>>
    %dma_wait3A_118 = arith.constant 0 : i32
    %dma_wait3A_119 = tpu.memref_slice %arg11[%dma_wait3A_111, %dma_wait3A_118] : memref<4x128xi32, #tpu.memory_space<vmem>> -> memref<1x128xi32, #tpu.memory_space<vmem>>
    %dma_wait3A_120 = tpu.memref_squeeze %dma_wait3A_119 : memref<1x128xi32, #tpu.memory_space<vmem>> -> memref<128xi32, #tpu.memory_space<vmem>>
    %dma_wait3A_121 = arith.constant 0 : i32
    %dma_wait3A_122 = tpu.memref_slice %arg4[%add3A, %dma_wait3A_110, %dma_wait3A_121] : memref<32x80x128xi32, #tpu.memory_space<hbm>> -> memref<1x1x128xi32, #tpu.memory_space<hbm>>
    %dma_wait3A_123 = tpu.memref_squeeze %dma_wait3A_122 : memref<1x1x128xi32, #tpu.memory_space<hbm>> -> memref<128xi32, #tpu.memory_space<hbm>>
    tpu.wait_dma2 semaphore(%arg18 : memref<!tpu.dma_semaphore, #tpu.memory_space<semaphore_mem>>) src(%dma_wait3A_123 : memref<128xi32, #tpu.memory_space<hbm>>) dst(%dma_wait3A_120 : memref<128xi32, #tpu.memory_space<vmem>>)
    %dma_wait3A_124 = arith.constant 79 : i32
    %dma_wait3A_125 = arith.constant 2 : i32
    %dma_wait3A_126 = arith.constant 0 : i32
    %dma_wait3A_127 = tpu.memref_slice %arg11[%dma_wait3A_125, %dma_wait3A_126] : memref<4x128xi32, #tpu.memory_space<vmem>> -> memref<1x128xi32, #tpu.memory_space<vmem>>
    %dma_wait3A_128 = tpu.memref_squeeze %dma_wait3A_127 : memref<1x128xi32, #tpu.memory_space<vmem>> -> memref<128xi32, #tpu.memory_space<vmem>>
    %dma_wait3A_129 = arith.constant 0 : i32
    %dma_wait3A_130 = tpu.memref_slice %arg4[%add3A, %dma_wait3A_124, %dma_wait3A_129] : memref<32x80x128xi32, #tpu.memory_space<hbm>> -> memref<1x1x128xi32, #tpu.memory_space<hbm>>
    %dma_wait3A_131 = tpu.memref_squeeze %dma_wait3A_130 : memref<1x1x128xi32, #tpu.memory_space<hbm>> -> memref<128xi32, #tpu.memory_space<hbm>>
    %dma_wait3A_132 = arith.constant 0 : i32
    %dma_wait3A_133 = tpu.memref_slice %arg11[%dma_wait3A_125, %dma_wait3A_132] : memref<4x128xi32, #tpu.memory_space<vmem>> -> memref<1x128xi32, #tpu.memory_space<vmem>>
    %dma_wait3A_134 = tpu.memref_squeeze %dma_wait3A_133 : memref<1x128xi32, #tpu.memory_space<vmem>> -> memref<128xi32, #tpu.memory_space<vmem>>
    %dma_wait3A_135 = arith.constant 0 : i32
    %dma_wait3A_136 = tpu.memref_slice %arg4[%add3A, %dma_wait3A_124, %dma_wait3A_135] : memref<32x80x128xi32, #tpu.memory_space<hbm>> -> memref<1x1x128xi32, #tpu.memory_space<hbm>>
    %dma_wait3A_137 = tpu.memref_squeeze %dma_wait3A_136 : memref<1x1x128xi32, #tpu.memory_space<hbm>> -> memref<128xi32, #tpu.memory_space<hbm>>
    tpu.wait_dma2 semaphore(%arg19 : memref<!tpu.dma_semaphore, #tpu.memory_space<semaphore_mem>>) src(%dma_wait3A_137 : memref<128xi32, #tpu.memory_space<hbm>>) dst(%dma_wait3A_134 : memref<128xi32, #tpu.memory_space<vmem>>)
    %dma_wait3A_138 = arith.constant 79 : i32
    %dma_wait3A_139 = arith.constant 3 : i32
    %dma_wait3A_140 = arith.constant 0 : i32
    %dma_wait3A_141 = tpu.memref_slice %arg11[%dma_wait3A_139, %dma_wait3A_140] : memref<4x128xi32, #tpu.memory_space<vmem>> -> memref<1x128xi32, #tpu.memory_space<vmem>>
    %dma_wait3A_142 = tpu.memref_squeeze %dma_wait3A_141 : memref<1x128xi32, #tpu.memory_space<vmem>> -> memref<128xi32, #tpu.memory_space<vmem>>
    %dma_wait3A_143 = arith.constant 0 : i32
    %dma_wait3A_144 = tpu.memref_slice %arg4[%add3A, %dma_wait3A_138, %dma_wait3A_143] : memref<32x80x128xi32, #tpu.memory_space<hbm>> -> memref<1x1x128xi32, #tpu.memory_space<hbm>>
    %dma_wait3A_145 = tpu.memref_squeeze %dma_wait3A_144 : memref<1x1x128xi32, #tpu.memory_space<hbm>> -> memref<128xi32, #tpu.memory_space<hbm>>
    %dma_wait3A_146 = arith.constant 0 : i32
    %dma_wait3A_147 = tpu.memref_slice %arg11[%dma_wait3A_139, %dma_wait3A_146] : memref<4x128xi32, #tpu.memory_space<vmem>> -> memref<1x128xi32, #tpu.memory_space<vmem>>
    %dma_wait3A_148 = tpu.memref_squeeze %dma_wait3A_147 : memref<1x128xi32, #tpu.memory_space<vmem>> -> memref<128xi32, #tpu.memory_space<vmem>>
    %dma_wait3A_149 = arith.constant 0 : i32
    %dma_wait3A_150 = tpu.memref_slice %arg4[%add3A, %dma_wait3A_138, %dma_wait3A_149] : memref<32x80x128xi32, #tpu.memory_space<hbm>> -> memref<1x1x128xi32, #tpu.memory_space<hbm>>
    %dma_wait3A_151 = tpu.memref_squeeze %dma_wait3A_150 : memref<1x1x128xi32, #tpu.memory_space<hbm>> -> memref<128xi32, #tpu.memory_space<hbm>>
    tpu.wait_dma2 semaphore(%arg20 : memref<!tpu.dma_semaphore, #tpu.memory_space<semaphore_mem>>) src(%dma_wait3A_151 : memref<128xi32, #tpu.memory_space<hbm>>) dst(%dma_wait3A_148 : memref<128xi32, #tpu.memory_space<vmem>>)
    %barrier3A_152 = arith.constant 0 : index
    tpu.barrier barrier_id(%barrier3A_152)
    %mul3A_153 = arith.constant 640 : i32
    %mul3A_154 = arith.muli %arg1, %mul3A_153 : i32
    %mul3A_155 = arith.constant 640 : i32
    %mul3A_156 = arith.muli %arg1, %mul3A_155 : i32
    "tpu.region"() ({
      %run_scoped3A = tpu.sem_alloc : memref<!tpu.dma_semaphore, #tpu.memory_space<semaphore_mem>>
      %dma_start3A_161 = arith.constant 0 : i32
      %dma_start3A_162 = tpu.memref_slice %arg8[%arg0, %mul3A_156, %dma_start3A_161] : memref<2x10240x128xf32, #tpu.memory_space<hbm>> -> memref<1x640x128xf32, #tpu.memory_space<hbm>>
      %dma_start3A_163 = tpu.memref_squeeze %dma_start3A_162 : memref<1x640x128xf32, #tpu.memory_space<hbm>> -> memref<640x128xf32, #tpu.memory_space<hbm>>
      %dma_start3A_164 = arith.constant 0 : i32
      %dma_start3A_165 = tpu.memref_slice %arg14[%mul3A_154, %dma_start3A_164] : memref<10240x128xf32, #tpu.memory_space<vmem_shared>> -> memref<640x128xf32, #tpu.memory_space<vmem_shared>>
      tpu.enqueue_dma source(%dma_start3A_165 : memref<640x128xf32, #tpu.memory_space<vmem_shared>>) target(%dma_start3A_163 : memref<640x128xf32, #tpu.memory_space<hbm>>) target_semaphore(%run_scoped3A : memref<!tpu.dma_semaphore, #tpu.memory_space<semaphore_mem>>)
      %dma_wait3A_166 = arith.constant 0 : i32
      %dma_wait3A_167 = tpu.memref_slice %arg8[%arg0, %mul3A_156, %dma_wait3A_166] : memref<2x10240x128xf32, #tpu.memory_space<hbm>> -> memref<1x640x128xf32, #tpu.memory_space<hbm>>
      %dma_wait3A_168 = tpu.memref_squeeze %dma_wait3A_167 : memref<1x640x128xf32, #tpu.memory_space<hbm>> -> memref<640x128xf32, #tpu.memory_space<hbm>>
      %dma_wait3A_169 = arith.constant 0 : i32
      %dma_wait3A_170 = tpu.memref_slice %arg14[%mul3A_154, %dma_wait3A_169] : memref<10240x128xf32, #tpu.memory_space<vmem_shared>> -> memref<640x128xf32, #tpu.memory_space<vmem_shared>>
      tpu.wait_dma2 semaphore(%run_scoped3A : memref<!tpu.dma_semaphore, #tpu.memory_space<semaphore_mem>>) src(%dma_wait3A_170 : memref<640x128xf32, #tpu.memory_space<vmem_shared>>) dst(%dma_wait3A_168 : memref<640x128xf32, #tpu.memory_space<hbm>>)
      tpu.yield
    }) : () -> ()
    %mul3A_157 = arith.constant 640 : i32
    %mul3A_158 = arith.muli %arg1, %mul3A_157 : i32
    %mul3A_159 = arith.constant 640 : i32
    %mul3A_160 = arith.muli %arg1, %mul3A_159 : i32
    "tpu.region"() ({
      %run_scoped3A = tpu.sem_alloc : memref<!tpu.dma_semaphore, #tpu.memory_space<semaphore_mem>>
      %dma_start3A_161 = tpu.memref_slice %arg9[%arg0, %mul3A_160] : memref<2x10240xf32, #tpu.memory_space<hbm>> -> memref<1x640xf32, #tpu.memory_space<hbm>>
      %dma_start3A_162 = tpu.memref_squeeze %dma_start3A_161 : memref<1x640xf32, #tpu.memory_space<hbm>> -> memref<640xf32, #tpu.memory_space<hbm>>
      %dma_start3A_163 = tpu.memref_slice %arg22[%mul3A_158] : memref<10240xf32, #tpu.memory_space<vmem_shared>> -> memref<640xf32, #tpu.memory_space<vmem_shared>>
      tpu.enqueue_dma source(%dma_start3A_163 : memref<640xf32, #tpu.memory_space<vmem_shared>>) target(%dma_start3A_162 : memref<640xf32, #tpu.memory_space<hbm>>) target_semaphore(%run_scoped3A : memref<!tpu.dma_semaphore, #tpu.memory_space<semaphore_mem>>)
      %dma_wait3A_164 = tpu.memref_slice %arg9[%arg0, %mul3A_160] : memref<2x10240xf32, #tpu.memory_space<hbm>> -> memref<1x640xf32, #tpu.memory_space<hbm>>
      %dma_wait3A_165 = tpu.memref_squeeze %dma_wait3A_164 : memref<1x640xf32, #tpu.memory_space<hbm>> -> memref<640xf32, #tpu.memory_space<hbm>>
      %dma_wait3A_166 = tpu.memref_slice %arg22[%mul3A_158] : memref<10240xf32, #tpu.memory_space<vmem_shared>> -> memref<640xf32, #tpu.memory_space<vmem_shared>>
      tpu.wait_dma2 semaphore(%run_scoped3A : memref<!tpu.dma_semaphore, #tpu.memory_space<semaphore_mem>>) src(%dma_wait3A_166 : memref<640xf32, #tpu.memory_space<vmem_shared>>) dst(%dma_wait3A_165 : memref<640xf32, #tpu.memory_space<hbm>>)
      tpu.yield
    }) : () -> ()
    return
  }
}

#map = affine_map<(d0, d1) -> (0)>
#map1 = affine_map<(d0, d1) -> (0, 0, 0)>
#map2 = affine_map<(d0, d1) -> (0, 0)>
module attributes {stable_mosaic.version = 14 : i64} {
  func.func @body(%arg0: i32, %arg1: i32, %arg2: memref<10000xf32, #tpu.memory_space<hbm>>, %arg3: memref<32x80x128xi32, #tpu.memory_space<hbm>>, %arg4: memref<32x80x128xi32, #tpu.memory_space<hbm>>, %arg5: memref<10240xf32, #tpu.memory_space<hbm>>, %arg6: memref<2x10240xf32, #tpu.memory_space<hbm>>, %arg7: memref<80x128xi32, #tpu.memory_space<vmem>>, %arg8: memref<4x128xi32, #tpu.memory_space<vmem>>, %arg9: memref<128xf32, #tpu.memory_space<vmem>>, %arg10: memref<128xf32, #tpu.memory_space<vmem>>, %arg11: memref<128xf32, #tpu.memory_space<vmem>>, %arg12: memref<128xf32, #tpu.memory_space<vmem>>, %arg13: memref<10240xf32, #tpu.memory_space<vmem_shared>>, %arg14: memref<!tpu.dma_semaphore, #tpu.memory_space<semaphore_mem>>, %arg15: memref<!tpu.dma_semaphore, #tpu.memory_space<semaphore_mem>>, %arg16: memref<!tpu.dma_semaphore, #tpu.memory_space<semaphore_mem>>, %arg17: memref<!tpu.dma_semaphore, #tpu.memory_space<semaphore_mem>>, %arg18: memref<!tpu.dma_semaphore, #tpu.memory_space<semaphore_mem>>, %arg19: memref<!tpu.dma_semaphore, #tpu.memory_space<semaphore_mem>>, %arg20: memref<!tpu.dma_semaphore, #tpu.memory_space<semaphore_mem>>, %arg21: memref<!tpu.dma_semaphore, #tpu.memory_space<semaphore_mem>>) attributes {dimension_semantics = [#tpu.dimension_semantics<core_parallel>, #tpu.dimension_semantics<subcore_parallel>], iteration_bounds = array<i64: 2, 16>, scalar_prefetch = 0 : i64, scratch_operands = 15 : i64, tpu.core_type = #tpu.core_type<sc_vector_subcore>, window_params = [{transform_indices = #map}, {transform_indices = #map1}, {transform_indices = #map1}, {transform_indices = #map}, {transform_indices = #map2}]} {
    %mul3A = arith.constant 2 : i32
    %mul3A_0 = arith.muli %arg1, %mul3A : i32
    %add3A = arith.addi %mul3A_0, %arg0 : i32
    "tpu.region"() ({
      %run_scoped3A = tpu.sem_alloc : memref<!tpu.dma_semaphore, #tpu.memory_space<semaphore_mem>>
      %dma_start3A_173 = arith.constant 0 : i32
      %dma_start3A_174 = arith.constant 0 : i32
      %dma_start3A_175 = tpu.memref_slice %arg3[%add3A, %dma_start3A_173, %dma_start3A_174] : memref<32x80x128xi32, #tpu.memory_space<hbm>> -> memref<1x80x128xi32, #tpu.memory_space<hbm>>
      %dma_start3A_176 = tpu.memref_squeeze %dma_start3A_175 : memref<1x80x128xi32, #tpu.memory_space<hbm>> -> memref<80x128xi32, #tpu.memory_space<hbm>>
      %dma_start3A_177 = arith.constant 0 : i32
      %dma_start3A_178 = arith.constant 0 : i32
      %dma_start3A_179 = tpu.memref_slice %arg3[%add3A, %dma_start3A_177, %dma_start3A_178] : memref<32x80x128xi32, #tpu.memory_space<hbm>> -> memref<1x80x128xi32, #tpu.memory_space<hbm>>
      %dma_start3A_180 = tpu.memref_squeeze %dma_start3A_179 : memref<1x80x128xi32, #tpu.memory_space<hbm>> -> memref<80x128xi32, #tpu.memory_space<hbm>>
      tpu.enqueue_dma source(%dma_start3A_180 : memref<80x128xi32, #tpu.memory_space<hbm>>) target(%arg7 : memref<80x128xi32, #tpu.memory_space<vmem>>) target_semaphore(%run_scoped3A : memref<!tpu.dma_semaphore, #tpu.memory_space<semaphore_mem>>)
      %dma_wait3A_181 = arith.constant 0 : i32
      %dma_wait3A_182 = arith.constant 0 : i32
      %dma_wait3A_183 = tpu.memref_slice %arg3[%add3A, %dma_wait3A_181, %dma_wait3A_182] : memref<32x80x128xi32, #tpu.memory_space<hbm>> -> memref<1x80x128xi32, #tpu.memory_space<hbm>>
      %dma_wait3A_184 = tpu.memref_squeeze %dma_wait3A_183 : memref<1x80x128xi32, #tpu.memory_space<hbm>> -> memref<80x128xi32, #tpu.memory_space<hbm>>
      %dma_wait3A_185 = arith.constant 0 : i32
      %dma_wait3A_186 = arith.constant 0 : i32
      %dma_wait3A_187 = tpu.memref_slice %arg3[%add3A, %dma_wait3A_185, %dma_wait3A_186] : memref<32x80x128xi32, #tpu.memory_space<hbm>> -> memref<1x80x128xi32, #tpu.memory_space<hbm>>
      %dma_wait3A_188 = tpu.memref_squeeze %dma_wait3A_187 : memref<1x80x128xi32, #tpu.memory_space<hbm>> -> memref<80x128xi32, #tpu.memory_space<hbm>>
      tpu.wait_dma2 semaphore(%run_scoped3A : memref<!tpu.dma_semaphore, #tpu.memory_space<semaphore_mem>>) src(%dma_wait3A_188 : memref<80x128xi32, #tpu.memory_space<hbm>>) dst(%arg7 : memref<80x128xi32, #tpu.memory_space<vmem>>)
      tpu.yield
    }) : () -> ()
    %dma_start3A = arith.constant 0 : i32
    %dma_start3A_1 = arith.constant 0 : i32
    %dma_start3A_2 = tpu.memref_slice %arg7[%dma_start3A, %dma_start3A_1] : memref<80x128xi32, #tpu.memory_space<vmem>> -> memref<1x128xi32, #tpu.memory_space<vmem>>
    %dma_start3A_3 = tpu.memref_squeeze %dma_start3A_2 : memref<1x128xi32, #tpu.memory_space<vmem>> -> memref<128xi32, #tpu.memory_space<vmem>>
    %dma_start3A_4 = arith.constant 0 : i32
    %dma_start3A_5 = tpu.memref_slice %arg2[%dma_start3A_4] : memref<10000xf32, #tpu.memory_space<hbm>> -> memref<10000xf32, #tpu.memory_space<hbm>>
    tpu.enqueue_indirect_dma source(%dma_start3A_5 : memref<10000xf32, #tpu.memory_space<hbm>>) target(%arg9 : memref<128xf32, #tpu.memory_space<vmem>>) offsets(%dma_start3A_3 : memref<128xi32, #tpu.memory_space<vmem>>) semaphore(%arg14 : memref<!tpu.dma_semaphore, #tpu.memory_space<semaphore_mem>>)
    %dma_start3A_6 = arith.constant 1 : i32
    %dma_start3A_7 = arith.constant 0 : i32
    %dma_start3A_8 = tpu.memref_slice %arg7[%dma_start3A_6, %dma_start3A_7] : memref<80x128xi32, #tpu.memory_space<vmem>> -> memref<1x128xi32, #tpu.memory_space<vmem>>
    %dma_start3A_9 = tpu.memref_squeeze %dma_start3A_8 : memref<1x128xi32, #tpu.memory_space<vmem>> -> memref<128xi32, #tpu.memory_space<vmem>>
    %dma_start3A_10 = arith.constant 0 : i32
    %dma_start3A_11 = tpu.memref_slice %arg2[%dma_start3A_10] : memref<10000xf32, #tpu.memory_space<hbm>> -> memref<10000xf32, #tpu.memory_space<hbm>>
    tpu.enqueue_indirect_dma source(%dma_start3A_11 : memref<10000xf32, #tpu.memory_space<hbm>>) target(%arg10 : memref<128xf32, #tpu.memory_space<vmem>>) offsets(%dma_start3A_9 : memref<128xi32, #tpu.memory_space<vmem>>) semaphore(%arg15 : memref<!tpu.dma_semaphore, #tpu.memory_space<semaphore_mem>>)
    %dma_start3A_12 = arith.constant 2 : i32
    %dma_start3A_13 = arith.constant 0 : i32
    %dma_start3A_14 = tpu.memref_slice %arg7[%dma_start3A_12, %dma_start3A_13] : memref<80x128xi32, #tpu.memory_space<vmem>> -> memref<1x128xi32, #tpu.memory_space<vmem>>
    %dma_start3A_15 = tpu.memref_squeeze %dma_start3A_14 : memref<1x128xi32, #tpu.memory_space<vmem>> -> memref<128xi32, #tpu.memory_space<vmem>>
    %dma_start3A_16 = arith.constant 0 : i32
    %dma_start3A_17 = tpu.memref_slice %arg2[%dma_start3A_16] : memref<10000xf32, #tpu.memory_space<hbm>> -> memref<10000xf32, #tpu.memory_space<hbm>>
    tpu.enqueue_indirect_dma source(%dma_start3A_17 : memref<10000xf32, #tpu.memory_space<hbm>>) target(%arg11 : memref<128xf32, #tpu.memory_space<vmem>>) offsets(%dma_start3A_15 : memref<128xi32, #tpu.memory_space<vmem>>) semaphore(%arg16 : memref<!tpu.dma_semaphore, #tpu.memory_space<semaphore_mem>>)
    %dma_start3A_18 = arith.constant 3 : i32
    %dma_start3A_19 = arith.constant 0 : i32
    %dma_start3A_20 = tpu.memref_slice %arg7[%dma_start3A_18, %dma_start3A_19] : memref<80x128xi32, #tpu.memory_space<vmem>> -> memref<1x128xi32, #tpu.memory_space<vmem>>
    %dma_start3A_21 = tpu.memref_squeeze %dma_start3A_20 : memref<1x128xi32, #tpu.memory_space<vmem>> -> memref<128xi32, #tpu.memory_space<vmem>>
    %dma_start3A_22 = arith.constant 0 : i32
    %dma_start3A_23 = tpu.memref_slice %arg2[%dma_start3A_22] : memref<10000xf32, #tpu.memory_space<hbm>> -> memref<10000xf32, #tpu.memory_space<hbm>>
    tpu.enqueue_indirect_dma source(%dma_start3A_23 : memref<10000xf32, #tpu.memory_space<hbm>>) target(%arg12 : memref<128xf32, #tpu.memory_space<vmem>>) offsets(%dma_start3A_21 : memref<128xi32, #tpu.memory_space<vmem>>) semaphore(%arg17 : memref<!tpu.dma_semaphore, #tpu.memory_space<semaphore_mem>>)
    %dma_start3A_24 = arith.constant 0 : i32
    %dma_start3A_25 = arith.constant 0 : i32
    %dma_start3A_26 = arith.constant 0 : i32
    %dma_start3A_27 = tpu.memref_slice %arg8[%dma_start3A_25, %dma_start3A_26] : memref<4x128xi32, #tpu.memory_space<vmem>> -> memref<1x128xi32, #tpu.memory_space<vmem>>
    %dma_start3A_28 = tpu.memref_squeeze %dma_start3A_27 : memref<1x128xi32, #tpu.memory_space<vmem>> -> memref<128xi32, #tpu.memory_space<vmem>>
    %dma_start3A_29 = arith.constant 0 : i32
    %dma_start3A_30 = tpu.memref_slice %arg4[%add3A, %dma_start3A_24, %dma_start3A_29] : memref<32x80x128xi32, #tpu.memory_space<hbm>> -> memref<1x1x128xi32, #tpu.memory_space<hbm>>
    %dma_start3A_31 = tpu.memref_squeeze %dma_start3A_30 : memref<1x1x128xi32, #tpu.memory_space<hbm>> -> memref<128xi32, #tpu.memory_space<hbm>>
    %dma_start3A_32 = arith.constant 0 : i32
    %dma_start3A_33 = tpu.memref_slice %arg8[%dma_start3A_25, %dma_start3A_32] : memref<4x128xi32, #tpu.memory_space<vmem>> -> memref<1x128xi32, #tpu.memory_space<vmem>>
    %dma_start3A_34 = tpu.memref_squeeze %dma_start3A_33 : memref<1x128xi32, #tpu.memory_space<vmem>> -> memref<128xi32, #tpu.memory_space<vmem>>
    %dma_start3A_35 = arith.constant 0 : i32
    %dma_start3A_36 = tpu.memref_slice %arg4[%add3A, %dma_start3A_24, %dma_start3A_35] : memref<32x80x128xi32, #tpu.memory_space<hbm>> -> memref<1x1x128xi32, #tpu.memory_space<hbm>>
    %dma_start3A_37 = tpu.memref_squeeze %dma_start3A_36 : memref<1x1x128xi32, #tpu.memory_space<hbm>> -> memref<128xi32, #tpu.memory_space<hbm>>
    tpu.enqueue_dma source(%dma_start3A_37 : memref<128xi32, #tpu.memory_space<hbm>>) target(%dma_start3A_34 : memref<128xi32, #tpu.memory_space<vmem>>) target_semaphore(%arg18 : memref<!tpu.dma_semaphore, #tpu.memory_space<semaphore_mem>>)
    %dma_start3A_38 = arith.constant 1 : i32
    %dma_start3A_39 = arith.constant 1 : i32
    %dma_start3A_40 = arith.constant 0 : i32
    %dma_start3A_41 = tpu.memref_slice %arg8[%dma_start3A_39, %dma_start3A_40] : memref<4x128xi32, #tpu.memory_space<vmem>> -> memref<1x128xi32, #tpu.memory_space<vmem>>
    %dma_start3A_42 = tpu.memref_squeeze %dma_start3A_41 : memref<1x128xi32, #tpu.memory_space<vmem>> -> memref<128xi32, #tpu.memory_space<vmem>>
    %dma_start3A_43 = arith.constant 0 : i32
    %dma_start3A_44 = tpu.memref_slice %arg4[%add3A, %dma_start3A_38, %dma_start3A_43] : memref<32x80x128xi32, #tpu.memory_space<hbm>> -> memref<1x1x128xi32, #tpu.memory_space<hbm>>
    %dma_start3A_45 = tpu.memref_squeeze %dma_start3A_44 : memref<1x1x128xi32, #tpu.memory_space<hbm>> -> memref<128xi32, #tpu.memory_space<hbm>>
    %dma_start3A_46 = arith.constant 0 : i32
    %dma_start3A_47 = tpu.memref_slice %arg8[%dma_start3A_39, %dma_start3A_46] : memref<4x128xi32, #tpu.memory_space<vmem>> -> memref<1x128xi32, #tpu.memory_space<vmem>>
    %dma_start3A_48 = tpu.memref_squeeze %dma_start3A_47 : memref<1x128xi32, #tpu.memory_space<vmem>> -> memref<128xi32, #tpu.memory_space<vmem>>
    %dma_start3A_49 = arith.constant 0 : i32
    %dma_start3A_50 = tpu.memref_slice %arg4[%add3A, %dma_start3A_38, %dma_start3A_49] : memref<32x80x128xi32, #tpu.memory_space<hbm>> -> memref<1x1x128xi32, #tpu.memory_space<hbm>>
    %dma_start3A_51 = tpu.memref_squeeze %dma_start3A_50 : memref<1x1x128xi32, #tpu.memory_space<hbm>> -> memref<128xi32, #tpu.memory_space<hbm>>
    tpu.enqueue_dma source(%dma_start3A_51 : memref<128xi32, #tpu.memory_space<hbm>>) target(%dma_start3A_48 : memref<128xi32, #tpu.memory_space<vmem>>) target_semaphore(%arg19 : memref<!tpu.dma_semaphore, #tpu.memory_space<semaphore_mem>>)
    %dma_start3A_52 = arith.constant 2 : i32
    %dma_start3A_53 = arith.constant 2 : i32
    %dma_start3A_54 = arith.constant 0 : i32
    %dma_start3A_55 = tpu.memref_slice %arg8[%dma_start3A_53, %dma_start3A_54] : memref<4x128xi32, #tpu.memory_space<vmem>> -> memref<1x128xi32, #tpu.memory_space<vmem>>
    %dma_start3A_56 = tpu.memref_squeeze %dma_start3A_55 : memref<1x128xi32, #tpu.memory_space<vmem>> -> memref<128xi32, #tpu.memory_space<vmem>>
    %dma_start3A_57 = arith.constant 0 : i32
    %dma_start3A_58 = tpu.memref_slice %arg4[%add3A, %dma_start3A_52, %dma_start3A_57] : memref<32x80x128xi32, #tpu.memory_space<hbm>> -> memref<1x1x128xi32, #tpu.memory_space<hbm>>
    %dma_start3A_59 = tpu.memref_squeeze %dma_start3A_58 : memref<1x1x128xi32, #tpu.memory_space<hbm>> -> memref<128xi32, #tpu.memory_space<hbm>>
    %dma_start3A_60 = arith.constant 0 : i32
    %dma_start3A_61 = tpu.memref_slice %arg8[%dma_start3A_53, %dma_start3A_60] : memref<4x128xi32, #tpu.memory_space<vmem>> -> memref<1x128xi32, #tpu.memory_space<vmem>>
    %dma_start3A_62 = tpu.memref_squeeze %dma_start3A_61 : memref<1x128xi32, #tpu.memory_space<vmem>> -> memref<128xi32, #tpu.memory_space<vmem>>
    %dma_start3A_63 = arith.constant 0 : i32
    %dma_start3A_64 = tpu.memref_slice %arg4[%add3A, %dma_start3A_52, %dma_start3A_63] : memref<32x80x128xi32, #tpu.memory_space<hbm>> -> memref<1x1x128xi32, #tpu.memory_space<hbm>>
    %dma_start3A_65 = tpu.memref_squeeze %dma_start3A_64 : memref<1x1x128xi32, #tpu.memory_space<hbm>> -> memref<128xi32, #tpu.memory_space<hbm>>
    tpu.enqueue_dma source(%dma_start3A_65 : memref<128xi32, #tpu.memory_space<hbm>>) target(%dma_start3A_62 : memref<128xi32, #tpu.memory_space<vmem>>) target_semaphore(%arg20 : memref<!tpu.dma_semaphore, #tpu.memory_space<semaphore_mem>>)
    %dma_start3A_66 = arith.constant 3 : i32
    %dma_start3A_67 = arith.constant 3 : i32
    %dma_start3A_68 = arith.constant 0 : i32
    %dma_start3A_69 = tpu.memref_slice %arg8[%dma_start3A_67, %dma_start3A_68] : memref<4x128xi32, #tpu.memory_space<vmem>> -> memref<1x128xi32, #tpu.memory_space<vmem>>
    %dma_start3A_70 = tpu.memref_squeeze %dma_start3A_69 : memref<1x128xi32, #tpu.memory_space<vmem>> -> memref<128xi32, #tpu.memory_space<vmem>>
    %dma_start3A_71 = arith.constant 0 : i32
    %dma_start3A_72 = tpu.memref_slice %arg4[%add3A, %dma_start3A_66, %dma_start3A_71] : memref<32x80x128xi32, #tpu.memory_space<hbm>> -> memref<1x1x128xi32, #tpu.memory_space<hbm>>
    %dma_start3A_73 = tpu.memref_squeeze %dma_start3A_72 : memref<1x1x128xi32, #tpu.memory_space<hbm>> -> memref<128xi32, #tpu.memory_space<hbm>>
    %dma_start3A_74 = arith.constant 0 : i32
    %dma_start3A_75 = tpu.memref_slice %arg8[%dma_start3A_67, %dma_start3A_74] : memref<4x128xi32, #tpu.memory_space<vmem>> -> memref<1x128xi32, #tpu.memory_space<vmem>>
    %dma_start3A_76 = tpu.memref_squeeze %dma_start3A_75 : memref<1x128xi32, #tpu.memory_space<vmem>> -> memref<128xi32, #tpu.memory_space<vmem>>
    %dma_start3A_77 = arith.constant 0 : i32
    %dma_start3A_78 = tpu.memref_slice %arg4[%add3A, %dma_start3A_66, %dma_start3A_77] : memref<32x80x128xi32, #tpu.memory_space<hbm>> -> memref<1x1x128xi32, #tpu.memory_space<hbm>>
    %dma_start3A_79 = tpu.memref_squeeze %dma_start3A_78 : memref<1x1x128xi32, #tpu.memory_space<hbm>> -> memref<128xi32, #tpu.memory_space<hbm>>
    tpu.enqueue_dma source(%dma_start3A_79 : memref<128xi32, #tpu.memory_space<hbm>>) target(%dma_start3A_76 : memref<128xi32, #tpu.memory_space<vmem>>) target_semaphore(%arg21 : memref<!tpu.dma_semaphore, #tpu.memory_space<semaphore_mem>>)
    %mul3A_80 = arith.constant 640 : i32
    %mul3A_81 = arith.muli %arg1, %mul3A_80 : i32
    %mul3A_82 = arith.constant 640 : i32
    %mul3A_83 = arith.muli %arg1, %mul3A_82 : i32
    "tpu.region"() ({
      %run_scoped3A = tpu.sem_alloc : memref<!tpu.dma_semaphore, #tpu.memory_space<semaphore_mem>>
      %dma_start3A_173 = tpu.memref_slice %arg13[%mul3A_83] : memref<10240xf32, #tpu.memory_space<vmem_shared>> -> memref<640xf32, #tpu.memory_space<vmem_shared>>
      %dma_start3A_174 = tpu.memref_slice %arg5[%mul3A_81] : memref<10240xf32, #tpu.memory_space<hbm>> -> memref<640xf32, #tpu.memory_space<hbm>>
      tpu.enqueue_dma source(%dma_start3A_174 : memref<640xf32, #tpu.memory_space<hbm>>) target(%dma_start3A_173 : memref<640xf32, #tpu.memory_space<vmem_shared>>) target_semaphore(%run_scoped3A : memref<!tpu.dma_semaphore, #tpu.memory_space<semaphore_mem>>)
      %dma_wait3A_175 = tpu.memref_slice %arg13[%mul3A_83] : memref<10240xf32, #tpu.memory_space<vmem_shared>> -> memref<640xf32, #tpu.memory_space<vmem_shared>>
      %dma_wait3A_176 = tpu.memref_slice %arg5[%mul3A_81] : memref<10240xf32, #tpu.memory_space<hbm>> -> memref<640xf32, #tpu.memory_space<hbm>>
      tpu.wait_dma2 semaphore(%run_scoped3A : memref<!tpu.dma_semaphore, #tpu.memory_space<semaphore_mem>>) src(%dma_wait3A_176 : memref<640xf32, #tpu.memory_space<hbm>>) dst(%dma_wait3A_175 : memref<640xf32, #tpu.memory_space<vmem_shared>>)
      tpu.yield
    }) : () -> ()
    %barrier3A = arith.constant 0 : index
    tpu.barrier barrier_id(%barrier3A)
    %scan3A = arith.constant 0 : i32
    %scan3A_84 = arith.constant 0 : i32
    %scan3A_85 = arith.constant 20 : i32
    %scan3A_86 = arith.addi %scan3A_84, %scan3A_85 : i32
    %scan3A_87 = arith.constant 1 : i32
    scf.for %scan3A_173 = %scan3A_84 to %scan3A_86 step %scan3A_87  : i32 {
      %mul3A_174 = arith.constant 4 : i32
      %mul3A_175 = arith.muli %mul3A_174, %scan3A_173 : i32
      %add3A_176 = arith.constant 0 : i32
      %add3A_177 = arith.addi %mul3A_175, %add3A_176 : i32
      %dma_wait3A_178 = arith.constant 0 : i32
      %dma_wait3A_179 = tpu.memref_slice %arg7[%add3A_177, %dma_wait3A_178] : memref<80x128xi32, #tpu.memory_space<vmem>> -> memref<1x128xi32, #tpu.memory_space<vmem>>
      %dma_wait3A_180 = tpu.memref_squeeze %dma_wait3A_179 : memref<1x128xi32, #tpu.memory_space<vmem>> -> memref<128xi32, #tpu.memory_space<vmem>>
      %dma_wait3A_181 = arith.constant 0 : i32
      %dma_wait3A_182 = tpu.memref_slice %arg2[%dma_wait3A_181] : memref<10000xf32, #tpu.memory_space<hbm>> -> memref<10000xf32, #tpu.memory_space<hbm>>
      tpu.wait_indirect_dma semaphore(%arg14 : memref<!tpu.dma_semaphore, #tpu.memory_space<semaphore_mem>>) src(%dma_wait3A_182 : memref<10000xf32, #tpu.memory_space<hbm>>) dst(%arg9 : memref<128xf32, #tpu.memory_space<vmem>>)
      %dma_wait3A_183 = arith.constant 0 : i32
      %dma_wait3A_184 = arith.constant 0 : i32
      %dma_wait3A_185 = tpu.memref_slice %arg8[%dma_wait3A_183, %dma_wait3A_184] : memref<4x128xi32, #tpu.memory_space<vmem>> -> memref<1x128xi32, #tpu.memory_space<vmem>>
      %dma_wait3A_186 = tpu.memref_squeeze %dma_wait3A_185 : memref<1x128xi32, #tpu.memory_space<vmem>> -> memref<128xi32, #tpu.memory_space<vmem>>
      %dma_wait3A_187 = arith.constant 0 : i32
      %dma_wait3A_188 = tpu.memref_slice %arg4[%add3A, %add3A_177, %dma_wait3A_187] : memref<32x80x128xi32, #tpu.memory_space<hbm>> -> memref<1x1x128xi32, #tpu.memory_space<hbm>>
      %dma_wait3A_189 = tpu.memref_squeeze %dma_wait3A_188 : memref<1x1x128xi32, #tpu.memory_space<hbm>> -> memref<128xi32, #tpu.memory_space<hbm>>
      %dma_wait3A_190 = arith.constant 0 : i32
      %dma_wait3A_191 = tpu.memref_slice %arg8[%dma_wait3A_183, %dma_wait3A_190] : memref<4x128xi32, #tpu.memory_space<vmem>> -> memref<1x128xi32, #tpu.memory_space<vmem>>
      %dma_wait3A_192 = tpu.memref_squeeze %dma_wait3A_191 : memref<1x128xi32, #tpu.memory_space<vmem>> -> memref<128xi32, #tpu.memory_space<vmem>>
      %dma_wait3A_193 = arith.constant 0 : i32
      %dma_wait3A_194 = tpu.memref_slice %arg4[%add3A, %add3A_177, %dma_wait3A_193] : memref<32x80x128xi32, #tpu.memory_space<hbm>> -> memref<1x1x128xi32, #tpu.memory_space<hbm>>
      %dma_wait3A_195 = tpu.memref_squeeze %dma_wait3A_194 : memref<1x1x128xi32, #tpu.memory_space<hbm>> -> memref<128xi32, #tpu.memory_space<hbm>>
      tpu.wait_dma2 semaphore(%arg18 : memref<!tpu.dma_semaphore, #tpu.memory_space<semaphore_mem>>) src(%dma_wait3A_195 : memref<128xi32, #tpu.memory_space<hbm>>) dst(%dma_wait3A_192 : memref<128xi32, #tpu.memory_space<vmem>>)
      %run_scoped3A = arith.constant 0 : i32
      "tpu.region"() ({
        %run_scoped3A_362 = tpu.sem_alloc : memref<!tpu.dma_semaphore, #tpu.memory_space<semaphore_mem>>
        %dma_start3A_363 = arith.constant 0 : i32
        %dma_start3A_364 = tpu.memref_slice %arg8[%run_scoped3A, %dma_start3A_363] : memref<4x128xi32, #tpu.memory_space<vmem>> -> memref<1x128xi32, #tpu.memory_space<vmem>>
        %dma_start3A_365 = tpu.memref_squeeze %dma_start3A_364 : memref<1x128xi32, #tpu.memory_space<vmem>> -> memref<128xi32, #tpu.memory_space<vmem>>
        %dma_start3A_366 = arith.constant 0 : i32
        %dma_start3A_367 = tpu.memref_slice %arg13[%dma_start3A_366] : memref<10240xf32, #tpu.memory_space<vmem_shared>> -> memref<10240xf32, #tpu.memory_space<vmem_shared>>
        tpu.enqueue_indirect_dma source(%arg9 : memref<128xf32, #tpu.memory_space<vmem>>) target(%dma_start3A_367 : memref<10240xf32, #tpu.memory_space<vmem_shared>>) offsets(%dma_start3A_365 : memref<128xi32, #tpu.memory_space<vmem>>) semaphore(%run_scoped3A_362 : memref<!tpu.dma_semaphore, #tpu.memory_space<semaphore_mem>>) {add = true}
        %dma_wait3A_368 = arith.constant 0 : i32
        %dma_wait3A_369 = tpu.memref_slice %arg8[%run_scoped3A, %dma_wait3A_368] : memref<4x128xi32, #tpu.memory_space<vmem>> -> memref<1x128xi32, #tpu.memory_space<vmem>>
        %dma_wait3A_370 = tpu.memref_squeeze %dma_wait3A_369 : memref<1x128xi32, #tpu.memory_space<vmem>> -> memref<128xi32, #tpu.memory_space<vmem>>
        %dma_wait3A_371 = arith.constant 0 : i32
        %dma_wait3A_372 = tpu.memref_slice %arg13[%dma_wait3A_371] : memref<10240xf32, #tpu.memory_space<vmem_shared>> -> memref<10240xf32, #tpu.memory_space<vmem_shared>>
        tpu.wait_indirect_dma semaphore(%run_scoped3A_362 : memref<!tpu.dma_semaphore, #tpu.memory_space<semaphore_mem>>) src(%arg9 : memref<128xf32, #tpu.memory_space<vmem>>) dst(%dma_wait3A_372 : memref<10240xf32, #tpu.memory_space<vmem_shared>>)
        tpu.yield
      }) : () -> ()
      %add3A_196 = arith.constant 4 : i32
      %add3A_197 = arith.addi %add3A_177, %add3A_196 : i32
      %min3A = arith.constant 79 : i32
      %min3A_198 = arith.minsi %add3A_197, %min3A : i32
      %dma_start3A_199 = arith.constant 0 : i32
      %dma_start3A_200 = tpu.memref_slice %arg7[%min3A_198, %dma_start3A_199] : memref<80x128xi32, #tpu.memory_space<vmem>> -> memref<1x128xi32, #tpu.memory_space<vmem>>
      %dma_start3A_201 = tpu.memref_squeeze %dma_start3A_200 : memref<1x128xi32, #tpu.memory_space<vmem>> -> memref<128xi32, #tpu.memory_space<vmem>>
      %dma_start3A_202 = arith.constant 0 : i32
      %dma_start3A_203 = tpu.memref_slice %arg2[%dma_start3A_202] : memref<10000xf32, #tpu.memory_space<hbm>> -> memref<10000xf32, #tpu.memory_space<hbm>>
      tpu.enqueue_indirect_dma source(%dma_start3A_203 : memref<10000xf32, #tpu.memory_space<hbm>>) target(%arg9 : memref<128xf32, #tpu.memory_space<vmem>>) offsets(%dma_start3A_201 : memref<128xi32, #tpu.memory_space<vmem>>) semaphore(%arg14 : memref<!tpu.dma_semaphore, #tpu.memory_space<semaphore_mem>>)
      %add3A_204 = arith.constant 4 : i32
      %add3A_205 = arith.addi %add3A_177, %add3A_204 : i32
      %min3A_206 = arith.constant 79 : i32
      %min3A_207 = arith.minsi %add3A_205, %min3A_206 : i32
      %dma_start3A_208 = arith.constant 0 : i32
      %dma_start3A_209 = arith.constant 0 : i32
      %dma_start3A_210 = tpu.memref_slice %arg8[%dma_start3A_208, %dma_start3A_209] : memref<4x128xi32, #tpu.memory_space<vmem>> -> memref<1x128xi32, #tpu.memory_space<vmem>>
      %dma_start3A_211 = tpu.memref_squeeze %dma_start3A_210 : memref<1x128xi32, #tpu.memory_space<vmem>> -> memref<128xi32, #tpu.memory_space<vmem>>
      %dma_start3A_212 = arith.constant 0 : i32
      %dma_start3A_213 = tpu.memref_slice %arg4[%add3A, %min3A_207, %dma_start3A_212] : memref<32x80x128xi32, #tpu.memory_space<hbm>> -> memref<1x1x128xi32, #tpu.memory_space<hbm>>
      %dma_start3A_214 = tpu.memref_squeeze %dma_start3A_213 : memref<1x1x128xi32, #tpu.memory_space<hbm>> -> memref<128xi32, #tpu.memory_space<hbm>>
      %dma_start3A_215 = arith.constant 0 : i32
      %dma_start3A_216 = tpu.memref_slice %arg8[%dma_start3A_208, %dma_start3A_215] : memref<4x128xi32, #tpu.memory_space<vmem>> -> memref<1x128xi32, #tpu.memory_space<vmem>>
      %dma_start3A_217 = tpu.memref_squeeze %dma_start3A_216 : memref<1x128xi32, #tpu.memory_space<vmem>> -> memref<128xi32, #tpu.memory_space<vmem>>
      %dma_start3A_218 = arith.constant 0 : i32
      %dma_start3A_219 = tpu.memref_slice %arg4[%add3A, %min3A_207, %dma_start3A_218] : memref<32x80x128xi32, #tpu.memory_space<hbm>> -> memref<1x1x128xi32, #tpu.memory_space<hbm>>
      %dma_start3A_220 = tpu.memref_squeeze %dma_start3A_219 : memref<1x1x128xi32, #tpu.memory_space<hbm>> -> memref<128xi32, #tpu.memory_space<hbm>>
      tpu.enqueue_dma source(%dma_start3A_220 : memref<128xi32, #tpu.memory_space<hbm>>) target(%dma_start3A_217 : memref<128xi32, #tpu.memory_space<vmem>>) target_semaphore(%arg18 : memref<!tpu.dma_semaphore, #tpu.memory_space<semaphore_mem>>)
      %add3A_221 = arith.constant 1 : i32
      %add3A_222 = arith.addi %mul3A_175, %add3A_221 : i32
      %dma_wait3A_223 = arith.constant 0 : i32
      %dma_wait3A_224 = tpu.memref_slice %arg7[%add3A_222, %dma_wait3A_223] : memref<80x128xi32, #tpu.memory_space<vmem>> -> memref<1x128xi32, #tpu.memory_space<vmem>>
      %dma_wait3A_225 = tpu.memref_squeeze %dma_wait3A_224 : memref<1x128xi32, #tpu.memory_space<vmem>> -> memref<128xi32, #tpu.memory_space<vmem>>
      %dma_wait3A_226 = arith.constant 0 : i32
      %dma_wait3A_227 = tpu.memref_slice %arg2[%dma_wait3A_226] : memref<10000xf32, #tpu.memory_space<hbm>> -> memref<10000xf32, #tpu.memory_space<hbm>>
      tpu.wait_indirect_dma semaphore(%arg15 : memref<!tpu.dma_semaphore, #tpu.memory_space<semaphore_mem>>) src(%dma_wait3A_227 : memref<10000xf32, #tpu.memory_space<hbm>>) dst(%arg10 : memref<128xf32, #tpu.memory_space<vmem>>)
      %dma_wait3A_228 = arith.constant 1 : i32
      %dma_wait3A_229 = arith.constant 0 : i32
      %dma_wait3A_230 = tpu.memref_slice %arg8[%dma_wait3A_228, %dma_wait3A_229] : memref<4x128xi32, #tpu.memory_space<vmem>> -> memref<1x128xi32, #tpu.memory_space<vmem>>
      %dma_wait3A_231 = tpu.memref_squeeze %dma_wait3A_230 : memref<1x128xi32, #tpu.memory_space<vmem>> -> memref<128xi32, #tpu.memory_space<vmem>>
      %dma_wait3A_232 = arith.constant 0 : i32
      %dma_wait3A_233 = tpu.memref_slice %arg4[%add3A, %add3A_222, %dma_wait3A_232] : memref<32x80x128xi32, #tpu.memory_space<hbm>> -> memref<1x1x128xi32, #tpu.memory_space<hbm>>
      %dma_wait3A_234 = tpu.memref_squeeze %dma_wait3A_233 : memref<1x1x128xi32, #tpu.memory_space<hbm>> -> memref<128xi32, #tpu.memory_space<hbm>>
      %dma_wait3A_235 = arith.constant 0 : i32
      %dma_wait3A_236 = tpu.memref_slice %arg8[%dma_wait3A_228, %dma_wait3A_235] : memref<4x128xi32, #tpu.memory_space<vmem>> -> memref<1x128xi32, #tpu.memory_space<vmem>>
      %dma_wait3A_237 = tpu.memref_squeeze %dma_wait3A_236 : memref<1x128xi32, #tpu.memory_space<vmem>> -> memref<128xi32, #tpu.memory_space<vmem>>
      %dma_wait3A_238 = arith.constant 0 : i32
      %dma_wait3A_239 = tpu.memref_slice %arg4[%add3A, %add3A_222, %dma_wait3A_238] : memref<32x80x128xi32, #tpu.memory_space<hbm>> -> memref<1x1x128xi32, #tpu.memory_space<hbm>>
      %dma_wait3A_240 = tpu.memref_squeeze %dma_wait3A_239 : memref<1x1x128xi32, #tpu.memory_space<hbm>> -> memref<128xi32, #tpu.memory_space<hbm>>
      tpu.wait_dma2 semaphore(%arg19 : memref<!tpu.dma_semaphore, #tpu.memory_space<semaphore_mem>>) src(%dma_wait3A_240 : memref<128xi32, #tpu.memory_space<hbm>>) dst(%dma_wait3A_237 : memref<128xi32, #tpu.memory_space<vmem>>)
      %run_scoped3A_241 = arith.constant 1 : i32
      "tpu.region"() ({
        %run_scoped3A_362 = tpu.sem_alloc : memref<!tpu.dma_semaphore, #tpu.memory_space<semaphore_mem>>
        %dma_start3A_363 = arith.constant 0 : i32
        %dma_start3A_364 = tpu.memref_slice %arg8[%run_scoped3A_241, %dma_start3A_363] : memref<4x128xi32, #tpu.memory_space<vmem>> -> memref<1x128xi32, #tpu.memory_space<vmem>>
        %dma_start3A_365 = tpu.memref_squeeze %dma_start3A_364 : memref<1x128xi32, #tpu.memory_space<vmem>> -> memref<128xi32, #tpu.memory_space<vmem>>
        %dma_start3A_366 = arith.constant 0 : i32
        %dma_start3A_367 = tpu.memref_slice %arg13[%dma_start3A_366] : memref<10240xf32, #tpu.memory_space<vmem_shared>> -> memref<10240xf32, #tpu.memory_space<vmem_shared>>
        tpu.enqueue_indirect_dma source(%arg10 : memref<128xf32, #tpu.memory_space<vmem>>) target(%dma_start3A_367 : memref<10240xf32, #tpu.memory_space<vmem_shared>>) offsets(%dma_start3A_365 : memref<128xi32, #tpu.memory_space<vmem>>) semaphore(%run_scoped3A_362 : memref<!tpu.dma_semaphore, #tpu.memory_space<semaphore_mem>>) {add = true}
        %dma_wait3A_368 = arith.constant 0 : i32
        %dma_wait3A_369 = tpu.memref_slice %arg8[%run_scoped3A_241, %dma_wait3A_368] : memref<4x128xi32, #tpu.memory_space<vmem>> -> memref<1x128xi32, #tpu.memory_space<vmem>>
        %dma_wait3A_370 = tpu.memref_squeeze %dma_wait3A_369 : memref<1x128xi32, #tpu.memory_space<vmem>> -> memref<128xi32, #tpu.memory_space<vmem>>
        %dma_wait3A_371 = arith.constant 0 : i32
        %dma_wait3A_372 = tpu.memref_slice %arg13[%dma_wait3A_371] : memref<10240xf32, #tpu.memory_space<vmem_shared>> -> memref<10240xf32, #tpu.memory_space<vmem_shared>>
        tpu.wait_indirect_dma semaphore(%run_scoped3A_362 : memref<!tpu.dma_semaphore, #tpu.memory_space<semaphore_mem>>) src(%arg10 : memref<128xf32, #tpu.memory_space<vmem>>) dst(%dma_wait3A_372 : memref<10240xf32, #tpu.memory_space<vmem_shared>>)
        tpu.yield
      }) : () -> ()
      %add3A_242 = arith.constant 4 : i32
      %add3A_243 = arith.addi %add3A_222, %add3A_242 : i32
      %min3A_244 = arith.constant 79 : i32
      %min3A_245 = arith.minsi %add3A_243, %min3A_244 : i32
      %dma_start3A_246 = arith.constant 0 : i32
      %dma_start3A_247 = tpu.memref_slice %arg7[%min3A_245, %dma_start3A_246] : memref<80x128xi32, #tpu.memory_space<vmem>> -> memref<1x128xi32, #tpu.memory_space<vmem>>
      %dma_start3A_248 = tpu.memref_squeeze %dma_start3A_247 : memref<1x128xi32, #tpu.memory_space<vmem>> -> memref<128xi32, #tpu.memory_space<vmem>>
      %dma_start3A_249 = arith.constant 0 : i32
      %dma_start3A_250 = tpu.memref_slice %arg2[%dma_start3A_249] : memref<10000xf32, #tpu.memory_space<hbm>> -> memref<10000xf32, #tpu.memory_space<hbm>>
      tpu.enqueue_indirect_dma source(%dma_start3A_250 : memref<10000xf32, #tpu.memory_space<hbm>>) target(%arg10 : memref<128xf32, #tpu.memory_space<vmem>>) offsets(%dma_start3A_248 : memref<128xi32, #tpu.memory_space<vmem>>) semaphore(%arg15 : memref<!tpu.dma_semaphore, #tpu.memory_space<semaphore_mem>>)
      %add3A_251 = arith.constant 4 : i32
      %add3A_252 = arith.addi %add3A_222, %add3A_251 : i32
      %min3A_253 = arith.constant 79 : i32
      %min3A_254 = arith.minsi %add3A_252, %min3A_253 : i32
      %dma_start3A_255 = arith.constant 1 : i32
      %dma_start3A_256 = arith.constant 0 : i32
      %dma_start3A_257 = tpu.memref_slice %arg8[%dma_start3A_255, %dma_start3A_256] : memref<4x128xi32, #tpu.memory_space<vmem>> -> memref<1x128xi32, #tpu.memory_space<vmem>>
      %dma_start3A_258 = tpu.memref_squeeze %dma_start3A_257 : memref<1x128xi32, #tpu.memory_space<vmem>> -> memref<128xi32, #tpu.memory_space<vmem>>
      %dma_start3A_259 = arith.constant 0 : i32
      %dma_start3A_260 = tpu.memref_slice %arg4[%add3A, %min3A_254, %dma_start3A_259] : memref<32x80x128xi32, #tpu.memory_space<hbm>> -> memref<1x1x128xi32, #tpu.memory_space<hbm>>
      %dma_start3A_261 = tpu.memref_squeeze %dma_start3A_260 : memref<1x1x128xi32, #tpu.memory_space<hbm>> -> memref<128xi32, #tpu.memory_space<hbm>>
      %dma_start3A_262 = arith.constant 0 : i32
      %dma_start3A_263 = tpu.memref_slice %arg8[%dma_start3A_255, %dma_start3A_262] : memref<4x128xi32, #tpu.memory_space<vmem>> -> memref<1x128xi32, #tpu.memory_space<vmem>>
      %dma_start3A_264 = tpu.memref_squeeze %dma_start3A_263 : memref<1x128xi32, #tpu.memory_space<vmem>> -> memref<128xi32, #tpu.memory_space<vmem>>
      %dma_start3A_265 = arith.constant 0 : i32
      %dma_start3A_266 = tpu.memref_slice %arg4[%add3A, %min3A_254, %dma_start3A_265] : memref<32x80x128xi32, #tpu.memory_space<hbm>> -> memref<1x1x128xi32, #tpu.memory_space<hbm>>
      %dma_start3A_267 = tpu.memref_squeeze %dma_start3A_266 : memref<1x1x128xi32, #tpu.memory_space<hbm>> -> memref<128xi32, #tpu.memory_space<hbm>>
      tpu.enqueue_dma source(%dma_start3A_267 : memref<128xi32, #tpu.memory_space<hbm>>) target(%dma_start3A_264 : memref<128xi32, #tpu.memory_space<vmem>>) target_semaphore(%arg19 : memref<!tpu.dma_semaphore, #tpu.memory_space<semaphore_mem>>)
      %add3A_268 = arith.constant 2 : i32
      %add3A_269 = arith.addi %mul3A_175, %add3A_268 : i32
      %dma_wait3A_270 = arith.constant 0 : i32
      %dma_wait3A_271 = tpu.memref_slice %arg7[%add3A_269, %dma_wait3A_270] : memref<80x128xi32, #tpu.memory_space<vmem>> -> memref<1x128xi32, #tpu.memory_space<vmem>>
      %dma_wait3A_272 = tpu.memref_squeeze %dma_wait3A_271 : memref<1x128xi32, #tpu.memory_space<vmem>> -> memref<128xi32, #tpu.memory_space<vmem>>
      %dma_wait3A_273 = arith.constant 0 : i32
      %dma_wait3A_274 = tpu.memref_slice %arg2[%dma_wait3A_273] : memref<10000xf32, #tpu.memory_space<hbm>> -> memref<10000xf32, #tpu.memory_space<hbm>>
      tpu.wait_indirect_dma semaphore(%arg16 : memref<!tpu.dma_semaphore, #tpu.memory_space<semaphore_mem>>) src(%dma_wait3A_274 : memref<10000xf32, #tpu.memory_space<hbm>>) dst(%arg11 : memref<128xf32, #tpu.memory_space<vmem>>)
      %dma_wait3A_275 = arith.constant 2 : i32
      %dma_wait3A_276 = arith.constant 0 : i32
      %dma_wait3A_277 = tpu.memref_slice %arg8[%dma_wait3A_275, %dma_wait3A_276] : memref<4x128xi32, #tpu.memory_space<vmem>> -> memref<1x128xi32, #tpu.memory_space<vmem>>
      %dma_wait3A_278 = tpu.memref_squeeze %dma_wait3A_277 : memref<1x128xi32, #tpu.memory_space<vmem>> -> memref<128xi32, #tpu.memory_space<vmem>>
      %dma_wait3A_279 = arith.constant 0 : i32
      %dma_wait3A_280 = tpu.memref_slice %arg4[%add3A, %add3A_269, %dma_wait3A_279] : memref<32x80x128xi32, #tpu.memory_space<hbm>> -> memref<1x1x128xi32, #tpu.memory_space<hbm>>
      %dma_wait3A_281 = tpu.memref_squeeze %dma_wait3A_280 : memref<1x1x128xi32, #tpu.memory_space<hbm>> -> memref<128xi32, #tpu.memory_space<hbm>>
      %dma_wait3A_282 = arith.constant 0 : i32
      %dma_wait3A_283 = tpu.memref_slice %arg8[%dma_wait3A_275, %dma_wait3A_282] : memref<4x128xi32, #tpu.memory_space<vmem>> -> memref<1x128xi32, #tpu.memory_space<vmem>>
      %dma_wait3A_284 = tpu.memref_squeeze %dma_wait3A_283 : memref<1x128xi32, #tpu.memory_space<vmem>> -> memref<128xi32, #tpu.memory_space<vmem>>
      %dma_wait3A_285 = arith.constant 0 : i32
      %dma_wait3A_286 = tpu.memref_slice %arg4[%add3A, %add3A_269, %dma_wait3A_285] : memref<32x80x128xi32, #tpu.memory_space<hbm>> -> memref<1x1x128xi32, #tpu.memory_space<hbm>>
      %dma_wait3A_287 = tpu.memref_squeeze %dma_wait3A_286 : memref<1x1x128xi32, #tpu.memory_space<hbm>> -> memref<128xi32, #tpu.memory_space<hbm>>
      tpu.wait_dma2 semaphore(%arg20 : memref<!tpu.dma_semaphore, #tpu.memory_space<semaphore_mem>>) src(%dma_wait3A_287 : memref<128xi32, #tpu.memory_space<hbm>>) dst(%dma_wait3A_284 : memref<128xi32, #tpu.memory_space<vmem>>)
      %run_scoped3A_288 = arith.constant 2 : i32
      "tpu.region"() ({
        %run_scoped3A_362 = tpu.sem_alloc : memref<!tpu.dma_semaphore, #tpu.memory_space<semaphore_mem>>
        %dma_start3A_363 = arith.constant 0 : i32
        %dma_start3A_364 = tpu.memref_slice %arg8[%run_scoped3A_288, %dma_start3A_363] : memref<4x128xi32, #tpu.memory_space<vmem>> -> memref<1x128xi32, #tpu.memory_space<vmem>>
        %dma_start3A_365 = tpu.memref_squeeze %dma_start3A_364 : memref<1x128xi32, #tpu.memory_space<vmem>> -> memref<128xi32, #tpu.memory_space<vmem>>
        %dma_start3A_366 = arith.constant 0 : i32
        %dma_start3A_367 = tpu.memref_slice %arg13[%dma_start3A_366] : memref<10240xf32, #tpu.memory_space<vmem_shared>> -> memref<10240xf32, #tpu.memory_space<vmem_shared>>
        tpu.enqueue_indirect_dma source(%arg11 : memref<128xf32, #tpu.memory_space<vmem>>) target(%dma_start3A_367 : memref<10240xf32, #tpu.memory_space<vmem_shared>>) offsets(%dma_start3A_365 : memref<128xi32, #tpu.memory_space<vmem>>) semaphore(%run_scoped3A_362 : memref<!tpu.dma_semaphore, #tpu.memory_space<semaphore_mem>>) {add = true}
        %dma_wait3A_368 = arith.constant 0 : i32
        %dma_wait3A_369 = tpu.memref_slice %arg8[%run_scoped3A_288, %dma_wait3A_368] : memref<4x128xi32, #tpu.memory_space<vmem>> -> memref<1x128xi32, #tpu.memory_space<vmem>>
        %dma_wait3A_370 = tpu.memref_squeeze %dma_wait3A_369 : memref<1x128xi32, #tpu.memory_space<vmem>> -> memref<128xi32, #tpu.memory_space<vmem>>
        %dma_wait3A_371 = arith.constant 0 : i32
        %dma_wait3A_372 = tpu.memref_slice %arg13[%dma_wait3A_371] : memref<10240xf32, #tpu.memory_space<vmem_shared>> -> memref<10240xf32, #tpu.memory_space<vmem_shared>>
        tpu.wait_indirect_dma semaphore(%run_scoped3A_362 : memref<!tpu.dma_semaphore, #tpu.memory_space<semaphore_mem>>) src(%arg11 : memref<128xf32, #tpu.memory_space<vmem>>) dst(%dma_wait3A_372 : memref<10240xf32, #tpu.memory_space<vmem_shared>>)
        tpu.yield
      }) : () -> ()
      %add3A_289 = arith.constant 4 : i32
      %add3A_290 = arith.addi %add3A_269, %add3A_289 : i32
      %min3A_291 = arith.constant 79 : i32
      %min3A_292 = arith.minsi %add3A_290, %min3A_291 : i32
      %dma_start3A_293 = arith.constant 0 : i32
      %dma_start3A_294 = tpu.memref_slice %arg7[%min3A_292, %dma_start3A_293] : memref<80x128xi32, #tpu.memory_space<vmem>> -> memref<1x128xi32, #tpu.memory_space<vmem>>
      %dma_start3A_295 = tpu.memref_squeeze %dma_start3A_294 : memref<1x128xi32, #tpu.memory_space<vmem>> -> memref<128xi32, #tpu.memory_space<vmem>>
      %dma_start3A_296 = arith.constant 0 : i32
      %dma_start3A_297 = tpu.memref_slice %arg2[%dma_start3A_296] : memref<10000xf32, #tpu.memory_space<hbm>> -> memref<10000xf32, #tpu.memory_space<hbm>>
      tpu.enqueue_indirect_dma source(%dma_start3A_297 : memref<10000xf32, #tpu.memory_space<hbm>>) target(%arg11 : memref<128xf32, #tpu.memory_space<vmem>>) offsets(%dma_start3A_295 : memref<128xi32, #tpu.memory_space<vmem>>) semaphore(%arg16 : memref<!tpu.dma_semaphore, #tpu.memory_space<semaphore_mem>>)
      %add3A_298 = arith.constant 4 : i32
      %add3A_299 = arith.addi %add3A_269, %add3A_298 : i32
      %min3A_300 = arith.constant 79 : i32
      %min3A_301 = arith.minsi %add3A_299, %min3A_300 : i32
      %dma_start3A_302 = arith.constant 2 : i32
      %dma_start3A_303 = arith.constant 0 : i32
      %dma_start3A_304 = tpu.memref_slice %arg8[%dma_start3A_302, %dma_start3A_303] : memref<4x128xi32, #tpu.memory_space<vmem>> -> memref<1x128xi32, #tpu.memory_space<vmem>>
      %dma_start3A_305 = tpu.memref_squeeze %dma_start3A_304 : memref<1x128xi32, #tpu.memory_space<vmem>> -> memref<128xi32, #tpu.memory_space<vmem>>
      %dma_start3A_306 = arith.constant 0 : i32
      %dma_start3A_307 = tpu.memref_slice %arg4[%add3A, %min3A_301, %dma_start3A_306] : memref<32x80x128xi32, #tpu.memory_space<hbm>> -> memref<1x1x128xi32, #tpu.memory_space<hbm>>
      %dma_start3A_308 = tpu.memref_squeeze %dma_start3A_307 : memref<1x1x128xi32, #tpu.memory_space<hbm>> -> memref<128xi32, #tpu.memory_space<hbm>>
      %dma_start3A_309 = arith.constant 0 : i32
      %dma_start3A_310 = tpu.memref_slice %arg8[%dma_start3A_302, %dma_start3A_309] : memref<4x128xi32, #tpu.memory_space<vmem>> -> memref<1x128xi32, #tpu.memory_space<vmem>>
      %dma_start3A_311 = tpu.memref_squeeze %dma_start3A_310 : memref<1x128xi32, #tpu.memory_space<vmem>> -> memref<128xi32, #tpu.memory_space<vmem>>
      %dma_start3A_312 = arith.constant 0 : i32
      %dma_start3A_313 = tpu.memref_slice %arg4[%add3A, %min3A_301, %dma_start3A_312] : memref<32x80x128xi32, #tpu.memory_space<hbm>> -> memref<1x1x128xi32, #tpu.memory_space<hbm>>
      %dma_start3A_314 = tpu.memref_squeeze %dma_start3A_313 : memref<1x1x128xi32, #tpu.memory_space<hbm>> -> memref<128xi32, #tpu.memory_space<hbm>>
      tpu.enqueue_dma source(%dma_start3A_314 : memref<128xi32, #tpu.memory_space<hbm>>) target(%dma_start3A_311 : memref<128xi32, #tpu.memory_space<vmem>>) target_semaphore(%arg20 : memref<!tpu.dma_semaphore, #tpu.memory_space<semaphore_mem>>)
      %add3A_315 = arith.constant 3 : i32
      %add3A_316 = arith.addi %mul3A_175, %add3A_315 : i32
      %dma_wait3A_317 = arith.constant 0 : i32
      %dma_wait3A_318 = tpu.memref_slice %arg7[%add3A_316, %dma_wait3A_317] : memref<80x128xi32, #tpu.memory_space<vmem>> -> memref<1x128xi32, #tpu.memory_space<vmem>>
      %dma_wait3A_319 = tpu.memref_squeeze %dma_wait3A_318 : memref<1x128xi32, #tpu.memory_space<vmem>> -> memref<128xi32, #tpu.memory_space<vmem>>
      %dma_wait3A_320 = arith.constant 0 : i32
      %dma_wait3A_321 = tpu.memref_slice %arg2[%dma_wait3A_320] : memref<10000xf32, #tpu.memory_space<hbm>> -> memref<10000xf32, #tpu.memory_space<hbm>>
      tpu.wait_indirect_dma semaphore(%arg17 : memref<!tpu.dma_semaphore, #tpu.memory_space<semaphore_mem>>) src(%dma_wait3A_321 : memref<10000xf32, #tpu.memory_space<hbm>>) dst(%arg12 : memref<128xf32, #tpu.memory_space<vmem>>)
      %dma_wait3A_322 = arith.constant 3 : i32
      %dma_wait3A_323 = arith.constant 0 : i32
      %dma_wait3A_324 = tpu.memref_slice %arg8[%dma_wait3A_322, %dma_wait3A_323] : memref<4x128xi32, #tpu.memory_space<vmem>> -> memref<1x128xi32, #tpu.memory_space<vmem>>
      %dma_wait3A_325 = tpu.memref_squeeze %dma_wait3A_324 : memref<1x128xi32, #tpu.memory_space<vmem>> -> memref<128xi32, #tpu.memory_space<vmem>>
      %dma_wait3A_326 = arith.constant 0 : i32
      %dma_wait3A_327 = tpu.memref_slice %arg4[%add3A, %add3A_316, %dma_wait3A_326] : memref<32x80x128xi32, #tpu.memory_space<hbm>> -> memref<1x1x128xi32, #tpu.memory_space<hbm>>
      %dma_wait3A_328 = tpu.memref_squeeze %dma_wait3A_327 : memref<1x1x128xi32, #tpu.memory_space<hbm>> -> memref<128xi32, #tpu.memory_space<hbm>>
      %dma_wait3A_329 = arith.constant 0 : i32
      %dma_wait3A_330 = tpu.memref_slice %arg8[%dma_wait3A_322, %dma_wait3A_329] : memref<4x128xi32, #tpu.memory_space<vmem>> -> memref<1x128xi32, #tpu.memory_space<vmem>>
      %dma_wait3A_331 = tpu.memref_squeeze %dma_wait3A_330 : memref<1x128xi32, #tpu.memory_space<vmem>> -> memref<128xi32, #tpu.memory_space<vmem>>
      %dma_wait3A_332 = arith.constant 0 : i32
      %dma_wait3A_333 = tpu.memref_slice %arg4[%add3A, %add3A_316, %dma_wait3A_332] : memref<32x80x128xi32, #tpu.memory_space<hbm>> -> memref<1x1x128xi32, #tpu.memory_space<hbm>>
      %dma_wait3A_334 = tpu.memref_squeeze %dma_wait3A_333 : memref<1x1x128xi32, #tpu.memory_space<hbm>> -> memref<128xi32, #tpu.memory_space<hbm>>
      tpu.wait_dma2 semaphore(%arg21 : memref<!tpu.dma_semaphore, #tpu.memory_space<semaphore_mem>>) src(%dma_wait3A_334 : memref<128xi32, #tpu.memory_space<hbm>>) dst(%dma_wait3A_331 : memref<128xi32, #tpu.memory_space<vmem>>)
      %run_scoped3A_335 = arith.constant 3 : i32
      "tpu.region"() ({
        %run_scoped3A_362 = tpu.sem_alloc : memref<!tpu.dma_semaphore, #tpu.memory_space<semaphore_mem>>
        %dma_start3A_363 = arith.constant 0 : i32
        %dma_start3A_364 = tpu.memref_slice %arg8[%run_scoped3A_335, %dma_start3A_363] : memref<4x128xi32, #tpu.memory_space<vmem>> -> memref<1x128xi32, #tpu.memory_space<vmem>>
        %dma_start3A_365 = tpu.memref_squeeze %dma_start3A_364 : memref<1x128xi32, #tpu.memory_space<vmem>> -> memref<128xi32, #tpu.memory_space<vmem>>
        %dma_start3A_366 = arith.constant 0 : i32
        %dma_start3A_367 = tpu.memref_slice %arg13[%dma_start3A_366] : memref<10240xf32, #tpu.memory_space<vmem_shared>> -> memref<10240xf32, #tpu.memory_space<vmem_shared>>
        tpu.enqueue_indirect_dma source(%arg12 : memref<128xf32, #tpu.memory_space<vmem>>) target(%dma_start3A_367 : memref<10240xf32, #tpu.memory_space<vmem_shared>>) offsets(%dma_start3A_365 : memref<128xi32, #tpu.memory_space<vmem>>) semaphore(%run_scoped3A_362 : memref<!tpu.dma_semaphore, #tpu.memory_space<semaphore_mem>>) {add = true}
        %dma_wait3A_368 = arith.constant 0 : i32
        %dma_wait3A_369 = tpu.memref_slice %arg8[%run_scoped3A_335, %dma_wait3A_368] : memref<4x128xi32, #tpu.memory_space<vmem>> -> memref<1x128xi32, #tpu.memory_space<vmem>>
        %dma_wait3A_370 = tpu.memref_squeeze %dma_wait3A_369 : memref<1x128xi32, #tpu.memory_space<vmem>> -> memref<128xi32, #tpu.memory_space<vmem>>
        %dma_wait3A_371 = arith.constant 0 : i32
        %dma_wait3A_372 = tpu.memref_slice %arg13[%dma_wait3A_371] : memref<10240xf32, #tpu.memory_space<vmem_shared>> -> memref<10240xf32, #tpu.memory_space<vmem_shared>>
        tpu.wait_indirect_dma semaphore(%run_scoped3A_362 : memref<!tpu.dma_semaphore, #tpu.memory_space<semaphore_mem>>) src(%arg12 : memref<128xf32, #tpu.memory_space<vmem>>) dst(%dma_wait3A_372 : memref<10240xf32, #tpu.memory_space<vmem_shared>>)
        tpu.yield
      }) : () -> ()
      %add3A_336 = arith.constant 4 : i32
      %add3A_337 = arith.addi %add3A_316, %add3A_336 : i32
      %min3A_338 = arith.constant 79 : i32
      %min3A_339 = arith.minsi %add3A_337, %min3A_338 : i32
      %dma_start3A_340 = arith.constant 0 : i32
      %dma_start3A_341 = tpu.memref_slice %arg7[%min3A_339, %dma_start3A_340] : memref<80x128xi32, #tpu.memory_space<vmem>> -> memref<1x128xi32, #tpu.memory_space<vmem>>
      %dma_start3A_342 = tpu.memref_squeeze %dma_start3A_341 : memref<1x128xi32, #tpu.memory_space<vmem>> -> memref<128xi32, #tpu.memory_space<vmem>>
      %dma_start3A_343 = arith.constant 0 : i32
      %dma_start3A_344 = tpu.memref_slice %arg2[%dma_start3A_343] : memref<10000xf32, #tpu.memory_space<hbm>> -> memref<10000xf32, #tpu.memory_space<hbm>>
      tpu.enqueue_indirect_dma source(%dma_start3A_344 : memref<10000xf32, #tpu.memory_space<hbm>>) target(%arg12 : memref<128xf32, #tpu.memory_space<vmem>>) offsets(%dma_start3A_342 : memref<128xi32, #tpu.memory_space<vmem>>) semaphore(%arg17 : memref<!tpu.dma_semaphore, #tpu.memory_space<semaphore_mem>>)
      %add3A_345 = arith.constant 4 : i32
      %add3A_346 = arith.addi %add3A_316, %add3A_345 : i32
      %min3A_347 = arith.constant 79 : i32
      %min3A_348 = arith.minsi %add3A_346, %min3A_347 : i32
      %dma_start3A_349 = arith.constant 3 : i32
      %dma_start3A_350 = arith.constant 0 : i32
      %dma_start3A_351 = tpu.memref_slice %arg8[%dma_start3A_349, %dma_start3A_350] : memref<4x128xi32, #tpu.memory_space<vmem>> -> memref<1x128xi32, #tpu.memory_space<vmem>>
      %dma_start3A_352 = tpu.memref_squeeze %dma_start3A_351 : memref<1x128xi32, #tpu.memory_space<vmem>> -> memref<128xi32, #tpu.memory_space<vmem>>
      %dma_start3A_353 = arith.constant 0 : i32
      %dma_start3A_354 = tpu.memref_slice %arg4[%add3A, %min3A_348, %dma_start3A_353] : memref<32x80x128xi32, #tpu.memory_space<hbm>> -> memref<1x1x128xi32, #tpu.memory_space<hbm>>
      %dma_start3A_355 = tpu.memref_squeeze %dma_start3A_354 : memref<1x1x128xi32, #tpu.memory_space<hbm>> -> memref<128xi32, #tpu.memory_space<hbm>>
      %dma_start3A_356 = arith.constant 0 : i32
      %dma_start3A_357 = tpu.memref_slice %arg8[%dma_start3A_349, %dma_start3A_356] : memref<4x128xi32, #tpu.memory_space<vmem>> -> memref<1x128xi32, #tpu.memory_space<vmem>>
      %dma_start3A_358 = tpu.memref_squeeze %dma_start3A_357 : memref<1x128xi32, #tpu.memory_space<vmem>> -> memref<128xi32, #tpu.memory_space<vmem>>
      %dma_start3A_359 = arith.constant 0 : i32
      %dma_start3A_360 = tpu.memref_slice %arg4[%add3A, %min3A_348, %dma_start3A_359] : memref<32x80x128xi32, #tpu.memory_space<hbm>> -> memref<1x1x128xi32, #tpu.memory_space<hbm>>
      %dma_start3A_361 = tpu.memref_squeeze %dma_start3A_360 : memref<1x1x128xi32, #tpu.memory_space<hbm>> -> memref<128xi32, #tpu.memory_space<hbm>>
      tpu.enqueue_dma source(%dma_start3A_361 : memref<128xi32, #tpu.memory_space<hbm>>) target(%dma_start3A_358 : memref<128xi32, #tpu.memory_space<vmem>>) target_semaphore(%arg21 : memref<!tpu.dma_semaphore, #tpu.memory_space<semaphore_mem>>)
    }
    %scan3A_88 = arith.constant 20 : i32
    %dma_wait3A = arith.constant 79 : i32
    %dma_wait3A_89 = arith.constant 0 : i32
    %dma_wait3A_90 = tpu.memref_slice %arg7[%dma_wait3A, %dma_wait3A_89] : memref<80x128xi32, #tpu.memory_space<vmem>> -> memref<1x128xi32, #tpu.memory_space<vmem>>
    %dma_wait3A_91 = tpu.memref_squeeze %dma_wait3A_90 : memref<1x128xi32, #tpu.memory_space<vmem>> -> memref<128xi32, #tpu.memory_space<vmem>>
    %dma_wait3A_92 = arith.constant 0 : i32
    %dma_wait3A_93 = tpu.memref_slice %arg2[%dma_wait3A_92] : memref<10000xf32, #tpu.memory_space<hbm>> -> memref<10000xf32, #tpu.memory_space<hbm>>
    tpu.wait_indirect_dma semaphore(%arg14 : memref<!tpu.dma_semaphore, #tpu.memory_space<semaphore_mem>>) src(%dma_wait3A_93 : memref<10000xf32, #tpu.memory_space<hbm>>) dst(%arg9 : memref<128xf32, #tpu.memory_space<vmem>>)
    %dma_wait3A_94 = arith.constant 79 : i32
    %dma_wait3A_95 = arith.constant 0 : i32
    %dma_wait3A_96 = tpu.memref_slice %arg7[%dma_wait3A_94, %dma_wait3A_95] : memref<80x128xi32, #tpu.memory_space<vmem>> -> memref<1x128xi32, #tpu.memory_space<vmem>>
    %dma_wait3A_97 = tpu.memref_squeeze %dma_wait3A_96 : memref<1x128xi32, #tpu.memory_space<vmem>> -> memref<128xi32, #tpu.memory_space<vmem>>
    %dma_wait3A_98 = arith.constant 0 : i32
    %dma_wait3A_99 = tpu.memref_slice %arg2[%dma_wait3A_98] : memref<10000xf32, #tpu.memory_space<hbm>> -> memref<10000xf32, #tpu.memory_space<hbm>>
    tpu.wait_indirect_dma semaphore(%arg15 : memref<!tpu.dma_semaphore, #tpu.memory_space<semaphore_mem>>) src(%dma_wait3A_99 : memref<10000xf32, #tpu.memory_space<hbm>>) dst(%arg10 : memref<128xf32, #tpu.memory_space<vmem>>)
    %dma_wait3A_100 = arith.constant 79 : i32
    %dma_wait3A_101 = arith.constant 0 : i32
    %dma_wait3A_102 = tpu.memref_slice %arg7[%dma_wait3A_100, %dma_wait3A_101] : memref<80x128xi32, #tpu.memory_space<vmem>> -> memref<1x128xi32, #tpu.memory_space<vmem>>
    %dma_wait3A_103 = tpu.memref_squeeze %dma_wait3A_102 : memref<1x128xi32, #tpu.memory_space<vmem>> -> memref<128xi32, #tpu.memory_space<vmem>>
    %dma_wait3A_104 = arith.constant 0 : i32
    %dma_wait3A_105 = tpu.memref_slice %arg2[%dma_wait3A_104] : memref<10000xf32, #tpu.memory_space<hbm>> -> memref<10000xf32, #tpu.memory_space<hbm>>
    tpu.wait_indirect_dma semaphore(%arg16 : memref<!tpu.dma_semaphore, #tpu.memory_space<semaphore_mem>>) src(%dma_wait3A_105 : memref<10000xf32, #tpu.memory_space<hbm>>) dst(%arg11 : memref<128xf32, #tpu.memory_space<vmem>>)
    %dma_wait3A_106 = arith.constant 79 : i32
    %dma_wait3A_107 = arith.constant 0 : i32
    %dma_wait3A_108 = tpu.memref_slice %arg7[%dma_wait3A_106, %dma_wait3A_107] : memref<80x128xi32, #tpu.memory_space<vmem>> -> memref<1x128xi32, #tpu.memory_space<vmem>>
    %dma_wait3A_109 = tpu.memref_squeeze %dma_wait3A_108 : memref<1x128xi32, #tpu.memory_space<vmem>> -> memref<128xi32, #tpu.memory_space<vmem>>
    %dma_wait3A_110 = arith.constant 0 : i32
    %dma_wait3A_111 = tpu.memref_slice %arg2[%dma_wait3A_110] : memref<10000xf32, #tpu.memory_space<hbm>> -> memref<10000xf32, #tpu.memory_space<hbm>>
    tpu.wait_indirect_dma semaphore(%arg17 : memref<!tpu.dma_semaphore, #tpu.memory_space<semaphore_mem>>) src(%dma_wait3A_111 : memref<10000xf32, #tpu.memory_space<hbm>>) dst(%arg12 : memref<128xf32, #tpu.memory_space<vmem>>)
    %dma_wait3A_112 = arith.constant 79 : i32
    %dma_wait3A_113 = arith.constant 0 : i32
    %dma_wait3A_114 = arith.constant 0 : i32
    %dma_wait3A_115 = tpu.memref_slice %arg8[%dma_wait3A_113, %dma_wait3A_114] : memref<4x128xi32, #tpu.memory_space<vmem>> -> memref<1x128xi32, #tpu.memory_space<vmem>>
    %dma_wait3A_116 = tpu.memref_squeeze %dma_wait3A_115 : memref<1x128xi32, #tpu.memory_space<vmem>> -> memref<128xi32, #tpu.memory_space<vmem>>
    %dma_wait3A_117 = arith.constant 0 : i32
    %dma_wait3A_118 = tpu.memref_slice %arg4[%add3A, %dma_wait3A_112, %dma_wait3A_117] : memref<32x80x128xi32, #tpu.memory_space<hbm>> -> memref<1x1x128xi32, #tpu.memory_space<hbm>>
    %dma_wait3A_119 = tpu.memref_squeeze %dma_wait3A_118 : memref<1x1x128xi32, #tpu.memory_space<hbm>> -> memref<128xi32, #tpu.memory_space<hbm>>
    %dma_wait3A_120 = arith.constant 0 : i32
    %dma_wait3A_121 = tpu.memref_slice %arg8[%dma_wait3A_113, %dma_wait3A_120] : memref<4x128xi32, #tpu.memory_space<vmem>> -> memref<1x128xi32, #tpu.memory_space<vmem>>
    %dma_wait3A_122 = tpu.memref_squeeze %dma_wait3A_121 : memref<1x128xi32, #tpu.memory_space<vmem>> -> memref<128xi32, #tpu.memory_space<vmem>>
    %dma_wait3A_123 = arith.constant 0 : i32
    %dma_wait3A_124 = tpu.memref_slice %arg4[%add3A, %dma_wait3A_112, %dma_wait3A_123] : memref<32x80x128xi32, #tpu.memory_space<hbm>> -> memref<1x1x128xi32, #tpu.memory_space<hbm>>
    %dma_wait3A_125 = tpu.memref_squeeze %dma_wait3A_124 : memref<1x1x128xi32, #tpu.memory_space<hbm>> -> memref<128xi32, #tpu.memory_space<hbm>>
    tpu.wait_dma2 semaphore(%arg18 : memref<!tpu.dma_semaphore, #tpu.memory_space<semaphore_mem>>) src(%dma_wait3A_125 : memref<128xi32, #tpu.memory_space<hbm>>) dst(%dma_wait3A_122 : memref<128xi32, #tpu.memory_space<vmem>>)
    %dma_wait3A_126 = arith.constant 79 : i32
    %dma_wait3A_127 = arith.constant 1 : i32
    %dma_wait3A_128 = arith.constant 0 : i32
    %dma_wait3A_129 = tpu.memref_slice %arg8[%dma_wait3A_127, %dma_wait3A_128] : memref<4x128xi32, #tpu.memory_space<vmem>> -> memref<1x128xi32, #tpu.memory_space<vmem>>
    %dma_wait3A_130 = tpu.memref_squeeze %dma_wait3A_129 : memref<1x128xi32, #tpu.memory_space<vmem>> -> memref<128xi32, #tpu.memory_space<vmem>>
    %dma_wait3A_131 = arith.constant 0 : i32
    %dma_wait3A_132 = tpu.memref_slice %arg4[%add3A, %dma_wait3A_126, %dma_wait3A_131] : memref<32x80x128xi32, #tpu.memory_space<hbm>> -> memref<1x1x128xi32, #tpu.memory_space<hbm>>
    %dma_wait3A_133 = tpu.memref_squeeze %dma_wait3A_132 : memref<1x1x128xi32, #tpu.memory_space<hbm>> -> memref<128xi32, #tpu.memory_space<hbm>>
    %dma_wait3A_134 = arith.constant 0 : i32
    %dma_wait3A_135 = tpu.memref_slice %arg8[%dma_wait3A_127, %dma_wait3A_134] : memref<4x128xi32, #tpu.memory_space<vmem>> -> memref<1x128xi32, #tpu.memory_space<vmem>>
    %dma_wait3A_136 = tpu.memref_squeeze %dma_wait3A_135 : memref<1x128xi32, #tpu.memory_space<vmem>> -> memref<128xi32, #tpu.memory_space<vmem>>
    %dma_wait3A_137 = arith.constant 0 : i32
    %dma_wait3A_138 = tpu.memref_slice %arg4[%add3A, %dma_wait3A_126, %dma_wait3A_137] : memref<32x80x128xi32, #tpu.memory_space<hbm>> -> memref<1x1x128xi32, #tpu.memory_space<hbm>>
    %dma_wait3A_139 = tpu.memref_squeeze %dma_wait3A_138 : memref<1x1x128xi32, #tpu.memory_space<hbm>> -> memref<128xi32, #tpu.memory_space<hbm>>
    tpu.wait_dma2 semaphore(%arg19 : memref<!tpu.dma_semaphore, #tpu.memory_space<semaphore_mem>>) src(%dma_wait3A_139 : memref<128xi32, #tpu.memory_space<hbm>>) dst(%dma_wait3A_136 : memref<128xi32, #tpu.memory_space<vmem>>)
    %dma_wait3A_140 = arith.constant 79 : i32
    %dma_wait3A_141 = arith.constant 2 : i32
    %dma_wait3A_142 = arith.constant 0 : i32
    %dma_wait3A_143 = tpu.memref_slice %arg8[%dma_wait3A_141, %dma_wait3A_142] : memref<4x128xi32, #tpu.memory_space<vmem>> -> memref<1x128xi32, #tpu.memory_space<vmem>>
    %dma_wait3A_144 = tpu.memref_squeeze %dma_wait3A_143 : memref<1x128xi32, #tpu.memory_space<vmem>> -> memref<128xi32, #tpu.memory_space<vmem>>
    %dma_wait3A_145 = arith.constant 0 : i32
    %dma_wait3A_146 = tpu.memref_slice %arg4[%add3A, %dma_wait3A_140, %dma_wait3A_145] : memref<32x80x128xi32, #tpu.memory_space<hbm>> -> memref<1x1x128xi32, #tpu.memory_space<hbm>>
    %dma_wait3A_147 = tpu.memref_squeeze %dma_wait3A_146 : memref<1x1x128xi32, #tpu.memory_space<hbm>> -> memref<128xi32, #tpu.memory_space<hbm>>
    %dma_wait3A_148 = arith.constant 0 : i32
    %dma_wait3A_149 = tpu.memref_slice %arg8[%dma_wait3A_141, %dma_wait3A_148] : memref<4x128xi32, #tpu.memory_space<vmem>> -> memref<1x128xi32, #tpu.memory_space<vmem>>
    %dma_wait3A_150 = tpu.memref_squeeze %dma_wait3A_149 : memref<1x128xi32, #tpu.memory_space<vmem>> -> memref<128xi32, #tpu.memory_space<vmem>>
    %dma_wait3A_151 = arith.constant 0 : i32
    %dma_wait3A_152 = tpu.memref_slice %arg4[%add3A, %dma_wait3A_140, %dma_wait3A_151] : memref<32x80x128xi32, #tpu.memory_space<hbm>> -> memref<1x1x128xi32, #tpu.memory_space<hbm>>
    %dma_wait3A_153 = tpu.memref_squeeze %dma_wait3A_152 : memref<1x1x128xi32, #tpu.memory_space<hbm>> -> memref<128xi32, #tpu.memory_space<hbm>>
    tpu.wait_dma2 semaphore(%arg20 : memref<!tpu.dma_semaphore, #tpu.memory_space<semaphore_mem>>) src(%dma_wait3A_153 : memref<128xi32, #tpu.memory_space<hbm>>) dst(%dma_wait3A_150 : memref<128xi32, #tpu.memory_space<vmem>>)
    %dma_wait3A_154 = arith.constant 79 : i32
    %dma_wait3A_155 = arith.constant 3 : i32
    %dma_wait3A_156 = arith.constant 0 : i32
    %dma_wait3A_157 = tpu.memref_slice %arg8[%dma_wait3A_155, %dma_wait3A_156] : memref<4x128xi32, #tpu.memory_space<vmem>> -> memref<1x128xi32, #tpu.memory_space<vmem>>
    %dma_wait3A_158 = tpu.memref_squeeze %dma_wait3A_157 : memref<1x128xi32, #tpu.memory_space<vmem>> -> memref<128xi32, #tpu.memory_space<vmem>>
    %dma_wait3A_159 = arith.constant 0 : i32
    %dma_wait3A_160 = tpu.memref_slice %arg4[%add3A, %dma_wait3A_154, %dma_wait3A_159] : memref<32x80x128xi32, #tpu.memory_space<hbm>> -> memref<1x1x128xi32, #tpu.memory_space<hbm>>
    %dma_wait3A_161 = tpu.memref_squeeze %dma_wait3A_160 : memref<1x1x128xi32, #tpu.memory_space<hbm>> -> memref<128xi32, #tpu.memory_space<hbm>>
    %dma_wait3A_162 = arith.constant 0 : i32
    %dma_wait3A_163 = tpu.memref_slice %arg8[%dma_wait3A_155, %dma_wait3A_162] : memref<4x128xi32, #tpu.memory_space<vmem>> -> memref<1x128xi32, #tpu.memory_space<vmem>>
    %dma_wait3A_164 = tpu.memref_squeeze %dma_wait3A_163 : memref<1x128xi32, #tpu.memory_space<vmem>> -> memref<128xi32, #tpu.memory_space<vmem>>
    %dma_wait3A_165 = arith.constant 0 : i32
    %dma_wait3A_166 = tpu.memref_slice %arg4[%add3A, %dma_wait3A_154, %dma_wait3A_165] : memref<32x80x128xi32, #tpu.memory_space<hbm>> -> memref<1x1x128xi32, #tpu.memory_space<hbm>>
    %dma_wait3A_167 = tpu.memref_squeeze %dma_wait3A_166 : memref<1x1x128xi32, #tpu.memory_space<hbm>> -> memref<128xi32, #tpu.memory_space<hbm>>
    tpu.wait_dma2 semaphore(%arg21 : memref<!tpu.dma_semaphore, #tpu.memory_space<semaphore_mem>>) src(%dma_wait3A_167 : memref<128xi32, #tpu.memory_space<hbm>>) dst(%dma_wait3A_164 : memref<128xi32, #tpu.memory_space<vmem>>)
    %barrier3A_168 = arith.constant 0 : index
    tpu.barrier barrier_id(%barrier3A_168)
    %mul3A_169 = arith.constant 640 : i32
    %mul3A_170 = arith.muli %arg1, %mul3A_169 : i32
    %mul3A_171 = arith.constant 640 : i32
    %mul3A_172 = arith.muli %arg1, %mul3A_171 : i32
    "tpu.region"() ({
      %run_scoped3A = tpu.sem_alloc : memref<!tpu.dma_semaphore, #tpu.memory_space<semaphore_mem>>
      %dma_start3A_173 = tpu.memref_slice %arg6[%arg0, %mul3A_172] : memref<2x10240xf32, #tpu.memory_space<hbm>> -> memref<1x640xf32, #tpu.memory_space<hbm>>
      %dma_start3A_174 = tpu.memref_squeeze %dma_start3A_173 : memref<1x640xf32, #tpu.memory_space<hbm>> -> memref<640xf32, #tpu.memory_space<hbm>>
      %dma_start3A_175 = tpu.memref_slice %arg13[%mul3A_170] : memref<10240xf32, #tpu.memory_space<vmem_shared>> -> memref<640xf32, #tpu.memory_space<vmem_shared>>
      tpu.enqueue_dma source(%dma_start3A_175 : memref<640xf32, #tpu.memory_space<vmem_shared>>) target(%dma_start3A_174 : memref<640xf32, #tpu.memory_space<hbm>>) target_semaphore(%run_scoped3A : memref<!tpu.dma_semaphore, #tpu.memory_space<semaphore_mem>>)
      %dma_wait3A_176 = tpu.memref_slice %arg6[%arg0, %mul3A_172] : memref<2x10240xf32, #tpu.memory_space<hbm>> -> memref<1x640xf32, #tpu.memory_space<hbm>>
      %dma_wait3A_177 = tpu.memref_squeeze %dma_wait3A_176 : memref<1x640xf32, #tpu.memory_space<hbm>> -> memref<640xf32, #tpu.memory_space<hbm>>
      %dma_wait3A_178 = tpu.memref_slice %arg13[%mul3A_170] : memref<10240xf32, #tpu.memory_space<vmem_shared>> -> memref<640xf32, #tpu.memory_space<vmem_shared>>
      tpu.wait_dma2 semaphore(%run_scoped3A : memref<!tpu.dma_semaphore, #tpu.memory_space<semaphore_mem>>) src(%dma_wait3A_178 : memref<640xf32, #tpu.memory_space<vmem_shared>>) dst(%dma_wait3A_177 : memref<640xf32, #tpu.memory_space<hbm>>)
      tpu.yield
    }) : () -> ()
    return
  }
}

#map = affine_map<(d0, d1) -> (0, 0)>
#map1 = affine_map<(d0, d1) -> (0, 0, 0)>
module attributes {stable_mosaic.version = 14 : i64} {
  func.func @body(%arg0: i32, %arg1: i32, %arg2: memref<10000x128xf32, #tpu.memory_space<hbm>>, %arg3: memref<32x80x128xi32, #tpu.memory_space<hbm>>, %arg4: memref<32x80x128xi32, #tpu.memory_space<hbm>>, %arg5: memref<10240x128xf32, #tpu.memory_space<hbm>>, %arg6: memref<2x10240x128xf32, #tpu.memory_space<hbm>>, %arg7: memref<80x128xi32, #tpu.memory_space<vmem>>, %arg8: memref<4x128xi32, #tpu.memory_space<vmem>>, %arg9: memref<128x128xf32, #tpu.memory_space<vmem>>, %arg10: memref<128x128xf32, #tpu.memory_space<vmem>>, %arg11: memref<10240x128xf32, #tpu.memory_space<vmem_shared>>, %arg12: memref<!tpu.dma_semaphore, #tpu.memory_space<semaphore_mem>>, %arg13: memref<!tpu.dma_semaphore, #tpu.memory_space<semaphore_mem>>, %arg14: memref<!tpu.dma_semaphore, #tpu.memory_space<semaphore_mem>>, %arg15: memref<!tpu.dma_semaphore, #tpu.memory_space<semaphore_mem>>, %arg16: memref<!tpu.dma_semaphore, #tpu.memory_space<semaphore_mem>>, %arg17: memref<!tpu.dma_semaphore, #tpu.memory_space<semaphore_mem>>) attributes {dimension_semantics = [#tpu.dimension_semantics<core_parallel>, #tpu.dimension_semantics<subcore_parallel>], iteration_bounds = array<i64: 2, 16>, scalar_prefetch = 0 : i64, scratch_operands = 11 : i64, tpu.core_type = #tpu.core_type<sc_vector_subcore>, window_params = [{transform_indices = #map}, {transform_indices = #map1}, {transform_indices = #map1}, {transform_indices = #map}, {transform_indices = #map1}]} {
    %mul3A = arith.constant 2 : i32
    %mul3A_0 = arith.muli %arg1, %mul3A : i32
    %add3A = arith.addi %mul3A_0, %arg0 : i32
    "tpu.region"() ({
      %run_scoped3A = tpu.sem_alloc : memref<!tpu.dma_semaphore, #tpu.memory_space<semaphore_mem>>
      %dma_start3A_153 = arith.constant 0 : i32
      %dma_start3A_154 = arith.constant 0 : i32
      %dma_start3A_155 = tpu.memref_slice %arg3[%add3A, %dma_start3A_153, %dma_start3A_154] : memref<32x80x128xi32, #tpu.memory_space<hbm>> -> memref<1x80x128xi32, #tpu.memory_space<hbm>>
      %dma_start3A_156 = tpu.memref_squeeze %dma_start3A_155 : memref<1x80x128xi32, #tpu.memory_space<hbm>> -> memref<80x128xi32, #tpu.memory_space<hbm>>
      %dma_start3A_157 = arith.constant 0 : i32
      %dma_start3A_158 = arith.constant 0 : i32
      %dma_start3A_159 = tpu.memref_slice %arg3[%add3A, %dma_start3A_157, %dma_start3A_158] : memref<32x80x128xi32, #tpu.memory_space<hbm>> -> memref<1x80x128xi32, #tpu.memory_space<hbm>>
      %dma_start3A_160 = tpu.memref_squeeze %dma_start3A_159 : memref<1x80x128xi32, #tpu.memory_space<hbm>> -> memref<80x128xi32, #tpu.memory_space<hbm>>
      tpu.enqueue_dma source(%dma_start3A_160 : memref<80x128xi32, #tpu.memory_space<hbm>>) target(%arg7 : memref<80x128xi32, #tpu.memory_space<vmem>>) target_semaphore(%run_scoped3A : memref<!tpu.dma_semaphore, #tpu.memory_space<semaphore_mem>>)
      %dma_wait3A_161 = arith.constant 0 : i32
      %dma_wait3A_162 = arith.constant 0 : i32
      %dma_wait3A_163 = tpu.memref_slice %arg3[%add3A, %dma_wait3A_161, %dma_wait3A_162] : memref<32x80x128xi32, #tpu.memory_space<hbm>> -> memref<1x80x128xi32, #tpu.memory_space<hbm>>
      %dma_wait3A_164 = tpu.memref_squeeze %dma_wait3A_163 : memref<1x80x128xi32, #tpu.memory_space<hbm>> -> memref<80x128xi32, #tpu.memory_space<hbm>>
      %dma_wait3A_165 = arith.constant 0 : i32
      %dma_wait3A_166 = arith.constant 0 : i32
      %dma_wait3A_167 = tpu.memref_slice %arg3[%add3A, %dma_wait3A_165, %dma_wait3A_166] : memref<32x80x128xi32, #tpu.memory_space<hbm>> -> memref<1x80x128xi32, #tpu.memory_space<hbm>>
      %dma_wait3A_168 = tpu.memref_squeeze %dma_wait3A_167 : memref<1x80x128xi32, #tpu.memory_space<hbm>> -> memref<80x128xi32, #tpu.memory_space<hbm>>
      tpu.wait_dma2 semaphore(%run_scoped3A : memref<!tpu.dma_semaphore, #tpu.memory_space<semaphore_mem>>) src(%dma_wait3A_168 : memref<80x128xi32, #tpu.memory_space<hbm>>) dst(%arg7 : memref<80x128xi32, #tpu.memory_space<vmem>>)
      tpu.yield
    }) : () -> ()
    %dma_start3A = arith.constant 0 : i32
    %dma_start3A_1 = arith.constant 0 : i32
    %dma_start3A_2 = tpu.memref_slice %arg7[%dma_start3A, %dma_start3A_1] : memref<80x128xi32, #tpu.memory_space<vmem>> -> memref<1x128xi32, #tpu.memory_space<vmem>>
    %dma_start3A_3 = tpu.memref_squeeze %dma_start3A_2 : memref<1x128xi32, #tpu.memory_space<vmem>> -> memref<128xi32, #tpu.memory_space<vmem>>
    %dma_start3A_4 = arith.constant 0 : i32
    %dma_start3A_5 = arith.constant 0 : i32
    %dma_start3A_6 = tpu.memref_slice %arg2[%dma_start3A_4, %dma_start3A_5] : memref<10000x128xf32, #tpu.memory_space<hbm>> -> memref<10000x128xf32, #tpu.memory_space<hbm>>
    tpu.enqueue_indirect_dma source(%dma_start3A_6 : memref<10000x128xf32, #tpu.memory_space<hbm>>) target(%arg9 : memref<128x128xf32, #tpu.memory_space<vmem>>) offsets(%dma_start3A_3 : memref<128xi32, #tpu.memory_space<vmem>>) semaphore(%arg12 : memref<!tpu.dma_semaphore, #tpu.memory_space<semaphore_mem>>)
    %dma_start3A_7 = arith.constant 1 : i32
    %dma_start3A_8 = arith.constant 0 : i32
    %dma_start3A_9 = tpu.memref_slice %arg7[%dma_start3A_7, %dma_start3A_8] : memref<80x128xi32, #tpu.memory_space<vmem>> -> memref<1x128xi32, #tpu.memory_space<vmem>>
    %dma_start3A_10 = tpu.memref_squeeze %dma_start3A_9 : memref<1x128xi32, #tpu.memory_space<vmem>> -> memref<128xi32, #tpu.memory_space<vmem>>
    %dma_start3A_11 = arith.constant 0 : i32
    %dma_start3A_12 = arith.constant 0 : i32
    %dma_start3A_13 = tpu.memref_slice %arg2[%dma_start3A_11, %dma_start3A_12] : memref<10000x128xf32, #tpu.memory_space<hbm>> -> memref<10000x128xf32, #tpu.memory_space<hbm>>
    tpu.enqueue_indirect_dma source(%dma_start3A_13 : memref<10000x128xf32, #tpu.memory_space<hbm>>) target(%arg10 : memref<128x128xf32, #tpu.memory_space<vmem>>) offsets(%dma_start3A_10 : memref<128xi32, #tpu.memory_space<vmem>>) semaphore(%arg13 : memref<!tpu.dma_semaphore, #tpu.memory_space<semaphore_mem>>)
    %dma_start3A_14 = arith.constant 0 : i32
    %dma_start3A_15 = arith.constant 0 : i32
    %dma_start3A_16 = arith.constant 0 : i32
    %dma_start3A_17 = tpu.memref_slice %arg8[%dma_start3A_15, %dma_start3A_16] : memref<4x128xi32, #tpu.memory_space<vmem>> -> memref<1x128xi32, #tpu.memory_space<vmem>>
    %dma_start3A_18 = tpu.memref_squeeze %dma_start3A_17 : memref<1x128xi32, #tpu.memory_space<vmem>> -> memref<128xi32, #tpu.memory_space<vmem>>
    %dma_start3A_19 = arith.constant 0 : i32
    %dma_start3A_20 = tpu.memref_slice %arg4[%add3A, %dma_start3A_14, %dma_start3A_19] : memref<32x80x128xi32, #tpu.memory_space<hbm>> -> memref<1x1x128xi32, #tpu.memory_space<hbm>>
    %dma_start3A_21 = tpu.memref_squeeze %dma_start3A_20 : memref<1x1x128xi32, #tpu.memory_space<hbm>> -> memref<128xi32, #tpu.memory_space<hbm>>
    %dma_start3A_22 = arith.constant 0 : i32
    %dma_start3A_23 = tpu.memref_slice %arg8[%dma_start3A_15, %dma_start3A_22] : memref<4x128xi32, #tpu.memory_space<vmem>> -> memref<1x128xi32, #tpu.memory_space<vmem>>
    %dma_start3A_24 = tpu.memref_squeeze %dma_start3A_23 : memref<1x128xi32, #tpu.memory_space<vmem>> -> memref<128xi32, #tpu.memory_space<vmem>>
    %dma_start3A_25 = arith.constant 0 : i32
    %dma_start3A_26 = tpu.memref_slice %arg4[%add3A, %dma_start3A_14, %dma_start3A_25] : memref<32x80x128xi32, #tpu.memory_space<hbm>> -> memref<1x1x128xi32, #tpu.memory_space<hbm>>
    %dma_start3A_27 = tpu.memref_squeeze %dma_start3A_26 : memref<1x1x128xi32, #tpu.memory_space<hbm>> -> memref<128xi32, #tpu.memory_space<hbm>>
    tpu.enqueue_dma source(%dma_start3A_27 : memref<128xi32, #tpu.memory_space<hbm>>) target(%dma_start3A_24 : memref<128xi32, #tpu.memory_space<vmem>>) target_semaphore(%arg14 : memref<!tpu.dma_semaphore, #tpu.memory_space<semaphore_mem>>)
    %dma_start3A_28 = arith.constant 1 : i32
    %dma_start3A_29 = arith.constant 1 : i32
    %dma_start3A_30 = arith.constant 0 : i32
    %dma_start3A_31 = tpu.memref_slice %arg8[%dma_start3A_29, %dma_start3A_30] : memref<4x128xi32, #tpu.memory_space<vmem>> -> memref<1x128xi32, #tpu.memory_space<vmem>>
    %dma_start3A_32 = tpu.memref_squeeze %dma_start3A_31 : memref<1x128xi32, #tpu.memory_space<vmem>> -> memref<128xi32, #tpu.memory_space<vmem>>
    %dma_start3A_33 = arith.constant 0 : i32
    %dma_start3A_34 = tpu.memref_slice %arg4[%add3A, %dma_start3A_28, %dma_start3A_33] : memref<32x80x128xi32, #tpu.memory_space<hbm>> -> memref<1x1x128xi32, #tpu.memory_space<hbm>>
    %dma_start3A_35 = tpu.memref_squeeze %dma_start3A_34 : memref<1x1x128xi32, #tpu.memory_space<hbm>> -> memref<128xi32, #tpu.memory_space<hbm>>
    %dma_start3A_36 = arith.constant 0 : i32
    %dma_start3A_37 = tpu.memref_slice %arg8[%dma_start3A_29, %dma_start3A_36] : memref<4x128xi32, #tpu.memory_space<vmem>> -> memref<1x128xi32, #tpu.memory_space<vmem>>
    %dma_start3A_38 = tpu.memref_squeeze %dma_start3A_37 : memref<1x128xi32, #tpu.memory_space<vmem>> -> memref<128xi32, #tpu.memory_space<vmem>>
    %dma_start3A_39 = arith.constant 0 : i32
    %dma_start3A_40 = tpu.memref_slice %arg4[%add3A, %dma_start3A_28, %dma_start3A_39] : memref<32x80x128xi32, #tpu.memory_space<hbm>> -> memref<1x1x128xi32, #tpu.memory_space<hbm>>
    %dma_start3A_41 = tpu.memref_squeeze %dma_start3A_40 : memref<1x1x128xi32, #tpu.memory_space<hbm>> -> memref<128xi32, #tpu.memory_space<hbm>>
    tpu.enqueue_dma source(%dma_start3A_41 : memref<128xi32, #tpu.memory_space<hbm>>) target(%dma_start3A_38 : memref<128xi32, #tpu.memory_space<vmem>>) target_semaphore(%arg15 : memref<!tpu.dma_semaphore, #tpu.memory_space<semaphore_mem>>)
    %dma_start3A_42 = arith.constant 2 : i32
    %dma_start3A_43 = arith.constant 2 : i32
    %dma_start3A_44 = arith.constant 0 : i32
    %dma_start3A_45 = tpu.memref_slice %arg8[%dma_start3A_43, %dma_start3A_44] : memref<4x128xi32, #tpu.memory_space<vmem>> -> memref<1x128xi32, #tpu.memory_space<vmem>>
    %dma_start3A_46 = tpu.memref_squeeze %dma_start3A_45 : memref<1x128xi32, #tpu.memory_space<vmem>> -> memref<128xi32, #tpu.memory_space<vmem>>
    %dma_start3A_47 = arith.constant 0 : i32
    %dma_start3A_48 = tpu.memref_slice %arg4[%add3A, %dma_start3A_42, %dma_start3A_47] : memref<32x80x128xi32, #tpu.memory_space<hbm>> -> memref<1x1x128xi32, #tpu.memory_space<hbm>>
    %dma_start3A_49 = tpu.memref_squeeze %dma_start3A_48 : memref<1x1x128xi32, #tpu.memory_space<hbm>> -> memref<128xi32, #tpu.memory_space<hbm>>
    %dma_start3A_50 = arith.constant 0 : i32
    %dma_start3A_51 = tpu.memref_slice %arg8[%dma_start3A_43, %dma_start3A_50] : memref<4x128xi32, #tpu.memory_space<vmem>> -> memref<1x128xi32, #tpu.memory_space<vmem>>
    %dma_start3A_52 = tpu.memref_squeeze %dma_start3A_51 : memref<1x128xi32, #tpu.memory_space<vmem>> -> memref<128xi32, #tpu.memory_space<vmem>>
    %dma_start3A_53 = arith.constant 0 : i32
    %dma_start3A_54 = tpu.memref_slice %arg4[%add3A, %dma_start3A_42, %dma_start3A_53] : memref<32x80x128xi32, #tpu.memory_space<hbm>> -> memref<1x1x128xi32, #tpu.memory_space<hbm>>
    %dma_start3A_55 = tpu.memref_squeeze %dma_start3A_54 : memref<1x1x128xi32, #tpu.memory_space<hbm>> -> memref<128xi32, #tpu.memory_space<hbm>>
    tpu.enqueue_dma source(%dma_start3A_55 : memref<128xi32, #tpu.memory_space<hbm>>) target(%dma_start3A_52 : memref<128xi32, #tpu.memory_space<vmem>>) target_semaphore(%arg16 : memref<!tpu.dma_semaphore, #tpu.memory_space<semaphore_mem>>)
    %dma_start3A_56 = arith.constant 3 : i32
    %dma_start3A_57 = arith.constant 3 : i32
    %dma_start3A_58 = arith.constant 0 : i32
    %dma_start3A_59 = tpu.memref_slice %arg8[%dma_start3A_57, %dma_start3A_58] : memref<4x128xi32, #tpu.memory_space<vmem>> -> memref<1x128xi32, #tpu.memory_space<vmem>>
    %dma_start3A_60 = tpu.memref_squeeze %dma_start3A_59 : memref<1x128xi32, #tpu.memory_space<vmem>> -> memref<128xi32, #tpu.memory_space<vmem>>
    %dma_start3A_61 = arith.constant 0 : i32
    %dma_start3A_62 = tpu.memref_slice %arg4[%add3A, %dma_start3A_56, %dma_start3A_61] : memref<32x80x128xi32, #tpu.memory_space<hbm>> -> memref<1x1x128xi32, #tpu.memory_space<hbm>>
    %dma_start3A_63 = tpu.memref_squeeze %dma_start3A_62 : memref<1x1x128xi32, #tpu.memory_space<hbm>> -> memref<128xi32, #tpu.memory_space<hbm>>
    %dma_start3A_64 = arith.constant 0 : i32
    %dma_start3A_65 = tpu.memref_slice %arg8[%dma_start3A_57, %dma_start3A_64] : memref<4x128xi32, #tpu.memory_space<vmem>> -> memref<1x128xi32, #tpu.memory_space<vmem>>
    %dma_start3A_66 = tpu.memref_squeeze %dma_start3A_65 : memref<1x128xi32, #tpu.memory_space<vmem>> -> memref<128xi32, #tpu.memory_space<vmem>>
    %dma_start3A_67 = arith.constant 0 : i32
    %dma_start3A_68 = tpu.memref_slice %arg4[%add3A, %dma_start3A_56, %dma_start3A_67] : memref<32x80x128xi32, #tpu.memory_space<hbm>> -> memref<1x1x128xi32, #tpu.memory_space<hbm>>
    %dma_start3A_69 = tpu.memref_squeeze %dma_start3A_68 : memref<1x1x128xi32, #tpu.memory_space<hbm>> -> memref<128xi32, #tpu.memory_space<hbm>>
    tpu.enqueue_dma source(%dma_start3A_69 : memref<128xi32, #tpu.memory_space<hbm>>) target(%dma_start3A_66 : memref<128xi32, #tpu.memory_space<vmem>>) target_semaphore(%arg17 : memref<!tpu.dma_semaphore, #tpu.memory_space<semaphore_mem>>)
    %mul3A_70 = arith.constant 640 : i32
    %mul3A_71 = arith.muli %arg1, %mul3A_70 : i32
    %mul3A_72 = arith.constant 640 : i32
    %mul3A_73 = arith.muli %arg1, %mul3A_72 : i32
    "tpu.region"() ({
      %run_scoped3A = tpu.sem_alloc : memref<!tpu.dma_semaphore, #tpu.memory_space<semaphore_mem>>
      %dma_start3A_153 = arith.constant 0 : i32
      %dma_start3A_154 = tpu.memref_slice %arg11[%mul3A_73, %dma_start3A_153] : memref<10240x128xf32, #tpu.memory_space<vmem_shared>> -> memref<640x128xf32, #tpu.memory_space<vmem_shared>>
      %dma_start3A_155 = arith.constant 0 : i32
      %dma_start3A_156 = tpu.memref_slice %arg5[%mul3A_71, %dma_start3A_155] : memref<10240x128xf32, #tpu.memory_space<hbm>> -> memref<640x128xf32, #tpu.memory_space<hbm>>
      tpu.enqueue_dma source(%dma_start3A_156 : memref<640x128xf32, #tpu.memory_space<hbm>>) target(%dma_start3A_154 : memref<640x128xf32, #tpu.memory_space<vmem_shared>>) target_semaphore(%run_scoped3A : memref<!tpu.dma_semaphore, #tpu.memory_space<semaphore_mem>>)
      %dma_wait3A_157 = arith.constant 0 : i32
      %dma_wait3A_158 = tpu.memref_slice %arg11[%mul3A_73, %dma_wait3A_157] : memref<10240x128xf32, #tpu.memory_space<vmem_shared>> -> memref<640x128xf32, #tpu.memory_space<vmem_shared>>
      %dma_wait3A_159 = arith.constant 0 : i32
      %dma_wait3A_160 = tpu.memref_slice %arg5[%mul3A_71, %dma_wait3A_159] : memref<10240x128xf32, #tpu.memory_space<hbm>> -> memref<640x128xf32, #tpu.memory_space<hbm>>
      tpu.wait_dma2 semaphore(%run_scoped3A : memref<!tpu.dma_semaphore, #tpu.memory_space<semaphore_mem>>) src(%dma_wait3A_160 : memref<640x128xf32, #tpu.memory_space<hbm>>) dst(%dma_wait3A_158 : memref<640x128xf32, #tpu.memory_space<vmem_shared>>)
      tpu.yield
    }) : () -> ()
    %barrier3A = arith.constant 0 : index
    tpu.barrier barrier_id(%barrier3A)
    %scan3A = arith.constant 0 : i32
    %scan3A_74 = arith.constant 0 : i32
    %scan3A_75 = arith.constant 20 : i32
    %scan3A_76 = arith.addi %scan3A_74, %scan3A_75 : i32
    %scan3A_77 = arith.constant 1 : i32
    scf.for %scan3A_153 = %scan3A_74 to %scan3A_76 step %scan3A_77  : i32 {
      %mul3A_154 = arith.constant 4 : i32
      %mul3A_155 = arith.muli %mul3A_154, %scan3A_153 : i32
      %add3A_156 = arith.constant 0 : i32
      %add3A_157 = arith.addi %mul3A_155, %add3A_156 : i32
      %dma_wait3A_158 = arith.constant 0 : i32
      %dma_wait3A_159 = tpu.memref_slice %arg7[%add3A_157, %dma_wait3A_158] : memref<80x128xi32, #tpu.memory_space<vmem>> -> memref<1x128xi32, #tpu.memory_space<vmem>>
      %dma_wait3A_160 = tpu.memref_squeeze %dma_wait3A_159 : memref<1x128xi32, #tpu.memory_space<vmem>> -> memref<128xi32, #tpu.memory_space<vmem>>
      %dma_wait3A_161 = arith.constant 0 : i32
      %dma_wait3A_162 = arith.constant 0 : i32
      %dma_wait3A_163 = tpu.memref_slice %arg2[%dma_wait3A_161, %dma_wait3A_162] : memref<10000x128xf32, #tpu.memory_space<hbm>> -> memref<10000x128xf32, #tpu.memory_space<hbm>>
      tpu.wait_indirect_dma semaphore(%arg12 : memref<!tpu.dma_semaphore, #tpu.memory_space<semaphore_mem>>) src(%dma_wait3A_163 : memref<10000x128xf32, #tpu.memory_space<hbm>>) dst(%arg9 : memref<128x128xf32, #tpu.memory_space<vmem>>)
      %dma_wait3A_164 = arith.constant 0 : i32
      %dma_wait3A_165 = arith.constant 0 : i32
      %dma_wait3A_166 = tpu.memref_slice %arg8[%dma_wait3A_164, %dma_wait3A_165] : memref<4x128xi32, #tpu.memory_space<vmem>> -> memref<1x128xi32, #tpu.memory_space<vmem>>
      %dma_wait3A_167 = tpu.memref_squeeze %dma_wait3A_166 : memref<1x128xi32, #tpu.memory_space<vmem>> -> memref<128xi32, #tpu.memory_space<vmem>>
      %dma_wait3A_168 = arith.constant 0 : i32
      %dma_wait3A_169 = tpu.memref_slice %arg4[%add3A, %add3A_157, %dma_wait3A_168] : memref<32x80x128xi32, #tpu.memory_space<hbm>> -> memref<1x1x128xi32, #tpu.memory_space<hbm>>
      %dma_wait3A_170 = tpu.memref_squeeze %dma_wait3A_169 : memref<1x1x128xi32, #tpu.memory_space<hbm>> -> memref<128xi32, #tpu.memory_space<hbm>>
      %dma_wait3A_171 = arith.constant 0 : i32
      %dma_wait3A_172 = tpu.memref_slice %arg8[%dma_wait3A_164, %dma_wait3A_171] : memref<4x128xi32, #tpu.memory_space<vmem>> -> memref<1x128xi32, #tpu.memory_space<vmem>>
      %dma_wait3A_173 = tpu.memref_squeeze %dma_wait3A_172 : memref<1x128xi32, #tpu.memory_space<vmem>> -> memref<128xi32, #tpu.memory_space<vmem>>
      %dma_wait3A_174 = arith.constant 0 : i32
      %dma_wait3A_175 = tpu.memref_slice %arg4[%add3A, %add3A_157, %dma_wait3A_174] : memref<32x80x128xi32, #tpu.memory_space<hbm>> -> memref<1x1x128xi32, #tpu.memory_space<hbm>>
      %dma_wait3A_176 = tpu.memref_squeeze %dma_wait3A_175 : memref<1x1x128xi32, #tpu.memory_space<hbm>> -> memref<128xi32, #tpu.memory_space<hbm>>
      tpu.wait_dma2 semaphore(%arg14 : memref<!tpu.dma_semaphore, #tpu.memory_space<semaphore_mem>>) src(%dma_wait3A_176 : memref<128xi32, #tpu.memory_space<hbm>>) dst(%dma_wait3A_173 : memref<128xi32, #tpu.memory_space<vmem>>)
      %run_scoped3A = arith.constant 0 : i32
      "tpu.region"() ({
        %run_scoped3A_350 = tpu.sem_alloc : memref<!tpu.dma_semaphore, #tpu.memory_space<semaphore_mem>>
        %dma_start3A_351 = arith.constant 0 : i32
        %dma_start3A_352 = tpu.memref_slice %arg8[%run_scoped3A, %dma_start3A_351] : memref<4x128xi32, #tpu.memory_space<vmem>> -> memref<1x128xi32, #tpu.memory_space<vmem>>
        %dma_start3A_353 = tpu.memref_squeeze %dma_start3A_352 : memref<1x128xi32, #tpu.memory_space<vmem>> -> memref<128xi32, #tpu.memory_space<vmem>>
        %dma_start3A_354 = arith.constant 0 : i32
        %dma_start3A_355 = arith.constant 0 : i32
        %dma_start3A_356 = tpu.memref_slice %arg11[%dma_start3A_354, %dma_start3A_355] : memref<10240x128xf32, #tpu.memory_space<vmem_shared>> -> memref<10240x128xf32, #tpu.memory_space<vmem_shared>>
        tpu.enqueue_indirect_dma source(%arg9 : memref<128x128xf32, #tpu.memory_space<vmem>>) target(%dma_start3A_356 : memref<10240x128xf32, #tpu.memory_space<vmem_shared>>) offsets(%dma_start3A_353 : memref<128xi32, #tpu.memory_space<vmem>>) semaphore(%run_scoped3A_350 : memref<!tpu.dma_semaphore, #tpu.memory_space<semaphore_mem>>) {add = true}
        %dma_wait3A_357 = arith.constant 0 : i32
        %dma_wait3A_358 = tpu.memref_slice %arg8[%run_scoped3A, %dma_wait3A_357] : memref<4x128xi32, #tpu.memory_space<vmem>> -> memref<1x128xi32, #tpu.memory_space<vmem>>
        %dma_wait3A_359 = tpu.memref_squeeze %dma_wait3A_358 : memref<1x128xi32, #tpu.memory_space<vmem>> -> memref<128xi32, #tpu.memory_space<vmem>>
        %dma_wait3A_360 = arith.constant 0 : i32
        %dma_wait3A_361 = arith.constant 0 : i32
        %dma_wait3A_362 = tpu.memref_slice %arg11[%dma_wait3A_360, %dma_wait3A_361] : memref<10240x128xf32, #tpu.memory_space<vmem_shared>> -> memref<10240x128xf32, #tpu.memory_space<vmem_shared>>
        tpu.wait_indirect_dma semaphore(%run_scoped3A_350 : memref<!tpu.dma_semaphore, #tpu.memory_space<semaphore_mem>>) src(%arg9 : memref<128x128xf32, #tpu.memory_space<vmem>>) dst(%dma_wait3A_362 : memref<10240x128xf32, #tpu.memory_space<vmem_shared>>)
        tpu.yield
      }) : () -> ()
      %add3A_177 = arith.constant 2 : i32
      %add3A_178 = arith.addi %add3A_157, %add3A_177 : i32
      %min3A = arith.constant 79 : i32
      %min3A_179 = arith.minsi %add3A_178, %min3A : i32
      %dma_start3A_180 = arith.constant 0 : i32
      %dma_start3A_181 = tpu.memref_slice %arg7[%min3A_179, %dma_start3A_180] : memref<80x128xi32, #tpu.memory_space<vmem>> -> memref<1x128xi32, #tpu.memory_space<vmem>>
      %dma_start3A_182 = tpu.memref_squeeze %dma_start3A_181 : memref<1x128xi32, #tpu.memory_space<vmem>> -> memref<128xi32, #tpu.memory_space<vmem>>
      %dma_start3A_183 = arith.constant 0 : i32
      %dma_start3A_184 = arith.constant 0 : i32
      %dma_start3A_185 = tpu.memref_slice %arg2[%dma_start3A_183, %dma_start3A_184] : memref<10000x128xf32, #tpu.memory_space<hbm>> -> memref<10000x128xf32, #tpu.memory_space<hbm>>
      tpu.enqueue_indirect_dma source(%dma_start3A_185 : memref<10000x128xf32, #tpu.memory_space<hbm>>) target(%arg9 : memref<128x128xf32, #tpu.memory_space<vmem>>) offsets(%dma_start3A_182 : memref<128xi32, #tpu.memory_space<vmem>>) semaphore(%arg12 : memref<!tpu.dma_semaphore, #tpu.memory_space<semaphore_mem>>)
      %add3A_186 = arith.constant 4 : i32
      %add3A_187 = arith.addi %add3A_157, %add3A_186 : i32
      %min3A_188 = arith.constant 79 : i32
      %min3A_189 = arith.minsi %add3A_187, %min3A_188 : i32
      %dma_start3A_190 = arith.constant 0 : i32
      %dma_start3A_191 = arith.constant 0 : i32
      %dma_start3A_192 = tpu.memref_slice %arg8[%dma_start3A_190, %dma_start3A_191] : memref<4x128xi32, #tpu.memory_space<vmem>> -> memref<1x128xi32, #tpu.memory_space<vmem>>
      %dma_start3A_193 = tpu.memref_squeeze %dma_start3A_192 : memref<1x128xi32, #tpu.memory_space<vmem>> -> memref<128xi32, #tpu.memory_space<vmem>>
      %dma_start3A_194 = arith.constant 0 : i32
      %dma_start3A_195 = tpu.memref_slice %arg4[%add3A, %min3A_189, %dma_start3A_194] : memref<32x80x128xi32, #tpu.memory_space<hbm>> -> memref<1x1x128xi32, #tpu.memory_space<hbm>>
      %dma_start3A_196 = tpu.memref_squeeze %dma_start3A_195 : memref<1x1x128xi32, #tpu.memory_space<hbm>> -> memref<128xi32, #tpu.memory_space<hbm>>
      %dma_start3A_197 = arith.constant 0 : i32
      %dma_start3A_198 = tpu.memref_slice %arg8[%dma_start3A_190, %dma_start3A_197] : memref<4x128xi32, #tpu.memory_space<vmem>> -> memref<1x128xi32, #tpu.memory_space<vmem>>
      %dma_start3A_199 = tpu.memref_squeeze %dma_start3A_198 : memref<1x128xi32, #tpu.memory_space<vmem>> -> memref<128xi32, #tpu.memory_space<vmem>>
      %dma_start3A_200 = arith.constant 0 : i32
      %dma_start3A_201 = tpu.memref_slice %arg4[%add3A, %min3A_189, %dma_start3A_200] : memref<32x80x128xi32, #tpu.memory_space<hbm>> -> memref<1x1x128xi32, #tpu.memory_space<hbm>>
      %dma_start3A_202 = tpu.memref_squeeze %dma_start3A_201 : memref<1x1x128xi32, #tpu.memory_space<hbm>> -> memref<128xi32, #tpu.memory_space<hbm>>
      tpu.enqueue_dma source(%dma_start3A_202 : memref<128xi32, #tpu.memory_space<hbm>>) target(%dma_start3A_199 : memref<128xi32, #tpu.memory_space<vmem>>) target_semaphore(%arg14 : memref<!tpu.dma_semaphore, #tpu.memory_space<semaphore_mem>>)
      %add3A_203 = arith.constant 1 : i32
      %add3A_204 = arith.addi %mul3A_155, %add3A_203 : i32
      %dma_wait3A_205 = arith.constant 0 : i32
      %dma_wait3A_206 = tpu.memref_slice %arg7[%add3A_204, %dma_wait3A_205] : memref<80x128xi32, #tpu.memory_space<vmem>> -> memref<1x128xi32, #tpu.memory_space<vmem>>
      %dma_wait3A_207 = tpu.memref_squeeze %dma_wait3A_206 : memref<1x128xi32, #tpu.memory_space<vmem>> -> memref<128xi32, #tpu.memory_space<vmem>>
      %dma_wait3A_208 = arith.constant 0 : i32
      %dma_wait3A_209 = arith.constant 0 : i32
      %dma_wait3A_210 = tpu.memref_slice %arg2[%dma_wait3A_208, %dma_wait3A_209] : memref<10000x128xf32, #tpu.memory_space<hbm>> -> memref<10000x128xf32, #tpu.memory_space<hbm>>
      tpu.wait_indirect_dma semaphore(%arg13 : memref<!tpu.dma_semaphore, #tpu.memory_space<semaphore_mem>>) src(%dma_wait3A_210 : memref<10000x128xf32, #tpu.memory_space<hbm>>) dst(%arg10 : memref<128x128xf32, #tpu.memory_space<vmem>>)
      %dma_wait3A_211 = arith.constant 1 : i32
      %dma_wait3A_212 = arith.constant 0 : i32
      %dma_wait3A_213 = tpu.memref_slice %arg8[%dma_wait3A_211, %dma_wait3A_212] : memref<4x128xi32, #tpu.memory_space<vmem>> -> memref<1x128xi32, #tpu.memory_space<vmem>>
      %dma_wait3A_214 = tpu.memref_squeeze %dma_wait3A_213 : memref<1x128xi32, #tpu.memory_space<vmem>> -> memref<128xi32, #tpu.memory_space<vmem>>
      %dma_wait3A_215 = arith.constant 0 : i32
      %dma_wait3A_216 = tpu.memref_slice %arg4[%add3A, %add3A_204, %dma_wait3A_215] : memref<32x80x128xi32, #tpu.memory_space<hbm>> -> memref<1x1x128xi32, #tpu.memory_space<hbm>>
      %dma_wait3A_217 = tpu.memref_squeeze %dma_wait3A_216 : memref<1x1x128xi32, #tpu.memory_space<hbm>> -> memref<128xi32, #tpu.memory_space<hbm>>
      %dma_wait3A_218 = arith.constant 0 : i32
      %dma_wait3A_219 = tpu.memref_slice %arg8[%dma_wait3A_211, %dma_wait3A_218] : memref<4x128xi32, #tpu.memory_space<vmem>> -> memref<1x128xi32, #tpu.memory_space<vmem>>
      %dma_wait3A_220 = tpu.memref_squeeze %dma_wait3A_219 : memref<1x128xi32, #tpu.memory_space<vmem>> -> memref<128xi32, #tpu.memory_space<vmem>>
      %dma_wait3A_221 = arith.constant 0 : i32
      %dma_wait3A_222 = tpu.memref_slice %arg4[%add3A, %add3A_204, %dma_wait3A_221] : memref<32x80x128xi32, #tpu.memory_space<hbm>> -> memref<1x1x128xi32, #tpu.memory_space<hbm>>
      %dma_wait3A_223 = tpu.memref_squeeze %dma_wait3A_222 : memref<1x1x128xi32, #tpu.memory_space<hbm>> -> memref<128xi32, #tpu.memory_space<hbm>>
      tpu.wait_dma2 semaphore(%arg15 : memref<!tpu.dma_semaphore, #tpu.memory_space<semaphore_mem>>) src(%dma_wait3A_223 : memref<128xi32, #tpu.memory_space<hbm>>) dst(%dma_wait3A_220 : memref<128xi32, #tpu.memory_space<vmem>>)
      %run_scoped3A_224 = arith.constant 1 : i32
      "tpu.region"() ({
        %run_scoped3A_350 = tpu.sem_alloc : memref<!tpu.dma_semaphore, #tpu.memory_space<semaphore_mem>>
        %dma_start3A_351 = arith.constant 0 : i32
        %dma_start3A_352 = tpu.memref_slice %arg8[%run_scoped3A_224, %dma_start3A_351] : memref<4x128xi32, #tpu.memory_space<vmem>> -> memref<1x128xi32, #tpu.memory_space<vmem>>
        %dma_start3A_353 = tpu.memref_squeeze %dma_start3A_352 : memref<1x128xi32, #tpu.memory_space<vmem>> -> memref<128xi32, #tpu.memory_space<vmem>>
        %dma_start3A_354 = arith.constant 0 : i32
        %dma_start3A_355 = arith.constant 0 : i32
        %dma_start3A_356 = tpu.memref_slice %arg11[%dma_start3A_354, %dma_start3A_355] : memref<10240x128xf32, #tpu.memory_space<vmem_shared>> -> memref<10240x128xf32, #tpu.memory_space<vmem_shared>>
        tpu.enqueue_indirect_dma source(%arg10 : memref<128x128xf32, #tpu.memory_space<vmem>>) target(%dma_start3A_356 : memref<10240x128xf32, #tpu.memory_space<vmem_shared>>) offsets(%dma_start3A_353 : memref<128xi32, #tpu.memory_space<vmem>>) semaphore(%run_scoped3A_350 : memref<!tpu.dma_semaphore, #tpu.memory_space<semaphore_mem>>) {add = true}
        %dma_wait3A_357 = arith.constant 0 : i32
        %dma_wait3A_358 = tpu.memref_slice %arg8[%run_scoped3A_224, %dma_wait3A_357] : memref<4x128xi32, #tpu.memory_space<vmem>> -> memref<1x128xi32, #tpu.memory_space<vmem>>
        %dma_wait3A_359 = tpu.memref_squeeze %dma_wait3A_358 : memref<1x128xi32, #tpu.memory_space<vmem>> -> memref<128xi32, #tpu.memory_space<vmem>>
        %dma_wait3A_360 = arith.constant 0 : i32
        %dma_wait3A_361 = arith.constant 0 : i32
        %dma_wait3A_362 = tpu.memref_slice %arg11[%dma_wait3A_360, %dma_wait3A_361] : memref<10240x128xf32, #tpu.memory_space<vmem_shared>> -> memref<10240x128xf32, #tpu.memory_space<vmem_shared>>
        tpu.wait_indirect_dma semaphore(%run_scoped3A_350 : memref<!tpu.dma_semaphore, #tpu.memory_space<semaphore_mem>>) src(%arg10 : memref<128x128xf32, #tpu.memory_space<vmem>>) dst(%dma_wait3A_362 : memref<10240x128xf32, #tpu.memory_space<vmem_shared>>)
        tpu.yield
      }) : () -> ()
      %add3A_225 = arith.constant 2 : i32
      %add3A_226 = arith.addi %add3A_204, %add3A_225 : i32
      %min3A_227 = arith.constant 79 : i32
      %min3A_228 = arith.minsi %add3A_226, %min3A_227 : i32
      %dma_start3A_229 = arith.constant 0 : i32
      %dma_start3A_230 = tpu.memref_slice %arg7[%min3A_228, %dma_start3A_229] : memref<80x128xi32, #tpu.memory_space<vmem>> -> memref<1x128xi32, #tpu.memory_space<vmem>>
      %dma_start3A_231 = tpu.memref_squeeze %dma_start3A_230 : memref<1x128xi32, #tpu.memory_space<vmem>> -> memref<128xi32, #tpu.memory_space<vmem>>
      %dma_start3A_232 = arith.constant 0 : i32
      %dma_start3A_233 = arith.constant 0 : i32
      %dma_start3A_234 = tpu.memref_slice %arg2[%dma_start3A_232, %dma_start3A_233] : memref<10000x128xf32, #tpu.memory_space<hbm>> -> memref<10000x128xf32, #tpu.memory_space<hbm>>
      tpu.enqueue_indirect_dma source(%dma_start3A_234 : memref<10000x128xf32, #tpu.memory_space<hbm>>) target(%arg10 : memref<128x128xf32, #tpu.memory_space<vmem>>) offsets(%dma_start3A_231 : memref<128xi32, #tpu.memory_space<vmem>>) semaphore(%arg13 : memref<!tpu.dma_semaphore, #tpu.memory_space<semaphore_mem>>)
      %add3A_235 = arith.constant 4 : i32
      %add3A_236 = arith.addi %add3A_204, %add3A_235 : i32
      %min3A_237 = arith.constant 79 : i32
      %min3A_238 = arith.minsi %add3A_236, %min3A_237 : i32
      %dma_start3A_239 = arith.constant 1 : i32
      %dma_start3A_240 = arith.constant 0 : i32
      %dma_start3A_241 = tpu.memref_slice %arg8[%dma_start3A_239, %dma_start3A_240] : memref<4x128xi32, #tpu.memory_space<vmem>> -> memref<1x128xi32, #tpu.memory_space<vmem>>
      %dma_start3A_242 = tpu.memref_squeeze %dma_start3A_241 : memref<1x128xi32, #tpu.memory_space<vmem>> -> memref<128xi32, #tpu.memory_space<vmem>>
      %dma_start3A_243 = arith.constant 0 : i32
      %dma_start3A_244 = tpu.memref_slice %arg4[%add3A, %min3A_238, %dma_start3A_243] : memref<32x80x128xi32, #tpu.memory_space<hbm>> -> memref<1x1x128xi32, #tpu.memory_space<hbm>>
      %dma_start3A_245 = tpu.memref_squeeze %dma_start3A_244 : memref<1x1x128xi32, #tpu.memory_space<hbm>> -> memref<128xi32, #tpu.memory_space<hbm>>
      %dma_start3A_246 = arith.constant 0 : i32
      %dma_start3A_247 = tpu.memref_slice %arg8[%dma_start3A_239, %dma_start3A_246] : memref<4x128xi32, #tpu.memory_space<vmem>> -> memref<1x128xi32, #tpu.memory_space<vmem>>
      %dma_start3A_248 = tpu.memref_squeeze %dma_start3A_247 : memref<1x128xi32, #tpu.memory_space<vmem>> -> memref<128xi32, #tpu.memory_space<vmem>>
      %dma_start3A_249 = arith.constant 0 : i32
      %dma_start3A_250 = tpu.memref_slice %arg4[%add3A, %min3A_238, %dma_start3A_249] : memref<32x80x128xi32, #tpu.memory_space<hbm>> -> memref<1x1x128xi32, #tpu.memory_space<hbm>>
      %dma_start3A_251 = tpu.memref_squeeze %dma_start3A_250 : memref<1x1x128xi32, #tpu.memory_space<hbm>> -> memref<128xi32, #tpu.memory_space<hbm>>
      tpu.enqueue_dma source(%dma_start3A_251 : memref<128xi32, #tpu.memory_space<hbm>>) target(%dma_start3A_248 : memref<128xi32, #tpu.memory_space<vmem>>) target_semaphore(%arg15 : memref<!tpu.dma_semaphore, #tpu.memory_space<semaphore_mem>>)
      %add3A_252 = arith.constant 2 : i32
      %add3A_253 = arith.addi %mul3A_155, %add3A_252 : i32
      %dma_wait3A_254 = arith.constant 0 : i32
      %dma_wait3A_255 = tpu.memref_slice %arg7[%add3A_253, %dma_wait3A_254] : memref<80x128xi32, #tpu.memory_space<vmem>> -> memref<1x128xi32, #tpu.memory_space<vmem>>
      %dma_wait3A_256 = tpu.memref_squeeze %dma_wait3A_255 : memref<1x128xi32, #tpu.memory_space<vmem>> -> memref<128xi32, #tpu.memory_space<vmem>>
      %dma_wait3A_257 = arith.constant 0 : i32
      %dma_wait3A_258 = arith.constant 0 : i32
      %dma_wait3A_259 = tpu.memref_slice %arg2[%dma_wait3A_257, %dma_wait3A_258] : memref<10000x128xf32, #tpu.memory_space<hbm>> -> memref<10000x128xf32, #tpu.memory_space<hbm>>
      tpu.wait_indirect_dma semaphore(%arg12 : memref<!tpu.dma_semaphore, #tpu.memory_space<semaphore_mem>>) src(%dma_wait3A_259 : memref<10000x128xf32, #tpu.memory_space<hbm>>) dst(%arg9 : memref<128x128xf32, #tpu.memory_space<vmem>>)
      %dma_wait3A_260 = arith.constant 2 : i32
      %dma_wait3A_261 = arith.constant 0 : i32
      %dma_wait3A_262 = tpu.memref_slice %arg8[%dma_wait3A_260, %dma_wait3A_261] : memref<4x128xi32, #tpu.memory_space<vmem>> -> memref<1x128xi32, #tpu.memory_space<vmem>>
      %dma_wait3A_263 = tpu.memref_squeeze %dma_wait3A_262 : memref<1x128xi32, #tpu.memory_space<vmem>> -> memref<128xi32, #tpu.memory_space<vmem>>
      %dma_wait3A_264 = arith.constant 0 : i32
      %dma_wait3A_265 = tpu.memref_slice %arg4[%add3A, %add3A_253, %dma_wait3A_264] : memref<32x80x128xi32, #tpu.memory_space<hbm>> -> memref<1x1x128xi32, #tpu.memory_space<hbm>>
      %dma_wait3A_266 = tpu.memref_squeeze %dma_wait3A_265 : memref<1x1x128xi32, #tpu.memory_space<hbm>> -> memref<128xi32, #tpu.memory_space<hbm>>
      %dma_wait3A_267 = arith.constant 0 : i32
      %dma_wait3A_268 = tpu.memref_slice %arg8[%dma_wait3A_260, %dma_wait3A_267] : memref<4x128xi32, #tpu.memory_space<vmem>> -> memref<1x128xi32, #tpu.memory_space<vmem>>
      %dma_wait3A_269 = tpu.memref_squeeze %dma_wait3A_268 : memref<1x128xi32, #tpu.memory_space<vmem>> -> memref<128xi32, #tpu.memory_space<vmem>>
      %dma_wait3A_270 = arith.constant 0 : i32
      %dma_wait3A_271 = tpu.memref_slice %arg4[%add3A, %add3A_253, %dma_wait3A_270] : memref<32x80x128xi32, #tpu.memory_space<hbm>> -> memref<1x1x128xi32, #tpu.memory_space<hbm>>
      %dma_wait3A_272 = tpu.memref_squeeze %dma_wait3A_271 : memref<1x1x128xi32, #tpu.memory_space<hbm>> -> memref<128xi32, #tpu.memory_space<hbm>>
      tpu.wait_dma2 semaphore(%arg16 : memref<!tpu.dma_semaphore, #tpu.memory_space<semaphore_mem>>) src(%dma_wait3A_272 : memref<128xi32, #tpu.memory_space<hbm>>) dst(%dma_wait3A_269 : memref<128xi32, #tpu.memory_space<vmem>>)
      %run_scoped3A_273 = arith.constant 2 : i32
      "tpu.region"() ({
        %run_scoped3A_350 = tpu.sem_alloc : memref<!tpu.dma_semaphore, #tpu.memory_space<semaphore_mem>>
        %dma_start3A_351 = arith.constant 0 : i32
        %dma_start3A_352 = tpu.memref_slice %arg8[%run_scoped3A_273, %dma_start3A_351] : memref<4x128xi32, #tpu.memory_space<vmem>> -> memref<1x128xi32, #tpu.memory_space<vmem>>
        %dma_start3A_353 = tpu.memref_squeeze %dma_start3A_352 : memref<1x128xi32, #tpu.memory_space<vmem>> -> memref<128xi32, #tpu.memory_space<vmem>>
        %dma_start3A_354 = arith.constant 0 : i32
        %dma_start3A_355 = arith.constant 0 : i32
        %dma_start3A_356 = tpu.memref_slice %arg11[%dma_start3A_354, %dma_start3A_355] : memref<10240x128xf32, #tpu.memory_space<vmem_shared>> -> memref<10240x128xf32, #tpu.memory_space<vmem_shared>>
        tpu.enqueue_indirect_dma source(%arg9 : memref<128x128xf32, #tpu.memory_space<vmem>>) target(%dma_start3A_356 : memref<10240x128xf32, #tpu.memory_space<vmem_shared>>) offsets(%dma_start3A_353 : memref<128xi32, #tpu.memory_space<vmem>>) semaphore(%run_scoped3A_350 : memref<!tpu.dma_semaphore, #tpu.memory_space<semaphore_mem>>) {add = true}
        %dma_wait3A_357 = arith.constant 0 : i32
        %dma_wait3A_358 = tpu.memref_slice %arg8[%run_scoped3A_273, %dma_wait3A_357] : memref<4x128xi32, #tpu.memory_space<vmem>> -> memref<1x128xi32, #tpu.memory_space<vmem>>
        %dma_wait3A_359 = tpu.memref_squeeze %dma_wait3A_358 : memref<1x128xi32, #tpu.memory_space<vmem>> -> memref<128xi32, #tpu.memory_space<vmem>>
        %dma_wait3A_360 = arith.constant 0 : i32
        %dma_wait3A_361 = arith.constant 0 : i32
        %dma_wait3A_362 = tpu.memref_slice %arg11[%dma_wait3A_360, %dma_wait3A_361] : memref<10240x128xf32, #tpu.memory_space<vmem_shared>> -> memref<10240x128xf32, #tpu.memory_space<vmem_shared>>
        tpu.wait_indirect_dma semaphore(%run_scoped3A_350 : memref<!tpu.dma_semaphore, #tpu.memory_space<semaphore_mem>>) src(%arg9 : memref<128x128xf32, #tpu.memory_space<vmem>>) dst(%dma_wait3A_362 : memref<10240x128xf32, #tpu.memory_space<vmem_shared>>)
        tpu.yield
      }) : () -> ()
      %add3A_274 = arith.constant 2 : i32
      %add3A_275 = arith.addi %add3A_253, %add3A_274 : i32
      %min3A_276 = arith.constant 79 : i32
      %min3A_277 = arith.minsi %add3A_275, %min3A_276 : i32
      %dma_start3A_278 = arith.constant 0 : i32
      %dma_start3A_279 = tpu.memref_slice %arg7[%min3A_277, %dma_start3A_278] : memref<80x128xi32, #tpu.memory_space<vmem>> -> memref<1x128xi32, #tpu.memory_space<vmem>>
      %dma_start3A_280 = tpu.memref_squeeze %dma_start3A_279 : memref<1x128xi32, #tpu.memory_space<vmem>> -> memref<128xi32, #tpu.memory_space<vmem>>
      %dma_start3A_281 = arith.constant 0 : i32
      %dma_start3A_282 = arith.constant 0 : i32
      %dma_start3A_283 = tpu.memref_slice %arg2[%dma_start3A_281, %dma_start3A_282] : memref<10000x128xf32, #tpu.memory_space<hbm>> -> memref<10000x128xf32, #tpu.memory_space<hbm>>
      tpu.enqueue_indirect_dma source(%dma_start3A_283 : memref<10000x128xf32, #tpu.memory_space<hbm>>) target(%arg9 : memref<128x128xf32, #tpu.memory_space<vmem>>) offsets(%dma_start3A_280 : memref<128xi32, #tpu.memory_space<vmem>>) semaphore(%arg12 : memref<!tpu.dma_semaphore, #tpu.memory_space<semaphore_mem>>)
      %add3A_284 = arith.constant 4 : i32
      %add3A_285 = arith.addi %add3A_253, %add3A_284 : i32
      %min3A_286 = arith.constant 79 : i32
      %min3A_287 = arith.minsi %add3A_285, %min3A_286 : i32
      %dma_start3A_288 = arith.constant 2 : i32
      %dma_start3A_289 = arith.constant 0 : i32
      %dma_start3A_290 = tpu.memref_slice %arg8[%dma_start3A_288, %dma_start3A_289] : memref<4x128xi32, #tpu.memory_space<vmem>> -> memref<1x128xi32, #tpu.memory_space<vmem>>
      %dma_start3A_291 = tpu.memref_squeeze %dma_start3A_290 : memref<1x128xi32, #tpu.memory_space<vmem>> -> memref<128xi32, #tpu.memory_space<vmem>>
      %dma_start3A_292 = arith.constant 0 : i32
      %dma_start3A_293 = tpu.memref_slice %arg4[%add3A, %min3A_287, %dma_start3A_292] : memref<32x80x128xi32, #tpu.memory_space<hbm>> -> memref<1x1x128xi32, #tpu.memory_space<hbm>>
      %dma_start3A_294 = tpu.memref_squeeze %dma_start3A_293 : memref<1x1x128xi32, #tpu.memory_space<hbm>> -> memref<128xi32, #tpu.memory_space<hbm>>
      %dma_start3A_295 = arith.constant 0 : i32
      %dma_start3A_296 = tpu.memref_slice %arg8[%dma_start3A_288, %dma_start3A_295] : memref<4x128xi32, #tpu.memory_space<vmem>> -> memref<1x128xi32, #tpu.memory_space<vmem>>
      %dma_start3A_297 = tpu.memref_squeeze %dma_start3A_296 : memref<1x128xi32, #tpu.memory_space<vmem>> -> memref<128xi32, #tpu.memory_space<vmem>>
      %dma_start3A_298 = arith.constant 0 : i32
      %dma_start3A_299 = tpu.memref_slice %arg4[%add3A, %min3A_287, %dma_start3A_298] : memref<32x80x128xi32, #tpu.memory_space<hbm>> -> memref<1x1x128xi32, #tpu.memory_space<hbm>>
      %dma_start3A_300 = tpu.memref_squeeze %dma_start3A_299 : memref<1x1x128xi32, #tpu.memory_space<hbm>> -> memref<128xi32, #tpu.memory_space<hbm>>
      tpu.enqueue_dma source(%dma_start3A_300 : memref<128xi32, #tpu.memory_space<hbm>>) target(%dma_start3A_297 : memref<128xi32, #tpu.memory_space<vmem>>) target_semaphore(%arg16 : memref<!tpu.dma_semaphore, #tpu.memory_space<semaphore_mem>>)
      %add3A_301 = arith.constant 3 : i32
      %add3A_302 = arith.addi %mul3A_155, %add3A_301 : i32
      %dma_wait3A_303 = arith.constant 0 : i32
      %dma_wait3A_304 = tpu.memref_slice %arg7[%add3A_302, %dma_wait3A_303] : memref<80x128xi32, #tpu.memory_space<vmem>> -> memref<1x128xi32, #tpu.memory_space<vmem>>
      %dma_wait3A_305 = tpu.memref_squeeze %dma_wait3A_304 : memref<1x128xi32, #tpu.memory_space<vmem>> -> memref<128xi32, #tpu.memory_space<vmem>>
      %dma_wait3A_306 = arith.constant 0 : i32
      %dma_wait3A_307 = arith.constant 0 : i32
      %dma_wait3A_308 = tpu.memref_slice %arg2[%dma_wait3A_306, %dma_wait3A_307] : memref<10000x128xf32, #tpu.memory_space<hbm>> -> memref<10000x128xf32, #tpu.memory_space<hbm>>
      tpu.wait_indirect_dma semaphore(%arg13 : memref<!tpu.dma_semaphore, #tpu.memory_space<semaphore_mem>>) src(%dma_wait3A_308 : memref<10000x128xf32, #tpu.memory_space<hbm>>) dst(%arg10 : memref<128x128xf32, #tpu.memory_space<vmem>>)
      %dma_wait3A_309 = arith.constant 3 : i32
      %dma_wait3A_310 = arith.constant 0 : i32
      %dma_wait3A_311 = tpu.memref_slice %arg8[%dma_wait3A_309, %dma_wait3A_310] : memref<4x128xi32, #tpu.memory_space<vmem>> -> memref<1x128xi32, #tpu.memory_space<vmem>>
      %dma_wait3A_312 = tpu.memref_squeeze %dma_wait3A_311 : memref<1x128xi32, #tpu.memory_space<vmem>> -> memref<128xi32, #tpu.memory_space<vmem>>
      %dma_wait3A_313 = arith.constant 0 : i32
      %dma_wait3A_314 = tpu.memref_slice %arg4[%add3A, %add3A_302, %dma_wait3A_313] : memref<32x80x128xi32, #tpu.memory_space<hbm>> -> memref<1x1x128xi32, #tpu.memory_space<hbm>>
      %dma_wait3A_315 = tpu.memref_squeeze %dma_wait3A_314 : memref<1x1x128xi32, #tpu.memory_space<hbm>> -> memref<128xi32, #tpu.memory_space<hbm>>
      %dma_wait3A_316 = arith.constant 0 : i32
      %dma_wait3A_317 = tpu.memref_slice %arg8[%dma_wait3A_309, %dma_wait3A_316] : memref<4x128xi32, #tpu.memory_space<vmem>> -> memref<1x128xi32, #tpu.memory_space<vmem>>
      %dma_wait3A_318 = tpu.memref_squeeze %dma_wait3A_317 : memref<1x128xi32, #tpu.memory_space<vmem>> -> memref<128xi32, #tpu.memory_space<vmem>>
      %dma_wait3A_319 = arith.constant 0 : i32
      %dma_wait3A_320 = tpu.memref_slice %arg4[%add3A, %add3A_302, %dma_wait3A_319] : memref<32x80x128xi32, #tpu.memory_space<hbm>> -> memref<1x1x128xi32, #tpu.memory_space<hbm>>
      %dma_wait3A_321 = tpu.memref_squeeze %dma_wait3A_320 : memref<1x1x128xi32, #tpu.memory_space<hbm>> -> memref<128xi32, #tpu.memory_space<hbm>>
      tpu.wait_dma2 semaphore(%arg17 : memref<!tpu.dma_semaphore, #tpu.memory_space<semaphore_mem>>) src(%dma_wait3A_321 : memref<128xi32, #tpu.memory_space<hbm>>) dst(%dma_wait3A_318 : memref<128xi32, #tpu.memory_space<vmem>>)
      %run_scoped3A_322 = arith.constant 3 : i32
      "tpu.region"() ({
        %run_scoped3A_350 = tpu.sem_alloc : memref<!tpu.dma_semaphore, #tpu.memory_space<semaphore_mem>>
        %dma_start3A_351 = arith.constant 0 : i32
        %dma_start3A_352 = tpu.memref_slice %arg8[%run_scoped3A_322, %dma_start3A_351] : memref<4x128xi32, #tpu.memory_space<vmem>> -> memref<1x128xi32, #tpu.memory_space<vmem>>
        %dma_start3A_353 = tpu.memref_squeeze %dma_start3A_352 : memref<1x128xi32, #tpu.memory_space<vmem>> -> memref<128xi32, #tpu.memory_space<vmem>>
        %dma_start3A_354 = arith.constant 0 : i32
        %dma_start3A_355 = arith.constant 0 : i32
        %dma_start3A_356 = tpu.memref_slice %arg11[%dma_start3A_354, %dma_start3A_355] : memref<10240x128xf32, #tpu.memory_space<vmem_shared>> -> memref<10240x128xf32, #tpu.memory_space<vmem_shared>>
        tpu.enqueue_indirect_dma source(%arg10 : memref<128x128xf32, #tpu.memory_space<vmem>>) target(%dma_start3A_356 : memref<10240x128xf32, #tpu.memory_space<vmem_shared>>) offsets(%dma_start3A_353 : memref<128xi32, #tpu.memory_space<vmem>>) semaphore(%run_scoped3A_350 : memref<!tpu.dma_semaphore, #tpu.memory_space<semaphore_mem>>) {add = true}
        %dma_wait3A_357 = arith.constant 0 : i32
        %dma_wait3A_358 = tpu.memref_slice %arg8[%run_scoped3A_322, %dma_wait3A_357] : memref<4x128xi32, #tpu.memory_space<vmem>> -> memref<1x128xi32, #tpu.memory_space<vmem>>
        %dma_wait3A_359 = tpu.memref_squeeze %dma_wait3A_358 : memref<1x128xi32, #tpu.memory_space<vmem>> -> memref<128xi32, #tpu.memory_space<vmem>>
        %dma_wait3A_360 = arith.constant 0 : i32
        %dma_wait3A_361 = arith.constant 0 : i32
        %dma_wait3A_362 = tpu.memref_slice %arg11[%dma_wait3A_360, %dma_wait3A_361] : memref<10240x128xf32, #tpu.memory_space<vmem_shared>> -> memref<10240x128xf32, #tpu.memory_space<vmem_shared>>
        tpu.wait_indirect_dma semaphore(%run_scoped3A_350 : memref<!tpu.dma_semaphore, #tpu.memory_space<semaphore_mem>>) src(%arg10 : memref<128x128xf32, #tpu.memory_space<vmem>>) dst(%dma_wait3A_362 : memref<10240x128xf32, #tpu.memory_space<vmem_shared>>)
        tpu.yield
      }) : () -> ()
      %add3A_323 = arith.constant 2 : i32
      %add3A_324 = arith.addi %add3A_302, %add3A_323 : i32
      %min3A_325 = arith.constant 79 : i32
      %min3A_326 = arith.minsi %add3A_324, %min3A_325 : i32
      %dma_start3A_327 = arith.constant 0 : i32
      %dma_start3A_328 = tpu.memref_slice %arg7[%min3A_326, %dma_start3A_327] : memref<80x128xi32, #tpu.memory_space<vmem>> -> memref<1x128xi32, #tpu.memory_space<vmem>>
      %dma_start3A_329 = tpu.memref_squeeze %dma_start3A_328 : memref<1x128xi32, #tpu.memory_space<vmem>> -> memref<128xi32, #tpu.memory_space<vmem>>
      %dma_start3A_330 = arith.constant 0 : i32
      %dma_start3A_331 = arith.constant 0 : i32
      %dma_start3A_332 = tpu.memref_slice %arg2[%dma_start3A_330, %dma_start3A_331] : memref<10000x128xf32, #tpu.memory_space<hbm>> -> memref<10000x128xf32, #tpu.memory_space<hbm>>
      tpu.enqueue_indirect_dma source(%dma_start3A_332 : memref<10000x128xf32, #tpu.memory_space<hbm>>) target(%arg10 : memref<128x128xf32, #tpu.memory_space<vmem>>) offsets(%dma_start3A_329 : memref<128xi32, #tpu.memory_space<vmem>>) semaphore(%arg13 : memref<!tpu.dma_semaphore, #tpu.memory_space<semaphore_mem>>)
      %add3A_333 = arith.constant 4 : i32
      %add3A_334 = arith.addi %add3A_302, %add3A_333 : i32
      %min3A_335 = arith.constant 79 : i32
      %min3A_336 = arith.minsi %add3A_334, %min3A_335 : i32
      %dma_start3A_337 = arith.constant 3 : i32
      %dma_start3A_338 = arith.constant 0 : i32
      %dma_start3A_339 = tpu.memref_slice %arg8[%dma_start3A_337, %dma_start3A_338] : memref<4x128xi32, #tpu.memory_space<vmem>> -> memref<1x128xi32, #tpu.memory_space<vmem>>
      %dma_start3A_340 = tpu.memref_squeeze %dma_start3A_339 : memref<1x128xi32, #tpu.memory_space<vmem>> -> memref<128xi32, #tpu.memory_space<vmem>>
      %dma_start3A_341 = arith.constant 0 : i32
      %dma_start3A_342 = tpu.memref_slice %arg4[%add3A, %min3A_336, %dma_start3A_341] : memref<32x80x128xi32, #tpu.memory_space<hbm>> -> memref<1x1x128xi32, #tpu.memory_space<hbm>>
      %dma_start3A_343 = tpu.memref_squeeze %dma_start3A_342 : memref<1x1x128xi32, #tpu.memory_space<hbm>> -> memref<128xi32, #tpu.memory_space<hbm>>
      %dma_start3A_344 = arith.constant 0 : i32
      %dma_start3A_345 = tpu.memref_slice %arg8[%dma_start3A_337, %dma_start3A_344] : memref<4x128xi32, #tpu.memory_space<vmem>> -> memref<1x128xi32, #tpu.memory_space<vmem>>
      %dma_start3A_346 = tpu.memref_squeeze %dma_start3A_345 : memref<1x128xi32, #tpu.memory_space<vmem>> -> memref<128xi32, #tpu.memory_space<vmem>>
      %dma_start3A_347 = arith.constant 0 : i32
      %dma_start3A_348 = tpu.memref_slice %arg4[%add3A, %min3A_336, %dma_start3A_347] : memref<32x80x128xi32, #tpu.memory_space<hbm>> -> memref<1x1x128xi32, #tpu.memory_space<hbm>>
      %dma_start3A_349 = tpu.memref_squeeze %dma_start3A_348 : memref<1x1x128xi32, #tpu.memory_space<hbm>> -> memref<128xi32, #tpu.memory_space<hbm>>
      tpu.enqueue_dma source(%dma_start3A_349 : memref<128xi32, #tpu.memory_space<hbm>>) target(%dma_start3A_346 : memref<128xi32, #tpu.memory_space<vmem>>) target_semaphore(%arg17 : memref<!tpu.dma_semaphore, #tpu.memory_space<semaphore_mem>>)
    }
    %scan3A_78 = arith.constant 20 : i32
    %dma_wait3A = arith.constant 79 : i32
    %dma_wait3A_79 = arith.constant 0 : i32
    %dma_wait3A_80 = tpu.memref_slice %arg7[%dma_wait3A, %dma_wait3A_79] : memref<80x128xi32, #tpu.memory_space<vmem>> -> memref<1x128xi32, #tpu.memory_space<vmem>>
    %dma_wait3A_81 = tpu.memref_squeeze %dma_wait3A_80 : memref<1x128xi32, #tpu.memory_space<vmem>> -> memref<128xi32, #tpu.memory_space<vmem>>
    %dma_wait3A_82 = arith.constant 0 : i32
    %dma_wait3A_83 = arith.constant 0 : i32
    %dma_wait3A_84 = tpu.memref_slice %arg2[%dma_wait3A_82, %dma_wait3A_83] : memref<10000x128xf32, #tpu.memory_space<hbm>> -> memref<10000x128xf32, #tpu.memory_space<hbm>>
    tpu.wait_indirect_dma semaphore(%arg12 : memref<!tpu.dma_semaphore, #tpu.memory_space<semaphore_mem>>) src(%dma_wait3A_84 : memref<10000x128xf32, #tpu.memory_space<hbm>>) dst(%arg9 : memref<128x128xf32, #tpu.memory_space<vmem>>)
    %dma_wait3A_85 = arith.constant 79 : i32
    %dma_wait3A_86 = arith.constant 0 : i32
    %dma_wait3A_87 = tpu.memref_slice %arg7[%dma_wait3A_85, %dma_wait3A_86] : memref<80x128xi32, #tpu.memory_space<vmem>> -> memref<1x128xi32, #tpu.memory_space<vmem>>
    %dma_wait3A_88 = tpu.memref_squeeze %dma_wait3A_87 : memref<1x128xi32, #tpu.memory_space<vmem>> -> memref<128xi32, #tpu.memory_space<vmem>>
    %dma_wait3A_89 = arith.constant 0 : i32
    %dma_wait3A_90 = arith.constant 0 : i32
    %dma_wait3A_91 = tpu.memref_slice %arg2[%dma_wait3A_89, %dma_wait3A_90] : memref<10000x128xf32, #tpu.memory_space<hbm>> -> memref<10000x128xf32, #tpu.memory_space<hbm>>
    tpu.wait_indirect_dma semaphore(%arg13 : memref<!tpu.dma_semaphore, #tpu.memory_space<semaphore_mem>>) src(%dma_wait3A_91 : memref<10000x128xf32, #tpu.memory_space<hbm>>) dst(%arg10 : memref<128x128xf32, #tpu.memory_space<vmem>>)
    %dma_wait3A_92 = arith.constant 79 : i32
    %dma_wait3A_93 = arith.constant 0 : i32
    %dma_wait3A_94 = arith.constant 0 : i32
    %dma_wait3A_95 = tpu.memref_slice %arg8[%dma_wait3A_93, %dma_wait3A_94] : memref<4x128xi32, #tpu.memory_space<vmem>> -> memref<1x128xi32, #tpu.memory_space<vmem>>
    %dma_wait3A_96 = tpu.memref_squeeze %dma_wait3A_95 : memref<1x128xi32, #tpu.memory_space<vmem>> -> memref<128xi32, #tpu.memory_space<vmem>>
    %dma_wait3A_97 = arith.constant 0 : i32
    %dma_wait3A_98 = tpu.memref_slice %arg4[%add3A, %dma_wait3A_92, %dma_wait3A_97] : memref<32x80x128xi32, #tpu.memory_space<hbm>> -> memref<1x1x128xi32, #tpu.memory_space<hbm>>
    %dma_wait3A_99 = tpu.memref_squeeze %dma_wait3A_98 : memref<1x1x128xi32, #tpu.memory_space<hbm>> -> memref<128xi32, #tpu.memory_space<hbm>>
    %dma_wait3A_100 = arith.constant 0 : i32
    %dma_wait3A_101 = tpu.memref_slice %arg8[%dma_wait3A_93, %dma_wait3A_100] : memref<4x128xi32, #tpu.memory_space<vmem>> -> memref<1x128xi32, #tpu.memory_space<vmem>>
    %dma_wait3A_102 = tpu.memref_squeeze %dma_wait3A_101 : memref<1x128xi32, #tpu.memory_space<vmem>> -> memref<128xi32, #tpu.memory_space<vmem>>
    %dma_wait3A_103 = arith.constant 0 : i32
    %dma_wait3A_104 = tpu.memref_slice %arg4[%add3A, %dma_wait3A_92, %dma_wait3A_103] : memref<32x80x128xi32, #tpu.memory_space<hbm>> -> memref<1x1x128xi32, #tpu.memory_space<hbm>>
    %dma_wait3A_105 = tpu.memref_squeeze %dma_wait3A_104 : memref<1x1x128xi32, #tpu.memory_space<hbm>> -> memref<128xi32, #tpu.memory_space<hbm>>
    tpu.wait_dma2 semaphore(%arg14 : memref<!tpu.dma_semaphore, #tpu.memory_space<semaphore_mem>>) src(%dma_wait3A_105 : memref<128xi32, #tpu.memory_space<hbm>>) dst(%dma_wait3A_102 : memref<128xi32, #tpu.memory_space<vmem>>)
    %dma_wait3A_106 = arith.constant 79 : i32
    %dma_wait3A_107 = arith.constant 1 : i32
    %dma_wait3A_108 = arith.constant 0 : i32
    %dma_wait3A_109 = tpu.memref_slice %arg8[%dma_wait3A_107, %dma_wait3A_108] : memref<4x128xi32, #tpu.memory_space<vmem>> -> memref<1x128xi32, #tpu.memory_space<vmem>>
    %dma_wait3A_110 = tpu.memref_squeeze %dma_wait3A_109 : memref<1x128xi32, #tpu.memory_space<vmem>> -> memref<128xi32, #tpu.memory_space<vmem>>
    %dma_wait3A_111 = arith.constant 0 : i32
    %dma_wait3A_112 = tpu.memref_slice %arg4[%add3A, %dma_wait3A_106, %dma_wait3A_111] : memref<32x80x128xi32, #tpu.memory_space<hbm>> -> memref<1x1x128xi32, #tpu.memory_space<hbm>>
    %dma_wait3A_113 = tpu.memref_squeeze %dma_wait3A_112 : memref<1x1x128xi32, #tpu.memory_space<hbm>> -> memref<128xi32, #tpu.memory_space<hbm>>
    %dma_wait3A_114 = arith.constant 0 : i32
    %dma_wait3A_115 = tpu.memref_slice %arg8[%dma_wait3A_107, %dma_wait3A_114] : memref<4x128xi32, #tpu.memory_space<vmem>> -> memref<1x128xi32, #tpu.memory_space<vmem>>
    %dma_wait3A_116 = tpu.memref_squeeze %dma_wait3A_115 : memref<1x128xi32, #tpu.memory_space<vmem>> -> memref<128xi32, #tpu.memory_space<vmem>>
    %dma_wait3A_117 = arith.constant 0 : i32
    %dma_wait3A_118 = tpu.memref_slice %arg4[%add3A, %dma_wait3A_106, %dma_wait3A_117] : memref<32x80x128xi32, #tpu.memory_space<hbm>> -> memref<1x1x128xi32, #tpu.memory_space<hbm>>
    %dma_wait3A_119 = tpu.memref_squeeze %dma_wait3A_118 : memref<1x1x128xi32, #tpu.memory_space<hbm>> -> memref<128xi32, #tpu.memory_space<hbm>>
    tpu.wait_dma2 semaphore(%arg15 : memref<!tpu.dma_semaphore, #tpu.memory_space<semaphore_mem>>) src(%dma_wait3A_119 : memref<128xi32, #tpu.memory_space<hbm>>) dst(%dma_wait3A_116 : memref<128xi32, #tpu.memory_space<vmem>>)
    %dma_wait3A_120 = arith.constant 79 : i32
    %dma_wait3A_121 = arith.constant 2 : i32
    %dma_wait3A_122 = arith.constant 0 : i32
    %dma_wait3A_123 = tpu.memref_slice %arg8[%dma_wait3A_121, %dma_wait3A_122] : memref<4x128xi32, #tpu.memory_space<vmem>> -> memref<1x128xi32, #tpu.memory_space<vmem>>
    %dma_wait3A_124 = tpu.memref_squeeze %dma_wait3A_123 : memref<1x128xi32, #tpu.memory_space<vmem>> -> memref<128xi32, #tpu.memory_space<vmem>>
    %dma_wait3A_125 = arith.constant 0 : i32
    %dma_wait3A_126 = tpu.memref_slice %arg4[%add3A, %dma_wait3A_120, %dma_wait3A_125] : memref<32x80x128xi32, #tpu.memory_space<hbm>> -> memref<1x1x128xi32, #tpu.memory_space<hbm>>
    %dma_wait3A_127 = tpu.memref_squeeze %dma_wait3A_126 : memref<1x1x128xi32, #tpu.memory_space<hbm>> -> memref<128xi32, #tpu.memory_space<hbm>>
    %dma_wait3A_128 = arith.constant 0 : i32
    %dma_wait3A_129 = tpu.memref_slice %arg8[%dma_wait3A_121, %dma_wait3A_128] : memref<4x128xi32, #tpu.memory_space<vmem>> -> memref<1x128xi32, #tpu.memory_space<vmem>>
    %dma_wait3A_130 = tpu.memref_squeeze %dma_wait3A_129 : memref<1x128xi32, #tpu.memory_space<vmem>> -> memref<128xi32, #tpu.memory_space<vmem>>
    %dma_wait3A_131 = arith.constant 0 : i32
    %dma_wait3A_132 = tpu.memref_slice %arg4[%add3A, %dma_wait3A_120, %dma_wait3A_131] : memref<32x80x128xi32, #tpu.memory_space<hbm>> -> memref<1x1x128xi32, #tpu.memory_space<hbm>>
    %dma_wait3A_133 = tpu.memref_squeeze %dma_wait3A_132 : memref<1x1x128xi32, #tpu.memory_space<hbm>> -> memref<128xi32, #tpu.memory_space<hbm>>
    tpu.wait_dma2 semaphore(%arg16 : memref<!tpu.dma_semaphore, #tpu.memory_space<semaphore_mem>>) src(%dma_wait3A_133 : memref<128xi32, #tpu.memory_space<hbm>>) dst(%dma_wait3A_130 : memref<128xi32, #tpu.memory_space<vmem>>)
    %dma_wait3A_134 = arith.constant 79 : i32
    %dma_wait3A_135 = arith.constant 3 : i32
    %dma_wait3A_136 = arith.constant 0 : i32
    %dma_wait3A_137 = tpu.memref_slice %arg8[%dma_wait3A_135, %dma_wait3A_136] : memref<4x128xi32, #tpu.memory_space<vmem>> -> memref<1x128xi32, #tpu.memory_space<vmem>>
    %dma_wait3A_138 = tpu.memref_squeeze %dma_wait3A_137 : memref<1x128xi32, #tpu.memory_space<vmem>> -> memref<128xi32, #tpu.memory_space<vmem>>
    %dma_wait3A_139 = arith.constant 0 : i32
    %dma_wait3A_140 = tpu.memref_slice %arg4[%add3A, %dma_wait3A_134, %dma_wait3A_139] : memref<32x80x128xi32, #tpu.memory_space<hbm>> -> memref<1x1x128xi32, #tpu.memory_space<hbm>>
    %dma_wait3A_141 = tpu.memref_squeeze %dma_wait3A_140 : memref<1x1x128xi32, #tpu.memory_space<hbm>> -> memref<128xi32, #tpu.memory_space<hbm>>
    %dma_wait3A_142 = arith.constant 0 : i32
    %dma_wait3A_143 = tpu.memref_slice %arg8[%dma_wait3A_135, %dma_wait3A_142] : memref<4x128xi32, #tpu.memory_space<vmem>> -> memref<1x128xi32, #tpu.memory_space<vmem>>
    %dma_wait3A_144 = tpu.memref_squeeze %dma_wait3A_143 : memref<1x128xi32, #tpu.memory_space<vmem>> -> memref<128xi32, #tpu.memory_space<vmem>>
    %dma_wait3A_145 = arith.constant 0 : i32
    %dma_wait3A_146 = tpu.memref_slice %arg4[%add3A, %dma_wait3A_134, %dma_wait3A_145] : memref<32x80x128xi32, #tpu.memory_space<hbm>> -> memref<1x1x128xi32, #tpu.memory_space<hbm>>
    %dma_wait3A_147 = tpu.memref_squeeze %dma_wait3A_146 : memref<1x1x128xi32, #tpu.memory_space<hbm>> -> memref<128xi32, #tpu.memory_space<hbm>>
    tpu.wait_dma2 semaphore(%arg17 : memref<!tpu.dma_semaphore, #tpu.memory_space<semaphore_mem>>) src(%dma_wait3A_147 : memref<128xi32, #tpu.memory_space<hbm>>) dst(%dma_wait3A_144 : memref<128xi32, #tpu.memory_space<vmem>>)
    %barrier3A_148 = arith.constant 0 : index
    tpu.barrier barrier_id(%barrier3A_148)
    %mul3A_149 = arith.constant 640 : i32
    %mul3A_150 = arith.muli %arg1, %mul3A_149 : i32
    %mul3A_151 = arith.constant 640 : i32
    %mul3A_152 = arith.muli %arg1, %mul3A_151 : i32
    "tpu.region"() ({
      %run_scoped3A = tpu.sem_alloc : memref<!tpu.dma_semaphore, #tpu.memory_space<semaphore_mem>>
      %dma_start3A_153 = arith.constant 0 : i32
      %dma_start3A_154 = tpu.memref_slice %arg6[%arg0, %mul3A_152, %dma_start3A_153] : memref<2x10240x128xf32, #tpu.memory_space<hbm>> -> memref<1x640x128xf32, #tpu.memory_space<hbm>>
      %dma_start3A_155 = tpu.memref_squeeze %dma_start3A_154 : memref<1x640x128xf32, #tpu.memory_space<hbm>> -> memref<640x128xf32, #tpu.memory_space<hbm>>
      %dma_start3A_156 = arith.constant 0 : i32
      %dma_start3A_157 = tpu.memref_slice %arg11[%mul3A_150, %dma_start3A_156] : memref<10240x128xf32, #tpu.memory_space<vmem_shared>> -> memref<640x128xf32, #tpu.memory_space<vmem_shared>>
      tpu.enqueue_dma source(%dma_start3A_157 : memref<640x128xf32, #tpu.memory_space<vmem_shared>>) target(%dma_start3A_155 : memref<640x128xf32, #tpu.memory_space<hbm>>) target_semaphore(%run_scoped3A : memref<!tpu.dma_semaphore, #tpu.memory_space<semaphore_mem>>)
      %dma_wait3A_158 = arith.constant 0 : i32
      %dma_wait3A_159 = tpu.memref_slice %arg6[%arg0, %mul3A_152, %dma_wait3A_158] : memref<2x10240x128xf32, #tpu.memory_space<hbm>> -> memref<1x640x128xf32, #tpu.memory_space<hbm>>
      %dma_wait3A_160 = tpu.memref_squeeze %dma_wait3A_159 : memref<1x640x128xf32, #tpu.memory_space<hbm>> -> memref<640x128xf32, #tpu.memory_space<hbm>>
      %dma_wait3A_161 = arith.constant 0 : i32
      %dma_wait3A_162 = tpu.memref_slice %arg11[%mul3A_150, %dma_wait3A_161] : memref<10240x128xf32, #tpu.memory_space<vmem_shared>> -> memref<640x128xf32, #tpu.memory_space<vmem_shared>>
      tpu.wait_dma2 semaphore(%run_scoped3A : memref<!tpu.dma_semaphore, #tpu.memory_space<semaphore_mem>>) src(%dma_wait3A_162 : memref<640x128xf32, #tpu.memory_space<vmem_shared>>) dst(%dma_wait3A_160 : memref<640x128xf32, #tpu.memory_space<hbm>>)
      tpu.yield
    }) : () -> ()
    return
  }
}

module attributes {stable_mosaic.version = 14 : i64} {
  func.func @_gnb_body(%arg0: i32, %arg1: memref<2000x128xf32, #tpu.memory_space<vmem>>, %arg2: memref<2000x128xf32, #tpu.memory_space<vmem>>, %arg3: memref<2000x128xf32, #tpu.memory_space<vmem>>, %arg4: memref<2000x1xf32, #tpu.memory_space<vmem>>, %arg5: memref<2000x1xf32, #tpu.memory_space<vmem>>, %arg6: memref<128x128xf32, #tpu.memory_space<vmem>>, %arg7: memref<128x128xf32, #tpu.memory_space<vmem>>, %arg8: memref<1x128xf32, #tpu.memory_space<vmem>>, %arg9: memref<2000x128xf32, #tpu.memory_space<vmem>>) attributes {dimension_semantics = [#tpu.dimension_semantics<arbitrary>], iteration_bounds = array<i64: 5>, scalar_prefetch = 0 : i64, scratch_operands = 0 : i64, tpu.core_type = #tpu.core_type<tc>, window_params = [{transform_indices = @transform_0, window_bounds = array<i64: 2000, 128>}, {transform_indices = @transform_1, window_bounds = array<i64: 2000, 128>}, {transform_indices = @transform_2, window_bounds = array<i64: 2000, 128>}, {transform_indices = @transform_3, window_bounds = array<i64: 2000, 1>}, {transform_indices = @transform_4, window_bounds = array<i64: 2000, 1>}, {pipeline_mode = #tpu.pipeline_mode<synchronous>, transform_indices = @transform_5, window_bounds = array<i64: 128, 128>}, {pipeline_mode = #tpu.pipeline_mode<synchronous>, transform_indices = @transform_6, window_bounds = array<i64: 128, 128>}, {pipeline_mode = #tpu.pipeline_mode<synchronous>, transform_indices = @transform_7, window_bounds = array<i64: 1, 128>}, {transform_indices = @transform_8, window_bounds = array<i64: 2000, 128>}]} {
    %get3A = arith.constant 0 : index
    %get3A_0 = arith.constant 0 : index
    %get3A_1 = vector.load %arg4[%get3A, %get3A_0] : memref<2000x1xf32, #tpu.memory_space<vmem>>, vector<2000x1xf32>
    %get3A_2 = arith.constant 0 : index
    %get3A_3 = arith.constant 0 : index
    %get3A_4 = vector.load %arg5[%get3A_2, %get3A_3] : memref<2000x1xf32, #tpu.memory_space<vmem>>, vector<2000x1xf32>
    %add3A = arith.addf %get3A_1, %get3A_4 : vector<2000x1xf32>
    %max3A = arith.constant 1.000000e+00 : f32
    %max3A_5 = vector.broadcast %max3A : f32 to vector<2000x1xf32>
    %max3A_6 = arith.maximumf %add3A, %max3A_5 : vector<2000x1xf32>
    %div3A = arith.constant 1.000000e+00 : f32
    %div3A_7 = vector.broadcast %div3A : f32 to vector<2000x1xf32>
    %div3A_8 = arith.divf %div3A_7, %max3A_6 : vector<2000x1xf32>
    %get3A_9 = arith.constant 0 : index
    %get3A_10 = arith.constant 0 : index
    %get3A_11 = vector.load %arg2[%get3A_9, %get3A_10] : memref<2000x128xf32, #tpu.memory_space<vmem>>, vector<2000x128xf32>
    %get3A_12 = arith.constant 0 : index
    %get3A_13 = arith.constant 0 : index
    %get3A_14 = vector.load %arg3[%get3A_12, %get3A_13] : memref<2000x128xf32, #tpu.memory_space<vmem>>, vector<2000x128xf32>
    %add3A_15 = arith.addf %get3A_11, %get3A_14 : vector<2000x128xf32>
    %mul3A = vector.broadcast %div3A_8 : vector<2000x1xf32> to vector<2000x128xf32>
    %mul3A_16 = arith.mulf %add3A_15, %mul3A : vector<2000x128xf32>
    %get3A_17 = arith.constant 0 : index
    %get3A_18 = arith.constant 0 : index
    %get3A_19 = vector.load %arg1[%get3A_17, %get3A_18] : memref<2000x128xf32, #tpu.memory_space<vmem>>, vector<2000x128xf32>
    %get3A_20 = arith.constant 0 : index
    %get3A_21 = arith.constant 0 : index
    %get3A_22 = vector.load %arg6[%get3A_20, %get3A_21] : memref<128x128xf32, #tpu.memory_space<vmem>>, vector<128x128xf32>
    %dot_general3A = arith.constant dense<0.000000e+00> : vector<2000x128xf32>
    %dot_general3A_23 = tpu.matmul %get3A_19, %get3A_22, %dot_general3A {dimension_numbers = #tpu.dot_dimension_numbers<[1], [0], [0], [1], [0, 0, 1, 1], [], []>, transpose_lhs_hint = false} : vector<2000x128xf32>, vector<128x128xf32>, vector<2000x128xf32> -> vector<2000x128xf32>
    %get3A_24 = arith.constant 0 : index
    %get3A_25 = arith.constant 0 : index
    %get3A_26 = vector.load %arg7[%get3A_24, %get3A_25] : memref<128x128xf32, #tpu.memory_space<vmem>>, vector<128x128xf32>
    %dot_general3A_27 = arith.constant dense<0.000000e+00> : vector<2000x128xf32>
    %dot_general3A_28 = tpu.matmul %mul3A_16, %get3A_26, %dot_general3A_27 {dimension_numbers = #tpu.dot_dimension_numbers<[1], [0], [0], [1], [0, 0, 1, 1], [], []>, transpose_lhs_hint = false} : vector<2000x128xf32>, vector<128x128xf32>, vector<2000x128xf32> -> vector<2000x128xf32>
    %add3A_29 = arith.addf %dot_general3A_23, %dot_general3A_28 : vector<2000x128xf32>
    %get3A_30 = arith.constant 0 : index
    %get3A_31 = arith.constant 0 : index
    %get3A_32 = vector.load %arg8[%get3A_30, %get3A_31] : memref<1x128xf32, #tpu.memory_space<vmem>>, vector<1x128xf32>
    %add3A_33 = vector.broadcast %get3A_32 : vector<1x128xf32> to vector<2000x128xf32>
    %add3A_34 = arith.addf %add3A_29, %add3A_33 : vector<2000x128xf32>
    %max3A_35 = arith.constant 0.000000e+00 : f32
    %max3A_36 = vector.broadcast %max3A_35 : f32 to vector<2000x128xf32>
    %max3A_37 = arith.maximumf %add3A_34, %max3A_36 : vector<2000x128xf32>
    %swap3A = arith.constant 0 : index
    %swap3A_38 = arith.constant 0 : index
    %swap3A_39 = vector.load %arg9[%swap3A, %swap3A_38] : memref<2000x128xf32, #tpu.memory_space<vmem>>, vector<2000x128xf32>
    tpu.vector_store %arg9[%swap3A, %swap3A_38], %max3A_37 {strides = array<i32>} : memref<2000x128xf32, #tpu.memory_space<vmem>>, vector<2000x128xf32>,
    return
  }
  func.func @transform_0(%arg0: i32) -> (i32, i32) {
    %c0_i32 = arith.constant 0 : i32
    %c0_i32_0 = arith.constant 0 : i32
    return %arg0, %c0_i32 : i32, i32
  }
  func.func @transform_1(%arg0: i32) -> (i32, i32) {
    %c0_i32 = arith.constant 0 : i32
    %c0_i32_0 = arith.constant 0 : i32
    return %arg0, %c0_i32 : i32, i32
  }
  func.func @transform_2(%arg0: i32) -> (i32, i32) {
    %c0_i32 = arith.constant 0 : i32
    %c0_i32_0 = arith.constant 0 : i32
    return %arg0, %c0_i32 : i32, i32
  }
  func.func @transform_3(%arg0: i32) -> (i32, i32) {
    %c0_i32 = arith.constant 0 : i32
    %c0_i32_0 = arith.constant 0 : i32
    return %arg0, %c0_i32 : i32, i32
  }
  func.func @transform_4(%arg0: i32) -> (i32, i32) {
    %c0_i32 = arith.constant 0 : i32
    %c0_i32_0 = arith.constant 0 : i32
    return %arg0, %c0_i32 : i32, i32
  }
  func.func @transform_5(%arg0: i32) -> (i32, i32) {
    %c0_i32 = arith.constant 0 : i32
    %c0_i32_0 = arith.constant 0 : i32
    %c0_i32_1 = arith.constant 0 : i32
    return %c0_i32, %c0_i32_0 : i32, i32
  }
  func.func @transform_6(%arg0: i32) -> (i32, i32) {
    %c0_i32 = arith.constant 0 : i32
    %c0_i32_0 = arith.constant 0 : i32
    %c0_i32_1 = arith.constant 0 : i32
    return %c0_i32, %c0_i32_0 : i32, i32
  }
  func.func @transform_7(%arg0: i32) -> (i32, i32) {
    %c0_i32 = arith.constant 0 : i32
    %c0_i32_0 = arith.constant 0 : i32
    %c0_i32_1 = arith.constant 0 : i32
    return %c0_i32, %c0_i32_0 : i32, i32
  }
  func.func @transform_8(%arg0: i32) -> (i32, i32) {
    %c0_i32 = arith.constant 0 : i32
    %c0_i32_0 = arith.constant 0 : i32
    return %arg0, %c0_i32 : i32, i32
  }
}

module attributes {stable_mosaic.version = 14 : i64} {
  func.func @_gnb34_body(%arg0: i32, %arg1: memref<2000x128xf32, #tpu.memory_space<vmem>>, %arg2: memref<2000x128xf32, #tpu.memory_space<vmem>>, %arg3: memref<2000x128xf32, #tpu.memory_space<vmem>>, %arg4: memref<2000x1xf32, #tpu.memory_space<vmem>>, %arg5: memref<2000x1xf32, #tpu.memory_space<vmem>>, %arg6: memref<128x128xf32, #tpu.memory_space<vmem>>, %arg7: memref<128x128xf32, #tpu.memory_space<vmem>>, %arg8: memref<1x128xf32, #tpu.memory_space<vmem>>, %arg9: memref<128x1xf32, #tpu.memory_space<vmem>>, %arg10: memref<128x1xf32, #tpu.memory_space<vmem>>, %arg11: memref<1x1xf32, #tpu.memory_space<vmem>>, %arg12: memref<2000x1xf32, #tpu.memory_space<vmem>>, %arg13: memref<2000x1xf32, #tpu.memory_space<vmem>>) attributes {dimension_semantics = [#tpu.dimension_semantics<arbitrary>], iteration_bounds = array<i64: 5>, scalar_prefetch = 0 : i64, scratch_operands = 0 : i64, tpu.core_type = #tpu.core_type<tc>, window_params = [{transform_indices = @transform_0, window_bounds = array<i64: 2000, 128>}, {transform_indices = @transform_1, window_bounds = array<i64: 2000, 128>}, {transform_indices = @transform_2, window_bounds = array<i64: 2000, 128>}, {transform_indices = @transform_3, window_bounds = array<i64: 2000, 1>}, {transform_indices = @transform_4, window_bounds = array<i64: 2000, 1>}, {pipeline_mode = #tpu.pipeline_mode<synchronous>, transform_indices = @transform_5, window_bounds = array<i64: 128, 128>}, {pipeline_mode = #tpu.pipeline_mode<synchronous>, transform_indices = @transform_6, window_bounds = array<i64: 128, 128>}, {pipeline_mode = #tpu.pipeline_mode<synchronous>, transform_indices = @transform_7, window_bounds = array<i64: 1, 128>}, {pipeline_mode = #tpu.pipeline_mode<synchronous>, transform_indices = @transform_8, window_bounds = array<i64: 128, 1>}, {pipeline_mode = #tpu.pipeline_mode<synchronous>, transform_indices = @transform_9, window_bounds = array<i64: 128, 1>}, {pipeline_mode = #tpu.pipeline_mode<synchronous>, transform_indices = @transform_10, window_bounds = array<i64: 1, 1>}, {transform_indices = @transform_11, window_bounds = array<i64: 2000, 1>}, {transform_indices = @transform_12, window_bounds = array<i64: 2000, 1>}]} {
    %get3A = arith.constant 0 : index
    %get3A_0 = arith.constant 0 : index
    %get3A_1 = vector.load %arg4[%get3A, %get3A_0] : memref<2000x1xf32, #tpu.memory_space<vmem>>, vector<2000x1xf32>
    %get3A_2 = arith.constant 0 : index
    %get3A_3 = arith.constant 0 : index
    %get3A_4 = vector.load %arg5[%get3A_2, %get3A_3] : memref<2000x1xf32, #tpu.memory_space<vmem>>, vector<2000x1xf32>
    %add3A = arith.addf %get3A_1, %get3A_4 : vector<2000x1xf32>
    %max3A = arith.constant 1.000000e+00 : f32
    %max3A_5 = vector.broadcast %max3A : f32 to vector<2000x1xf32>
    %max3A_6 = arith.maximumf %add3A, %max3A_5 : vector<2000x1xf32>
    %div3A = arith.constant 1.000000e+00 : f32
    %div3A_7 = vector.broadcast %div3A : f32 to vector<2000x1xf32>
    %div3A_8 = arith.divf %div3A_7, %max3A_6 : vector<2000x1xf32>
    %get3A_9 = arith.constant 0 : index
    %get3A_10 = arith.constant 0 : index
    %get3A_11 = vector.load %arg2[%get3A_9, %get3A_10] : memref<2000x128xf32, #tpu.memory_space<vmem>>, vector<2000x128xf32>
    %get3A_12 = arith.constant 0 : index
    %get3A_13 = arith.constant 0 : index
    %get3A_14 = vector.load %arg3[%get3A_12, %get3A_13] : memref<2000x128xf32, #tpu.memory_space<vmem>>, vector<2000x128xf32>
    %add3A_15 = arith.addf %get3A_11, %get3A_14 : vector<2000x128xf32>
    %mul3A = vector.broadcast %div3A_8 : vector<2000x1xf32> to vector<2000x128xf32>
    %mul3A_16 = arith.mulf %add3A_15, %mul3A : vector<2000x128xf32>
    %get3A_17 = arith.constant 0 : index
    %get3A_18 = arith.constant 0 : index
    %get3A_19 = vector.load %arg1[%get3A_17, %get3A_18] : memref<2000x128xf32, #tpu.memory_space<vmem>>, vector<2000x128xf32>
    %get3A_20 = arith.constant 0 : index
    %get3A_21 = arith.constant 0 : index
    %get3A_22 = vector.load %arg6[%get3A_20, %get3A_21] : memref<128x128xf32, #tpu.memory_space<vmem>>, vector<128x128xf32>
    %dot_general3A = arith.constant dense<0.000000e+00> : vector<2000x128xf32>
    %dot_general3A_23 = tpu.matmul %get3A_19, %get3A_22, %dot_general3A {dimension_numbers = #tpu.dot_dimension_numbers<[1], [0], [0], [1], [0, 0, 1, 1], [], []>, transpose_lhs_hint = false} : vector<2000x128xf32>, vector<128x128xf32>, vector<2000x128xf32> -> vector<2000x128xf32>
    %get3A_24 = arith.constant 0 : index
    %get3A_25 = arith.constant 0 : index
    %get3A_26 = vector.load %arg7[%get3A_24, %get3A_25] : memref<128x128xf32, #tpu.memory_space<vmem>>, vector<128x128xf32>
    %dot_general3A_27 = arith.constant dense<0.000000e+00> : vector<2000x128xf32>
    %dot_general3A_28 = tpu.matmul %mul3A_16, %get3A_26, %dot_general3A_27 {dimension_numbers = #tpu.dot_dimension_numbers<[1], [0], [0], [1], [0, 0, 1, 1], [], []>, transpose_lhs_hint = false} : vector<2000x128xf32>, vector<128x128xf32>, vector<2000x128xf32> -> vector<2000x128xf32>
    %add3A_29 = arith.addf %dot_general3A_23, %dot_general3A_28 : vector<2000x128xf32>
    %get3A_30 = arith.constant 0 : index
    %get3A_31 = arith.constant 0 : index
    %get3A_32 = vector.load %arg8[%get3A_30, %get3A_31] : memref<1x128xf32, #tpu.memory_space<vmem>>, vector<1x128xf32>
    %add3A_33 = vector.broadcast %get3A_32 : vector<1x128xf32> to vector<2000x128xf32>
    %add3A_34 = arith.addf %add3A_29, %add3A_33 : vector<2000x128xf32>
    %max3A_35 = arith.constant 0.000000e+00 : f32
    %max3A_36 = vector.broadcast %max3A_35 : f32 to vector<2000x128xf32>
    %max3A_37 = arith.maximumf %add3A_34, %max3A_36 : vector<2000x128xf32>
    %get3A_38 = arith.constant 0 : index
    %get3A_39 = arith.constant 0 : index
    %get3A_40 = vector.load %arg9[%get3A_38, %get3A_39] : memref<128x1xf32, #tpu.memory_space<vmem>>, vector<128x1xf32>
    %dot_general3A_41 = arith.constant dense<0.000000e+00> : vector<2000x1xf32>
    %dot_general3A_42 = tpu.matmul %max3A_37, %get3A_40, %dot_general3A_41 {dimension_numbers = #tpu.dot_dimension_numbers<[1], [0], [0], [1], [0, 0, 1, 1], [], []>, transpose_lhs_hint = false} : vector<2000x128xf32>, vector<128x1xf32>, vector<2000x1xf32> -> vector<2000x1xf32>
    %get3A_43 = arith.constant 0 : index
    %get3A_44 = arith.constant 0 : index
    %get3A_45 = vector.load %arg11[%get3A_43, %get3A_44] : memref<1x1xf32, #tpu.memory_space<vmem>>, vector<1x1xf32>
    %add3A_46 = vector.broadcast %get3A_45 : vector<1x1xf32> to vector<2000x1xf32>
    %add3A_47 = arith.addf %dot_general3A_42, %add3A_46 : vector<2000x1xf32>
    %swap3A = arith.constant 0 : index
    %swap3A_48 = arith.constant 0 : index
    %swap3A_49 = vector.load %arg12[%swap3A, %swap3A_48] : memref<2000x1xf32, #tpu.memory_space<vmem>>, vector<2000x1xf32>
    tpu.vector_store %arg12[%swap3A, %swap3A_48], %add3A_47 {strides = array<i32>} : memref<2000x1xf32, #tpu.memory_space<vmem>>, vector<2000x1xf32>,
    %get3A_50 = arith.constant 0 : index
    %get3A_51 = arith.constant 0 : index
    %get3A_52 = vector.load %arg10[%get3A_50, %get3A_51] : memref<128x1xf32, #tpu.memory_space<vmem>>, vector<128x1xf32>
    %dot_general3A_53 = arith.constant dense<0.000000e+00> : vector<2000x1xf32>
    %dot_general3A_54 = tpu.matmul %max3A_37, %get3A_52, %dot_general3A_53 {dimension_numbers = #tpu.dot_dimension_numbers<[1], [0], [0], [1], [0, 0, 1, 1], [], []>, transpose_lhs_hint = false} : vector<2000x128xf32>, vector<128x1xf32>, vector<2000x1xf32> -> vector<2000x1xf32>
    %swap3A_55 = arith.constant 0 : index
    %swap3A_56 = arith.constant 0 : index
    %swap3A_57 = vector.load %arg13[%swap3A_55, %swap3A_56] : memref<2000x1xf32, #tpu.memory_space<vmem>>, vector<2000x1xf32>
    tpu.vector_store %arg13[%swap3A_55, %swap3A_56], %dot_general3A_54 {strides = array<i32>} : memref<2000x1xf32, #tpu.memory_space<vmem>>, vector<2000x1xf32>,
    return
  }
  func.func @transform_0(%arg0: i32) -> (i32, i32) {
    %c0_i32 = arith.constant 0 : i32
    %c0_i32_0 = arith.constant 0 : i32
    return %arg0, %c0_i32 : i32, i32
  }
  func.func @transform_1(%arg0: i32) -> (i32, i32) {
    %c0_i32 = arith.constant 0 : i32
    %c0_i32_0 = arith.constant 0 : i32
    return %arg0, %c0_i32 : i32, i32
  }
  func.func @transform_2(%arg0: i32) -> (i32, i32) {
    %c0_i32 = arith.constant 0 : i32
    %c0_i32_0 = arith.constant 0 : i32
    return %arg0, %c0_i32 : i32, i32
  }
  func.func @transform_3(%arg0: i32) -> (i32, i32) {
    %c0_i32 = arith.constant 0 : i32
    %c0_i32_0 = arith.constant 0 : i32
    return %arg0, %c0_i32 : i32, i32
  }
  func.func @transform_4(%arg0: i32) -> (i32, i32) {
    %c0_i32 = arith.constant 0 : i32
    %c0_i32_0 = arith.constant 0 : i32
    return %arg0, %c0_i32 : i32, i32
  }
  func.func @transform_5(%arg0: i32) -> (i32, i32) {
    %c0_i32 = arith.constant 0 : i32
    %c0_i32_0 = arith.constant 0 : i32
    %c0_i32_1 = arith.constant 0 : i32
    return %c0_i32, %c0_i32_0 : i32, i32
  }
  func.func @transform_6(%arg0: i32) -> (i32, i32) {
    %c0_i32 = arith.constant 0 : i32
    %c0_i32_0 = arith.constant 0 : i32
    %c0_i32_1 = arith.constant 0 : i32
    return %c0_i32, %c0_i32_0 : i32, i32
  }
  func.func @transform_7(%arg0: i32) -> (i32, i32) {
    %c0_i32 = arith.constant 0 : i32
    %c0_i32_0 = arith.constant 0 : i32
    %c0_i32_1 = arith.constant 0 : i32
    return %c0_i32, %c0_i32_0 : i32, i32
  }
  func.func @transform_8(%arg0: i32) -> (i32, i32) {
    %c0_i32 = arith.constant 0 : i32
    %c0_i32_0 = arith.constant 0 : i32
    %c0_i32_1 = arith.constant 0 : i32
    return %c0_i32, %c0_i32_0 : i32, i32
  }
  func.func @transform_9(%arg0: i32) -> (i32, i32) {
    %c0_i32 = arith.constant 0 : i32
    %c0_i32_0 = arith.constant 0 : i32
    %c0_i32_1 = arith.constant 0 : i32
    return %c0_i32, %c0_i32_0 : i32, i32
  }
  func.func @transform_10(%arg0: i32) -> (i32, i32) {
    %c0_i32 = arith.constant 0 : i32
    %c0_i32_0 = arith.constant 0 : i32
    %c0_i32_1 = arith.constant 0 : i32
    return %c0_i32, %c0_i32_0 : i32, i32
  }
  func.func @transform_11(%arg0: i32) -> (i32, i32) {
    %c0_i32 = arith.constant 0 : i32
    %c0_i32_0 = arith.constant 0 : i32
    return %arg0, %c0_i32 : i32, i32
  }
  func.func @transform_12(%arg0: i32) -> (i32, i32) {
    %c0_i32 = arith.constant 0 : i32
    %c0_i32_0 = arith.constant 0 : i32
    return %arg0, %c0_i32 : i32, i32
  }
}

module attributes {stable_mosaic.version = 14 : i64} {
  func.func @_fin_body(%arg0: i32, %arg1: memref<2000x1xf32, #tpu.memory_space<vmem>>, %arg2: memref<2000x1xf32, #tpu.memory_space<vmem>>, %arg3: memref<2000x1xf32, #tpu.memory_space<vmem>>, %arg4: memref<2000x1xf32, #tpu.memory_space<vmem>>, %arg5: memref<2000x1xf32, #tpu.memory_space<vmem>>, %arg6: memref<2000x1xf32, #tpu.memory_space<vmem>>) attributes {dimension_semantics = [#tpu.dimension_semantics<arbitrary>], iteration_bounds = array<i64: 5>, scalar_prefetch = 0 : i64, scratch_operands = 0 : i64, tpu.core_type = #tpu.core_type<tc>, window_params = [{transform_indices = @transform_0, window_bounds = array<i64: 2000, 1>}, {transform_indices = @transform_1, window_bounds = array<i64: 2000, 1>}, {transform_indices = @transform_2, window_bounds = array<i64: 2000, 1>}, {transform_indices = @transform_3, window_bounds = array<i64: 2000, 1>}, {transform_indices = @transform_4, window_bounds = array<i64: 2000, 1>}, {transform_indices = @transform_5, window_bounds = array<i64: 2000, 1>}]} {
    %get3A = arith.constant 0 : index
    %get3A_0 = arith.constant 0 : index
    %get3A_1 = vector.load %arg4[%get3A, %get3A_0] : memref<2000x1xf32, #tpu.memory_space<vmem>>, vector<2000x1xf32>
    %get3A_2 = arith.constant 0 : index
    %get3A_3 = arith.constant 0 : index
    %get3A_4 = vector.load %arg5[%get3A_2, %get3A_3] : memref<2000x1xf32, #tpu.memory_space<vmem>>, vector<2000x1xf32>
    %add3A = arith.addf %get3A_1, %get3A_4 : vector<2000x1xf32>
    %max3A = arith.constant 1.000000e+00 : f32
    %max3A_5 = vector.broadcast %max3A : f32 to vector<2000x1xf32>
    %max3A_6 = arith.maximumf %add3A, %max3A_5 : vector<2000x1xf32>
    %div3A = arith.constant 1.000000e+00 : f32
    %div3A_7 = vector.broadcast %div3A : f32 to vector<2000x1xf32>
    %div3A_8 = arith.divf %div3A_7, %max3A_6 : vector<2000x1xf32>
    %get3A_9 = arith.constant 0 : index
    %get3A_10 = arith.constant 0 : index
    %get3A_11 = vector.load %arg1[%get3A_9, %get3A_10] : memref<2000x1xf32, #tpu.memory_space<vmem>>, vector<2000x1xf32>
    %get3A_12 = arith.constant 0 : index
    %get3A_13 = arith.constant 0 : index
    %get3A_14 = vector.load %arg2[%get3A_12, %get3A_13] : memref<2000x1xf32, #tpu.memory_space<vmem>>, vector<2000x1xf32>
    %get3A_15 = arith.constant 0 : index
    %get3A_16 = arith.constant 0 : index
    %get3A_17 = vector.load %arg3[%get3A_15, %get3A_16] : memref<2000x1xf32, #tpu.memory_space<vmem>>, vector<2000x1xf32>
    %add3A_18 = arith.addf %get3A_14, %get3A_17 : vector<2000x1xf32>
    %mul3A = arith.mulf %add3A_18, %div3A_8 : vector<2000x1xf32>
    %add3A_19 = arith.addf %get3A_11, %mul3A : vector<2000x1xf32>
    %max3A_20 = arith.constant 0.000000e+00 : f32
    %max3A_21 = vector.broadcast %max3A_20 : f32 to vector<2000x1xf32>
    %max3A_22 = arith.maximumf %add3A_19, %max3A_21 : vector<2000x1xf32>
    %logistic3A = arith.negf %max3A_22 : vector<2000x1xf32>
    %logistic3A_23 = math.exp %logistic3A : vector<2000x1xf32>
    %logistic3A_24 = arith.constant 1.000000e+00 : f32
    %logistic3A_25 = vector.broadcast %logistic3A_24 : f32 to vector<2000x1xf32>
    %logistic3A_26 = arith.addf %logistic3A_25, %logistic3A_23 : vector<2000x1xf32>
    %logistic3A_27 = arith.divf %logistic3A_25, %logistic3A_26 : vector<2000x1xf32>
    %swap3A = arith.constant 0 : index
    %swap3A_28 = arith.constant 0 : index
    %swap3A_29 = vector.load %arg6[%swap3A, %swap3A_28] : memref<2000x1xf32, #tpu.memory_space<vmem>>, vector<2000x1xf32>
    tpu.vector_store %arg6[%swap3A, %swap3A_28], %logistic3A_27 {strides = array<i32>} : memref<2000x1xf32, #tpu.memory_space<vmem>>, vector<2000x1xf32>,
    return
  }
  func.func @transform_0(%arg0: i32) -> (i32, i32) {
    %c0_i32 = arith.constant 0 : i32
    %c0_i32_0 = arith.constant 0 : i32
    return %arg0, %c0_i32 : i32, i32
  }
  func.func @transform_1(%arg0: i32) -> (i32, i32) {
    %c0_i32 = arith.constant 0 : i32
    %c0_i32_0 = arith.constant 0 : i32
    return %arg0, %c0_i32 : i32, i32
  }
  func.func @transform_2(%arg0: i32) -> (i32, i32) {
    %c0_i32 = arith.constant 0 : i32
    %c0_i32_0 = arith.constant 0 : i32
    return %arg0, %c0_i32 : i32, i32
  }
  func.func @transform_3(%arg0: i32) -> (i32, i32) {
    %c0_i32 = arith.constant 0 : i32
    %c0_i32_0 = arith.constant 0 : i32
    return %arg0, %c0_i32 : i32, i32
  }
  func.func @transform_4(%arg0: i32) -> (i32, i32) {
    %c0_i32 = arith.constant 0 : i32
    %c0_i32_0 = arith.constant 0 : i32
    return %arg0, %c0_i32 : i32, i32
  }
  func.func @transform_5(%arg0: i32) -> (i32, i32) {
    %c0_i32 = arith.constant 0 : i32
    %c0_i32_0 = arith.constant 0 : i32
    return %arg0, %c0_i32 : i32, i32
  }
}

</mosaic_0001>

<sc_bundles>
// kernel: kernel.10.cloned.1.call-start
scs
__scs_entry_jumppad:
0x0: {  	(pc) =	sbr.rel $0x88, $3  }
0x1: {  	(tag) =	ssettag $0x0;
	lr =	simm.s32 $0x1  }
0x2: {  	[smem:$0x3F93] =	sst lr;
	_ =	strace $0xD0000000  }
0x3: {  	_ = 	snop  }
0x4: {  	_ = 	snop  }
0x5: {  	_ = 	snop  }
0x6: {  	_ = 	snop  }
0x7: {  	_ = 	snop  }
__scs_overlays_trampoline_lowered:
0x8: {  	[smem:$0x3FA2] =	sst s0  }
0x9: {  	[smem:$0x3FA3] =	sst s1  }
0xa: {  	[smem:$0x3FA4] =	sst s2  }
0xb: {  	[smem:$0x3FA5] =	sst s3  }
0xc: {  	[smem:$0x3FA6] =	sst s4  }
0xd: {  	[smem:$0x3FA7] =	sst s5  }
0xe: {  	[smem:$0x3FA8] =	sst s6  }
0xf: {  	[smem:$0x3FA9] =	sst s7  }
0x10: {  	[smem:$0x3FAA] =	sst s8  }
0x11: {  	[smem:$0x3FAB] =	sst s9;
	s0 =	simm.s32 @!p0 $0x0  }
0x12: {  	s1 =	sld [smem:$0x3F91];
	s0 =	simm.s32 @p0 $0x1  }
0x13: {  	[smem:$0x3FAC] =	sst s0;
	s0 =	simm.s32 @!p1 $0x0  }
0x14: {  	s2 =	sld [smem:$0x3F90];
	s0 =	simm.s32 @p1 $0x1  }
0x15: {  	[smem:$0x3FAD] =	sst s0;
	s0 =	simm.s32 @!p2 $0x0  }
0x16: {  	s3 =	sld [smem:$0x3FDB];
	s0 =	simm.s32 @p2 $0x1  }
0x17: {  	s4 =	simm.s32 $0x1BF5;
	[smem:$0x3FAF] =	sst s0  }
0x18: {  	s0 =	sld [smem:$0x3F92];
	_ =	swait.ge [sflag:s4], $0x0  }
0x19: {  	s7 =	sld [smem:$0x3F93]  }
0x1a: {  	s8 =	sadd.s32 $0xFFFFE003, lr  }
0x1b: {  	s9 =	sadd.s32 $0xFFFFFEF7, lr;
	s5 =	simm.s32 $0xFFFFFFFF;
	p2 =	slt.u32 s8, $0xFFFFF086  }
0x1c: {  	p1 =	slt.u32 s9, $0xF7A;
	s5 =	simm.s32 @!p2 $0x0  }
0x1d: {  	s5 =	simm.s32 @p1 $0x1;
	p0 =	seq.s32 s7, s2  }
0x1e: {  	s7 =	smul.u32 @!p0 $0xF7A, s2;
	p2 =	seq.s32 @!p0 s5, $0x0  }
0x1f: {  	s9 =	smul.u32 $0xF7A, s1;
	s8 =	simm.s32 @!p0 $0x1BF5;
	p2 =	por !p2, p0  }
0x20: {  	[sflag:s8] =	ssyncset.s32 @!p0 $0xFFFFF086;
	s6 =	sadd.s32 @!p0 s3, s7;
	s7 =	simm.s32 @!p0 $0x108  }
0x21: {  	s3 =	sadd.s32 s3, s9;
	s6 =	sadd.s32 @!p0 $0x88, s6;
	s7 =	simm.s32 @p2 $0x1082  }
0x22: {  	[simem:s7], [sflag:s8] =	dma.local @!p0 [hbm:s6], $0xF7A  }
0x23: {  	s9 =	sor.u32 $0xD0000000, s2;
	s6 =	simm.s32 $0x108;
	_ =	swait.ge @!p0 [sflag:s8], $0x0  }
0x24: {  	s3 =	sadd.s32 $0x88, s3;
	s6 =	simm.s32 @!p1 $0x1082;
	[sflag:s4] =	ssyncset.s32 $0xFFFFF086  }
0x25: {  	[simem:s6], [sflag:s4] =	dma.local [hbm:s3], $0xF7A  }
0x26: {  	[smem:$0x3F93] =	sst s1;
	(tag) =	ssettag s2;
	_ =	strace s9  }
0x27: {  	s1 =	sld [smem:$0x3FA3]  }
0x28: {  	s2 =	sld [smem:$0x3FA4]  }
0x29: {  	s4 =	sld [smem:$0x3FA6]  }
0x2a: {  	p0 =	seq.s32 s5, $0x0;
	s5 =	sld [smem:$0x3FA7]  }
0x2b: {  	s6 =	sld [smem:$0x3FA8]  }
0x2c: {  	s7 =	sld [smem:$0x3FA9]  }
0x2d: {  	s3 =	simm.s32 $0x108;
	s8 =	sld [smem:$0x3FAA]  }
0x2e: {  	s3 =	simm.s32 @!p0 $0x1082;
	s9 =	sld [smem:$0x3FAB]  }
0x2f: {  	lr =	sadd.s32 s0, s3;
	s0 =	sld [smem:$0x3FA2]  }
0x30: {  	s3 =	sld [smem:$0x3FA5]  }
0x31: {  	[smem:$0x3FAE] =	sst s10  }
0x32: {  	s10 =	sld [smem:$0x3FAC];
	_ =	sdelay $0x3  }
0x33: {  	p0 =	seq.s32 s10, $0x1;
	s10 =	sld [smem:$0x3FAE];
	_ =	sdelay $0x3  }
0x34: {  	[smem:$0x3FAE] =	sst s10  }
0x35: {  	s10 =	sld [smem:$0x3FAD];
	_ =	sdelay $0x3  }
0x36: {  	p1 =	seq.s32 s10, $0x1;
	s10 =	sld [smem:$0x3FAE];
	_ =	sdelay $0x3  }
0x37: {  	[smem:$0x3FAE] =	sst s10  }
0x38: {  	s10 =	sld [smem:$0x3FAF]  }
0x39: {  	_ = 	snop;
	(pc) =	sbr.ind lr, $3  }
0x3a: {  	_ = 	snop  }
0x3b: {  	_ = 	snop  }
0x3c: {  	p2 =	seq.s32 s10, $0x1;
	s10 =	sld [smem:$0x3FAE]  }
0x3d: {  	_ =	shalt  }
0x3e: {  	_ =	shalt  }
0x3f: {  	_ =	shalt  }
0x40: {  	_ =	shalt  }
0x41: {  	_ =	shalt  }
0x42: {  	_ =	shalt  }
0x43: {  	_ =	shalt  }
0x44: {  	_ =	shalt  }
0x45: {  	_ =	shalt  }
0x46: {  	_ =	shalt  }
0x47: {  	_ =	shalt  }
0x48: {  	_ =	shalt  }
0x49: {  	_ =	shalt  }
0x4a: {  	_ =	shalt  }
0x4b: {  	_ =	shalt  }
0x4c: {  	_ =	shalt  }
0x4d: {  	_ =	shalt  }
0x4e: {  	_ =	shalt  }
0x4f: {  	_ =	shalt  }
0x50: {  	_ =	shalt  }
0x51: {  	_ =	shalt  }
0x52: {  	_ =	shalt  }
0x53: {  	_ =	shalt  }
0x54: {  	_ =	shalt  }
0x55: {  	_ =	shalt  }
0x56: {  	_ =	shalt  }
0x57: {  	_ =	shalt  }
0x58: {  	_ =	shalt  }
0x59: {  	_ =	shalt  }
0x5a: {  	_ =	shalt  }
0x5b: {  	_ =	shalt  }
0x5c: {  	_ =	shalt  }
0x5d: {  	_ =	shalt  }
0x5e: {  	_ =	shalt  }
0x5f: {  	_ =	shalt  }
0x60: {  	_ =	shalt  }
0x61: {  	_ =	shalt  }
0x62: {  	_ =	shalt  }
0x63: {  	_ =	shalt  }
0x64: {  	_ =	shalt  }
0x65: {  	_ =	shalt  }
0x66: {  	_ =	shalt  }
0x67: {  	_ =	shalt  }
0x68: {  	_ =	shalt  }
0x69: {  	_ =	shalt  }
0x6a: {  	_ =	shalt  }
0x6b: {  	_ =	shalt  }
0x6c: {  	_ =	shalt  }
0x6d: {  	_ =	shalt  }
0x6e: {  	_ =	shalt  }
0x6f: {  	_ =	shalt  }
0x70: {  	_ =	shalt  }
0x71: {  	_ =	shalt  }
0x72: {  	_ =	shalt  }
0x73: {  	_ =	shalt  }
0x74: {  	_ =	shalt  }
0x75: {  	_ =	shalt  }
0x76: {  	_ =	shalt  }
0x77: {  	_ =	shalt  }
0x78: {  	_ =	shalt  }
0x79: {  	_ =	shalt  }
0x7a: {  	_ =	shalt  }
0x7b: {  	_ =	shalt  }
0x7c: {  	_ =	shalt  }
0x7d: {  	_ =	shalt  }
0x7e: {  	_ =	shalt  }
0x7f: {  	_ =	shalt  }
0x80: {  	_ =	shalt  }
0x81: {  	_ =	shalt  }
0x82: {  	_ =	shalt  }
0x83: {  	_ =	shalt  }
0x84: {  	_ =	shalt  }
0x85: {  	_ =	shalt  }
0x86: {  	_ =	shalt  }
0x87: {  	_ =	shalt  }
.Lfunc_end0:
.L_simem_size_0:
called_computation_lowered:
.L_overlay_start_0:
0x88: {  	s2 =	sld [smem:$0x3FD9]  }
0x89: {  	s3 =	sld [smem:$0x3FFE];
	_ =	sdelay $0x1  }
0x8a: {  	s1 =	srdreg.scid  }
0x8b: {  	s0 =	sand.u32 $0x1, s1  }
0x8c: {  	s17 =	sshll.u32 s0, $0xA;
	s2 =	sadd.s32 s3, s2  }
0x8d: {  	s2 =	sadd.s32 s2, s17  }
0x8e: {  	[smem:$0x3FBA] =	sst s2  }
0x8f: {  	_ = 	snop  }
0x90: {  	s2 =	sld [smem:$0x3FC9]  }
0x91: {  	s18 =	sld [smem:$0x3FD0];
	(tm) =	ssettm $0x1  }
0x92: {  	s4 =	sld [smem:$0x3FFB];
	_ =	sdelay $0x3  }
0x93: {  	_ =	strace s4  }
0x94: {  	s4 =	sld [smem:$0x3FFC];
	_ =	sdelay $0x3  }
0x95: {  	_ =	strace s4  }
0x96: {  	s4 =	sld [smem:$0x3FFD];
	_ =	sdelay $0x3  }
0x97: {  	_ =	strace s4  }
0x98: {  	_ =	strace $0x8FFFFFFF  }
0x99: {  	s19 =	sld [smem:$0x3FDB];
	_ =	sdelay $0x1  }
0x9a: {  	s5 =	simm.s32 $_scs_section_size  }
0x9b: {  	s6 =	simm.s32 $_size__tile_overlayer_lowered;
	s7 =	simm.s32 $_tile_overlayer_lowered  }
0x9c: {  	s22 =	simm.s32 $0x1BFF;
	s21 =	sshll.u32 s7, $0x1;
	s4 =	sadd.s32 s5, s19  }
0x9d: {  	s8 =	simm.s32 $0x0;
	s20 =	sshll.u32 s6, $0x1;
	s6 =	sadd.s32 s21, s4  }
0x9e: {  	[timem:s8], [sflag:s22] =	dma.local [hbm:s6], s20  }
0x9f: {  	_ =	swait.ge [sflag:s22], s20  }
0xa0: {  	s5 =	ssub.s32 $0x0, s20;
	[sflag:s22] =	ssyncset.done $0x0  }
0xa1: {  	[sflag:s22] =	ssyncadd.s32 s5;
	_ =	sdelay $0x1  }
0xa2: {  	s23 =	simm.s32 $0x1B8B  }
0xa3: {  	_ =	swait.ge [sflag:s23], $0x1  }
0xa4: {  	[sflag:s23] =	ssyncset.done $0x0  }
0xa5: {  	s25 =	simm.s32 $0x1B8E;
	s24 =	sld [smem:$0x3FFE];
	[sflag:s23] =	ssyncadd.s32 $0xFFFFFFFF  }
0xa6: {  	s26 =	simm.s32 $execute0_lowered;
	[smem:$0x3FD2] =	sst s25  }
0xa7: {  	s6 =	sshll.u32 s26, $0x1;
	_ =	strace $0x80000046;
	[dreg:$0x1] =	wrdreg $0xFFFFFFFF  }
0xa8: {  	s28 =	simm.s32 $_size_execute0_lowered;
	s4 =	sadd.s32 s4, s6;
	[dreg:$0x0] =	wrdreg $0x0  }
0xa9: {  	s6 =	sshll.u32 s28, $0x1;
	[dreg:$0x2] =	wrdreg s4  }
0xaa: {  	[dreg:$0x3] =	wrdreg s6  }
0xab: {  	[dreg:$0x4] =	wrdreg $0xC0  }
0xac: {  	_ =	task [dreg:s8], $0x5FFFF  }
0xad: {  	[dreg:$0x1] =	wrdreg $0xFFFFFFFF  }
0xae: {  	[dreg:$0x0] =	wrdreg $0x60  }
0xaf: {  	[dreg:$0x2] =	wrdreg s2  }
0xb0: {  	[dreg:$0x3] =	wrdreg s24  }
0xb1: {  	[dreg:$0x4] =	wrdreg s18  }
0xb2: {  	[dreg:$0x5] =	wrdreg $0xAA000  }
0xb3: {  	[dreg:$0x6] =	wrdreg $0x1EA800  }
0xb4: {  	[dreg:$0x7] =	wrdreg $0x9  }
0xb5: {  	_ =	task.clear_ibuf [dreg:s8], $0x8FFFF;
	_ =	strace $0x90000046  }
0xb6: {  	s29 =	simm.s32 $0x9;
	_ =	strace $0x80000048  }
0xb7: {  	_ =	swait.ge [sflag:s29], $0x1  }
0xb8: {  	[sflag:s29] =	ssyncadd.s32 $0xFFFFFFFF  }
0xb9: {  	_ =	strace $0x90000048  }
0xba: {  	_ =	sfence  }
0xbb: {  	s30 =	sld [smem:$0x0];
	_ =	sdelay $0x2  }
0xbc: {  	s31 =	sshll.u32 s1, $0xD;
	s1 =	sshrl.u32 s1, $0x2  }
0xbd: {  	s3 =	sand.u32 $0x4000, s31;
	s1 =	sadd.s32 s1, s30  }
0xbe: {  	s0 =	sor.u32 s3, s0;
	s1 =	sshll.u32 s1, $0x11  }
0xbf: {  	s0 =	sor.u32 s1, s0  }
0xc0: {  	s0 =	sadd.s32 $0x8F2B, s0  }
0xc1: {  	[sflag:s0] =	ssyncadd.remote.s32 $0x1  }
0xc2: {  	_ =	sfence.sel $0xFFFF  }
0xc3: {  	[dreg:$0x0] =	wrdreg $0xFFFFFFFF;
	(pc) =	sbr.abs _section_cstart, $3  }
0xc4: {  	[dreg:$0x1] =	wrdreg $0xFFFFFFFF  }
0xc5: {  	_ =	task.clear_ibuf [dreg:s8], $0x2FFFF;
	_ =	strace $0x9FFFFFFF  }
0xc6: {  	(tm) =	ssettm $0x7FFFFFFF  }
0xc7: {  	_ =	shalt  }
tec
execute0_lowered:
.L_overlay_start_1:
0x0: {  	(tag) =	ssettag $0x1  }
0x1: {  	s1 =	rddreg [dreg:$0x0]  }
0x2: {  	s0 =	rddreg [dreg:$0x1];
	s2 =	srdreg.scid  }
0x3: {  	s17 =	stileid.u32;
	s4 =	rddreg [dreg:$0x3]  }
0x4: {  	s5 =	rddreg [dreg:$0x4];
	s6 =	simm.s32 $0x0;
	s28 =	simm.s32 $0x2900  }
0x5: {  	s29 =	simm.s32 $0x2980;
	s30 =	simm.s32 $0x1EA00;
	s26 =	smul.u32 $0x14000, s17  }
0x6: {  	s31 =	simm.s32 $0x1;
	s2 =	sand.u32 $0x1, s2;
	s10 =	smul.u32 $0x280, s17  }
0x7: {  	s3 =	sshll.u32 s17, $0x1;
	[smem:$0x7FF] =	sst s6;
	s15 =	smul.u32 $0x500, s17  }
0x8: {  	s8 =	sadd.s32 $0xE800, s0;
	s21 =	smul.u32 $0x50000, s17;
	s3 =	sor.u32 s2, s3  }
0x9: {  	_ =	strace $0x80000047;
	s12 =	smul.u32 $0x140000, s2;
	s16 =	sshll.u32 s2, $0x7  }
0xa: {  	s2 =	ssub.s32 $0x2, s2;
	s7 =	smul.u32 $0x2800, s3;
	s13 =	sshrl.u32 s26, $0x3  }
0xb: {  	s14 =	sshrl.u32 s10, $0x3;
	s18 =	sor.u32 s16, s15;
	s19 =	sshrl.u32 s2, $0x1  }
0xc: {  	s10 =	sadd.s32 s10, s5;
	s13 =	sadd.s32 s13, s0;
	s14 =	sadd.s32 s14, s0  }
0xd: {  	s3 =	sadd.s32 s26, s12;
	s12 =	sshrl.u32 s18, $0x3;
	s2 =	ssub.s32 s2, s19  }
0xe: {  	[dreg:$0xb] =	wrdreg s10;
	s9 =	sshrl.u32 s7, $0x3;
	s3 =	sshrl.u32 s3, $0x3  }
0xf: {  	s24 =	sadd.s32 $0x40800, s14;
	s25 =	sadd.s32 $0x18800, s13;
	s26 =	smax.u32 s2, $0x1  }
0x10: {  	s2 =	simm.s32 $0x7;
	s13 =	simm.s32 $0x0;
	[dreg:$0xc] =	wrdreg s24  }
0x11: {  	s11 =	sadd.s32 s9, s0;
	s3 =	sadd.s32 s3, s0;
	[dreg:$0xe] =	wrdreg s25  }
0x12: {  	s0 =	sadd.s32 s12, s0;
	s20 =	sadd.s32 s8, s9;
	[dreg:$0x11] =	wrdreg s26  }
0x13: {  	s9 =	sshrl.u32 s21, $0x2;
	s11 =	sadd.s32 $0x4800, s11;
	[dreg:$0x7] =	wrdreg s20  }
0x14: {  	s21 =	simm.s32 $0x8;
	s22 =	sadd.s32 $0x10, s20;
	[dreg:$0x6] =	wrdreg s11  }
0x15: {  	s24 =	simm.s32 $0x6A00;
	s23 =	sadd.s32 $0x20, s20;
	[dreg:$0x8] =	wrdreg s22  }
0x16: {  	s25 =	simm.s32 $0x2800;
	s9 =	sadd.s32 s9, s4;
	[dreg:$0x9] =	wrdreg s23  }
0x17: {  	s26 =	simm.s32 $0x2880;
	s3 =	sadd.s32 $0x41800, s3;
	[dreg:$0xd] =	wrdreg s9  }
0x18: {  	s12 =	simm.s32 $0x6;
	s0 =	sadd.s32 $0x40E00, s0;
	[dreg:$0xf] =	wrdreg s3  }
0x19: {  	s11 =	sadd.s32 $0x30, s20;
	[dreg:$0x10] =	wrdreg s0;
	s22 =	simm.s32 $0x80  }
0x1a: {  	s23 =	simm.s32 $0x2A00;
	s3 =	simm.s32 $0x3;
	s0 =	simm.s32 $0x2  }
0x1b: {  	s9 =	simm.s32 $0x4;
	[dreg:$0xa] =	wrdreg s11;
	s11 =	simm.s32 $0x5  }
.LBB2_1:
0x1c: {  	s10 =	rddreg [dreg:$0x6]  }
0x1d: {  	[tilespmem:s6], [sflag:$0x8] =	stream.linear.gather [hbm4b:s10+s6], $0x2800, $0x38;
	[tilespmem:$0x1ED00] =	vst v63  }
0x1e: {  	_ =	swait.ge [sflag:s21], $0x2800  }
0x1f: {  	[sflag:s21] =	ssyncset.done $0x0  }
0x20: {  	[sflag:s21] =	ssyncadd.s32 $0xFFFFD800  }
0x21: {  	[tilespmem:s23], [sflag:$0x1] =	stream.indirect.gather [hbm4b:s1+s22], $0x80, s6, s22, $0xb8;
	[tilespmem:$0x1ED00] =	vst v63  }
0x22: {  	_ = 	snop  }
0x23: {  	[tilespmem:s24], [sflag:$0x2] =	stream.indirect.gather [hbm4b:s1+s22], $0x80, s22, s22, $0xb8;
	[tilespmem:$0x1ED00] =	vst v63  }
0x24: {  	s20 =	rddreg [dreg:$0x7]  }
0x25: {  	[tilespmem:s25], [sflag:$0x3] =	stream.linear.gather [hbm4b:s20+s6], $0x80, $0x38;
	[tilespmem:$0x1ED00] =	vst v63  }
0x26: {  	s14 =	rddreg [dreg:$0x8]  }
0x27: {  	[tilespmem:s26], [sflag:$0x4] =	stream.linear.gather [hbm4b:s14+s6], $0x80, $0x38;
	[tilespmem:$0x1ED00] =	vst v63  }
0x28: {  	s15 =	rddreg [dreg:$0x9]  }
0x29: {  	[tilespmem:s28], [sflag:$0x5] =	stream.linear.gather [hbm4b:s15+s6], $0x80, $0x38;
	[tilespmem:$0x1ED00] =	vst v63  }
0x2a: {  	s16 =	rddreg [dreg:$0xa]  }
0x2b: {  	[tilespmem:s29], [sflag:$0x6] =	stream.linear.gather [hbm4b:s16+s6], $0x80, $0x38;
	[tilespmem:$0x1ED00] =	vst v63  }
0x2c: {  	s17 =	rddreg [dreg:$0x2]  }
0x2d: {  	[tilespmem:s30], [sflag:$0x8] =	stream.linear.gather [hbm4b:s17+s6], $0x80, $0x38;
	[tilespmem:$0x1ED00] =	vst v63  }
0x2e: {  	s18 =	stileid.u32;
	_ =	swait.ge [sflag:s21], $0x80  }
0x2f: {  	s10 =	sshll.u32 s18, $0x6;
	s19 =	rddreg [dreg:$0xb]  }
0x30: {  	[sflag:s21] =	ssyncset.done $0x0;
	s20 =	rddreg [dreg:$0xc];
	s15 =	sshrl.u32 s19, $0x3  }
0x31: {  	s14 =	sor.u32 $0x1C08, s10;
	[sflag:s21] =	ssyncadd.s32 $0xFFFFFF80;
	[dreg:$0x12] =	wrdreg s15  }
0x32: {  	[spmem:s15], [sflag:s14] =	dma.local [hbm:s20], $0x50  }
0x33: {  	_ =	swait.ge [sflag:s21], $0x50  }
0x34: {  	s15 =	rddreg [dreg:$0xd]  }
0x35: {  	[sflag:s21] =	ssyncset.done $0x0;
	s17 =	rddreg [dreg:$0xe];
	s16 =	sshrl.u32 s15, $0x3  }
0x36: {  	[sflag:s21] =	ssyncadd.s32 $0xFFFFFFB0;
	[dreg:$0x13] =	wrdreg s16  }
0x37: {  	[spmem:s16], [sflag:s14] =	dma.local [hbm:s17], $0x2800  }
0x38: {  	_ =	swait.ge [sflag:s21], $0x2800  }
0x39: {  	[sflag:s21] =	ssyncset.done $0x0  }
0x3a: {  	[sflag:s21] =	ssyncadd.s32 $0xFFFFD800  }
0x3b: {  	[bflag:$0x0] =	sbarrier.arrive $0xFFFF  }
0x3c: {  	_ =	swait.ge [sflag:s31], $0x4000  }
0x3d: {  	[sflag:s31] =	ssyncset.done $0x0  }
0x3e: {  	[sflag:s31] =	ssyncadd.s32 $0xFFFFC000  }
0x3f: {  	_ =	swait.ge [sflag:s3], $0x80  }
0x40: {  	[sflag:s3] =	ssyncset.done $0x0  }
0x41: {  	[sflag:s3] =	ssyncadd.s32 $0xFFFFFF80  }
0x42: {  	[spmem:s5] =	stream.indirect.scatter.add.f32 [tilespmem:s30], [sflag:$0x7], $0x1, s25, s22, $0xb8;
	[tilespmem:$0x1ED00] =	vst v63  }
0x43: {  	s18 =	smin.u32 s6, $0x4B  }
0x44: {  	[spmem:s4] =	stream.indirect.scatter.add.f32 [tilespmem:s23], [sflag:$0x8], $0x80, s25, s22, $0xb8;
	[tilespmem:$0x1ED00] =	vst v63  }
0x45: {  	s10 =	sshll.u32 s18, $0x7;
	_ =	swait.ge [sflag:s21], $0x4000  }
0x46: {  	s10 =	sadd.s32 $0x200, s10;
	[sflag:s21] =	ssyncset.done $0x0  }
0x47: {  	s17 =	sand.u32 $0x7C00, s10;
	[sflag:s21] =	ssyncadd.s32 $0xFFFFC000  }
0x48: {  	s18 =	sand.u32 $0x380, s10;
	s17 =	sadd.s32 s7, s17;
	_ =	swait.ge [sflag:s2], $0x80  }
0x49: {  	s17 =	sor.u32 s18, s17;
	[sflag:s2] =	ssyncset.done $0x0  }
0x4a: {  	s19 =	simm.s32 $0x100;
	s17 =	sshrl.u32 s17, $0x3;
	[sflag:s2] =	ssyncadd.s32 $0xFFFFFF80  }
0x4b: {  	[tilespmem:s23], [sflag:$0x1] =	stream.indirect.gather [hbm4b:s1+s22], $0x80, s19, s22, $0xb8;
	[tilespmem:$0x1ED00] =	vst v63  }
0x4c: {  	s17 =	sadd.s32 s8, s17  }
0x4d: {  	[tilespmem:s25], [sflag:$0x3] =	stream.linear.gather [hbm4b:s17+s6], $0x80, $0x38;
	[tilespmem:$0x1ED00] =	vst v63  }
0x4e: {  	_ =	swait.ge [sflag:s0], $0x4000  }
0x4f: {  	[sflag:s0] =	ssyncset.done $0x0  }
0x50: {  	[sflag:s0] =	ssyncadd.s32 $0xFFFFC000  }
0x51: {  	_ =	swait.ge [sflag:s9], $0x80  }
0x52: {  	[sflag:s9] =	ssyncset.done $0x0  }
0x53: {  	[sflag:s9] =	ssyncadd.s32 $0xFFFFFF80  }
0x54: {  	[spmem:s5] =	stream.indirect.scatter.add.f32 [tilespmem:s30], [sflag:$0x7], $0x1, s26, s22, $0xb8;
	[tilespmem:$0x1ED00] =	vst v63  }
0x55: {  	s20 =	smin.u32 s6, $0x4A  }
0x56: {  	[spmem:s4] =	stream.indirect.scatter.add.f32 [tilespmem:s24], [sflag:$0x8], $0x80, s26, s22, $0xb8;
	[tilespmem:$0x1ED00] =	vst v63  }
0x57: {  	s17 =	sshll.u32 s20, $0x7;
	_ =	swait.ge [sflag:s21], $0x4000  }
0x58: {  	s18 =	sadd.s32 $0x280, s17;
	[sflag:s21] =	ssyncset.done $0x0  }
0x59: {  	s17 =	sand.u32 $0x7C00, s18;
	[sflag:s21] =	ssyncadd.s32 $0xFFFFC000  }
0x5a: {  	s19 =	sand.u32 $0x380, s18;
	s17 =	sadd.s32 s7, s17;
	_ =	swait.ge [sflag:s2], $0x80  }
0x5b: {  	s19 =	sor.u32 s19, s17;
	[sflag:s2] =	ssyncset.done $0x0  }
0x5c: {  	s17 =	simm.s32 $0x180;
	s19 =	sshrl.u32 s19, $0x3;
	[sflag:s2] =	ssyncadd.s32 $0xFFFFFF80  }
0x5d: {  	[tilespmem:s24], [sflag:$0x2] =	stream.indirect.gather [hbm4b:s1+s22], $0x80, s17, s22, $0xb8;
	[tilespmem:$0x1ED00] =	vst v63  }
0x5e: {  	s19 =	sadd.s32 s8, s19  }
0x5f: {  	[tilespmem:s26], [sflag:$0x4] =	stream.linear.gather [hbm4b:s19+s6], $0x80, $0x38;
	[tilespmem:$0x1ED00] =	vst v63  }
0x60: {  	_ =	swait.ge [sflag:s31], $0x4000  }
0x61: {  	[sflag:s31] =	ssyncset.done $0x0  }
0x62: {  	[sflag:s31] =	ssyncadd.s32 $0xFFFFC000  }
0x63: {  	_ =	swait.ge [sflag:s11], $0x80  }
0x64: {  	[sflag:s11] =	ssyncset.done $0x0  }
0x65: {  	[sflag:s11] =	ssyncadd.s32 $0xFFFFFF80  }
0x66: {  	[spmem:s5] =	stream.indirect.scatter.add.f32 [tilespmem:s30], [sflag:$0x7], $0x1, s28, s22, $0xb8;
	[tilespmem:$0x1ED00] =	vst v63  }
0x67: {  	s15 =	smin.u32 s6, $0x49  }
0x68: {  	[spmem:s4] =	stream.indirect.scatter.add.f32 [tilespmem:s23], [sflag:$0x8], $0x80, s28, s22, $0xb8;
	[tilespmem:$0x1ED00] =	vst v63  }
0x69: {  	s19 =	sshll.u32 s15, $0x7;
	_ =	swait.ge [sflag:s21], $0x4000  }
0x6a: {  	s19 =	sadd.s32 $0x300, s19;
	[sflag:s21] =	ssyncset.done $0x0  }
0x6b: {  	s20 =	sand.u32 $0x7C00, s19;
	[sflag:s21] =	ssyncadd.s32 $0xFFFFC000  }
0x6c: {  	s19 =	sand.u32 $0x380, s19;
	s20 =	sadd.s32 s7, s20;
	_ =	swait.ge [sflag:s2], $0x80  }
0x6d: {  	s19 =	sor.u32 s19, s20;
	[sflag:s2] =	ssyncset.done $0x0  }
0x6e: {  	s16 =	sshrl.u32 s19, $0x3;
	[sflag:s2] =	ssyncadd.s32 $0xFFFFFF80  }
0x6f: {  	[tilespmem:s23], [sflag:$0x1] =	stream.indirect.gather [hbm4b:s1+s22], $0x80, s10, s22, $0xb8;
	[tilespmem:$0x1ED00] =	vst v63  }
0x70: {  	s10 =	sadd.s32 s8, s16  }
0x71: {  	[tilespmem:s28], [sflag:$0x5] =	stream.linear.gather [hbm4b:s10+s6], $0x80, $0x38;
	[tilespmem:$0x1ED00] =	vst v63  }
0x72: {  	_ =	swait.ge [sflag:s0], $0x4000  }
0x73: {  	[sflag:s0] =	ssyncset.done $0x0  }
0x74: {  	[sflag:s0] =	ssyncadd.s32 $0xFFFFC000  }
0x75: {  	_ =	swait.ge [sflag:s12], $0x80  }
0x76: {  	[sflag:s12] =	ssyncset.done $0x0  }
0x77: {  	[sflag:s12] =	ssyncadd.s32 $0xFFFFFF80  }
0x78: {  	[spmem:s5] =	stream.indirect.scatter.add.f32 [tilespmem:s30], [sflag:$0x7], $0x1, s29, s22, $0xb8;
	[tilespmem:$0x1ED00] =	vst v63  }
0x79: {  	_ = 	snop  }
0x7a: {  	[spmem:s4] =	stream.indirect.scatter.add.f32 [tilespmem:s24], [sflag:$0x8], $0x80, s29, s22, $0xb8;
	[tilespmem:$0x1ED00] =	vst v63  }
0x7b: {  	_ =	swait.ge [sflag:s21], $0x4000  }
0x7c: {  	[sflag:s21] =	ssyncset.done $0x0  }
0x7d: {  	s19 =	smin.u32 s6, $0x48;
	[sflag:s21] =	ssyncadd.s32 $0xFFFFC000  }
0x7e: {  	s10 =	sshll.u32 s19, $0x7;
	_ =	swait.ge [sflag:s2], $0x80  }
0x7f: {  	s10 =	sadd.s32 $0x380, s10;
	[sflag:s2] =	ssyncset.done $0x0  }
0x80: {  	s20 =	sand.u32 $0x7C00, s10;
	[sflag:s2] =	ssyncadd.s32 $0xFFFFFF80  }
0x81: {  	[tilespmem:s24], [sflag:$0x2] =	stream.indirect.gather [hbm4b:s1+s22], $0x80, s18, s22, $0xb8;
	[tilespmem:$0x1ED00] =	vst v63  }
0x82: {  	s10 =	sand.u32 $0x380, s10;
	s18 =	sadd.s32 s7, s20  }
0x83: {  	s10 =	sor.u32 s10, s18  }
0x84: {  	s18 =	simm.s32 $0x4;
	s19 =	sshrl.u32 s10, $0x3  }
.LBB2_2:
0x85: {  	p0 =	sne.s32 s18, $0x4C;
	s10 =	sadd.s32 s8, s19;
	s17 =	sadd.s32 $0x200, s17  }
0x86: {  	[tilespmem:s29], [sflag:$0x6] =	stream.linear.gather [hbm4b:s10+s6], $0x80, $0x38;
	[tilespmem:$0x1ED00] =	vst v63  }
0x87: {  	s19 =	smov.u32 s18;
	s18 =	sadd.s32 $0x4, s18;
	_ =	swait.ge [sflag:s31], $0x4000  }
0x88: {  	[sflag:s31] =	ssyncset.done $0x0  }
0x89: {  	[sflag:s31] =	ssyncadd.s32 $0xFFFFC000  }
0x8a: {  	_ =	swait.ge [sflag:s3], $0x80  }
0x8b: {  	[sflag:s3] =	ssyncset.done $0x0  }
0x8c: {  	[sflag:s3] =	ssyncadd.s32 $0xFFFFFF80  }
0x8d: {  	[spmem:s5] =	stream.indirect.scatter.add.f32 [tilespmem:s30], [sflag:$0x7], $0x1, s25, s22, $0xb8;
	[tilespmem:$0x1ED00] =	vst v63  }
0x8e: {  	s10 =	smin.u32 s19, $0x4B  }
0x8f: {  	[spmem:s4] =	stream.indirect.scatter.add.f32 [tilespmem:s23], [sflag:$0x8], $0x80, s25, s22, $0xb8;
	[tilespmem:$0x1ED00] =	vst v63  }
0x90: {  	s10 =	sshll.u32 s10, $0x7;
	_ =	swait.ge [sflag:s21], $0x4000  }
0x91: {  	s20 =	sadd.s32 $0x200, s10;
	[sflag:s21] =	ssyncset.done $0x0  }
0x92: {  	s10 =	sand.u32 $0x7C00, s20;
	[sflag:s21] =	ssyncadd.s32 $0xFFFFC000  }
0x93: {  	s15 =	sand.u32 $0x380, s20;
	s10 =	sadd.s32 s7, s10;
	_ =	swait.ge [sflag:s2], $0x80  }
0x94: {  	s16 =	sadd.s32 $0xFFFFFF80, s17;
	s10 =	sor.u32 s15, s10;
	[sflag:s2] =	ssyncset.done $0x0  }
0x95: {  	s10 =	sshrl.u32 s10, $0x3;
	[sflag:s2] =	ssyncadd.s32 $0xFFFFFF80  }
0x96: {  	[tilespmem:s23], [sflag:$0x1] =	stream.indirect.gather [hbm4b:s1+s22], $0x80, s16, s22, $0xb8;
	[tilespmem:$0x1ED00] =	vst v63  }
0x97: {  	s10 =	sadd.s32 s8, s10  }
0x98: {  	[tilespmem:s25], [sflag:$0x3] =	stream.linear.gather [hbm4b:s10+s6], $0x80, $0x38;
	[tilespmem:$0x1ED00] =	vst v63  }
0x99: {  	_ =	swait.ge [sflag:s0], $0x4000  }
0x9a: {  	[sflag:s0] =	ssyncset.done $0x0  }
0x9b: {  	[sflag:s0] =	ssyncadd.s32 $0xFFFFC000  }
0x9c: {  	_ =	swait.ge [sflag:s9], $0x80  }
0x9d: {  	[sflag:s9] =	ssyncset.done $0x0  }
0x9e: {  	[sflag:s9] =	ssyncadd.s32 $0xFFFFFF80  }
0x9f: {  	[spmem:s5] =	stream.indirect.scatter.add.f32 [tilespmem:s30], [sflag:$0x7], $0x1, s26, s22, $0xb8;
	[tilespmem:$0x1ED00] =	vst v63  }
0xa0: {  	s10 =	smin.u32 s19, $0x4A  }
0xa1: {  	[spmem:s4] =	stream.indirect.scatter.add.f32 [tilespmem:s24], [sflag:$0x8], $0x80, s26, s22, $0xb8;
	[tilespmem:$0x1ED00] =	vst v63  }
0xa2: {  	s10 =	sshll.u32 s10, $0x7;
	_ =	swait.ge [sflag:s21], $0x4000  }
0xa3: {  	s10 =	sadd.s32 $0x280, s10;
	[sflag:s21] =	ssyncset.done $0x0  }
0xa4: {  	s15 =	sand.u32 $0x7C00, s10;
	[sflag:s21] =	ssyncadd.s32 $0xFFFFC000  }
0xa5: {  	s16 =	sand.u32 $0x380, s10;
	s15 =	sadd.s32 s7, s15;
	_ =	swait.ge [sflag:s2], $0x80  }
0xa6: {  	s15 =	sor.u32 s16, s15;
	[sflag:s2] =	ssyncset.done $0x0  }
0xa7: {  	s15 =	sshrl.u32 s15, $0x3;
	[sflag:s2] =	ssyncadd.s32 $0xFFFFFF80  }
0xa8: {  	[tilespmem:s24], [sflag:$0x2] =	stream.indirect.gather [hbm4b:s1+s22], $0x80, s17, s22, $0xb8;
	[tilespmem:$0x1ED00] =	vst v63  }
0xa9: {  	s15 =	sadd.s32 s8, s15  }
0xaa: {  	[tilespmem:s26], [sflag:$0x4] =	stream.linear.gather [hbm4b:s15+s6], $0x80, $0x38;
	[tilespmem:$0x1ED00] =	vst v63  }
0xab: {  	_ =	swait.ge [sflag:s31], $0x4000  }
0xac: {  	[sflag:s31] =	ssyncset.done $0x0  }
0xad: {  	[sflag:s31] =	ssyncadd.s32 $0xFFFFC000  }
0xae: {  	_ =	swait.ge [sflag:s11], $0x80  }
0xaf: {  	[sflag:s11] =	ssyncset.done $0x0  }
0xb0: {  	[sflag:s11] =	ssyncadd.s32 $0xFFFFFF80  }
0xb1: {  	[spmem:s5] =	stream.indirect.scatter.add.f32 [tilespmem:s30], [sflag:$0x7], $0x1, s28, s22, $0xb8;
	[tilespmem:$0x1ED00] =	vst v63  }
0xb2: {  	s15 =	smin.u32 s19, $0x49  }
0xb3: {  	[spmem:s4] =	stream.indirect.scatter.add.f32 [tilespmem:s23], [sflag:$0x8], $0x80, s28, s22, $0xb8;
	[tilespmem:$0x1ED00] =	vst v63  }
0xb4: {  	s15 =	sshll.u32 s15, $0x7;
	_ =	swait.ge [sflag:s21], $0x4000  }
0xb5: {  	s15 =	sadd.s32 $0x300, s15;
	[sflag:s21] =	ssyncset.done $0x0  }
0xb6: {  	s16 =	sand.u32 $0x7C00, s15;
	[sflag:s21] =	ssyncadd.s32 $0xFFFFC000  }
0xb7: {  	s15 =	sand.u32 $0x380, s15;
	s16 =	sadd.s32 s7, s16;
	_ =	swait.ge [sflag:s2], $0x80  }
0xb8: {  	s15 =	sor.u32 s15, s16;
	[sflag:s2] =	ssyncset.done $0x0  }
0xb9: {  	s15 =	sshrl.u32 s15, $0x3;
	[sflag:s2] =	ssyncadd.s32 $0xFFFFFF80  }
0xba: {  	[tilespmem:s23], [sflag:$0x1] =	stream.indirect.gather [hbm4b:s1+s22], $0x80, s20, s22, $0xb8;
	[tilespmem:$0x1ED00] =	vst v63  }
0xbb: {  	s15 =	sadd.s32 s8, s15  }
0xbc: {  	[tilespmem:s28], [sflag:$0x5] =	stream.linear.gather [hbm4b:s15+s6], $0x80, $0x38;
	[tilespmem:$0x1ED00] =	vst v63  }
0xbd: {  	_ =	swait.ge [sflag:s0], $0x4000  }
0xbe: {  	[sflag:s0] =	ssyncset.done $0x0  }
0xbf: {  	[sflag:s0] =	ssyncadd.s32 $0xFFFFC000  }
0xc0: {  	_ =	swait.ge [sflag:s12], $0x80  }
0xc1: {  	[sflag:s12] =	ssyncset.done $0x0  }
0xc2: {  	[sflag:s12] =	ssyncadd.s32 $0xFFFFFF80  }
0xc3: {  	[spmem:s5] =	stream.indirect.scatter.add.f32 [tilespmem:s30], [sflag:$0x7], $0x1, s29, s22, $0xb8;
	[tilespmem:$0x1ED00] =	vst v63  }
0xc4: {  	s15 =	smin.u32 s19, $0x48  }
0xc5: {  	[spmem:s4] =	stream.indirect.scatter.add.f32 [tilespmem:s24], [sflag:$0x8], $0x80, s29, s22, $0xb8;
	[tilespmem:$0x1ED00] =	vst v63  }
0xc6: {  	s15 =	sshll.u32 s15, $0x7;
	_ =	swait.ge [sflag:s21], $0x4000  }
0xc7: {  	s15 =	sadd.s32 $0x380, s15;
	[sflag:s21] =	ssyncset.done $0x0  }
.Ltmp0:
0xc8: {  	s16 =	sand.u32 $0x7C00, s15;
	[sflag:s21] =	ssyncadd.s32 $0xFFFFC000;
	(pc) =	sbr.rel @p0 .LBB2_2-.Ltmp0, $4  }
0xc9: {  	s15 =	sand.u32 $0x380, s15;
	s16 =	sadd.s32 s7, s16;
	_ =	swait.ge [sflag:s2], $0x80  }
0xca: {  	s15 =	sor.u32 s15, s16;
	[sflag:s2] =	ssyncset.done $0x0  }
0xcb: {  	s19 =	sshrl.u32 s15, $0x3;
	[sflag:s2] =	ssyncadd.s32 $0xFFFFFF80  }
0xcc: {  	[tilespmem:s24], [sflag:$0x2] =	stream.indirect.gather [hbm4b:s1+s22], $0x80, s10, s22, $0xb8;
	[tilespmem:$0x1ED00] =	vst v63  }
0xcd: {  	s10 =	sadd.s32 s8, s19  }
0xce: {  	[tilespmem:s29], [sflag:$0x6] =	stream.linear.gather [hbm4b:s10+s6], $0x80, $0x38;
	[tilespmem:$0x1ED00] =	vst v63  }
0xcf: {  	_ =	swait.ge [sflag:s31], $0x4000  }
0xd0: {  	[sflag:s31] =	ssyncset.done $0x0  }
0xd1: {  	[sflag:s31] =	ssyncadd.s32 $0xFFFFC000  }
0xd2: {  	_ =	swait.ge [sflag:s0], $0x4000  }
0xd3: {  	[sflag:s0] =	ssyncset.done $0x0  }
0xd4: {  	[sflag:s0] =	ssyncadd.s32 $0xFFFFC000  }
0xd5: {  	_ =	swait.ge [sflag:s3], $0x80  }
0xd6: {  	[sflag:s3] =	ssyncset.done $0x0  }
0xd7: {  	[sflag:s3] =	ssyncadd.s32 $0xFFFFFF80  }
0xd8: {  	_ =	swait.ge [sflag:s9], $0x80  }
0xd9: {  	[sflag:s9] =	ssyncset.done $0x0  }
0xda: {  	[sflag:s9] =	ssyncadd.s32 $0xFFFFFF80  }
0xdb: {  	_ =	swait.ge [sflag:s11], $0x80  }
0xdc: {  	[sflag:s11] =	ssyncset.done $0x0  }
0xdd: {  	[sflag:s11] =	ssyncadd.s32 $0xFFFFFF80  }
0xde: {  	_ =	swait.ge [sflag:s12], $0x80  }
0xdf: {  	[sflag:s12] =	ssyncset.done $0x0  }
0xe0: {  	[sflag:s12] =	ssyncadd.s32 $0xFFFFFF80  }
0xe1: {  	[bflag:$0x0] =	sbarrier.arrive $0xFFFF  }
0xe2: {  	s17 =	rddreg [dreg:$0xf]  }
0xe3: {  	s15 =	rddreg [dreg:$0x13]  }
0xe4: {  	[hbm:s17], [sflag:s14] =	dma.local [spmem:s15], $0x2800  }
0xe5: {  	_ =	swait.ge [sflag:s21], $0x2800  }
0xe6: {  	s19 =	simm.s32 $0x20;
	[sflag:s21] =	ssyncset.done $0x0;
	s18 =	rddreg [dreg:$0x10]  }
0xe7: {  	s16 =	simm.s32 $0x10;
	s17 =	rddreg [dreg:$0x12];
	[sflag:s21] =	ssyncadd.s32 $0xFFFFD800  }
0xe8: {  	[hbm:s18@s19], [sflag:s14] =	dma.strided [spmem:s17@s16], $0x50, s31, $0x10   }
0xe9: {  	_ =	swait.ge [sflag:s21], $0x50  }
0xea: {  	s13 =	sadd.s32 $0x1, s13;
	s20 =	rddreg [dreg:$0x11]  }
0xeb: {  	p0 =	sne.s32 s13, s20  }
.Ltmp1:
0xec: {  	_ = 	snop;
	(pc) =	sbr.rel @p0 .LBB2_1-.Ltmp1, $3  }
0xed: {  	_ =	sdelay $0x1  }
0xee: {  	[sflag:s21] =	ssyncset.done $0x0  }
0xef: {  	[sflag:s21] =	ssyncadd.s32 $0xFFFFFFB0  }
0xf0: {  	_ =	sfence.sel $0x180000  }
0xf1: {  	[bflag:$0x0] =	sbarrier.arrive $0xFFFF  }
0xf2: {  	_ =	strace $0x90000047  }
0xf3: {  	s0 =	stileid.u32;
	[bflag:$0x2] =	sbarrier.arrive $0xFFFF  }
0xf4: {  	p0 =	sne.s32 s0, $0x0;
	s0 =	rddreg [dreg:$0x5]  }
0xf5: {  	s0 =	sadd.s32 @!p0 $0x100000, s0  }
0xf6: {  	[sflag:s0] =	ssyncadd.tile.s32 @!p0 $0x1;
	_ =	shalt  }
.Lfunc_end2:
_tile_overlayer_lowered:
.L_overlay_start_2:
0xf7: {  	(tag) =	ssettag $0x2  }
0xf8: {  	s0 =	rddreg [dreg:$0x0];
	s2 =	stileid.u32  }
0xf9: {  	s1 =	rddreg [dreg:$0x1];
	p0 =	sne.s32 s2, $0x0  }
0xfa: {  	s3 =	rddreg [dreg:$0x2];
	[bflag:$0x3] =	sbarrier.arrive $0xFFFF;
	s2 =	simm.s32 @!p0 $0x1C08  }
0xfb: {  	[timem:s3], [sflag:s2] =	dma.local @!p0 [hbm:s0], s1  }
0xfc: {  	s0 =	simm.s32 @!p0 $0x8  }
0xfd: {  	_ =	swait.ge @!p0 [sflag:s0], s1  }
0xfe: {  	s1 =	ssub.s32 @!p0 $0x0, s1;
	[sflag:s0] =	ssyncset.done @!p0 $0x0  }
0xff: {  	[sflag:s0] =	ssyncadd.s32 @!p0 s1  }
0x100: {  	[bflag:$0x3] =	sbarrier.arrive $0xFFFF  }
0x101: {  	_ =	shalt  }

// kernel: kernel.13.cloned.1.call-start
scs
__scs_entry_jumppad:
0x0: {  	(pc) =	sbr.rel $0x88, $3  }
0x1: {  	(tag) =	ssettag $0x0;
	lr =	simm.s32 $0x1  }
0x2: {  	[smem:$0x3F93] =	sst lr;
	_ =	strace $0xD0000000  }
0x3: {  	_ = 	snop  }
0x4: {  	_ = 	snop  }
0x5: {  	_ = 	snop  }
0x6: {  	_ = 	snop  }
0x7: {  	_ = 	snop  }
__scs_overlays_trampoline_lowered:
0x8: {  	[smem:$0x3FA2] =	sst s0  }
0x9: {  	[smem:$0x3FA3] =	sst s1  }
0xa: {  	[smem:$0x3FA4] =	sst s2  }
0xb: {  	[smem:$0x3FA5] =	sst s3  }
0xc: {  	[smem:$0x3FA6] =	sst s4  }
0xd: {  	[smem:$0x3FA7] =	sst s5  }
0xe: {  	[smem:$0x3FA8] =	sst s6  }
0xf: {  	[smem:$0x3FA9] =	sst s7  }
0x10: {  	[smem:$0x3FAA] =	sst s8  }
0x11: {  	[smem:$0x3FAB] =	sst s9;
	s0 =	simm.s32 @!p0 $0x0  }
0x12: {  	s1 =	sld [smem:$0x3F91];
	s0 =	simm.s32 @p0 $0x1  }
0x13: {  	[smem:$0x3FAC] =	sst s0;
	s0 =	simm.s32 @!p1 $0x0  }
0x14: {  	s2 =	sld [smem:$0x3F90];
	s0 =	simm.s32 @p1 $0x1  }
0x15: {  	[smem:$0x3FAD] =	sst s0;
	s0 =	simm.s32 @!p2 $0x0  }
0x16: {  	s3 =	sld [smem:$0x3FDB];
	s0 =	simm.s32 @p2 $0x1  }
0x17: {  	s4 =	simm.s32 $0x1BF5;
	[smem:$0x3FAF] =	sst s0  }
0x18: {  	s0 =	sld [smem:$0x3F92];
	_ =	swait.ge [sflag:s4], $0x0  }
0x19: {  	s7 =	sld [smem:$0x3F93]  }
0x1a: {  	s8 =	sadd.s32 $0xFFFFE003, lr  }
0x1b: {  	s9 =	sadd.s32 $0xFFFFFEF7, lr;
	s5 =	simm.s32 $0xFFFFFFFF;
	p2 =	slt.u32 s8, $0xFFFFF086  }
0x1c: {  	p1 =	slt.u32 s9, $0xF7A;
	s5 =	simm.s32 @!p2 $0x0  }
0x1d: {  	s5 =	simm.s32 @p1 $0x1;
	p0 =	seq.s32 s7, s2  }
0x1e: {  	s7 =	smul.u32 @!p0 $0xF7A, s2;
	p2 =	seq.s32 @!p0 s5, $0x0  }
0x1f: {  	s9 =	smul.u32 $0xF7A, s1;
	s8 =	simm.s32 @!p0 $0x1BF5;
	p2 =	por !p2, p0  }
0x20: {  	[sflag:s8] =	ssyncset.s32 @!p0 $0xFFFFF086;
	s6 =	sadd.s32 @!p0 s3, s7;
	s7 =	simm.s32 @!p0 $0x108  }
0x21: {  	s3 =	sadd.s32 s3, s9;
	s6 =	sadd.s32 @!p0 $0x88, s6;
	s7 =	simm.s32 @p2 $0x1082  }
0x22: {  	[simem:s7], [sflag:s8] =	dma.local @!p0 [hbm:s6], $0xF7A  }
0x23: {  	s9 =	sor.u32 $0xD0000000, s2;
	s6 =	simm.s32 $0x108;
	_ =	swait.ge @!p0 [sflag:s8], $0x0  }
0x24: {  	s3 =	sadd.s32 $0x88, s3;
	s6 =	simm.s32 @!p1 $0x1082;
	[sflag:s4] =	ssyncset.s32 $0xFFFFF086  }
0x25: {  	[simem:s6], [sflag:s4] =	dma.local [hbm:s3], $0xF7A  }
0x26: {  	[smem:$0x3F93] =	sst s1;
	(tag) =	ssettag s2;
	_ =	strace s9  }
0x27: {  	s1 =	sld [smem:$0x3FA3]  }
0x28: {  	s2 =	sld [smem:$0x3FA4]  }
0x29: {  	s4 =	sld [smem:$0x3FA6]  }
0x2a: {  	p0 =	seq.s32 s5, $0x0;
	s5 =	sld [smem:$0x3FA7]  }
0x2b: {  	s6 =	sld [smem:$0x3FA8]  }
0x2c: {  	s7 =	sld [smem:$0x3FA9]  }
0x2d: {  	s3 =	simm.s32 $0x108;
	s8 =	sld [smem:$0x3FAA]  }
0x2e: {  	s3 =	simm.s32 @!p0 $0x1082;
	s9 =	sld [smem:$0x3FAB]  }
0x2f: {  	lr =	sadd.s32 s0, s3;
	s0 =	sld [smem:$0x3FA2]  }
0x30: {  	s3 =	sld [smem:$0x3FA5]  }
0x31: {  	[smem:$0x3FAE] =	sst s10  }
0x32: {  	s10 =	sld [smem:$0x3FAC];
	_ =	sdelay $0x3  }
0x33: {  	p0 =	seq.s32 s10, $0x1;
	s10 =	sld [smem:$0x3FAE];
	_ =	sdelay $0x3  }
0x34: {  	[smem:$0x3FAE] =	sst s10  }
0x35: {  	s10 =	sld [smem:$0x3FAD];
	_ =	sdelay $0x3  }
0x36: {  	p1 =	seq.s32 s10, $0x1;
	s10 =	sld [smem:$0x3FAE];
	_ =	sdelay $0x3  }
0x37: {  	[smem:$0x3FAE] =	sst s10  }
0x38: {  	s10 =	sld [smem:$0x3FAF]  }
0x39: {  	_ = 	snop;
	(pc) =	sbr.ind lr, $3  }
0x3a: {  	_ = 	snop  }
0x3b: {  	_ = 	snop  }
0x3c: {  	p2 =	seq.s32 s10, $0x1;
	s10 =	sld [smem:$0x3FAE]  }
0x3d: {  	_ =	shalt  }
0x3e: {  	_ =	shalt  }
0x3f: {  	_ =	shalt  }
0x40: {  	_ =	shalt  }
0x41: {  	_ =	shalt  }
0x42: {  	_ =	shalt  }
0x43: {  	_ =	shalt  }
0x44: {  	_ =	shalt  }
0x45: {  	_ =	shalt  }
0x46: {  	_ =	shalt  }
0x47: {  	_ =	shalt  }
0x48: {  	_ =	shalt  }
0x49: {  	_ =	shalt  }
0x4a: {  	_ =	shalt  }
0x4b: {  	_ =	shalt  }
0x4c: {  	_ =	shalt  }
0x4d: {  	_ =	shalt  }
0x4e: {  	_ =	shalt  }
0x4f: {  	_ =	shalt  }
0x50: {  	_ =	shalt  }
0x51: {  	_ =	shalt  }
0x52: {  	_ =	shalt  }
0x53: {  	_ =	shalt  }
0x54: {  	_ =	shalt  }
0x55: {  	_ =	shalt  }
0x56: {  	_ =	shalt  }
0x57: {  	_ =	shalt  }
0x58: {  	_ =	shalt  }
0x59: {  	_ =	shalt  }
0x5a: {  	_ =	shalt  }
0x5b: {  	_ =	shalt  }
0x5c: {  	_ =	shalt  }
0x5d: {  	_ =	shalt  }
0x5e: {  	_ =	shalt  }
0x5f: {  	_ =	shalt  }
0x60: {  	_ =	shalt  }
0x61: {  	_ =	shalt  }
0x62: {  	_ =	shalt  }
0x63: {  	_ =	shalt  }
0x64: {  	_ =	shalt  }
0x65: {  	_ =	shalt  }
0x66: {  	_ =	shalt  }
0x67: {  	_ =	shalt  }
0x68: {  	_ =	shalt  }
0x69: {  	_ =	shalt  }
0x6a: {  	_ =	shalt  }
0x6b: {  	_ =	shalt  }
0x6c: {  	_ =	shalt  }
0x6d: {  	_ =	shalt  }
0x6e: {  	_ =	shalt  }
0x6f: {  	_ =	shalt  }
0x70: {  	_ =	shalt  }
0x71: {  	_ =	shalt  }
0x72: {  	_ =	shalt  }
0x73: {  	_ =	shalt  }
0x74: {  	_ =	shalt  }
0x75: {  	_ =	shalt  }
0x76: {  	_ =	shalt  }
0x77: {  	_ =	shalt  }
0x78: {  	_ =	shalt  }
0x79: {  	_ =	shalt  }
0x7a: {  	_ =	shalt  }
0x7b: {  	_ =	shalt  }
0x7c: {  	_ =	shalt  }
0x7d: {  	_ =	shalt  }
0x7e: {  	_ =	shalt  }
0x7f: {  	_ =	shalt  }
0x80: {  	_ =	shalt  }
0x81: {  	_ =	shalt  }
0x82: {  	_ =	shalt  }
0x83: {  	_ =	shalt  }
0x84: {  	_ =	shalt  }
0x85: {  	_ =	shalt  }
0x86: {  	_ =	shalt  }
0x87: {  	_ =	shalt  }
.Lfunc_end0:
.L_simem_size_0:
called_computation.1_lowered:
.L_overlay_start_0:
0x88: {  	s2 =	sld [smem:$0x3FD9]  }
0x89: {  	s3 =	sld [smem:$0x3FFE];
	_ =	sdelay $0x1  }
0x8a: {  	s1 =	srdreg.scid  }
0x8b: {  	s0 =	sand.u32 $0x1, s1  }
0x8c: {  	s16 =	sshll.u32 s0, $0xA;
	s2 =	sadd.s32 s3, s2  }
0x8d: {  	s2 =	sadd.s32 s2, s16  }
0x8e: {  	[smem:$0x3FBA] =	sst s2  }
0x8f: {  	_ = 	snop  }
0x90: {  	(tm) =	ssettm $0x1  }
0x91: {  	s17 =	sld [smem:$0x3FFB];
	_ =	sdelay $0x3  }
0x92: {  	_ =	strace s17  }
0x93: {  	s2 =	sld [smem:$0x3FFC];
	_ =	sdelay $0x3  }
0x94: {  	_ =	strace s2  }
0x95: {  	s2 =	sld [smem:$0x3FFD];
	_ =	sdelay $0x3  }
0x96: {  	_ =	strace s2  }
0x97: {  	_ =	strace $0x8FFFFFFF  }
0x98: {  	s18 =	sld [smem:$0x3FDB];
	_ =	sdelay $0x1  }
0x99: {  	s19 =	simm.s32 $_scs_section_size  }
0x9a: {  	s4 =	simm.s32 $_size__tile_overlayer_lowered;
	s5 =	simm.s32 $_tile_overlayer_lowered  }
0x9b: {  	s22 =	simm.s32 $0x1BFF;
	s21 =	sshll.u32 s5, $0x1;
	s2 =	sadd.s32 s19, s18  }
0x9c: {  	s6 =	simm.s32 $0x0;
	s20 =	sshll.u32 s4, $0x1;
	s4 =	sadd.s32 s21, s2  }
0x9d: {  	[timem:s6], [sflag:s22] =	dma.local [hbm:s4], s20  }
0x9e: {  	_ =	swait.ge [sflag:s22], s20  }
0x9f: {  	s3 =	ssub.s32 $0x0, s20;
	[sflag:s22] =	ssyncset.done $0x0  }
0xa0: {  	[sflag:s22] =	ssyncadd.s32 s3;
	_ =	sdelay $0x1  }
0xa1: {  	s23 =	simm.s32 $0x1B8B  }
0xa2: {  	_ =	swait.ge [sflag:s23], $0x1  }
0xa3: {  	[sflag:s23] =	ssyncset.done $0x0  }
0xa4: {  	s25 =	simm.s32 $0x1B8E;
	s24 =	sld [smem:$0x3FFE];
	[sflag:s23] =	ssyncadd.s32 $0xFFFFFFFF  }
0xa5: {  	s26 =	simm.s32 $execute0_lowered;
	[smem:$0x3FD2] =	sst s25  }
0xa6: {  	s4 =	sshll.u32 s26, $0x1;
	_ =	strace $0x80000049;
	[dreg:$0x1] =	wrdreg $0xFFFFFFFF  }
0xa7: {  	s28 =	simm.s32 $_size_execute0_lowered;
	s2 =	sadd.s32 s2, s4;
	[dreg:$0x0] =	wrdreg $0x0  }
0xa8: {  	s4 =	sshll.u32 s28, $0x1;
	[dreg:$0x2] =	wrdreg s2  }
0xa9: {  	[dreg:$0x3] =	wrdreg s4  }
0xaa: {  	[dreg:$0x4] =	wrdreg $0xC0  }
0xab: {  	_ =	task [dreg:s6], $0x5FFFF  }
0xac: {  	[dreg:$0x1] =	wrdreg $0xFFFFFFFF  }
0xad: {  	[dreg:$0x0] =	wrdreg $0x60  }
0xae: {  	[dreg:$0x2] =	wrdreg s24  }
0xaf: {  	[dreg:$0x3] =	wrdreg $0xAA000  }
0xb0: {  	[dreg:$0x4] =	wrdreg $0x9  }
0xb1: {  	_ =	task.clear_ibuf [dreg:s6], $0x5FFFF;
	_ =	strace $0x90000049  }
0xb2: {  	s29 =	simm.s32 $0x9;
	_ =	strace $0x8000004B  }
0xb3: {  	_ =	swait.ge [sflag:s29], $0x1  }
0xb4: {  	[sflag:s29] =	ssyncadd.s32 $0xFFFFFFFF  }
0xb5: {  	_ =	strace $0x9000004B  }
0xb6: {  	_ =	sfence  }
0xb7: {  	s30 =	sld [smem:$0x0];
	_ =	sdelay $0x2  }
0xb8: {  	s31 =	sshll.u32 s1, $0xD;
	s1 =	sshrl.u32 s1, $0x2  }
0xb9: {  	s3 =	sand.u32 $0x4000, s31;
	s1 =	sadd.s32 s1, s30  }
0xba: {  	s0 =	sor.u32 s3, s0;
	s1 =	sshll.u32 s1, $0x11  }
0xbb: {  	s0 =	sor.u32 s1, s0  }
0xbc: {  	s0 =	sadd.s32 $0x8F2B, s0  }
0xbd: {  	[sflag:s0] =	ssyncadd.remote.s32 $0x1  }
0xbe: {  	_ =	sfence.sel $0xFFFF  }
0xbf: {  	[dreg:$0x0] =	wrdreg $0xFFFFFFFF;
	(pc) =	sbr.abs _section_cstart, $3  }
0xc0: {  	[dreg:$0x1] =	wrdreg $0xFFFFFFFF  }
0xc1: {  	_ =	task.clear_ibuf [dreg:s6], $0x2FFFF;
	_ =	strace $0x9FFFFFFF  }
0xc2: {  	(tm) =	ssettm $0x7FFFFFFF  }
0xc3: {  	_ =	shalt  }
tec
execute0_lowered:
.L_overlay_start_1:
0x0: {  	(tag) =	ssettag $0x1  }
0x1: {  	s0 =	rddreg [dreg:$0x0]  }
0x2: {  	s1 =	srdreg.scid;
	s13 =	stileid.u32  }
0x3: {  	s2 =	rddreg [dreg:$0x1];
	s3 =	simm.s32 $0x0;
	s15 =	simm.s32 $0x7  }
0x4: {  	s16 =	simm.s32 $0x80;
	s17 =	simm.s32 $0x2A00;
	s18 =	simm.s32 $0x6A00  }
0x5: {  	s28 =	simm.s32 $0x2;
	s29 =	simm.s32 $0x4;
	s30 =	simm.s32 $0x5  }
0x6: {  	s31 =	simm.s32 $0x6;
	s1 =	sand.u32 $0x1, s1;
	s4 =	sshll.u32 s13, $0x1  }
0x7: {  	[smem:$0x7FF] =	sst s3;
	s7 =	smul.u32 $0x14000, s13;
	s5 =	sadd.s32 $0x40E00, s0  }
0x8: {  	s6 =	sadd.s32 $0xE800, s0;
	s12 =	smul.u32 $0x50000, s13;
	s26 =	sshll.u32 s13, $0x6  }
0x9: {  	s4 =	sor.u32 s1, s4;
	_ =	strace $0x8000004A;
	s9 =	smul.u32 $0x140000, s1  }
0xa: {  	s1 =	ssub.s32 $0x2, s1;
	s4 =	smul.u32 $0x2800, s4;
	s11 =	sshrl.u32 s7, $0x3  }
0xb: {  	s19 =	sshrl.u32 s1, $0x1;
	s22 =	sshrl.u32 s12, $0x2;
	s11 =	sadd.s32 s11, s0  }
0xc: {  	s7 =	sadd.s32 s7, s9;
	s1 =	ssub.s32 s1, s19;
	s19 =	simm.s32 $0x2800  }
0xd: {  	s8 =	sshrl.u32 s4, $0x3;
	s7 =	sshrl.u32 s7, $0x3;
	s25 =	sadd.s32 $0x18800, s11  }
0xe: {  	s14 =	smax.u32 s1, $0x1;
	s10 =	sadd.s32 s8, s0;
	s0 =	sadd.s32 s7, s0  }
0xf: {  	s7 =	sadd.s32 s6, s8;
	[dreg:$0x7] =	wrdreg s25;
	s20 =	sadd.s32 $0x4800, s10  }
0x10: {  	s1 =	simm.s32 $0x0;
	s21 =	sadd.s32 $0x10, s7;
	[dreg:$0x3] =	wrdreg s20  }
0x11: {  	s8 =	sadd.s32 s22, s2;
	s23 =	sadd.s32 $0x20, s7;
	[dreg:$0x4] =	wrdreg s21  }
0x12: {  	s22 =	simm.s32 $0x2980;
	s24 =	sadd.s32 $0x30, s7;
	[dreg:$0x5] =	wrdreg s23  }
0x13: {  	s25 =	simm.s32 $0x1;
	s0 =	sadd.s32 $0xDFC00, s0;
	[dreg:$0x6] =	wrdreg s24  }
0x14: {  	[dreg:$0x8] =	wrdreg s0;
	s20 =	simm.s32 $0x2880;
	s21 =	simm.s32 $0x2900  }
0x15: {  	s23 =	sor.u32 $0x1C07, s26;
	s24 =	sshrl.u32 s8, $0x3;
	s26 =	simm.s32 $0x3  }
.LBB2_1:
0x16: {  	s0 =	rddreg [dreg:$0x3]  }
0x17: {  	[tilespmem:s3], [sflag:$0x7] =	stream.linear.gather [hbm4b:s0+s3], $0x2800, $0x38;
	[tilespmem:$0x1EA00] =	vst v63  }
0x18: {  	_ =	swait.ge [sflag:s15], $0x2800  }
0x19: {  	[sflag:s15] =	ssyncset.done $0x0  }
0x1a: {  	[sflag:s15] =	ssyncadd.s32 $0xFFFFD800  }
0x1b: {  	[tilespmem:s17], [sflag:$0x1] =	stream.indirect.gather [hbm4b:s5+s16], $0x80, s3, s16, $0xb8;
	[tilespmem:$0x1EA00] =	vst v63  }
0x1c: {  	_ = 	snop  }
0x1d: {  	[tilespmem:s18], [sflag:$0x2] =	stream.indirect.gather [hbm4b:s5+s16], $0x80, s16, s16, $0xb8;
	[tilespmem:$0x1EA00] =	vst v63  }
0x1e: {  	s12 =	rddreg [dreg:$0x4]  }
0x1f: {  	[tilespmem:s19], [sflag:$0x3] =	stream.linear.gather [hbm4b:s7+s3], $0x80, $0x38;
	[tilespmem:$0x1EA00] =	vst v63  }
0x20: {  	s13 =	rddreg [dreg:$0x5]  }
0x21: {  	[tilespmem:s20], [sflag:$0x4] =	stream.linear.gather [hbm4b:s12+s3], $0x80, $0x38;
	[tilespmem:$0x1EA00] =	vst v63  }
0x22: {  	s8 =	rddreg [dreg:$0x6]  }
0x23: {  	[tilespmem:s21], [sflag:$0x5] =	stream.linear.gather [hbm4b:s13+s3], $0x80, $0x38;
	[tilespmem:$0x1EA00] =	vst v63  }
0x24: {  	s9 =	rddreg [dreg:$0x7]  }
0x25: {  	[tilespmem:s22], [sflag:$0x6] =	stream.linear.gather [hbm4b:s8+s3], $0x80, $0x38;
	[tilespmem:$0x1EA00] =	vst v63  }
0x26: {  	[spmem:s24], [sflag:s23] =	dma.local [hbm:s9], $0x2800  }
0x27: {  	_ =	swait.ge [sflag:s15], $0x2800  }
0x28: {  	[sflag:s15] =	ssyncset.done $0x0  }
0x29: {  	[sflag:s15] =	ssyncadd.s32 $0xFFFFD800  }
0x2a: {  	[bflag:$0x0] =	sbarrier.arrive $0xFFFF  }
0x2b: {  	_ =	swait.ge [sflag:s25], $0x4000  }
0x2c: {  	[sflag:s25] =	ssyncset.done $0x0  }
0x2d: {  	s10 =	smin.u32 s3, $0x4B;
	[sflag:s25] =	ssyncadd.s32 $0xFFFFC000  }
0x2e: {  	s0 =	sshll.u32 s10, $0x7;
	_ =	swait.ge [sflag:s26], $0x80  }
0x2f: {  	s9 =	sadd.s32 $0x200, s0;
	[sflag:s26] =	ssyncset.done $0x0  }
0x30: {  	s0 =	sand.u32 $0x7C00, s9;
	[sflag:s26] =	ssyncadd.s32 $0xFFFFFF80  }
0x31: {  	[spmem:s2] =	stream.indirect.scatter.add.f32 [tilespmem:s17], [sflag:$0x7], $0x80, s19, s16, $0xb8;
	[tilespmem:$0x1EA00] =	vst v63  }
0x32: {  	s8 =	sand.u32 $0x380, s9;
	s0 =	sadd.s32 s4, s0;
	_ =	swait.ge [sflag:s15], $0x4000  }
0x33: {  	s0 =	sor.u32 s8, s0;
	[sflag:s15] =	ssyncset.done $0x0  }
0x34: {  	s11 =	simm.s32 $0x100;
	s0 =	sshrl.u32 s0, $0x3;
	[sflag:s15] =	ssyncadd.s32 $0xFFFFC000  }
0x35: {  	[tilespmem:s17], [sflag:$0x1] =	stream.indirect.gather [hbm4b:s5+s16], $0x80, s11, s16, $0xb8;
	[tilespmem:$0x1EA00] =	vst v63  }
0x36: {  	s0 =	sadd.s32 s6, s0  }
0x37: {  	[tilespmem:s19], [sflag:$0x3] =	stream.linear.gather [hbm4b:s0+s3], $0x80, $0x38;
	[tilespmem:$0x1EA00] =	vst v63  }
0x38: {  	_ =	swait.ge [sflag:s28], $0x4000  }
0x39: {  	[sflag:s28] =	ssyncset.done $0x0  }
0x3a: {  	s12 =	smin.u32 s3, $0x4A;
	[sflag:s28] =	ssyncadd.s32 $0xFFFFC000  }
0x3b: {  	s0 =	sshll.u32 s12, $0x7;
	_ =	swait.ge [sflag:s29], $0x80  }
0x3c: {  	s8 =	sadd.s32 $0x280, s0;
	[sflag:s29] =	ssyncset.done $0x0  }
0x3d: {  	s0 =	sand.u32 $0x7C00, s8;
	[sflag:s29] =	ssyncadd.s32 $0xFFFFFF80  }
0x3e: {  	[spmem:s2] =	stream.indirect.scatter.add.f32 [tilespmem:s18], [sflag:$0x7], $0x80, s20, s16, $0xb8;
	[tilespmem:$0x1EA00] =	vst v63  }
0x3f: {  	s10 =	sand.u32 $0x380, s8;
	s0 =	sadd.s32 s4, s0;
	_ =	swait.ge [sflag:s15], $0x4000  }
0x40: {  	s10 =	sor.u32 s10, s0;
	[sflag:s15] =	ssyncset.done $0x0  }
0x41: {  	s0 =	simm.s32 $0x180;
	s10 =	sshrl.u32 s10, $0x3;
	[sflag:s15] =	ssyncadd.s32 $0xFFFFC000  }
0x42: {  	[tilespmem:s18], [sflag:$0x2] =	stream.indirect.gather [hbm4b:s5+s16], $0x80, s0, s16, $0xb8;
	[tilespmem:$0x1EA00] =	vst v63  }
0x43: {  	s10 =	sadd.s32 s6, s10  }
0x44: {  	[tilespmem:s20], [sflag:$0x4] =	stream.linear.gather [hbm4b:s10+s3], $0x80, $0x38;
	[tilespmem:$0x1EA00] =	vst v63  }
0x45: {  	_ =	swait.ge [sflag:s25], $0x4000  }
0x46: {  	[sflag:s25] =	ssyncset.done $0x0  }
0x47: {  	s13 =	smin.u32 s3, $0x49;
	[sflag:s25] =	ssyncadd.s32 $0xFFFFC000  }
0x48: {  	s10 =	sshll.u32 s13, $0x7;
	_ =	swait.ge [sflag:s30], $0x80  }
0x49: {  	s10 =	sadd.s32 $0x300, s10;
	[sflag:s30] =	ssyncset.done $0x0  }
0x4a: {  	s11 =	sand.u32 $0x7C00, s10;
	[sflag:s30] =	ssyncadd.s32 $0xFFFFFF80  }
0x4b: {  	[spmem:s2] =	stream.indirect.scatter.add.f32 [tilespmem:s17], [sflag:$0x7], $0x80, s21, s16, $0xb8;
	[tilespmem:$0x1EA00] =	vst v63  }
0x4c: {  	s10 =	sand.u32 $0x380, s10;
	s11 =	sadd.s32 s4, s11;
	_ =	swait.ge [sflag:s15], $0x4000  }
0x4d: {  	s10 =	sor.u32 s10, s11;
	[sflag:s15] =	ssyncset.done $0x0  }
0x4e: {  	s10 =	sshrl.u32 s10, $0x3;
	[sflag:s15] =	ssyncadd.s32 $0xFFFFC000  }
0x4f: {  	[tilespmem:s17], [sflag:$0x1] =	stream.indirect.gather [hbm4b:s5+s16], $0x80, s9, s16, $0xb8;
	[tilespmem:$0x1EA00] =	vst v63  }
0x50: {  	s11 =	sadd.s32 s6, s10  }
0x51: {  	[tilespmem:s21], [sflag:$0x5] =	stream.linear.gather [hbm4b:s11+s3], $0x80, $0x38;
	[tilespmem:$0x1EA00] =	vst v63  }
0x52: {  	_ =	swait.ge [sflag:s28], $0x4000  }
0x53: {  	s12 =	smin.u32 s3, $0x48;
	[sflag:s28] =	ssyncset.done $0x0  }
0x54: {  	s9 =	sshll.u32 s12, $0x7;
	[sflag:s28] =	ssyncadd.s32 $0xFFFFC000  }
0x55: {  	s13 =	sadd.s32 $0x380, s9;
	_ =	swait.ge [sflag:s31], $0x80  }
0x56: {  	s9 =	simm.s32 $0x4;
	s12 =	sand.u32 $0x7C00, s13;
	[sflag:s31] =	ssyncset.done $0x0  }
0x57: {  	s11 =	sand.u32 $0x380, s13;
	s12 =	sadd.s32 s4, s12;
	[sflag:s31] =	ssyncadd.s32 $0xFFFFFF80  }
0x58: {  	[spmem:s2] =	stream.indirect.scatter.add.f32 [tilespmem:s18], [sflag:$0x7], $0x80, s22, s16, $0xb8;
	[tilespmem:$0x1EA00] =	vst v63  }
.LBB2_2:
0x59: {  	p0 =	sne.s32 s9, $0x4C  }
0x5a: {  	_ =	swait.ge [sflag:s15], $0x4000;
	s0 =	sadd.s32 $0x200, s0;
	s10 =	smov.u32 s9  }
0x5b: {  	s9 =	sadd.s32 $0x4, s9;
	s11 =	sor.u32 s11, s12;
	[sflag:s15] =	ssyncset.done $0x0  }
0x5c: {  	s11 =	sshrl.u32 s11, $0x3;
	[sflag:s15] =	ssyncadd.s32 $0xFFFFC000  }
0x5d: {  	[tilespmem:s18], [sflag:$0x2] =	stream.indirect.gather [hbm4b:s5+s16], $0x80, s8, s16, $0xb8;
	[tilespmem:$0x1EA00] =	vst v63  }
0x5e: {  	s11 =	sadd.s32 s6, s11;
	s8 =	smin.u32 s10, $0x4B  }
0x5f: {  	[tilespmem:s22], [sflag:$0x6] =	stream.linear.gather [hbm4b:s11+s3], $0x80, $0x38;
	[tilespmem:$0x1EA00] =	vst v63  }
0x60: {  	s8 =	sshll.u32 s8, $0x7;
	_ =	swait.ge [sflag:s25], $0x4000  }
0x61: {  	s11 =	sadd.s32 $0x200, s8;
	[sflag:s25] =	ssyncset.done $0x0  }
0x62: {  	s8 =	sand.u32 $0x7C00, s11;
	[sflag:s25] =	ssyncadd.s32 $0xFFFFC000  }
0x63: {  	s12 =	sand.u32 $0x380, s11;
	s8 =	sadd.s32 s4, s8;
	_ =	swait.ge [sflag:s26], $0x80  }
0x64: {  	s8 =	sor.u32 s12, s8;
	[sflag:s26] =	ssyncset.done $0x0  }
0x65: {  	s8 =	sshrl.u32 s8, $0x3;
	[sflag:s26] =	ssyncadd.s32 $0xFFFFFF80  }
0x66: {  	[spmem:s2] =	stream.indirect.scatter.add.f32 [tilespmem:s17], [sflag:$0x7], $0x80, s19, s16, $0xb8;
	[tilespmem:$0x1EA00] =	vst v63  }
0x67: {  	_ =	swait.ge [sflag:s15], $0x4000  }
0x68: {  	s12 =	sadd.s32 $0xFFFFFF80, s0;
	[sflag:s15] =	ssyncset.done $0x0  }
0x69: {  	[sflag:s15] =	ssyncadd.s32 $0xFFFFC000  }
0x6a: {  	[tilespmem:s17], [sflag:$0x1] =	stream.indirect.gather [hbm4b:s5+s16], $0x80, s12, s16, $0xb8;
	[tilespmem:$0x1EA00] =	vst v63  }
0x6b: {  	s8 =	sadd.s32 s6, s8;
	s12 =	smin.u32 s10, $0x4A  }
0x6c: {  	[tilespmem:s19], [sflag:$0x3] =	stream.linear.gather [hbm4b:s8+s3], $0x80, $0x38;
	[tilespmem:$0x1EA00] =	vst v63  }
0x6d: {  	s8 =	sshll.u32 s12, $0x7;
	_ =	swait.ge [sflag:s28], $0x4000  }
0x6e: {  	s8 =	sadd.s32 $0x280, s8;
	[sflag:s28] =	ssyncset.done $0x0  }
0x6f: {  	s12 =	sand.u32 $0x7C00, s8;
	s13 =	sand.u32 $0x380, s8;
	[sflag:s28] =	ssyncadd.s32 $0xFFFFC000  }
0x70: {  	s12 =	sadd.s32 s4, s12;
	_ =	swait.ge [sflag:s29], $0x80  }
0x71: {  	s12 =	sor.u32 s13, s12;
	[sflag:s29] =	ssyncset.done $0x0  }
0x72: {  	s12 =	sshrl.u32 s12, $0x3;
	[sflag:s29] =	ssyncadd.s32 $0xFFFFFF80  }
0x73: {  	[spmem:s2] =	stream.indirect.scatter.add.f32 [tilespmem:s18], [sflag:$0x7], $0x80, s20, s16, $0xb8;
	[tilespmem:$0x1EA00] =	vst v63  }
0x74: {  	_ =	swait.ge [sflag:s15], $0x4000  }
0x75: {  	[sflag:s15] =	ssyncset.done $0x0  }
0x76: {  	[sflag:s15] =	ssyncadd.s32 $0xFFFFC000  }
0x77: {  	[tilespmem:s18], [sflag:$0x2] =	stream.indirect.gather [hbm4b:s5+s16], $0x80, s0, s16, $0xb8;
	[tilespmem:$0x1EA00] =	vst v63  }
0x78: {  	s12 =	sadd.s32 s6, s12  }
0x79: {  	[tilespmem:s20], [sflag:$0x4] =	stream.linear.gather [hbm4b:s12+s3], $0x80, $0x38;
	[tilespmem:$0x1EA00] =	vst v63  }
0x7a: {  	_ =	swait.ge [sflag:s25], $0x4000  }
0x7b: {  	s12 =	smin.u32 s10, $0x49;
	[sflag:s25] =	ssyncset.done $0x0  }
0x7c: {  	s12 =	sshll.u32 s12, $0x7;
	[sflag:s25] =	ssyncadd.s32 $0xFFFFC000  }
0x7d: {  	s12 =	sadd.s32 $0x300, s12;
	_ =	swait.ge [sflag:s30], $0x80  }
0x7e: {  	s13 =	sand.u32 $0x7C00, s12;
	[sflag:s30] =	ssyncset.done $0x0  }
0x7f: {  	s12 =	sand.u32 $0x380, s12;
	s13 =	sadd.s32 s4, s13;
	[sflag:s30] =	ssyncadd.s32 $0xFFFFFF80  }
0x80: {  	[spmem:s2] =	stream.indirect.scatter.add.f32 [tilespmem:s17], [sflag:$0x7], $0x80, s21, s16, $0xb8;
	[tilespmem:$0x1EA00] =	vst v63  }
0x81: {  	s12 =	sor.u32 s12, s13;
	_ =	swait.ge [sflag:s15], $0x4000  }
0x82: {  	s12 =	sshrl.u32 s12, $0x3;
	[sflag:s15] =	ssyncset.done $0x0  }
0x83: {  	[sflag:s15] =	ssyncadd.s32 $0xFFFFC000  }
0x84: {  	[tilespmem:s17], [sflag:$0x1] =	stream.indirect.gather [hbm4b:s5+s16], $0x80, s11, s16, $0xb8;
	[tilespmem:$0x1EA00] =	vst v63  }
0x85: {  	s11 =	sadd.s32 s6, s12  }
0x86: {  	[tilespmem:s21], [sflag:$0x5] =	stream.linear.gather [hbm4b:s11+s3], $0x80, $0x38;
	[tilespmem:$0x1EA00] =	vst v63  }
0x87: {  	_ =	swait.ge [sflag:s28], $0x4000  }
0x88: {  	s10 =	smin.u32 s10, $0x48;
	[sflag:s28] =	ssyncset.done $0x0  }
.Ltmp0:
0x89: {  	s10 =	sshll.u32 s10, $0x7;
	[sflag:s28] =	ssyncadd.s32 $0xFFFFC000;
	(pc) =	sbr.rel @p0 .LBB2_2-.Ltmp0, $4  }
0x8a: {  	s10 =	sadd.s32 $0x380, s10;
	_ =	swait.ge [sflag:s31], $0x80  }
0x8b: {  	s12 =	sand.u32 $0x7C00, s10;
	s11 =	sand.u32 $0x380, s10;
	[sflag:s31] =	ssyncset.done $0x0  }
0x8c: {  	s12 =	sadd.s32 s4, s12;
	[sflag:s31] =	ssyncadd.s32 $0xFFFFFF80  }
0x8d: {  	[spmem:s2] =	stream.indirect.scatter.add.f32 [tilespmem:s18], [sflag:$0x7], $0x80, s22, s16, $0xb8;
	[tilespmem:$0x1EA00] =	vst v63  }
0x8e: {  	_ =	swait.ge [sflag:s15], $0x4000  }
0x8f: {  	s0 =	sor.u32 s11, s12;
	[sflag:s15] =	ssyncset.done $0x0  }
0x90: {  	s0 =	sshrl.u32 s0, $0x3;
	[sflag:s15] =	ssyncadd.s32 $0xFFFFC000  }
0x91: {  	[tilespmem:s18], [sflag:$0x2] =	stream.indirect.gather [hbm4b:s5+s16], $0x80, s8, s16, $0xb8;
	[tilespmem:$0x1EA00] =	vst v63  }
0x92: {  	s0 =	sadd.s32 s6, s0  }
0x93: {  	[tilespmem:s22], [sflag:$0x6] =	stream.linear.gather [hbm4b:s0+s3], $0x80, $0x38;
	[tilespmem:$0x1EA00] =	vst v63  }
0x94: {  	_ =	swait.ge [sflag:s25], $0x4000  }
0x95: {  	[sflag:s25] =	ssyncset.done $0x0  }
0x96: {  	[sflag:s25] =	ssyncadd.s32 $0xFFFFC000  }
0x97: {  	_ =	swait.ge [sflag:s28], $0x4000  }
0x98: {  	[sflag:s28] =	ssyncset.done $0x0  }
0x99: {  	[sflag:s28] =	ssyncadd.s32 $0xFFFFC000  }
0x9a: {  	_ =	swait.ge [sflag:s26], $0x80  }
0x9b: {  	[sflag:s26] =	ssyncset.done $0x0  }
0x9c: {  	[sflag:s26] =	ssyncadd.s32 $0xFFFFFF80  }
0x9d: {  	_ =	swait.ge [sflag:s29], $0x80  }
0x9e: {  	[sflag:s29] =	ssyncset.done $0x0  }
0x9f: {  	[sflag:s29] =	ssyncadd.s32 $0xFFFFFF80  }
0xa0: {  	_ =	swait.ge [sflag:s30], $0x80  }
0xa1: {  	[sflag:s30] =	ssyncset.done $0x0  }
0xa2: {  	[sflag:s30] =	ssyncadd.s32 $0xFFFFFF80  }
0xa3: {  	_ =	swait.ge [sflag:s31], $0x80  }
0xa4: {  	[sflag:s31] =	ssyncset.done $0x0  }
0xa5: {  	s1 =	sadd.s32 $0x1, s1;
	[sflag:s31] =	ssyncadd.s32 $0xFFFFFF80  }
0xa6: {  	p0 =	sne.s32 s1, s14;
	[bflag:$0x0] =	sbarrier.arrive $0xFFFF  }
.Ltmp1:
0xa7: {  	s13 =	rddreg [dreg:$0x8];
	(pc) =	sbr.rel @p0 .LBB2_1-.Ltmp1, $4  }
0xa8: {  	[hbm:s13], [sflag:s23] =	dma.local [spmem:s24], $0x2800  }
0xa9: {  	_ =	swait.ge [sflag:s15], $0x2800  }
0xaa: {  	[sflag:s15] =	ssyncset.done $0x0  }
0xab: {  	[sflag:s15] =	ssyncadd.s32 $0xFFFFD800  }
0xac: {  	_ =	sfence.sel $0x180000  }
0xad: {  	[bflag:$0x0] =	sbarrier.arrive $0xFFFF  }
0xae: {  	_ =	strace $0x9000004A  }
0xaf: {  	s0 =	stileid.u32;
	[bflag:$0x2] =	sbarrier.arrive $0xFFFF  }
0xb0: {  	p0 =	sne.s32 s0, $0x0;
	s0 =	rddreg [dreg:$0x2]  }
0xb1: {  	s0 =	sadd.s32 @!p0 $0x100000, s0  }
0xb2: {  	[sflag:s0] =	ssyncadd.tile.s32 @!p0 $0x1;
	_ =	shalt  }
.Lfunc_end2:
_tile_overlayer_lowered:
.L_overlay_start_2:
0xb3: {  	(tag) =	ssettag $0x2  }
0xb4: {  	s0 =	rddreg [dreg:$0x0];
	s2 =	stileid.u32  }
0xb5: {  	s1 =	rddreg [dreg:$0x1];
	p0 =	sne.s32 s2, $0x0  }
0xb6: {  	s3 =	rddreg [dreg:$0x2];
	[bflag:$0x3] =	sbarrier.arrive $0xFFFF;
	s2 =	simm.s32 @!p0 $0x1C07  }
0xb7: {  	[timem:s3], [sflag:s2] =	dma.local @!p0 [hbm:s0], s1  }
0xb8: {  	s0 =	simm.s32 @!p0 $0x7  }
0xb9: {  	_ =	swait.ge @!p0 [sflag:s0], s1  }
0xba: {  	s1 =	ssub.s32 @!p0 $0x0, s1;
	[sflag:s0] =	ssyncset.done @!p0 $0x0  }
0xbb: {  	[sflag:s0] =	ssyncadd.s32 @!p0 s1  }
0xbc: {  	[bflag:$0x3] =	sbarrier.arrive $0xFFFF  }
0xbd: {  	_ =	shalt  }

// kernel: kernel.16.cloned.1.call-start
scs
__scs_entry_jumppad:
0x0: {  	(pc) =	sbr.rel $0x88, $3  }
0x1: {  	(tag) =	ssettag $0x0;
	lr =	simm.s32 $0x1  }
0x2: {  	[smem:$0x3F93] =	sst lr;
	_ =	strace $0xD0000000  }
0x3: {  	_ = 	snop  }
0x4: {  	_ = 	snop  }
0x5: {  	_ = 	snop  }
0x6: {  	_ = 	snop  }
0x7: {  	_ = 	snop  }
__scs_overlays_trampoline_lowered:
0x8: {  	[smem:$0x3FA2] =	sst s0  }
0x9: {  	[smem:$0x3FA3] =	sst s1  }
0xa: {  	[smem:$0x3FA4] =	sst s2  }
0xb: {  	[smem:$0x3FA5] =	sst s3  }
0xc: {  	[smem:$0x3FA6] =	sst s4  }
0xd: {  	[smem:$0x3FA7] =	sst s5  }
0xe: {  	[smem:$0x3FA8] =	sst s6  }
0xf: {  	[smem:$0x3FA9] =	sst s7  }
0x10: {  	[smem:$0x3FAA] =	sst s8  }
0x11: {  	[smem:$0x3FAB] =	sst s9;
	s0 =	simm.s32 @!p0 $0x0  }
0x12: {  	s1 =	sld [smem:$0x3F91];
	s0 =	simm.s32 @p0 $0x1  }
0x13: {  	[smem:$0x3FAC] =	sst s0;
	s0 =	simm.s32 @!p1 $0x0  }
0x14: {  	s2 =	sld [smem:$0x3F90];
	s0 =	simm.s32 @p1 $0x1  }
0x15: {  	[smem:$0x3FAD] =	sst s0;
	s0 =	simm.s32 @!p2 $0x0  }
0x16: {  	s3 =	sld [smem:$0x3FDB];
	s0 =	simm.s32 @p2 $0x1  }
0x17: {  	s4 =	simm.s32 $0x1BF5;
	[smem:$0x3FAF] =	sst s0  }
0x18: {  	s0 =	sld [smem:$0x3F92];
	_ =	swait.ge [sflag:s4], $0x0  }
0x19: {  	s7 =	sld [smem:$0x3F93]  }
0x1a: {  	s8 =	sadd.s32 $0xFFFFE003, lr  }
0x1b: {  	s9 =	sadd.s32 $0xFFFFFEF7, lr;
	s5 =	simm.s32 $0xFFFFFFFF;
	p2 =	slt.u32 s8, $0xFFFFF086  }
0x1c: {  	p1 =	slt.u32 s9, $0xF7A;
	s5 =	simm.s32 @!p2 $0x0  }
0x1d: {  	s5 =	simm.s32 @p1 $0x1;
	p0 =	seq.s32 s7, s2  }
0x1e: {  	s7 =	smul.u32 @!p0 $0xF7A, s2;
	p2 =	seq.s32 @!p0 s5, $0x0  }
0x1f: {  	s9 =	smul.u32 $0xF7A, s1;
	s8 =	simm.s32 @!p0 $0x1BF5;
	p2 =	por !p2, p0  }
0x20: {  	[sflag:s8] =	ssyncset.s32 @!p0 $0xFFFFF086;
	s6 =	sadd.s32 @!p0 s3, s7;
	s7 =	simm.s32 @!p0 $0x108  }
0x21: {  	s3 =	sadd.s32 s3, s9;
	s6 =	sadd.s32 @!p0 $0x88, s6;
	s7 =	simm.s32 @p2 $0x1082  }
0x22: {  	[simem:s7], [sflag:s8] =	dma.local @!p0 [hbm:s6], $0xF7A  }
0x23: {  	s9 =	sor.u32 $0xD0000000, s2;
	s6 =	simm.s32 $0x108;
	_ =	swait.ge @!p0 [sflag:s8], $0x0  }
0x24: {  	s3 =	sadd.s32 $0x88, s3;
	s6 =	simm.s32 @!p1 $0x1082;
	[sflag:s4] =	ssyncset.s32 $0xFFFFF086  }
0x25: {  	[simem:s6], [sflag:s4] =	dma.local [hbm:s3], $0xF7A  }
0x26: {  	[smem:$0x3F93] =	sst s1;
	(tag) =	ssettag s2;
	_ =	strace s9  }
0x27: {  	s1 =	sld [smem:$0x3FA3]  }
0x28: {  	s2 =	sld [smem:$0x3FA4]  }
0x29: {  	s4 =	sld [smem:$0x3FA6]  }
0x2a: {  	p0 =	seq.s32 s5, $0x0;
	s5 =	sld [smem:$0x3FA7]  }
0x2b: {  	s6 =	sld [smem:$0x3FA8]  }
0x2c: {  	s7 =	sld [smem:$0x3FA9]  }
0x2d: {  	s3 =	simm.s32 $0x108;
	s8 =	sld [smem:$0x3FAA]  }
0x2e: {  	s3 =	simm.s32 @!p0 $0x1082;
	s9 =	sld [smem:$0x3FAB]  }
0x2f: {  	lr =	sadd.s32 s0, s3;
	s0 =	sld [smem:$0x3FA2]  }
0x30: {  	s3 =	sld [smem:$0x3FA5]  }
0x31: {  	[smem:$0x3FAE] =	sst s10  }
0x32: {  	s10 =	sld [smem:$0x3FAC];
	_ =	sdelay $0x3  }
0x33: {  	p0 =	seq.s32 s10, $0x1;
	s10 =	sld [smem:$0x3FAE];
	_ =	sdelay $0x3  }
0x34: {  	[smem:$0x3FAE] =	sst s10  }
0x35: {  	s10 =	sld [smem:$0x3FAD];
	_ =	sdelay $0x3  }
0x36: {  	p1 =	seq.s32 s10, $0x1;
	s10 =	sld [smem:$0x3FAE];
	_ =	sdelay $0x3  }
0x37: {  	[smem:$0x3FAE] =	sst s10  }
0x38: {  	s10 =	sld [smem:$0x3FAF]  }
0x39: {  	_ = 	snop;
	(pc) =	sbr.ind lr, $3  }
0x3a: {  	_ = 	snop  }
0x3b: {  	_ = 	snop  }
0x3c: {  	p2 =	seq.s32 s10, $0x1;
	s10 =	sld [smem:$0x3FAE]  }
0x3d: {  	_ =	shalt  }
0x3e: {  	_ =	shalt  }
0x3f: {  	_ =	shalt  }
0x40: {  	_ =	shalt  }
0x41: {  	_ =	shalt  }
0x42: {  	_ =	shalt  }
0x43: {  	_ =	shalt  }
0x44: {  	_ =	shalt  }
0x45: {  	_ =	shalt  }
0x46: {  	_ =	shalt  }
0x47: {  	_ =	shalt  }
0x48: {  	_ =	shalt  }
0x49: {  	_ =	shalt  }
0x4a: {  	_ =	shalt  }
0x4b: {  	_ =	shalt  }
0x4c: {  	_ =	shalt  }
0x4d: {  	_ =	shalt  }
0x4e: {  	_ =	shalt  }
0x4f: {  	_ =	shalt  }
0x50: {  	_ =	shalt  }
0x51: {  	_ =	shalt  }
0x52: {  	_ =	shalt  }
0x53: {  	_ =	shalt  }
0x54: {  	_ =	shalt  }
0x55: {  	_ =	shalt  }
0x56: {  	_ =	shalt  }
0x57: {  	_ =	shalt  }
0x58: {  	_ =	shalt  }
0x59: {  	_ =	shalt  }
0x5a: {  	_ =	shalt  }
0x5b: {  	_ =	shalt  }
0x5c: {  	_ =	shalt  }
0x5d: {  	_ =	shalt  }
0x5e: {  	_ =	shalt  }
0x5f: {  	_ =	shalt  }
0x60: {  	_ =	shalt  }
0x61: {  	_ =	shalt  }
0x62: {  	_ =	shalt  }
0x63: {  	_ =	shalt  }
0x64: {  	_ =	shalt  }
0x65: {  	_ =	shalt  }
0x66: {  	_ =	shalt  }
0x67: {  	_ =	shalt  }
0x68: {  	_ =	shalt  }
0x69: {  	_ =	shalt  }
0x6a: {  	_ =	shalt  }
0x6b: {  	_ =	shalt  }
0x6c: {  	_ =	shalt  }
0x6d: {  	_ =	shalt  }
0x6e: {  	_ =	shalt  }
0x6f: {  	_ =	shalt  }
0x70: {  	_ =	shalt  }
0x71: {  	_ =	shalt  }
0x72: {  	_ =	shalt  }
0x73: {  	_ =	shalt  }
0x74: {  	_ =	shalt  }
0x75: {  	_ =	shalt  }
0x76: {  	_ =	shalt  }
0x77: {  	_ =	shalt  }
0x78: {  	_ =	shalt  }
0x79: {  	_ =	shalt  }
0x7a: {  	_ =	shalt  }
0x7b: {  	_ =	shalt  }
0x7c: {  	_ =	shalt  }
0x7d: {  	_ =	shalt  }
0x7e: {  	_ =	shalt  }
0x7f: {  	_ =	shalt  }
0x80: {  	_ =	shalt  }
0x81: {  	_ =	shalt  }
0x82: {  	_ =	shalt  }
0x83: {  	_ =	shalt  }
0x84: {  	_ =	shalt  }
0x85: {  	_ =	shalt  }
0x86: {  	_ =	shalt  }
0x87: {  	_ =	shalt  }
.Lfunc_end0:
.L_simem_size_0:
called_computation.2_lowered:
.L_overlay_start_0:
0x88: {  	s2 =	sld [smem:$0x3FD9]  }
0x89: {  	s3 =	sld [smem:$0x3FFE];
	_ =	sdelay $0x1  }
0x8a: {  	s1 =	srdreg.scid  }
0x8b: {  	s0 =	sand.u32 $0x1, s1  }
0x8c: {  	s16 =	sshll.u32 s0, $0xA;
	s2 =	sadd.s32 s3, s2  }
0x8d: {  	s2 =	sadd.s32 s2, s16  }
0x8e: {  	[smem:$0x3FBA] =	sst s2  }
0x8f: {  	_ = 	snop  }
0x90: {  	(tm) =	ssettm $0x1  }
0x91: {  	s17 =	sld [smem:$0x3FFB];
	_ =	sdelay $0x3  }
0x92: {  	_ =	strace s17  }
0x93: {  	s2 =	sld [smem:$0x3FFC];
	_ =	sdelay $0x3  }
0x94: {  	_ =	strace s2  }
0x95: {  	s2 =	sld [smem:$0x3FFD];
	_ =	sdelay $0x3  }
0x96: {  	_ =	strace s2  }
0x97: {  	_ =	strace $0x8FFFFFFF  }
0x98: {  	s18 =	sld [smem:$0x3FDB];
	_ =	sdelay $0x1  }
0x99: {  	s19 =	simm.s32 $_scs_section_size  }
0x9a: {  	s4 =	simm.s32 $_size__tile_overlayer_lowered;
	s5 =	simm.s32 $_tile_overlayer_lowered  }
0x9b: {  	s22 =	simm.s32 $0x1BFF;
	s21 =	sshll.u32 s5, $0x1;
	s2 =	sadd.s32 s19, s18  }
0x9c: {  	s6 =	simm.s32 $0x0;
	s20 =	sshll.u32 s4, $0x1;
	s4 =	sadd.s32 s21, s2  }
0x9d: {  	[timem:s6], [sflag:s22] =	dma.local [hbm:s4], s20  }
0x9e: {  	_ =	swait.ge [sflag:s22], s20  }
0x9f: {  	s3 =	ssub.s32 $0x0, s20;
	[sflag:s22] =	ssyncset.done $0x0  }
0xa0: {  	[sflag:s22] =	ssyncadd.s32 s3;
	_ =	sdelay $0x1  }
0xa1: {  	s23 =	simm.s32 $0x1B8B  }
0xa2: {  	_ =	swait.ge [sflag:s23], $0x1  }
0xa3: {  	[sflag:s23] =	ssyncset.done $0x0  }
0xa4: {  	s25 =	simm.s32 $0x1B8E;
	s24 =	sld [smem:$0x3FFE];
	[sflag:s23] =	ssyncadd.s32 $0xFFFFFFFF  }
0xa5: {  	s26 =	simm.s32 $execute0_lowered;
	[smem:$0x3FD2] =	sst s25  }
0xa6: {  	s4 =	sshll.u32 s26, $0x1;
	_ =	strace $0x8000004C;
	[dreg:$0x1] =	wrdreg $0xFFFFFFFF  }
0xa7: {  	s28 =	simm.s32 $_size_execute0_lowered;
	s2 =	sadd.s32 s2, s4;
	[dreg:$0x0] =	wrdreg $0x0  }
0xa8: {  	s4 =	sshll.u32 s28, $0x1;
	[dreg:$0x2] =	wrdreg s2  }
0xa9: {  	[dreg:$0x3] =	wrdreg s4  }
0xaa: {  	[dreg:$0x4] =	wrdreg $0xC0  }
0xab: {  	_ =	task [dreg:s6], $0x5FFFF  }
0xac: {  	[dreg:$0x1] =	wrdreg $0xFFFFFFFF  }
0xad: {  	[dreg:$0x0] =	wrdreg $0x60  }
0xae: {  	[dreg:$0x2] =	wrdreg s24  }
0xaf: {  	[dreg:$0x3] =	wrdreg $0xAA000  }
0xb0: {  	[dreg:$0x4] =	wrdreg $0x9  }
0xb1: {  	_ =	task.clear_ibuf [dreg:s6], $0x5FFFF;
	_ =	strace $0x9000004C  }
0xb2: {  	s29 =	simm.s32 $0x9;
	_ =	strace $0x8000004E  }
0xb3: {  	_ =	swait.ge [sflag:s29], $0x1  }
0xb4: {  	[sflag:s29] =	ssyncadd.s32 $0xFFFFFFFF  }
0xb5: {  	_ =	strace $0x9000004E  }
0xb6: {  	_ =	sfence  }
0xb7: {  	s30 =	sld [smem:$0x0];
	_ =	sdelay $0x2  }
0xb8: {  	s31 =	sshll.u32 s1, $0xD;
	s1 =	sshrl.u32 s1, $0x2  }
0xb9: {  	s3 =	sand.u32 $0x4000, s31;
	s1 =	sadd.s32 s1, s30  }
0xba: {  	s0 =	sor.u32 s3, s0;
	s1 =	sshll.u32 s1, $0x11  }
0xbb: {  	s0 =	sor.u32 s1, s0  }
0xbc: {  	s0 =	sadd.s32 $0x8F2B, s0  }
0xbd: {  	[sflag:s0] =	ssyncadd.remote.s32 $0x1  }
0xbe: {  	_ =	sfence.sel $0xFFFF  }
0xbf: {  	[dreg:$0x0] =	wrdreg $0xFFFFFFFF;
	(pc) =	sbr.abs _section_cstart, $3  }
0xc0: {  	[dreg:$0x1] =	wrdreg $0xFFFFFFFF  }
0xc1: {  	_ =	task.clear_ibuf [dreg:s6], $0x2FFFF;
	_ =	strace $0x9FFFFFFF  }
0xc2: {  	(tm) =	ssettm $0x7FFFFFFF  }
0xc3: {  	_ =	shalt  }
tec
execute0_lowered:
.L_overlay_start_1:
0x0: {  	(tag) =	ssettag $0x1  }
0x1: {  	s0 =	rddreg [dreg:$0x0]  }
0x2: {  	s1 =	srdreg.scid;
	s13 =	stileid.u32  }
0x3: {  	s2 =	rddreg [dreg:$0x1];
	s3 =	simm.s32 $0x0;
	s15 =	simm.s32 $0x7  }
0x4: {  	s16 =	simm.s32 $0x80;
	s17 =	simm.s32 $0x2A00;
	s18 =	simm.s32 $0x6A00  }
0x5: {  	s28 =	simm.s32 $0x2;
	s29 =	simm.s32 $0x4;
	s30 =	simm.s32 $0x5  }
0x6: {  	s31 =	simm.s32 $0x6;
	s1 =	sand.u32 $0x1, s1;
	s4 =	sshll.u32 s13, $0x1  }
0x7: {  	[smem:$0x7FF] =	sst s3;
	s7 =	smul.u32 $0x14000, s13;
	s5 =	sadd.s32 $0x40E00, s0  }
0x8: {  	s6 =	sadd.s32 $0xE800, s0;
	s12 =	smul.u32 $0x50000, s13;
	s26 =	sshll.u32 s13, $0x6  }
0x9: {  	s4 =	sor.u32 s1, s4;
	_ =	strace $0x8000004D;
	s9 =	smul.u32 $0x140000, s1  }
0xa: {  	s1 =	ssub.s32 $0x2, s1;
	s4 =	smul.u32 $0x2800, s4;
	s11 =	sshrl.u32 s7, $0x3  }
0xb: {  	s19 =	sshrl.u32 s1, $0x1;
	s22 =	sshrl.u32 s12, $0x2;
	s11 =	sadd.s32 s11, s0  }
0xc: {  	s7 =	sadd.s32 s7, s9;
	s1 =	ssub.s32 s1, s19;
	s19 =	simm.s32 $0x2800  }
0xd: {  	s8 =	sshrl.u32 s4, $0x3;
	s7 =	sshrl.u32 s7, $0x3;
	s25 =	sadd.s32 $0x18800, s11  }
0xe: {  	s14 =	smax.u32 s1, $0x1;
	s10 =	sadd.s32 s8, s0;
	s0 =	sadd.s32 s7, s0  }
0xf: {  	s7 =	sadd.s32 s6, s8;
	[dreg:$0x7] =	wrdreg s25;
	s20 =	sadd.s32 $0x4800, s10  }
0x10: {  	s1 =	simm.s32 $0x0;
	s21 =	sadd.s32 $0x10, s7;
	[dreg:$0x3] =	wrdreg s20  }
0x11: {  	s8 =	sadd.s32 s22, s2;
	s23 =	sadd.s32 $0x20, s7;
	[dreg:$0x4] =	wrdreg s21  }
0x12: {  	s22 =	simm.s32 $0x2980;
	s24 =	sadd.s32 $0x30, s7;
	[dreg:$0x5] =	wrdreg s23  }
0x13: {  	s25 =	simm.s32 $0x1;
	s0 =	sadd.s32 $0xDFC00, s0;
	[dreg:$0x6] =	wrdreg s24  }
0x14: {  	[dreg:$0x8] =	wrdreg s0;
	s20 =	simm.s32 $0x2880;
	s21 =	simm.s32 $0x2900  }
0x15: {  	s23 =	sor.u32 $0x1C07, s26;
	s24 =	sshrl.u32 s8, $0x3;
	s26 =	simm.s32 $0x3  }
.LBB2_1:
0x16: {  	s0 =	rddreg [dreg:$0x3]  }
0x17: {  	[tilespmem:s3], [sflag:$0x7] =	stream.linear.gather [hbm4b:s0+s3], $0x2800, $0x38;
	[tilespmem:$0x1EA00] =	vst v63  }
0x18: {  	_ =	swait.ge [sflag:s15], $0x2800  }
0x19: {  	[sflag:s15] =	ssyncset.done $0x0  }
0x1a: {  	[sflag:s15] =	ssyncadd.s32 $0xFFFFD800  }
0x1b: {  	[tilespmem:s17], [sflag:$0x1] =	stream.indirect.gather [hbm4b:s5+s16], $0x80, s3, s16, $0xb8;
	[tilespmem:$0x1EA00] =	vst v63  }
0x1c: {  	_ = 	snop  }
0x1d: {  	[tilespmem:s18], [sflag:$0x2] =	stream.indirect.gather [hbm4b:s5+s16], $0x80, s16, s16, $0xb8;
	[tilespmem:$0x1EA00] =	vst v63  }
0x1e: {  	s12 =	rddreg [dreg:$0x4]  }
0x1f: {  	[tilespmem:s19], [sflag:$0x3] =	stream.linear.gather [hbm4b:s7+s3], $0x80, $0x38;
	[tilespmem:$0x1EA00] =	vst v63  }
0x20: {  	s13 =	rddreg [dreg:$0x5]  }
0x21: {  	[tilespmem:s20], [sflag:$0x4] =	stream.linear.gather [hbm4b:s12+s3], $0x80, $0x38;
	[tilespmem:$0x1EA00] =	vst v63  }
0x22: {  	s8 =	rddreg [dreg:$0x6]  }
0x23: {  	[tilespmem:s21], [sflag:$0x5] =	stream.linear.gather [hbm4b:s13+s3], $0x80, $0x38;
	[tilespmem:$0x1EA00] =	vst v63  }
0x24: {  	s9 =	rddreg [dreg:$0x7]  }
0x25: {  	[tilespmem:s22], [sflag:$0x6] =	stream.linear.gather [hbm4b:s8+s3], $0x80, $0x38;
	[tilespmem:$0x1EA00] =	vst v63  }
0x26: {  	[spmem:s24], [sflag:s23] =	dma.local [hbm:s9], $0x2800  }
0x27: {  	_ =	swait.ge [sflag:s15], $0x2800  }
0x28: {  	[sflag:s15] =	ssyncset.done $0x0  }
0x29: {  	[sflag:s15] =	ssyncadd.s32 $0xFFFFD800  }
0x2a: {  	[bflag:$0x0] =	sbarrier.arrive $0xFFFF  }
0x2b: {  	_ =	swait.ge [sflag:s25], $0x4000  }
0x2c: {  	[sflag:s25] =	ssyncset.done $0x0  }
0x2d: {  	s10 =	smin.u32 s3, $0x4B;
	[sflag:s25] =	ssyncadd.s32 $0xFFFFC000  }
0x2e: {  	s0 =	sshll.u32 s10, $0x7;
	_ =	swait.ge [sflag:s26], $0x80  }
0x2f: {  	s9 =	sadd.s32 $0x200, s0;
	[sflag:s26] =	ssyncset.done $0x0  }
0x30: {  	s0 =	sand.u32 $0x7C00, s9;
	[sflag:s26] =	ssyncadd.s32 $0xFFFFFF80  }
0x31: {  	[spmem:s2] =	stream.indirect.scatter.add.f32 [tilespmem:s17], [sflag:$0x7], $0x80, s19, s16, $0xb8;
	[tilespmem:$0x1EA00] =	vst v63  }
0x32: {  	s8 =	sand.u32 $0x380, s9;
	s0 =	sadd.s32 s4, s0;
	_ =	swait.ge [sflag:s15], $0x4000  }
0x33: {  	s0 =	sor.u32 s8, s0;
	[sflag:s15] =	ssyncset.done $0x0  }
0x34: {  	s11 =	simm.s32 $0x100;
	s0 =	sshrl.u32 s0, $0x3;
	[sflag:s15] =	ssyncadd.s32 $0xFFFFC000  }
0x35: {  	[tilespmem:s17], [sflag:$0x1] =	stream.indirect.gather [hbm4b:s5+s16], $0x80, s11, s16, $0xb8;
	[tilespmem:$0x1EA00] =	vst v63  }
0x36: {  	s0 =	sadd.s32 s6, s0  }
0x37: {  	[tilespmem:s19], [sflag:$0x3] =	stream.linear.gather [hbm4b:s0+s3], $0x80, $0x38;
	[tilespmem:$0x1EA00] =	vst v63  }
0x38: {  	_ =	swait.ge [sflag:s28], $0x4000  }
0x39: {  	[sflag:s28] =	ssyncset.done $0x0  }
0x3a: {  	s12 =	smin.u32 s3, $0x4A;
	[sflag:s28] =	ssyncadd.s32 $0xFFFFC000  }
0x3b: {  	s0 =	sshll.u32 s12, $0x7;
	_ =	swait.ge [sflag:s29], $0x80  }
0x3c: {  	s8 =	sadd.s32 $0x280, s0;
	[sflag:s29] =	ssyncset.done $0x0  }
0x3d: {  	s0 =	sand.u32 $0x7C00, s8;
	[sflag:s29] =	ssyncadd.s32 $0xFFFFFF80  }
0x3e: {  	[spmem:s2] =	stream.indirect.scatter.add.f32 [tilespmem:s18], [sflag:$0x7], $0x80, s20, s16, $0xb8;
	[tilespmem:$0x1EA00] =	vst v63  }
0x3f: {  	s10 =	sand.u32 $0x380, s8;
	s0 =	sadd.s32 s4, s0;
	_ =	swait.ge [sflag:s15], $0x4000  }
0x40: {  	s10 =	sor.u32 s10, s0;
	[sflag:s15] =	ssyncset.done $0x0  }
0x41: {  	s0 =	simm.s32 $0x180;
	s10 =	sshrl.u32 s10, $0x3;
	[sflag:s15] =	ssyncadd.s32 $0xFFFFC000  }
0x42: {  	[tilespmem:s18], [sflag:$0x2] =	stream.indirect.gather [hbm4b:s5+s16], $0x80, s0, s16, $0xb8;
	[tilespmem:$0x1EA00] =	vst v63  }
0x43: {  	s10 =	sadd.s32 s6, s10  }
0x44: {  	[tilespmem:s20], [sflag:$0x4] =	stream.linear.gather [hbm4b:s10+s3], $0x80, $0x38;
	[tilespmem:$0x1EA00] =	vst v63  }
0x45: {  	_ =	swait.ge [sflag:s25], $0x4000  }
0x46: {  	[sflag:s25] =	ssyncset.done $0x0  }
0x47: {  	s13 =	smin.u32 s3, $0x49;
	[sflag:s25] =	ssyncadd.s32 $0xFFFFC000  }
0x48: {  	s10 =	sshll.u32 s13, $0x7;
	_ =	swait.ge [sflag:s30], $0x80  }
0x49: {  	s10 =	sadd.s32 $0x300, s10;
	[sflag:s30] =	ssyncset.done $0x0  }
0x4a: {  	s11 =	sand.u32 $0x7C00, s10;
	[sflag:s30] =	ssyncadd.s32 $0xFFFFFF80  }
0x4b: {  	[spmem:s2] =	stream.indirect.scatter.add.f32 [tilespmem:s17], [sflag:$0x7], $0x80, s21, s16, $0xb8;
	[tilespmem:$0x1EA00] =	vst v63  }
0x4c: {  	s10 =	sand.u32 $0x380, s10;
	s11 =	sadd.s32 s4, s11;
	_ =	swait.ge [sflag:s15], $0x4000  }
0x4d: {  	s10 =	sor.u32 s10, s11;
	[sflag:s15] =	ssyncset.done $0x0  }
0x4e: {  	s10 =	sshrl.u32 s10, $0x3;
	[sflag:s15] =	ssyncadd.s32 $0xFFFFC000  }
0x4f: {  	[tilespmem:s17], [sflag:$0x1] =	stream.indirect.gather [hbm4b:s5+s16], $0x80, s9, s16, $0xb8;
	[tilespmem:$0x1EA00] =	vst v63  }
0x50: {  	s11 =	sadd.s32 s6, s10  }
0x51: {  	[tilespmem:s21], [sflag:$0x5] =	stream.linear.gather [hbm4b:s11+s3], $0x80, $0x38;
	[tilespmem:$0x1EA00] =	vst v63  }
0x52: {  	_ =	swait.ge [sflag:s28], $0x4000  }
0x53: {  	s12 =	smin.u32 s3, $0x48;
	[sflag:s28] =	ssyncset.done $0x0  }
0x54: {  	s9 =	sshll.u32 s12, $0x7;
	[sflag:s28] =	ssyncadd.s32 $0xFFFFC000  }
0x55: {  	s13 =	sadd.s32 $0x380, s9;
	_ =	swait.ge [sflag:s31], $0x80  }
0x56: {  	s9 =	simm.s32 $0x4;
	s12 =	sand.u32 $0x7C00, s13;
	[sflag:s31] =	ssyncset.done $0x0  }
0x57: {  	s11 =	sand.u32 $0x380, s13;
	s12 =	sadd.s32 s4, s12;
	[sflag:s31] =	ssyncadd.s32 $0xFFFFFF80  }
0x58: {  	[spmem:s2] =	stream.indirect.scatter.add.f32 [tilespmem:s18], [sflag:$0x7], $0x80, s22, s16, $0xb8;
	[tilespmem:$0x1EA00] =	vst v63  }
.LBB2_2:
0x59: {  	p0 =	sne.s32 s9, $0x4C  }
0x5a: {  	_ =	swait.ge [sflag:s15], $0x4000;
	s0 =	sadd.s32 $0x200, s0;
	s10 =	smov.u32 s9  }
0x5b: {  	s9 =	sadd.s32 $0x4, s9;
	s11 =	sor.u32 s11, s12;
	[sflag:s15] =	ssyncset.done $0x0  }
0x5c: {  	s11 =	sshrl.u32 s11, $0x3;
	[sflag:s15] =	ssyncadd.s32 $0xFFFFC000  }
0x5d: {  	[tilespmem:s18], [sflag:$0x2] =	stream.indirect.gather [hbm4b:s5+s16], $0x80, s8, s16, $0xb8;
	[tilespmem:$0x1EA00] =	vst v63  }
0x5e: {  	s11 =	sadd.s32 s6, s11;
	s8 =	smin.u32 s10, $0x4B  }
0x5f: {  	[tilespmem:s22], [sflag:$0x6] =	stream.linear.gather [hbm4b:s11+s3], $0x80, $0x38;
	[tilespmem:$0x1EA00] =	vst v63  }
0x60: {  	s8 =	sshll.u32 s8, $0x7;
	_ =	swait.ge [sflag:s25], $0x4000  }
0x61: {  	s11 =	sadd.s32 $0x200, s8;
	[sflag:s25] =	ssyncset.done $0x0  }
0x62: {  	s8 =	sand.u32 $0x7C00, s11;
	[sflag:s25] =	ssyncadd.s32 $0xFFFFC000  }
0x63: {  	s12 =	sand.u32 $0x380, s11;
	s8 =	sadd.s32 s4, s8;
	_ =	swait.ge [sflag:s26], $0x80  }
0x64: {  	s8 =	sor.u32 s12, s8;
	[sflag:s26] =	ssyncset.done $0x0  }
0x65: {  	s8 =	sshrl.u32 s8, $0x3;
	[sflag:s26] =	ssyncadd.s32 $0xFFFFFF80  }
0x66: {  	[spmem:s2] =	stream.indirect.scatter.add.f32 [tilespmem:s17], [sflag:$0x7], $0x80, s19, s16, $0xb8;
	[tilespmem:$0x1EA00] =	vst v63  }
0x67: {  	_ =	swait.ge [sflag:s15], $0x4000  }
0x68: {  	s12 =	sadd.s32 $0xFFFFFF80, s0;
	[sflag:s15] =	ssyncset.done $0x0  }
0x69: {  	[sflag:s15] =	ssyncadd.s32 $0xFFFFC000  }
0x6a: {  	[tilespmem:s17], [sflag:$0x1] =	stream.indirect.gather [hbm4b:s5+s16], $0x80, s12, s16, $0xb8;
	[tilespmem:$0x1EA00] =	vst v63  }
0x6b: {  	s8 =	sadd.s32 s6, s8;
	s12 =	smin.u32 s10, $0x4A  }
0x6c: {  	[tilespmem:s19], [sflag:$0x3] =	stream.linear.gather [hbm4b:s8+s3], $0x80, $0x38;
	[tilespmem:$0x1EA00] =	vst v63  }
0x6d: {  	s8 =	sshll.u32 s12, $0x7;
	_ =	swait.ge [sflag:s28], $0x4000  }
0x6e: {  	s8 =	sadd.s32 $0x280, s8;
	[sflag:s28] =	ssyncset.done $0x0  }
0x6f: {  	s12 =	sand.u32 $0x7C00, s8;
	s13 =	sand.u32 $0x380, s8;
	[sflag:s28] =	ssyncadd.s32 $0xFFFFC000  }
0x70: {  	s12 =	sadd.s32 s4, s12;
	_ =	swait.ge [sflag:s29], $0x80  }
0x71: {  	s12 =	sor.u32 s13, s12;
	[sflag:s29] =	ssyncset.done $0x0  }
0x72: {  	s12 =	sshrl.u32 s12, $0x3;
	[sflag:s29] =	ssyncadd.s32 $0xFFFFFF80  }
0x73: {  	[spmem:s2] =	stream.indirect.scatter.add.f32 [tilespmem:s18], [sflag:$0x7], $0x80, s20, s16, $0xb8;
	[tilespmem:$0x1EA00] =	vst v63  }
0x74: {  	_ =	swait.ge [sflag:s15], $0x4000  }
0x75: {  	[sflag:s15] =	ssyncset.done $0x0  }
0x76: {  	[sflag:s15] =	ssyncadd.s32 $0xFFFFC000  }
0x77: {  	[tilespmem:s18], [sflag:$0x2] =	stream.indirect.gather [hbm4b:s5+s16], $0x80, s0, s16, $0xb8;
	[tilespmem:$0x1EA00] =	vst v63  }
0x78: {  	s12 =	sadd.s32 s6, s12  }
0x79: {  	[tilespmem:s20], [sflag:$0x4] =	stream.linear.gather [hbm4b:s12+s3], $0x80, $0x38;
	[tilespmem:$0x1EA00] =	vst v63  }
0x7a: {  	_ =	swait.ge [sflag:s25], $0x4000  }
0x7b: {  	s12 =	smin.u32 s10, $0x49;
	[sflag:s25] =	ssyncset.done $0x0  }
0x7c: {  	s12 =	sshll.u32 s12, $0x7;
	[sflag:s25] =	ssyncadd.s32 $0xFFFFC000  }
0x7d: {  	s12 =	sadd.s32 $0x300, s12;
	_ =	swait.ge [sflag:s30], $0x80  }
0x7e: {  	s13 =	sand.u32 $0x7C00, s12;
	[sflag:s30] =	ssyncset.done $0x0  }
0x7f: {  	s12 =	sand.u32 $0x380, s12;
	s13 =	sadd.s32 s4, s13;
	[sflag:s30] =	ssyncadd.s32 $0xFFFFFF80  }
0x80: {  	[spmem:s2] =	stream.indirect.scatter.add.f32 [tilespmem:s17], [sflag:$0x7], $0x80, s21, s16, $0xb8;
	[tilespmem:$0x1EA00] =	vst v63  }
0x81: {  	s12 =	sor.u32 s12, s13;
	_ =	swait.ge [sflag:s15], $0x4000  }
0x82: {  	s12 =	sshrl.u32 s12, $0x3;
	[sflag:s15] =	ssyncset.done $0x0  }
0x83: {  	[sflag:s15] =	ssyncadd.s32 $0xFFFFC000  }
0x84: {  	[tilespmem:s17], [sflag:$0x1] =	stream.indirect.gather [hbm4b:s5+s16], $0x80, s11, s16, $0xb8;
	[tilespmem:$0x1EA00] =	vst v63  }
0x85: {  	s11 =	sadd.s32 s6, s12  }
0x86: {  	[tilespmem:s21], [sflag:$0x5] =	stream.linear.gather [hbm4b:s11+s3], $0x80, $0x38;
	[tilespmem:$0x1EA00] =	vst v63  }
0x87: {  	_ =	swait.ge [sflag:s28], $0x4000  }
0x88: {  	s10 =	smin.u32 s10, $0x48;
	[sflag:s28] =	ssyncset.done $0x0  }
.Ltmp0:
0x89: {  	s10 =	sshll.u32 s10, $0x7;
	[sflag:s28] =	ssyncadd.s32 $0xFFFFC000;
	(pc) =	sbr.rel @p0 .LBB2_2-.Ltmp0, $4  }
0x8a: {  	s10 =	sadd.s32 $0x380, s10;
	_ =	swait.ge [sflag:s31], $0x80  }
0x8b: {  	s12 =	sand.u32 $0x7C00, s10;
	s11 =	sand.u32 $0x380, s10;
	[sflag:s31] =	ssyncset.done $0x0  }
0x8c: {  	s12 =	sadd.s32 s4, s12;
	[sflag:s31] =	ssyncadd.s32 $0xFFFFFF80  }
0x8d: {  	[spmem:s2] =	stream.indirect.scatter.add.f32 [tilespmem:s18], [sflag:$0x7], $0x80, s22, s16, $0xb8;
	[tilespmem:$0x1EA00] =	vst v63  }
0x8e: {  	_ =	swait.ge [sflag:s15], $0x4000  }
0x8f: {  	s0 =	sor.u32 s11, s12;
	[sflag:s15] =	ssyncset.done $0x0  }
0x90: {  	s0 =	sshrl.u32 s0, $0x3;
	[sflag:s15] =	ssyncadd.s32 $0xFFFFC000  }
0x91: {  	[tilespmem:s18], [sflag:$0x2] =	stream.indirect.gather [hbm4b:s5+s16], $0x80, s8, s16, $0xb8;
	[tilespmem:$0x1EA00] =	vst v63  }
0x92: {  	s0 =	sadd.s32 s6, s0  }
0x93: {  	[tilespmem:s22], [sflag:$0x6] =	stream.linear.gather [hbm4b:s0+s3], $0x80, $0x38;
	[tilespmem:$0x1EA00] =	vst v63  }
0x94: {  	_ =	swait.ge [sflag:s25], $0x4000  }
0x95: {  	[sflag:s25] =	ssyncset.done $0x0  }
0x96: {  	[sflag:s25] =	ssyncadd.s32 $0xFFFFC000  }
0x97: {  	_ =	swait.ge [sflag:s28], $0x4000  }
0x98: {  	[sflag:s28] =	ssyncset.done $0x0  }
0x99: {  	[sflag:s28] =	ssyncadd.s32 $0xFFFFC000  }
0x9a: {  	_ =	swait.ge [sflag:s26], $0x80  }
0x9b: {  	[sflag:s26] =	ssyncset.done $0x0  }
0x9c: {  	[sflag:s26] =	ssyncadd.s32 $0xFFFFFF80  }
0x9d: {  	_ =	swait.ge [sflag:s29], $0x80  }
0x9e: {  	[sflag:s29] =	ssyncset.done $0x0  }
0x9f: {  	[sflag:s29] =	ssyncadd.s32 $0xFFFFFF80  }
0xa0: {  	_ =	swait.ge [sflag:s30], $0x80  }
0xa1: {  	[sflag:s30] =	ssyncset.done $0x0  }
0xa2: {  	[sflag:s30] =	ssyncadd.s32 $0xFFFFFF80  }
0xa3: {  	_ =	swait.ge [sflag:s31], $0x80  }
0xa4: {  	[sflag:s31] =	ssyncset.done $0x0  }
0xa5: {  	s1 =	sadd.s32 $0x1, s1;
	[sflag:s31] =	ssyncadd.s32 $0xFFFFFF80  }
0xa6: {  	p0 =	sne.s32 s1, s14;
	[bflag:$0x0] =	sbarrier.arrive $0xFFFF  }
.Ltmp1:
0xa7: {  	s13 =	rddreg [dreg:$0x8];
	(pc) =	sbr.rel @p0 .LBB2_1-.Ltmp1, $4  }
0xa8: {  	[hbm:s13], [sflag:s23] =	dma.local [spmem:s24], $0x2800  }
0xa9: {  	_ =	swait.ge [sflag:s15], $0x2800  }
0xaa: {  	[sflag:s15] =	ssyncset.done $0x0  }
0xab: {  	[sflag:s15] =	ssyncadd.s32 $0xFFFFD800  }
0xac: {  	_ =	sfence.sel $0x180000  }
0xad: {  	[bflag:$0x0] =	sbarrier.arrive $0xFFFF  }
0xae: {  	_ =	strace $0x9000004D  }
0xaf: {  	s0 =	stileid.u32;
	[bflag:$0x2] =	sbarrier.arrive $0xFFFF  }
0xb0: {  	p0 =	sne.s32 s0, $0x0;
	s0 =	rddreg [dreg:$0x2]  }
0xb1: {  	s0 =	sadd.s32 @!p0 $0x100000, s0  }
0xb2: {  	[sflag:s0] =	ssyncadd.tile.s32 @!p0 $0x1;
	_ =	shalt  }
.Lfunc_end2:
_tile_overlayer_lowered:
.L_overlay_start_2:
0xb3: {  	(tag) =	ssettag $0x2  }
0xb4: {  	s0 =	rddreg [dreg:$0x0];
	s2 =	stileid.u32  }
0xb5: {  	s1 =	rddreg [dreg:$0x1];
	p0 =	sne.s32 s2, $0x0  }
0xb6: {  	s3 =	rddreg [dreg:$0x2];
	[bflag:$0x3] =	sbarrier.arrive $0xFFFF;
	s2 =	simm.s32 @!p0 $0x1C07  }
0xb7: {  	[timem:s3], [sflag:s2] =	dma.local @!p0 [hbm:s0], s1  }
0xb8: {  	s0 =	simm.s32 @!p0 $0x7  }
0xb9: {  	_ =	swait.ge @!p0 [sflag:s0], s1  }
0xba: {  	s1 =	ssub.s32 @!p0 $0x0, s1;
	[sflag:s0] =	ssyncset.done @!p0 $0x0  }
0xbb: {  	[sflag:s0] =	ssyncadd.s32 @!p0 s1  }
0xbc: {  	[bflag:$0x3] =	sbarrier.arrive $0xFFFF  }
0xbd: {  	_ =	shalt  }

// kernel: kernel.19.cloned.1.call-start
scs
__scs_entry_jumppad:
0x0: {  	(pc) =	sbr.rel $0x88, $3  }
0x1: {  	(tag) =	ssettag $0x0;
	lr =	simm.s32 $0x1  }
0x2: {  	[smem:$0x3F93] =	sst lr;
	_ =	strace $0xD0000000  }
0x3: {  	_ = 	snop  }
0x4: {  	_ = 	snop  }
0x5: {  	_ = 	snop  }
0x6: {  	_ = 	snop  }
0x7: {  	_ = 	snop  }
__scs_overlays_trampoline_lowered:
0x8: {  	[smem:$0x3FA2] =	sst s0  }
0x9: {  	[smem:$0x3FA3] =	sst s1  }
0xa: {  	[smem:$0x3FA4] =	sst s2  }
0xb: {  	[smem:$0x3FA5] =	sst s3  }
0xc: {  	[smem:$0x3FA6] =	sst s4  }
0xd: {  	[smem:$0x3FA7] =	sst s5  }
0xe: {  	[smem:$0x3FA8] =	sst s6  }
0xf: {  	[smem:$0x3FA9] =	sst s7  }
0x10: {  	[smem:$0x3FAA] =	sst s8  }
0x11: {  	[smem:$0x3FAB] =	sst s9;
	s0 =	simm.s32 @!p0 $0x0  }
0x12: {  	s1 =	sld [smem:$0x3F91];
	s0 =	simm.s32 @p0 $0x1  }
0x13: {  	[smem:$0x3FAC] =	sst s0;
	s0 =	simm.s32 @!p1 $0x0  }
0x14: {  	s2 =	sld [smem:$0x3F90];
	s0 =	simm.s32 @p1 $0x1  }
0x15: {  	[smem:$0x3FAD] =	sst s0;
	s0 =	simm.s32 @!p2 $0x0  }
0x16: {  	s3 =	sld [smem:$0x3FDB];
	s0 =	simm.s32 @p2 $0x1  }
0x17: {  	s4 =	simm.s32 $0x1BF5;
	[smem:$0x3FAF] =	sst s0  }
0x18: {  	s0 =	sld [smem:$0x3F92];
	_ =	swait.ge [sflag:s4], $0x0  }
0x19: {  	s7 =	sld [smem:$0x3F93]  }
0x1a: {  	s8 =	sadd.s32 $0xFFFFE003, lr  }
0x1b: {  	s9 =	sadd.s32 $0xFFFFFEF7, lr;
	s5 =	simm.s32 $0xFFFFFFFF;
	p2 =	slt.u32 s8, $0xFFFFF086  }
0x1c: {  	p1 =	slt.u32 s9, $0xF7A;
	s5 =	simm.s32 @!p2 $0x0  }
0x1d: {  	s5 =	simm.s32 @p1 $0x1;
	p0 =	seq.s32 s7, s2  }
0x1e: {  	s7 =	smul.u32 @!p0 $0xF7A, s2;
	p2 =	seq.s32 @!p0 s5, $0x0  }
0x1f: {  	s9 =	smul.u32 $0xF7A, s1;
	s8 =	simm.s32 @!p0 $0x1BF5;
	p2 =	por !p2, p0  }
0x20: {  	[sflag:s8] =	ssyncset.s32 @!p0 $0xFFFFF086;
	s6 =	sadd.s32 @!p0 s3, s7;
	s7 =	simm.s32 @!p0 $0x108  }
0x21: {  	s3 =	sadd.s32 s3, s9;
	s6 =	sadd.s32 @!p0 $0x88, s6;
	s7 =	simm.s32 @p2 $0x1082  }
0x22: {  	[simem:s7], [sflag:s8] =	dma.local @!p0 [hbm:s6], $0xF7A  }
0x23: {  	s9 =	sor.u32 $0xD0000000, s2;
	s6 =	simm.s32 $0x108;
	_ =	swait.ge @!p0 [sflag:s8], $0x0  }
0x24: {  	s3 =	sadd.s32 $0x88, s3;
	s6 =	simm.s32 @!p1 $0x1082;
	[sflag:s4] =	ssyncset.s32 $0xFFFFF086  }
0x25: {  	[simem:s6], [sflag:s4] =	dma.local [hbm:s3], $0xF7A  }
0x26: {  	[smem:$0x3F93] =	sst s1;
	(tag) =	ssettag s2;
	_ =	strace s9  }
0x27: {  	s1 =	sld [smem:$0x3FA3]  }
0x28: {  	s2 =	sld [smem:$0x3FA4]  }
0x29: {  	s4 =	sld [smem:$0x3FA6]  }
0x2a: {  	p0 =	seq.s32 s5, $0x0;
	s5 =	sld [smem:$0x3FA7]  }
0x2b: {  	s6 =	sld [smem:$0x3FA8]  }
0x2c: {  	s7 =	sld [smem:$0x3FA9]  }
0x2d: {  	s3 =	simm.s32 $0x108;
	s8 =	sld [smem:$0x3FAA]  }
0x2e: {  	s3 =	simm.s32 @!p0 $0x1082;
	s9 =	sld [smem:$0x3FAB]  }
0x2f: {  	lr =	sadd.s32 s0, s3;
	s0 =	sld [smem:$0x3FA2]  }
0x30: {  	s3 =	sld [smem:$0x3FA5]  }
0x31: {  	[smem:$0x3FAE] =	sst s10  }
0x32: {  	s10 =	sld [smem:$0x3FAC];
	_ =	sdelay $0x3  }
0x33: {  	p0 =	seq.s32 s10, $0x1;
	s10 =	sld [smem:$0x3FAE];
	_ =	sdelay $0x3  }
0x34: {  	[smem:$0x3FAE] =	sst s10  }
0x35: {  	s10 =	sld [smem:$0x3FAD];
	_ =	sdelay $0x3  }
0x36: {  	p1 =	seq.s32 s10, $0x1;
	s10 =	sld [smem:$0x3FAE];
	_ =	sdelay $0x3  }
0x37: {  	[smem:$0x3FAE] =	sst s10  }
0x38: {  	s10 =	sld [smem:$0x3FAF]  }
0x39: {  	_ = 	snop;
	(pc) =	sbr.ind lr, $3  }
0x3a: {  	_ = 	snop  }
0x3b: {  	_ = 	snop  }
0x3c: {  	p2 =	seq.s32 s10, $0x1;
	s10 =	sld [smem:$0x3FAE]  }
0x3d: {  	_ =	shalt  }
0x3e: {  	_ =	shalt  }
0x3f: {  	_ =	shalt  }
0x40: {  	_ =	shalt  }
0x41: {  	_ =	shalt  }
0x42: {  	_ =	shalt  }
0x43: {  	_ =	shalt  }
0x44: {  	_ =	shalt  }
0x45: {  	_ =	shalt  }
0x46: {  	_ =	shalt  }
0x47: {  	_ =	shalt  }
0x48: {  	_ =	shalt  }
0x49: {  	_ =	shalt  }
0x4a: {  	_ =	shalt  }
0x4b: {  	_ =	shalt  }
0x4c: {  	_ =	shalt  }
0x4d: {  	_ =	shalt  }
0x4e: {  	_ =	shalt  }
0x4f: {  	_ =	shalt  }
0x50: {  	_ =	shalt  }
0x51: {  	_ =	shalt  }
0x52: {  	_ =	shalt  }
0x53: {  	_ =	shalt  }
0x54: {  	_ =	shalt  }
0x55: {  	_ =	shalt  }
0x56: {  	_ =	shalt  }
0x57: {  	_ =	shalt  }
0x58: {  	_ =	shalt  }
0x59: {  	_ =	shalt  }
0x5a: {  	_ =	shalt  }
0x5b: {  	_ =	shalt  }
0x5c: {  	_ =	shalt  }
0x5d: {  	_ =	shalt  }
0x5e: {  	_ =	shalt  }
0x5f: {  	_ =	shalt  }
0x60: {  	_ =	shalt  }
0x61: {  	_ =	shalt  }
0x62: {  	_ =	shalt  }
0x63: {  	_ =	shalt  }
0x64: {  	_ =	shalt  }
0x65: {  	_ =	shalt  }
0x66: {  	_ =	shalt  }
0x67: {  	_ =	shalt  }
0x68: {  	_ =	shalt  }
0x69: {  	_ =	shalt  }
0x6a: {  	_ =	shalt  }
0x6b: {  	_ =	shalt  }
0x6c: {  	_ =	shalt  }
0x6d: {  	_ =	shalt  }
0x6e: {  	_ =	shalt  }
0x6f: {  	_ =	shalt  }
0x70: {  	_ =	shalt  }
0x71: {  	_ =	shalt  }
0x72: {  	_ =	shalt  }
0x73: {  	_ =	shalt  }
0x74: {  	_ =	shalt  }
0x75: {  	_ =	shalt  }
0x76: {  	_ =	shalt  }
0x77: {  	_ =	shalt  }
0x78: {  	_ =	shalt  }
0x79: {  	_ =	shalt  }
0x7a: {  	_ =	shalt  }
0x7b: {  	_ =	shalt  }
0x7c: {  	_ =	shalt  }
0x7d: {  	_ =	shalt  }
0x7e: {  	_ =	shalt  }
0x7f: {  	_ =	shalt  }
0x80: {  	_ =	shalt  }
0x81: {  	_ =	shalt  }
0x82: {  	_ =	shalt  }
0x83: {  	_ =	shalt  }
0x84: {  	_ =	shalt  }
0x85: {  	_ =	shalt  }
0x86: {  	_ =	shalt  }
0x87: {  	_ =	shalt  }
.Lfunc_end0:
.L_simem_size_0:
called_computation.3_lowered:
.L_overlay_start_0:
0x88: {  	s2 =	sld [smem:$0x3FD9]  }
0x89: {  	s3 =	sld [smem:$0x3FFE];
	_ =	sdelay $0x1  }
0x8a: {  	s1 =	srdreg.scid  }
0x8b: {  	s0 =	sand.u32 $0x1, s1  }
0x8c: {  	s16 =	sshll.u32 s0, $0xA;
	s2 =	sadd.s32 s3, s2  }
0x8d: {  	s2 =	sadd.s32 s2, s16  }
0x8e: {  	[smem:$0x3FBA] =	sst s2  }
0x8f: {  	_ = 	snop  }
0x90: {  	(tm) =	ssettm $0x1  }
0x91: {  	s17 =	sld [smem:$0x3FFB];
	_ =	sdelay $0x3  }
0x92: {  	_ =	strace s17  }
0x93: {  	s2 =	sld [smem:$0x3FFC];
	_ =	sdelay $0x3  }
0x94: {  	_ =	strace s2  }
0x95: {  	s2 =	sld [smem:$0x3FFD];
	_ =	sdelay $0x3  }
0x96: {  	_ =	strace s2  }
0x97: {  	_ =	strace $0x8FFFFFFF  }
0x98: {  	s18 =	sld [smem:$0x3FDB];
	_ =	sdelay $0x1  }
0x99: {  	s19 =	simm.s32 $_scs_section_size  }
0x9a: {  	s4 =	simm.s32 $_size__tile_overlayer_lowered;
	s5 =	simm.s32 $_tile_overlayer_lowered  }
0x9b: {  	s22 =	simm.s32 $0x1BFF;
	s21 =	sshll.u32 s5, $0x1;
	s2 =	sadd.s32 s19, s18  }
0x9c: {  	s6 =	simm.s32 $0x0;
	s20 =	sshll.u32 s4, $0x1;
	s4 =	sadd.s32 s21, s2  }
0x9d: {  	[timem:s6], [sflag:s22] =	dma.local [hbm:s4], s20  }
0x9e: {  	_ =	swait.ge [sflag:s22], s20  }
0x9f: {  	s3 =	ssub.s32 $0x0, s20;
	[sflag:s22] =	ssyncset.done $0x0  }
0xa0: {  	[sflag:s22] =	ssyncadd.s32 s3;
	_ =	sdelay $0x1  }
0xa1: {  	s23 =	simm.s32 $0x1B8B  }
0xa2: {  	_ =	swait.ge [sflag:s23], $0x1  }
0xa3: {  	[sflag:s23] =	ssyncset.done $0x0  }
0xa4: {  	s25 =	simm.s32 $0x1B8E;
	s24 =	sld [smem:$0x3FFE];
	[sflag:s23] =	ssyncadd.s32 $0xFFFFFFFF  }
0xa5: {  	s26 =	simm.s32 $execute0_lowered;
	[smem:$0x3FD2] =	sst s25  }
0xa6: {  	s4 =	sshll.u32 s26, $0x1;
	_ =	strace $0x8000004F;
	[dreg:$0x1] =	wrdreg $0xFFFFFFFF  }
0xa7: {  	s28 =	simm.s32 $_size_execute0_lowered;
	s2 =	sadd.s32 s2, s4;
	[dreg:$0x0] =	wrdreg $0x0  }
0xa8: {  	s4 =	sshll.u32 s28, $0x1;
	[dreg:$0x2] =	wrdreg s2  }
0xa9: {  	[dreg:$0x3] =	wrdreg s4  }
0xaa: {  	[dreg:$0x4] =	wrdreg $0xC0  }
0xab: {  	_ =	task [dreg:s6], $0x5FFFF  }
0xac: {  	[dreg:$0x1] =	wrdreg $0xFFFFFFFF  }
0xad: {  	[dreg:$0x0] =	wrdreg $0x60  }
0xae: {  	[dreg:$0x2] =	wrdreg s24  }
0xaf: {  	[dreg:$0x3] =	wrdreg $0x2C000  }
0xb0: {  	[dreg:$0x4] =	wrdreg $0x9  }
0xb1: {  	_ =	task.clear_ibuf [dreg:s6], $0x5FFFF;
	_ =	strace $0x9000004F  }
0xb2: {  	s29 =	simm.s32 $0x9;
	_ =	strace $0x80000051  }
0xb3: {  	_ =	swait.ge [sflag:s29], $0x1  }
0xb4: {  	[sflag:s29] =	ssyncadd.s32 $0xFFFFFFFF  }
0xb5: {  	_ =	strace $0x90000051  }
0xb6: {  	_ =	sfence  }
0xb7: {  	s30 =	sld [smem:$0x0];
	_ =	sdelay $0x2  }
0xb8: {  	s31 =	sshll.u32 s1, $0xD;
	s1 =	sshrl.u32 s1, $0x2  }
0xb9: {  	s3 =	sand.u32 $0x4000, s31;
	s1 =	sadd.s32 s1, s30  }
0xba: {  	s0 =	sor.u32 s3, s0;
	s1 =	sshll.u32 s1, $0x11  }
0xbb: {  	s0 =	sor.u32 s1, s0  }
0xbc: {  	s0 =	sadd.s32 $0x8F2B, s0  }
0xbd: {  	[sflag:s0] =	ssyncadd.remote.s32 $0x1  }
0xbe: {  	_ =	sfence.sel $0xFFFF  }
0xbf: {  	[dreg:$0x0] =	wrdreg $0xFFFFFFFF;
	(pc) =	sbr.abs _section_cstart, $3  }
0xc0: {  	[dreg:$0x1] =	wrdreg $0xFFFFFFFF  }
0xc1: {  	_ =	task.clear_ibuf [dreg:s6], $0x2FFFF;
	_ =	strace $0x9FFFFFFF  }
0xc2: {  	(tm) =	ssettm $0x7FFFFFFF  }
0xc3: {  	_ =	shalt  }
tec
execute0_lowered:
.L_overlay_start_1:
0x0: {  	(tag) =	ssettag $0x1  }
0x1: {  	s0 =	rddreg [dreg:$0x0]  }
0x2: {  	s1 =	srdreg.scid;
	s6 =	stileid.u32  }
0x3: {  	s2 =	rddreg [dreg:$0x1];
	s3 =	simm.s32 $0x0;
	s16 =	simm.s32 $0x9  }
0x4: {  	s17 =	simm.s32 $0x80;
	s18 =	simm.s32 $0x2A00;
	s28 =	simm.s32 $0x2980  }
0x5: {  	s29 =	simm.s32 $0x1;
	s30 =	simm.s32 $0x5;
	s31 =	simm.s32 $0x2  }
0x6: {  	s1 =	sand.u32 $0x1, s1;
	s4 =	sshll.u32 s6, $0x1;
	s7 =	smul.u32 $0x500, s6  }
0x7: {  	[smem:$0x7FF] =	sst s3;
	s5 =	sadd.s32 $0x18800, s0;
	s9 =	smul.u32 $0x280, s6  }
0x8: {  	s6 =	sadd.s32 $0xE800, s0;
	s4 =	sor.u32 s1, s4;
	_ =	strace $0x80000050  }
0x9: {  	s10 =	sshll.u32 s1, $0x7;
	s1 =	ssub.s32 $0x2, s1;
	s4 =	smul.u32 $0x2800, s4  }
0xa: {  	s7 =	sor.u32 s10, s7;
	s19 =	sshrl.u32 s9, $0x3;
	s20 =	sshrl.u32 s1, $0x1  }
0xb: {  	s24 =	sadd.s32 s9, s2;
	s9 =	simm.s32 $0x0;
	s7 =	sshrl.u32 s7, $0x3  }
0xc: {  	s10 =	sadd.s32 s19, s0;
	s1 =	ssub.s32 s1, s20;
	[dreg:$0x8] =	wrdreg s24  }
0xd: {  	s19 =	simm.s32 $0x2A80;
	s24 =	simm.s32 $0x2800;
	s25 =	sadd.s32 $0x40800, s10  }
0xe: {  	s8 =	sshrl.u32 s4, $0x3;
	s26 =	smax.u32 s1, $0x1;
	[dreg:$0x9] =	wrdreg s25  }
0xf: {  	s11 =	sadd.s32 s8, s0;
	s22 =	sadd.s32 s6, s8;
	[dreg:$0xb] =	wrdreg s26  }
0x10: {  	s20 =	simm.s32 $0x7;
	s21 =	sadd.s32 $0x4800, s11;
	[dreg:$0x4] =	wrdreg s22  }
0x11: {  	s1 =	simm.s32 $0x6;
	s8 =	sadd.s32 $0x10, s22;
	[dreg:$0x3] =	wrdreg s21  }
0x12: {  	s0 =	sadd.s32 s7, s0;
	s23 =	sadd.s32 $0x20, s22;
	[dreg:$0x5] =	wrdreg s8  }
0x13: {  	s25 =	simm.s32 $0x2880;
	s7 =	sadd.s32 $0x30, s22;
	[dreg:$0x6] =	wrdreg s23  }
0x14: {  	s26 =	simm.s32 $0x2900;
	s0 =	sadd.s32 $0x18E00, s0;
	[dreg:$0x7] =	wrdreg s7  }
0x15: {  	s22 =	simm.s32 $0x4;
	[dreg:$0xa] =	wrdreg s0;
	s21 =	simm.s32 $0x2B00  }
0x16: {  	s23 =	simm.s32 $0x2B80;
	s0 =	simm.s32 $0x3;
	s7 =	simm.s32 $0x8  }
.LBB2_1:
0x17: {  	s8 =	rddreg [dreg:$0x3]  }
0x18: {  	[tilespmem:s3], [sflag:$0x9] =	stream.linear.gather [hbm4b:s8+s3], $0x2800, $0x38;
	[tilespmem:$0x2E80] =	vst v63  }
0x19: {  	_ =	swait.ge [sflag:s16], $0x2800  }
0x1a: {  	[sflag:s16] =	ssyncset.done $0x0  }
0x1b: {  	[sflag:s16] =	ssyncadd.s32 $0xFFFFD800  }
0x1c: {  	[tilespmem:s18], [sflag:$0x1] =	stream.indirect.gather [hbm4b:s5+s17], $0x1, s3, s17, $0xb8;
	[tilespmem:$0x2E80] =	vst v63  }
0x1d: {  	_ = 	snop  }
0x1e: {  	[tilespmem:s19], [sflag:$0x2] =	stream.indirect.gather [hbm4b:s5+s17], $0x1, s17, s17, $0xb8;
	[tilespmem:$0x2E80] =	vst v63  }
0x1f: {  	s12 =	simm.s32 $0x100  }
0x20: {  	[tilespmem:s21], [sflag:$0x3] =	stream.indirect.gather [hbm4b:s5+s17], $0x1, s12, s17, $0xb8;
	[tilespmem:$0x2E80] =	vst v63  }
0x21: {  	s13 =	simm.s32 $0x180;
	s14 =	rddreg [dreg:$0x4]  }
0x22: {  	[tilespmem:s23], [sflag:$0x4] =	stream.indirect.gather [hbm4b:s5+s17], $0x1, s13, s17, $0xb8;
	[tilespmem:$0x2E80] =	vst v63  }
0x23: {  	s15 =	rddreg [dreg:$0x5]  }
0x24: {  	[tilespmem:s24], [sflag:$0x5] =	stream.linear.gather [hbm4b:s14+s3], $0x80, $0x38;
	[tilespmem:$0x2E80] =	vst v63  }
0x25: {  	s10 =	rddreg [dreg:$0x6]  }
0x26: {  	[tilespmem:s25], [sflag:$0x6] =	stream.linear.gather [hbm4b:s15+s3], $0x80, $0x38;
	[tilespmem:$0x2E80] =	vst v63  }
0x27: {  	s11 =	rddreg [dreg:$0x7];
	s12 =	stileid.u32  }
0x28: {  	[tilespmem:s26], [sflag:$0x7] =	stream.linear.gather [hbm4b:s10+s3], $0x80, $0x38;
	[tilespmem:$0x2E80] =	vst v63  }
0x29: {  	s8 =	sshll.u32 s12, $0x6;
	s13 =	rddreg [dreg:$0x8]  }
0x2a: {  	[tilespmem:s28], [sflag:$0x8] =	stream.linear.gather [hbm4b:s11+s3], $0x80, $0x38;
	[tilespmem:$0x2E80] =	vst v63  }
0x2b: {  	s14 =	rddreg [dreg:$0x9];
	s10 =	sor.u32 $0x1C09, s8;
	s11 =	sshrl.u32 s13, $0x3  }
0x2c: {  	[spmem:s11], [sflag:s10] =	dma.local [hbm:s14], $0x50  }
0x2d: {  	_ =	swait.ge [sflag:s16], $0x50  }
0x2e: {  	[sflag:s16] =	ssyncset.done $0x0  }
0x2f: {  	[sflag:s16] =	ssyncadd.s32 $0xFFFFFFB0  }
0x30: {  	[bflag:$0x0] =	sbarrier.arrive $0xFFFF  }
0x31: {  	_ =	swait.ge [sflag:s29], $0x80  }
0x32: {  	[sflag:s29] =	ssyncset.done $0x0  }
0x33: {  	s15 =	smin.u32 s3, $0x4B;
	[sflag:s29] =	ssyncadd.s32 $0xFFFFFF80  }
0x34: {  	s8 =	sshll.u32 s15, $0x7;
	_ =	swait.ge [sflag:s30], $0x80  }
0x35: {  	s8 =	sadd.s32 $0x200, s8;
	[sflag:s30] =	ssyncset.done $0x0  }
0x36: {  	s12 =	sand.u32 $0x7C00, s8;
	[sflag:s30] =	ssyncadd.s32 $0xFFFFFF80  }
0x37: {  	[spmem:s2] =	stream.indirect.scatter.add.f32 [tilespmem:s18], [sflag:$0x9], $0x1, s24, s17, $0xb8;
	[tilespmem:$0x2E80] =	vst v63  }
0x38: {  	s13 =	sand.u32 $0x380, s8;
	s12 =	sadd.s32 s4, s12;
	_ =	swait.ge [sflag:s16], $0x80  }
0x39: {  	s12 =	sor.u32 s13, s12;
	[sflag:s16] =	ssyncset.done $0x0  }
0x3a: {  	s12 =	sshrl.u32 s12, $0x3;
	[sflag:s16] =	ssyncadd.s32 $0xFFFFFF80  }
0x3b: {  	[tilespmem:s18], [sflag:$0x1] =	stream.indirect.gather [hbm4b:s5+s17], $0x1, s8, s17, $0xb8;
	[tilespmem:$0x2E80] =	vst v63  }
0x3c: {  	s12 =	sadd.s32 s6, s12  }
0x3d: {  	[tilespmem:s24], [sflag:$0x5] =	stream.linear.gather [hbm4b:s12+s3], $0x80, $0x38;
	[tilespmem:$0x2E80] =	vst v63  }
0x3e: {  	_ =	swait.ge [sflag:s31], $0x80  }
0x3f: {  	[sflag:s31] =	ssyncset.done $0x0  }
0x40: {  	s13 =	smin.u32 s3, $0x4A;
	[sflag:s31] =	ssyncadd.s32 $0xFFFFFF80  }
0x41: {  	s8 =	sshll.u32 s13, $0x7;
	_ =	swait.ge [sflag:s1], $0x80  }
0x42: {  	s8 =	sadd.s32 $0x280, s8;
	[sflag:s1] =	ssyncset.done $0x0  }
0x43: {  	s14 =	sand.u32 $0x7C00, s8;
	[sflag:s1] =	ssyncadd.s32 $0xFFFFFF80  }
0x44: {  	[spmem:s2] =	stream.indirect.scatter.add.f32 [tilespmem:s19], [sflag:$0x9], $0x1, s25, s17, $0xb8;
	[tilespmem:$0x2E80] =	vst v63  }
0x45: {  	s15 =	sand.u32 $0x380, s8;
	s12 =	sadd.s32 s4, s14;
	_ =	swait.ge [sflag:s16], $0x80  }
0x46: {  	s12 =	sor.u32 s15, s12;
	[sflag:s16] =	ssyncset.done $0x0  }
0x47: {  	s12 =	sshrl.u32 s12, $0x3;
	[sflag:s16] =	ssyncadd.s32 $0xFFFFFF80  }
0x48: {  	[tilespmem:s19], [sflag:$0x2] =	stream.indirect.gather [hbm4b:s5+s17], $0x1, s8, s17, $0xb8;
	[tilespmem:$0x2E80] =	vst v63  }
0x49: {  	s12 =	sadd.s32 s6, s12  }
0x4a: {  	[tilespmem:s25], [sflag:$0x6] =	stream.linear.gather [hbm4b:s12+s3], $0x80, $0x38;
	[tilespmem:$0x2E80] =	vst v63  }
0x4b: {  	_ =	swait.ge [sflag:s0], $0x80  }
0x4c: {  	[sflag:s0] =	ssyncset.done $0x0  }
0x4d: {  	s13 =	smin.u32 s3, $0x49;
	[sflag:s0] =	ssyncadd.s32 $0xFFFFFF80  }
0x4e: {  	s8 =	sshll.u32 s13, $0x7;
	_ =	swait.ge [sflag:s20], $0x80  }
0x4f: {  	s8 =	sadd.s32 $0x300, s8;
	[sflag:s20] =	ssyncset.done $0x0  }
0x50: {  	s14 =	sand.u32 $0x7C00, s8;
	[sflag:s20] =	ssyncadd.s32 $0xFFFFFF80  }
0x51: {  	[spmem:s2] =	stream.indirect.scatter.add.f32 [tilespmem:s21], [sflag:$0x9], $0x1, s26, s17, $0xb8;
	[tilespmem:$0x2E80] =	vst v63  }
0x52: {  	s15 =	sand.u32 $0x380, s8;
	s12 =	sadd.s32 s4, s14;
	_ =	swait.ge [sflag:s16], $0x80  }
0x53: {  	s12 =	sor.u32 s15, s12;
	[sflag:s16] =	ssyncset.done $0x0  }
0x54: {  	s12 =	sshrl.u32 s12, $0x3;
	[sflag:s16] =	ssyncadd.s32 $0xFFFFFF80  }
0x55: {  	[tilespmem:s21], [sflag:$0x3] =	stream.indirect.gather [hbm4b:s5+s17], $0x1, s8, s17, $0xb8;
	[tilespmem:$0x2E80] =	vst v63  }
0x56: {  	s14 =	sadd.s32 s6, s12  }
0x57: {  	[tilespmem:s26], [sflag:$0x7] =	stream.linear.gather [hbm4b:s14+s3], $0x80, $0x38;
	[tilespmem:$0x2E80] =	vst v63  }
0x58: {  	_ =	swait.ge [sflag:s22], $0x80  }
0x59: {  	s15 =	smin.u32 s3, $0x48;
	[sflag:s22] =	ssyncset.done $0x0  }
0x5a: {  	s8 =	sshll.u32 s15, $0x7;
	[sflag:s22] =	ssyncadd.s32 $0xFFFFFF80  }
0x5b: {  	s14 =	sadd.s32 $0x380, s8;
	_ =	swait.ge [sflag:s7], $0x80  }
0x5c: {  	s12 =	simm.s32 $0x4;
	s8 =	sand.u32 $0x7C00, s14;
	[sflag:s7] =	ssyncset.done $0x0  }
0x5d: {  	s15 =	sand.u32 $0x380, s14;
	s8 =	sadd.s32 s4, s8;
	[sflag:s7] =	ssyncadd.s32 $0xFFFFFF80  }
0x5e: {  	[spmem:s2] =	stream.indirect.scatter.add.f32 [tilespmem:s23], [sflag:$0x9], $0x1, s28, s17, $0xb8;
	[tilespmem:$0x2E80] =	vst v63  }
.LBB2_2:
0x5f: {  	p0 =	sne.s32 s12, $0x4C  }
0x60: {  	_ =	swait.ge [sflag:s16], $0x80;
	s13 =	smov.u32 s12;
	s12 =	sadd.s32 $0x4, s12  }
0x61: {  	s8 =	sor.u32 s15, s8;
	[sflag:s16] =	ssyncset.done $0x0  }
0x62: {  	s8 =	sshrl.u32 s8, $0x3;
	[sflag:s16] =	ssyncadd.s32 $0xFFFFFF80  }
0x63: {  	[tilespmem:s23], [sflag:$0x4] =	stream.indirect.gather [hbm4b:s5+s17], $0x1, s14, s17, $0xb8;
	[tilespmem:$0x2E80] =	vst v63  }
0x64: {  	s8 =	sadd.s32 s6, s8;
	s14 =	smin.u32 s13, $0x4B  }
0x65: {  	[tilespmem:s28], [sflag:$0x8] =	stream.linear.gather [hbm4b:s8+s3], $0x80, $0x38;
	[tilespmem:$0x2E80] =	vst v63  }
0x66: {  	s8 =	sshll.u32 s14, $0x7;
	_ =	swait.ge [sflag:s29], $0x80  }
0x67: {  	s8 =	sadd.s32 $0x200, s8;
	[sflag:s29] =	ssyncset.done $0x0  }
0x68: {  	s14 =	sand.u32 $0x7C00, s8;
	[sflag:s29] =	ssyncadd.s32 $0xFFFFFF80  }
0x69: {  	s15 =	sand.u32 $0x380, s8;
	s14 =	sadd.s32 s4, s14;
	_ =	swait.ge [sflag:s30], $0x80  }
0x6a: {  	s14 =	sor.u32 s15, s14;
	[sflag:s30] =	ssyncset.done $0x0  }
0x6b: {  	s14 =	sshrl.u32 s14, $0x3;
	[sflag:s30] =	ssyncadd.s32 $0xFFFFFF80  }
0x6c: {  	[spmem:s2] =	stream.indirect.scatter.add.f32 [tilespmem:s18], [sflag:$0x9], $0x1, s24, s17, $0xb8;
	[tilespmem:$0x2E80] =	vst v63  }
0x6d: {  	_ =	swait.ge [sflag:s16], $0x80  }
0x6e: {  	[sflag:s16] =	ssyncset.done $0x0  }
0x6f: {  	[sflag:s16] =	ssyncadd.s32 $0xFFFFFF80  }
0x70: {  	[tilespmem:s18], [sflag:$0x1] =	stream.indirect.gather [hbm4b:s5+s17], $0x1, s8, s17, $0xb8;
	[tilespmem:$0x2E80] =	vst v63  }
0x71: {  	s8 =	sadd.s32 s6, s14;
	s14 =	smin.u32 s13, $0x4A  }
0x72: {  	[tilespmem:s24], [sflag:$0x5] =	stream.linear.gather [hbm4b:s8+s3], $0x80, $0x38;
	[tilespmem:$0x2E80] =	vst v63  }
0x73: {  	s8 =	sshll.u32 s14, $0x7;
	_ =	swait.ge [sflag:s31], $0x80  }
0x74: {  	s8 =	sadd.s32 $0x280, s8;
	[sflag:s31] =	ssyncset.done $0x0  }
0x75: {  	s14 =	sand.u32 $0x7C00, s8;
	s15 =	sand.u32 $0x380, s8;
	[sflag:s31] =	ssyncadd.s32 $0xFFFFFF80  }
0x76: {  	s14 =	sadd.s32 s4, s14;
	_ =	swait.ge [sflag:s1], $0x80  }
0x77: {  	s14 =	sor.u32 s15, s14;
	[sflag:s1] =	ssyncset.done $0x0  }
0x78: {  	s14 =	sshrl.u32 s14, $0x3;
	[sflag:s1] =	ssyncadd.s32 $0xFFFFFF80  }
0x79: {  	[spmem:s2] =	stream.indirect.scatter.add.f32 [tilespmem:s19], [sflag:$0x9], $0x1, s25, s17, $0xb8;
	[tilespmem:$0x2E80] =	vst v63  }
0x7a: {  	_ =	swait.ge [sflag:s16], $0x80  }
0x7b: {  	[sflag:s16] =	ssyncset.done $0x0  }
0x7c: {  	[sflag:s16] =	ssyncadd.s32 $0xFFFFFF80  }
0x7d: {  	[tilespmem:s19], [sflag:$0x2] =	stream.indirect.gather [hbm4b:s5+s17], $0x1, s8, s17, $0xb8;
	[tilespmem:$0x2E80] =	vst v63  }
0x7e: {  	s8 =	sadd.s32 s6, s14  }
0x7f: {  	[tilespmem:s25], [sflag:$0x6] =	stream.linear.gather [hbm4b:s8+s3], $0x80, $0x38;
	[tilespmem:$0x2E80] =	vst v63  }
0x80: {  	_ =	swait.ge [sflag:s0], $0x80  }
0x81: {  	s8 =	smin.u32 s13, $0x49;
	[sflag:s0] =	ssyncset.done $0x0  }
0x82: {  	s8 =	sshll.u32 s8, $0x7;
	[sflag:s0] =	ssyncadd.s32 $0xFFFFFF80  }
0x83: {  	s8 =	sadd.s32 $0x300, s8;
	_ =	swait.ge [sflag:s20], $0x80  }
0x84: {  	s14 =	sand.u32 $0x7C00, s8;
	[sflag:s20] =	ssyncset.done $0x0  }
0x85: {  	s15 =	sand.u32 $0x380, s8;
	s14 =	sadd.s32 s4, s14;
	[sflag:s20] =	ssyncadd.s32 $0xFFFFFF80  }
0x86: {  	[spmem:s2] =	stream.indirect.scatter.add.f32 [tilespmem:s21], [sflag:$0x9], $0x1, s26, s17, $0xb8;
	[tilespmem:$0x2E80] =	vst v63  }
0x87: {  	s14 =	sor.u32 s15, s14;
	_ =	swait.ge [sflag:s16], $0x80  }
0x88: {  	s14 =	sshrl.u32 s14, $0x3;
	[sflag:s16] =	ssyncset.done $0x0  }
0x89: {  	[sflag:s16] =	ssyncadd.s32 $0xFFFFFF80  }
0x8a: {  	[tilespmem:s21], [sflag:$0x3] =	stream.indirect.gather [hbm4b:s5+s17], $0x1, s8, s17, $0xb8;
	[tilespmem:$0x2E80] =	vst v63  }
0x8b: {  	s8 =	sadd.s32 s6, s14  }
0x8c: {  	[tilespmem:s26], [sflag:$0x7] =	stream.linear.gather [hbm4b:s8+s3], $0x80, $0x38;
	[tilespmem:$0x2E80] =	vst v63  }
0x8d: {  	_ =	swait.ge [sflag:s22], $0x80  }
0x8e: {  	s8 =	smin.u32 s13, $0x48;
	[sflag:s22] =	ssyncset.done $0x0  }
.Ltmp0:
0x8f: {  	s8 =	sshll.u32 s8, $0x7;
	[sflag:s22] =	ssyncadd.s32 $0xFFFFFF80;
	(pc) =	sbr.rel @p0 .LBB2_2-.Ltmp0, $4  }
0x90: {  	s14 =	sadd.s32 $0x380, s8;
	_ =	swait.ge [sflag:s7], $0x80  }
0x91: {  	s8 =	sand.u32 $0x7C00, s14;
	s15 =	sand.u32 $0x380, s14;
	[sflag:s7] =	ssyncset.done $0x0  }
0x92: {  	s8 =	sadd.s32 s4, s8;
	[sflag:s7] =	ssyncadd.s32 $0xFFFFFF80  }
0x93: {  	[spmem:s2] =	stream.indirect.scatter.add.f32 [tilespmem:s23], [sflag:$0x9], $0x1, s28, s17, $0xb8;
	[tilespmem:$0x2E80] =	vst v63  }
0x94: {  	_ =	swait.ge [sflag:s16], $0x80  }
0x95: {  	s8 =	sor.u32 s15, s8;
	[sflag:s16] =	ssyncset.done $0x0  }
0x96: {  	s8 =	sshrl.u32 s8, $0x3;
	[sflag:s16] =	ssyncadd.s32 $0xFFFFFF80  }
0x97: {  	[tilespmem:s23], [sflag:$0x4] =	stream.indirect.gather [hbm4b:s5+s17], $0x1, s14, s17, $0xb8;
	[tilespmem:$0x2E80] =	vst v63  }
0x98: {  	s8 =	sadd.s32 s6, s8  }
0x99: {  	[tilespmem:s28], [sflag:$0x8] =	stream.linear.gather [hbm4b:s8+s3], $0x80, $0x38;
	[tilespmem:$0x2E80] =	vst v63  }
0x9a: {  	_ =	swait.ge [sflag:s29], $0x80  }
0x9b: {  	[sflag:s29] =	ssyncset.done $0x0  }
0x9c: {  	[sflag:s29] =	ssyncadd.s32 $0xFFFFFF80  }
0x9d: {  	_ =	swait.ge [sflag:s31], $0x80  }
0x9e: {  	[sflag:s31] =	ssyncset.done $0x0  }
0x9f: {  	[sflag:s31] =	ssyncadd.s32 $0xFFFFFF80  }
0xa0: {  	_ =	swait.ge [sflag:s0], $0x80  }
0xa1: {  	[sflag:s0] =	ssyncset.done $0x0  }
0xa2: {  	[sflag:s0] =	ssyncadd.s32 $0xFFFFFF80  }
0xa3: {  	_ =	swait.ge [sflag:s22], $0x80  }
0xa4: {  	[sflag:s22] =	ssyncset.done $0x0  }
0xa5: {  	[sflag:s22] =	ssyncadd.s32 $0xFFFFFF80  }
0xa6: {  	_ =	swait.ge [sflag:s30], $0x80  }
0xa7: {  	[sflag:s30] =	ssyncset.done $0x0  }
0xa8: {  	[sflag:s30] =	ssyncadd.s32 $0xFFFFFF80  }
0xa9: {  	_ =	swait.ge [sflag:s1], $0x80  }
0xaa: {  	[sflag:s1] =	ssyncset.done $0x0  }
0xab: {  	[sflag:s1] =	ssyncadd.s32 $0xFFFFFF80  }
0xac: {  	_ =	swait.ge [sflag:s20], $0x80  }
0xad: {  	[sflag:s20] =	ssyncset.done $0x0  }
0xae: {  	[sflag:s20] =	ssyncadd.s32 $0xFFFFFF80  }
0xaf: {  	_ =	swait.ge [sflag:s7], $0x80  }
0xb0: {  	[sflag:s7] =	ssyncset.done $0x0  }
0xb1: {  	[sflag:s7] =	ssyncadd.s32 $0xFFFFFF80  }
0xb2: {  	[bflag:$0x0] =	sbarrier.arrive $0xFFFF  }
0xb3: {  	s12 =	simm.s32 $0x20;
	s13 =	simm.s32 $0x10;
	s14 =	rddreg [dreg:$0xa]  }
0xb4: {  	[hbm:s14@s12], [sflag:s10] =	dma.strided [spmem:s11@s13], $0x50, s29, $0x10   }
0xb5: {  	_ =	swait.ge [sflag:s16], $0x50  }
0xb6: {  	s9 =	sadd.s32 $0x1, s9;
	s15 =	rddreg [dreg:$0xb]  }
0xb7: {  	p0 =	sne.s32 s9, s15  }
.Ltmp1:
0xb8: {  	_ = 	snop;
	(pc) =	sbr.rel @p0 .LBB2_1-.Ltmp1, $3  }
0xb9: {  	_ =	sdelay $0x1  }
0xba: {  	[sflag:s16] =	ssyncset.done $0x0  }
0xbb: {  	[sflag:s16] =	ssyncadd.s32 $0xFFFFFFB0  }
0xbc: {  	_ =	sfence.sel $0x180000  }
0xbd: {  	[bflag:$0x0] =	sbarrier.arrive $0xFFFF  }
0xbe: {  	_ =	strace $0x90000050  }
0xbf: {  	s0 =	stileid.u32;
	[bflag:$0x2] =	sbarrier.arrive $0xFFFF  }
0xc0: {  	p0 =	sne.s32 s0, $0x0;
	s0 =	rddreg [dreg:$0x2]  }
0xc1: {  	s0 =	sadd.s32 @!p0 $0x100000, s0  }
0xc2: {  	[sflag:s0] =	ssyncadd.tile.s32 @!p0 $0x1;
	_ =	shalt  }
.Lfunc_end2:
_tile_overlayer_lowered:
.L_overlay_start_2:
0xc3: {  	(tag) =	ssettag $0x2  }
0xc4: {  	s0 =	rddreg [dreg:$0x0];
	s2 =	stileid.u32  }
0xc5: {  	s1 =	rddreg [dreg:$0x1];
	p0 =	sne.s32 s2, $0x0  }
0xc6: {  	s3 =	rddreg [dreg:$0x2];
	[bflag:$0x3] =	sbarrier.arrive $0xFFFF;
	s2 =	simm.s32 @!p0 $0x1C09  }
0xc7: {  	[timem:s3], [sflag:s2] =	dma.local @!p0 [hbm:s0], s1  }
0xc8: {  	s0 =	simm.s32 @!p0 $0x9  }
0xc9: {  	_ =	swait.ge @!p0 [sflag:s0], s1  }
0xca: {  	s1 =	ssub.s32 @!p0 $0x0, s1;
	[sflag:s0] =	ssyncset.done @!p0 $0x0  }
0xcb: {  	[sflag:s0] =	ssyncadd.s32 @!p0 s1  }
0xcc: {  	[bflag:$0x3] =	sbarrier.arrive $0xFFFF  }
0xcd: {  	_ =	shalt  }

</sc_bundles>
